<compile_context>
chip_gen: v7x
topology: tpu7x:2x2x1
jax: 0.10.2.dev20260603
libtpu: 0.0.44.dev20260713+nightly
codegen_flags: <defaults>
</compile_context>

<pallas_src>
import functools
import jax
import jax.numpy as jnp
from jax import lax
from jax.experimental import pallas as pl
from jax.experimental.pallas import tpu as pltpu
from jax.experimental.pallas import tpu_sc as plsc

_NC, _NS, _L = 2, 16, 16
_NW = _NC * _NS
_RC = 512 // (_NW // 8)
_SUB = 32
_OUT_T = jax.ShapeDtypeStruct((8, 512, 8, 1024), jnp.float32)


def _extract(chunks, p):
    lane = jnp.full((_L,), p % _L, jnp.int32)
    m = lax.iota(jnp.int32, _L) == lane
    c = p // _L
    v = chunks[-1]
    for cc in range(len(chunks) - 2, -1, -1):
        v = jnp.where(c == cc, chunks[cc], v)
    return jnp.max(jnp.where(m, v, jnp.int32(-1)))


def _tile_prelude(plan_hbm, plan_v):
    wid = lax.axis_index("s") * _NC + lax.axis_index("c")
    r0 = (wid // 8) * _RC
    g = (wid % 8) * 8
    pltpu.sync_copy(plan_hbm, plan_v)
    f_chunks = [plan_v[pl.ds(c * _L, _L)] for c in range(4)]
    i_chunks = [plan_v[pl.ds(64 + c * _L, _L)] for c in range(4)]
    j_chunks = [plan_v[pl.ds(128 + c * _L, _L)] for c in range(4)]
    fs = [_extract(f_chunks, g + k) for k in range(8)]
    is_ = [_extract(i_chunks, g + k) for k in range(8)]
    js = [_extract(j_chunks, g + k) for k in range(8)]
    return r0, fs, is_, js


def _sc_body_general(params_hbm, plan_hbm, out_hbm, plan_v, buf, bufw, sem_w):
    del sem_w
    r0, fs, is_, js = _tile_prelude(plan_hbm, plan_v)
    for s in range(_RC // _SUB):
        r0s = r0 + s * _SUB
        for k in range(8):
            pltpu.sync_copy(
                buf, out_hbm.at[is_[k], pl.ds(r0s, _SUB), js[k], :]
            )


def _sc_body_fast(params_hbm, plan_hbm, out_hbm, plan_v, buf2, sem_l, sem_w):
    r0, fs, is_, js = _tile_prelude(plan_hbm, plan_v)
    n_half = 2 * (_RC // _SUB)

    def _start_load(h):
        s, khalf = divmod(h, 2)
        r0s = r0 + s * _SUB
        return pltpu.async_copy(
            params_hbm.at[fs[khalf * 4], pl.ds(r0s, _SUB), :],
            buf2.at[h % 3],
            sem_l,
        )

    loads = {0: _start_load(0), 1: _start_load(1)}
    writes = {}
    for h in range(n_half):
        loads.pop(h).wait()
        s, khalf = divmod(h, 2)
        r0s = r0 + s * _SUB
        writes[h] = [
            pltpu.async_copy(
                buf2.at[h % 3],
                out_hbm.at[is_[khalf * 4 + kk], pl.ds(r0s, _SUB),
                           js[khalf * 4 + kk], :],
                sem_w,
            )
            for kk in range(4)
        ]
        if h + 2 < n_half:
            for w in writes.pop(h - 1, ()):
                w.wait()
            loads[h + 2] = _start_load(h + 2)
    for hs in writes.values():
        for w in hs:
            w.wait()


_MESH = plsc.VectorSubcoreMesh(core_axis_name="c", subcore_axis_name="s")
_CPARAMS = pltpu.CompilerParams(needs_layout_passes=False)

_general_kernel = functools.partial(
    pl.kernel,
    out_type=_OUT_T,
    mesh=_MESH,
    scratch_types=[
        pltpu.VMEM((192,), jnp.int32),
        pltpu.VMEM((_SUB, 1024), jnp.float32),
        pltpu.VMEM((_SUB // 8, 8, 1024), jnp.float32),
        pltpu.SemaphoreType.DMA,
    ],
    compiler_params=_CPARAMS,
)(_sc_body_general)

_fast_kernel = functools.partial(
    pl.kernel,
    out_type=_OUT_T,
    mesh=_MESH,
    scratch_types=[
        pltpu.VMEM((192,), jnp.int32),
        pltpu.VMEM((3, _SUB, 1024), jnp.float32),
        pltpu.SemaphoreType.DMA,
        pltpu.SemaphoreType.DMA,
    ],
    compiler_params=_CPARAMS,
)(_sc_body_fast)


def kernel(params, perm_index):
    flat = perm_index.reshape(64).astype(jnp.int32)
    order = jnp.argsort(flat).astype(jnp.int32)
    f_s = jnp.take(flat, order)
    plan = jnp.concatenate([f_s, order // 8, order % 8]).astype(jnp.int32)
    return _general_kernel(params, plan)

# --- scband reference (transcript-rebuilt; emitter-appended) ---
"""Pipeline reference for scband-space-symmetric-tensor-40802189312718 (READ-ONLY COPY).

The authoritative reference and input builder live on the scoring server;
editing this copy changes nothing except your own understanding.
"""

import itertools
import jax, jax.numpy as jnp
import numpy as np

# ---- D4 symmetry group acting on the 8 lattice directions (perm rep of size 8) ----
_DIRS = [(1, 0), (1, 1), (0, 1), (-1, 1), (-1, 0), (-1, -1), (0, -1), (1, -1)]
_DIR_IDX = {d: i for i, d in enumerate(_DIRS)}


def _d4_ops():
    R = np.array([[0, -1], [1, 0]])
    M = np.array([[1, 0], [0, -1]])
    ops = []
    P = np.eye(2, dtype=int)
    for _ in range(4):
        ops.append(P.copy())
        P = (R @ P)
    P = np.eye(2, dtype=int)
    for _ in range(4):
        ops.append((M @ P).copy())
        P = (R @ P)
    return ops  # ops[0] is identity


def _apply(op, d):
    v = op @ np.array(d)
    return (int(v[0]), int(v[1]))


def _inv(op):
    return np.round(np.linalg.inv(op)).astype(int)


def build_permutation_index(covariant=(True, False)):
    # Faithful port of SymmetryMappingSpec.get for axes = (Rep8 cov, Rep8 contra) under D4
    ops = _d4_ops()
    n_axes = len(covariant)
    reps = [_DIRS] * n_axes
    cov_pos = [i for i, c in enumerate(covariant) if c]
    cont_pos = [i for i, c in enumerate(covariant) if not c]
    cov_reps = [reps[i] for i in cov_pos]
    cont_reps = [reps[i] for i in cont_pos]

    def combine(cov_idx, cont_idx):
        ret = [None] * n_axes
        for p, v in zip(cov_pos, cov_idx):
            ret[p] = v
        for p, v in zip(cont_pos, cont_idx):
            ret[p] = v
        return tuple(ret)

    shape = tuple(len(r) for r in reps)
    idx = np.arange(int(np.prod(shape)), dtype=int).reshape(shape)
    for k, op in enumerate(ops):
        if k == 0:
            continue
        iop = _inv(op)
        for ein in itertools.product(*cov_reps):
            iein = tuple(_DIR_IDX[b] for b in ein)
            itin = tuple(_DIR_IDX[_apply(iop, b)] for b in ein)
            for eout in itertools.product(*cont_reps):
                ieout = tuple(_DIR_IDX[b] for b in eout)
                itout = tuple(_DIR_IDX[_apply(op, b)] for b in eout)
                ia = combine(iein, itout)
                ib = combine(itin, ieout)
                m = min(idx[ia], idx[ib])
                idx[ia] = m
                idx[ib] = m
    flat = idx.ravel()
    count = 0
    for i in range(flat.size):
        v = flat[i]
        assert v <= i
        if v < i:
            flat[i] = flat[v]
        else:
            flat[i] = count
            count += 1
    return flat.reshape(shape), count


TRIVIAL_SHAPE = (512, 1024)
# representations = (Rep8, 512, Rep8, 1024) -> internal layout (rep0, rep1, triv0, triv1)
# transpose back to declaration order: (rep0, triv0, rep1, triv1)
TRANSPOSE_DIMS = (0, 2, 1, 3)


def setup_inputs(seed: int = 0) -> dict:
    key = jax.random.key(seed)
    perm_index, n_free = build_permutation_index()  # n_free == 10 for D4 cov x contra Rep8
    n_in = 8  # product of covariant rep sizes -> default truncated-normal stddev sqrt(0.1/n_in)
    stddev = float(np.sqrt(0.1 / n_in))
    params = stddev * jax.random.truncated_normal(
        key, -2.0, 2.0, (n_free,) + TRIVIAL_SHAPE, dtype=jnp.float32
    )
    return {
        "params": params,
        "perm_index": jnp.asarray(perm_index, dtype=jnp.int32),
    }


def reference(params, perm_index):
    # SpaceSymmetricTensor.get_tensor: neither fully coupled nor fully independent,
    # so gather free-subspace params into the full symmetric tensor, then transpose.
    ret = jnp.take(params, perm_index, axis=0)  # [8, 8, 512, 1024]
    return ret.transpose(TRANSPOSE_DIMS)  # [8, 512, 8, 1024]

if __name__ == "__main__":
    import jax
    _d = setup_inputs()
    print(jax.jit(kernel)(*tuple(_d.values())))

</pallas_src>

<mosaic_0001>
#map = affine_map<(d0, d1) -> (0, 0, 0)>
#map1 = affine_map<(d0, d1) -> (0)>
#map2 = affine_map<(d0, d1) -> (0, 0, 0, 0)>
module attributes {stable_mosaic.version = 14 : i64} {
  func.func @_sc_body_general(%arg0: i32, %arg1: i32, %arg2: memref<10x512x1024xf32, #tpu.memory_space<hbm>>, %arg3: memref<192xi32, #tpu.memory_space<hbm>>, %arg4: memref<8x512x8x1024xf32, #tpu.memory_space<hbm>>, %arg5: memref<192xi32, #tpu.memory_space<vmem>>, %arg6: memref<32x1024xf32, #tpu.memory_space<vmem>>, %arg7: memref<4x8x1024xf32, #tpu.memory_space<vmem>>, %arg8: memref<!tpu.dma_semaphore, #tpu.memory_space<semaphore_mem>>) attributes {dimension_semantics = [#tpu.dimension_semantics<core_parallel>, #tpu.dimension_semantics<subcore_parallel>], iteration_bounds = array<i64: 2, 16>, scalar_prefetch = 0 : i64, scratch_operands = 4 : i64, tpu.core_type = #tpu.core_type<sc_vector_subcore>, window_params = [{transform_indices = #map}, {transform_indices = #map1}, {transform_indices = #map2}]} {
    %mul3A = arith.constant 2 : i32
    %mul3A_0 = arith.muli %arg1, %mul3A : i32
    %add3A = arith.addi %mul3A_0, %arg0 : i32
    %jit3A = arith.constant 8 : i32
    %div3A = arith.divsi %add3A, %jit3A : i32
    %sign3A = arith.constant 0 : i32
    %sign3A_1 = arith.cmpi sgt, %add3A, %sign3A : i32
    %sign3A_2 = arith.extui %sign3A_1 : i1 to i32
    %sign3A_3 = arith.constant 0 : i32
    %sign3A_4 = arith.cmpi slt, %add3A, %sign3A_3 : i32
    %sign3A_5 = arith.extui %sign3A_4 : i1 to i32
    %sign3A_6 = arith.subi %sign3A_2, %sign3A_5 : i32
    %sign3A_7 = arith.constant 0 : i32
    %sign3A_8 = arith.cmpi sgt, %jit3A, %sign3A_7 : i32
    %sign3A_9 = arith.extui %sign3A_8 : i1 to i32
    %sign3A_10 = arith.constant 0 : i32
    %sign3A_11 = arith.cmpi slt, %jit3A, %sign3A_10 : i32
    %sign3A_12 = arith.extui %sign3A_11 : i1 to i32
    %sign3A_13 = arith.subi %sign3A_9, %sign3A_12 : i32
    %ne3A = arith.cmpi ne, %sign3A_6, %sign3A_13 : i32
    %rem3A = arith.remsi %add3A, %jit3A : i32
    %ne3A_14 = arith.constant 0 : i32
    %ne3A_15 = arith.cmpi ne, %rem3A, %ne3A_14 : i32
    %and3A = arith.andi %ne3A, %ne3A_15 : i1
    %sub3A = arith.constant 1 : i32
    %sub3A_16 = arith.subi %div3A, %sub3A : i32
    %select_n3A = arith.select %and3A, %sub3A_16, %div3A : i32
    %mul3A_17 = arith.constant 128 : i32
    %mul3A_18 = arith.muli %select_n3A, %mul3A_17 : i32
    %jit3A_19 = arith.constant 8 : i32
    %eq3A = arith.constant 0 : i32
    %eq3A_20 = arith.cmpi eq, %jit3A_19, %eq3A : i32
    %jit3A_21 = arith.constant 1 : i32
    %select_n3A_22 = arith.select %eq3A_20, %jit3A_21, %jit3A_19 : i32
    %rem3A_23 = arith.remsi %add3A, %select_n3A_22 : i32
    %ne3A_24 = arith.constant 0 : i32
    %ne3A_25 = arith.cmpi ne, %rem3A_23, %ne3A_24 : i32
    %lt3A = arith.constant 0 : i32
    %lt3A_26 = arith.cmpi slt, %rem3A_23, %lt3A : i32
    %lt3A_27 = arith.constant 0 : i32
    %lt3A_28 = arith.cmpi slt, %select_n3A_22, %lt3A_27 : i32
    %ne3A_29 = arith.xori %lt3A_26, %lt3A_28 : i1
    %and3A_30 = arith.andi %ne3A_29, %ne3A_25 : i1
    %add3A_31 = arith.addi %rem3A_23, %select_n3A_22 : i32
    %select_n3A_32 = arith.select %and3A_30, %add3A_31, %rem3A_23 : i32
    %mul3A_33 = arith.constant 8 : i32
    %mul3A_34 = arith.muli %select_n3A_32, %mul3A_33 : i32
    "tpu.region"() ({
      %run_scoped3A = tpu.sem_alloc : memref<!tpu.dma_semaphore, #tpu.memory_space<semaphore_mem>>
      tpu.enqueue_dma source(%arg3 : memref<192xi32, #tpu.memory_space<hbm>>) target(%arg5 : memref<192xi32, #tpu.memory_space<vmem>>) target_semaphore(%run_scoped3A : memref<!tpu.dma_semaphore, #tpu.memory_space<semaphore_mem>>)
      tpu.wait_dma2 semaphore(%run_scoped3A : memref<!tpu.dma_semaphore, #tpu.memory_space<semaphore_mem>>) src(%arg3 : memref<192xi32, #tpu.memory_space<hbm>>) dst(%arg5 : memref<192xi32, #tpu.memory_space<vmem>>)
      tpu.yield
    }) : () -> ()
    %get3A = arith.constant 0 : index
    %get3A_35 = tpu.vector_load %arg5[%get3A] {strides = array<i32>} : memref<192xi32, #tpu.memory_space<vmem>>, vector<16xi32>,
    %get3A_36 = arith.constant 16 : index
    %get3A_37 = tpu.vector_load %arg5[%get3A_36] {strides = array<i32>} : memref<192xi32, #tpu.memory_space<vmem>>, vector<16xi32>,
    %get3A_38 = arith.constant 32 : index
    %get3A_39 = tpu.vector_load %arg5[%get3A_38] {strides = array<i32>} : memref<192xi32, #tpu.memory_space<vmem>>, vector<16xi32>,
    %get3A_40 = arith.constant 48 : index
    %get3A_41 = tpu.vector_load %arg5[%get3A_40] {strides = array<i32>} : memref<192xi32, #tpu.memory_space<vmem>>, vector<16xi32>,
    %get3A_42 = arith.constant 64 : index
    %get3A_43 = tpu.vector_load %arg5[%get3A_42] {strides = array<i32>} : memref<192xi32, #tpu.memory_space<vmem>>, vector<16xi32>,
    %get3A_44 = arith.constant 80 : index
    %get3A_45 = tpu.vector_load %arg5[%get3A_44] {strides = array<i32>} : memref<192xi32, #tpu.memory_space<vmem>>, vector<16xi32>,
    %get3A_46 = arith.constant 96 : index
    %get3A_47 = tpu.vector_load %arg5[%get3A_46] {strides = array<i32>} : memref<192xi32, #tpu.memory_space<vmem>>, vector<16xi32>,
    %get3A_48 = arith.constant 112 : index
    %get3A_49 = tpu.vector_load %arg5[%get3A_48] {strides = array<i32>} : memref<192xi32, #tpu.memory_space<vmem>>, vector<16xi32>,
    %get3A_50 = arith.constant 128 : index
    %get3A_51 = tpu.vector_load %arg5[%get3A_50] {strides = array<i32>} : memref<192xi32, #tpu.memory_space<vmem>>, vector<16xi32>,
    %get3A_52 = arith.constant 144 : index
    %get3A_53 = tpu.vector_load %arg5[%get3A_52] {strides = array<i32>} : memref<192xi32, #tpu.memory_space<vmem>>, vector<16xi32>,
    %get3A_54 = arith.constant 160 : index
    %get3A_55 = tpu.vector_load %arg5[%get3A_54] {strides = array<i32>} : memref<192xi32, #tpu.memory_space<vmem>>, vector<16xi32>,
    %get3A_56 = arith.constant 176 : index
    %get3A_57 = tpu.vector_load %arg5[%get3A_56] {strides = array<i32>} : memref<192xi32, #tpu.memory_space<vmem>>, vector<16xi32>,
    %add3A_58 = arith.constant 0 : i32
    %add3A_59 = arith.addi %mul3A_34, %add3A_58 : i32
    %jit3A_60 = arith.constant 16 : i32
    %eq3A_61 = arith.constant 0 : i32
    %eq3A_62 = arith.cmpi eq, %jit3A_60, %eq3A_61 : i32
    %jit3A_63 = arith.constant 1 : i32
    %select_n3A_64 = arith.select %eq3A_62, %jit3A_63, %jit3A_60 : i32
    %rem3A_65 = arith.remsi %add3A_59, %select_n3A_64 : i32
    %ne3A_66 = arith.constant 0 : i32
    %ne3A_67 = arith.cmpi ne, %rem3A_65, %ne3A_66 : i32
    %lt3A_68 = arith.constant 0 : i32
    %lt3A_69 = arith.cmpi slt, %rem3A_65, %lt3A_68 : i32
    %lt3A_70 = arith.constant 0 : i32
    %lt3A_71 = arith.cmpi slt, %select_n3A_64, %lt3A_70 : i32
    %ne3A_72 = arith.xori %lt3A_69, %lt3A_71 : i1
    %and3A_73 = arith.andi %ne3A_72, %ne3A_67 : i1
    %add3A_74 = arith.addi %rem3A_65, %select_n3A_64 : i32
    %select_n3A_75 = arith.select %and3A_73, %add3A_74, %rem3A_65 : i32
    %broadcast_in_dim3A = vector.broadcast %select_n3A_75 : i32 to vector<16xi32>
    %iota3A = tpu.iota {dimensions = array<i32: 0>} : vector<16xi32>
    %eq3A_76 = arith.cmpi eq, %iota3A, %broadcast_in_dim3A : vector<16xi32>
    %jit3A_77 = arith.constant 16 : i32
    %div3A_78 = arith.divsi %add3A_59, %jit3A_77 : i32
    %sign3A_79 = arith.constant 0 : i32
    %sign3A_80 = arith.cmpi sgt, %add3A_59, %sign3A_79 : i32
    %sign3A_81 = arith.extui %sign3A_80 : i1 to i32
    %sign3A_82 = arith.constant 0 : i32
    %sign3A_83 = arith.cmpi slt, %add3A_59, %sign3A_82 : i32
    %sign3A_84 = arith.extui %sign3A_83 : i1 to i32
    %sign3A_85 = arith.subi %sign3A_81, %sign3A_84 : i32
    %sign3A_86 = arith.constant 0 : i32
    %sign3A_87 = arith.cmpi sgt, %jit3A_77, %sign3A_86 : i32
    %sign3A_88 = arith.extui %sign3A_87 : i1 to i32
    %sign3A_89 = arith.constant 0 : i32
    %sign3A_90 = arith.cmpi slt, %jit3A_77, %sign3A_89 : i32
    %sign3A_91 = arith.extui %sign3A_90 : i1 to i32
    %sign3A_92 = arith.subi %sign3A_88, %sign3A_91 : i32
    %ne3A_93 = arith.cmpi ne, %sign3A_85, %sign3A_92 : i32
    %rem3A_94 = arith.remsi %add3A_59, %jit3A_77 : i32
    %ne3A_95 = arith.constant 0 : i32
    %ne3A_96 = arith.cmpi ne, %rem3A_94, %ne3A_95 : i32
    %and3A_97 = arith.andi %ne3A_93, %ne3A_96 : i1
    %sub3A_98 = arith.constant 1 : i32
    %sub3A_99 = arith.subi %div3A_78, %sub3A_98 : i32
    %select_n3A_100 = arith.select %and3A_97, %sub3A_99, %div3A_78 : i32
    %eq3A_101 = arith.constant 2 : i32
    %eq3A_102 = arith.cmpi eq, %select_n3A_100, %eq3A_101 : i32
    %select_n3A_103 = arith.select %eq3A_102, %get3A_39, %get3A_41 : vector<16xi32>
    %eq3A_104 = arith.constant 1 : i32
    %eq3A_105 = arith.cmpi eq, %select_n3A_100, %eq3A_104 : i32
    %select_n3A_106 = arith.select %eq3A_105, %get3A_37, %select_n3A_103 : vector<16xi32>
    %eq3A_107 = arith.constant 0 : i32
    %eq3A_108 = arith.cmpi eq, %select_n3A_100, %eq3A_107 : i32
    %select_n3A_109 = arith.select %eq3A_108, %get3A_35, %select_n3A_106 : vector<16xi32>
    %jit3A_110 = arith.constant -1 : i32
    %broadcast_in_dim3A_111 = vector.broadcast %jit3A_110 : i32 to vector<16xi32>
    %select_n3A_112 = arith.select %eq3A_76, %select_n3A_109, %broadcast_in_dim3A_111 : vector<16xi1>, vector<16xi32>
    %reduce_max3A = arith.constant true
    %reduce_max3A_113 = vector.broadcast %reduce_max3A : i1 to vector<16xi1>
    %reduce_max3A_114 = arith.constant -2147483648 : i32
    %reduce_max3A_115 = vector.broadcast %reduce_max3A_114 : i32 to vector<16xi32>
    %reduce_max3A_116 = arith.xori %select_n3A_112, %reduce_max3A_115 : vector<16xi32>
    %reduce_max3A_117 = tpu.scan <max>, %reduce_max3A_116 masked %reduce_max3A_113 : vector<16xi32>, vector<16xi1> -> vector<16xi32>
    %reduce_max3A_118 = arith.xori %reduce_max3A_117, %reduce_max3A_115 : vector<16xi32>
    %reduce_max3A_119 = vector.extract %reduce_max3A_118[15] : i32 from vector<16xi32>
    %add3A_120 = arith.constant 1 : i32
    %add3A_121 = arith.addi %mul3A_34, %add3A_120 : i32
    %jit3A_122 = arith.constant 16 : i32
    %eq3A_123 = arith.constant 0 : i32
    %eq3A_124 = arith.cmpi eq, %jit3A_122, %eq3A_123 : i32
    %jit3A_125 = arith.constant 1 : i32
    %select_n3A_126 = arith.select %eq3A_124, %jit3A_125, %jit3A_122 : i32
    %rem3A_127 = arith.remsi %add3A_121, %select_n3A_126 : i32
    %ne3A_128 = arith.constant 0 : i32
    %ne3A_129 = arith.cmpi ne, %rem3A_127, %ne3A_128 : i32
    %lt3A_130 = arith.constant 0 : i32
    %lt3A_131 = arith.cmpi slt, %rem3A_127, %lt3A_130 : i32
    %lt3A_132 = arith.constant 0 : i32
    %lt3A_133 = arith.cmpi slt, %select_n3A_126, %lt3A_132 : i32
    %ne3A_134 = arith.xori %lt3A_131, %lt3A_133 : i1
    %and3A_135 = arith.andi %ne3A_134, %ne3A_129 : i1
    %add3A_136 = arith.addi %rem3A_127, %select_n3A_126 : i32
    %select_n3A_137 = arith.select %and3A_135, %add3A_136, %rem3A_127 : i32
    %broadcast_in_dim3A_138 = vector.broadcast %select_n3A_137 : i32 to vector<16xi32>
    %iota3A_139 = tpu.iota {dimensions = array<i32: 0>} : vector<16xi32>
    %eq3A_140 = arith.cmpi eq, %iota3A_139, %broadcast_in_dim3A_138 : vector<16xi32>
    %jit3A_141 = arith.constant 16 : i32
    %div3A_142 = arith.divsi %add3A_121, %jit3A_141 : i32
    %sign3A_143 = arith.constant 0 : i32
    %sign3A_144 = arith.cmpi sgt, %add3A_121, %sign3A_143 : i32
    %sign3A_145 = arith.extui %sign3A_144 : i1 to i32
    %sign3A_146 = arith.constant 0 : i32
    %sign3A_147 = arith.cmpi slt, %add3A_121, %sign3A_146 : i32
    %sign3A_148 = arith.extui %sign3A_147 : i1 to i32
    %sign3A_149 = arith.subi %sign3A_145, %sign3A_148 : i32
    %sign3A_150 = arith.constant 0 : i32
    %sign3A_151 = arith.cmpi sgt, %jit3A_141, %sign3A_150 : i32
    %sign3A_152 = arith.extui %sign3A_151 : i1 to i32
    %sign3A_153 = arith.constant 0 : i32
    %sign3A_154 = arith.cmpi slt, %jit3A_141, %sign3A_153 : i32
    %sign3A_155 = arith.extui %sign3A_154 : i1 to i32
    %sign3A_156 = arith.subi %sign3A_152, %sign3A_155 : i32
    %ne3A_157 = arith.cmpi ne, %sign3A_149, %sign3A_156 : i32
    %rem3A_158 = arith.remsi %add3A_121, %jit3A_141 : i32
    %ne3A_159 = arith.constant 0 : i32
    %ne3A_160 = arith.cmpi ne, %rem3A_158, %ne3A_159 : i32
    %and3A_161 = arith.andi %ne3A_157, %ne3A_160 : i1
    %sub3A_162 = arith.constant 1 : i32
    %sub3A_163 = arith.subi %div3A_142, %sub3A_162 : i32
    %select_n3A_164 = arith.select %and3A_161, %sub3A_163, %div3A_142 : i32
    %eq3A_165 = arith.constant 2 : i32
    %eq3A_166 = arith.cmpi eq, %select_n3A_164, %eq3A_165 : i32
    %select_n3A_167 = arith.select %eq3A_166, %get3A_39, %get3A_41 : vector<16xi32>
    %eq3A_168 = arith.constant 1 : i32
    %eq3A_169 = arith.cmpi eq, %select_n3A_164, %eq3A_168 : i32
    %select_n3A_170 = arith.select %eq3A_169, %get3A_37, %select_n3A_167 : vector<16xi32>
    %eq3A_171 = arith.constant 0 : i32
    %eq3A_172 = arith.cmpi eq, %select_n3A_164, %eq3A_171 : i32
    %select_n3A_173 = arith.select %eq3A_172, %get3A_35, %select_n3A_170 : vector<16xi32>
    %jit3A_174 = arith.constant -1 : i32
    %broadcast_in_dim3A_175 = vector.broadcast %jit3A_174 : i32 to vector<16xi32>
    %select_n3A_176 = arith.select %eq3A_140, %select_n3A_173, %broadcast_in_dim3A_175 : vector<16xi1>, vector<16xi32>
    %reduce_max3A_177 = arith.constant true
    %reduce_max3A_178 = vector.broadcast %reduce_max3A_177 : i1 to vector<16xi1>
    %reduce_max3A_179 = arith.constant -2147483648 : i32
    %reduce_max3A_180 = vector.broadcast %reduce_max3A_179 : i32 to vector<16xi32>
    %reduce_max3A_181 = arith.xori %select_n3A_176, %reduce_max3A_180 : vector<16xi32>
    %reduce_max3A_182 = tpu.scan <max>, %reduce_max3A_181 masked %reduce_max3A_178 : vector<16xi32>, vector<16xi1> -> vector<16xi32>
    %reduce_max3A_183 = arith.xori %reduce_max3A_182, %reduce_max3A_180 : vector<16xi32>
    %reduce_max3A_184 = vector.extract %reduce_max3A_183[15] : i32 from vector<16xi32>
    %add3A_185 = arith.constant 2 : i32
    %add3A_186 = arith.addi %mul3A_34, %add3A_185 : i32
    %jit3A_187 = arith.constant 16 : i32
    %eq3A_188 = arith.constant 0 : i32
    %eq3A_189 = arith.cmpi eq, %jit3A_187, %eq3A_188 : i32
    %jit3A_190 = arith.constant 1 : i32
    %select_n3A_191 = arith.select %eq3A_189, %jit3A_190, %jit3A_187 : i32
    %rem3A_192 = arith.remsi %add3A_186, %select_n3A_191 : i32
    %ne3A_193 = arith.constant 0 : i32
    %ne3A_194 = arith.cmpi ne, %rem3A_192, %ne3A_193 : i32
    %lt3A_195 = arith.constant 0 : i32
    %lt3A_196 = arith.cmpi slt, %rem3A_192, %lt3A_195 : i32
    %lt3A_197 = arith.constant 0 : i32
    %lt3A_198 = arith.cmpi slt, %select_n3A_191, %lt3A_197 : i32
    %ne3A_199 = arith.xori %lt3A_196, %lt3A_198 : i1
    %and3A_200 = arith.andi %ne3A_199, %ne3A_194 : i1
    %add3A_201 = arith.addi %rem3A_192, %select_n3A_191 : i32
    %select_n3A_202 = arith.select %and3A_200, %add3A_201, %rem3A_192 : i32
    %broadcast_in_dim3A_203 = vector.broadcast %select_n3A_202 : i32 to vector<16xi32>
    %iota3A_204 = tpu.iota {dimensions = array<i32: 0>} : vector<16xi32>
    %eq3A_205 = arith.cmpi eq, %iota3A_204, %broadcast_in_dim3A_203 : vector<16xi32>
    %jit3A_206 = arith.constant 16 : i32
    %div3A_207 = arith.divsi %add3A_186, %jit3A_206 : i32
    %sign3A_208 = arith.constant 0 : i32
    %sign3A_209 = arith.cmpi sgt, %add3A_186, %sign3A_208 : i32
    %sign3A_210 = arith.extui %sign3A_209 : i1 to i32
    %sign3A_211 = arith.constant 0 : i32
    %sign3A_212 = arith.cmpi slt, %add3A_186, %sign3A_211 : i32
    %sign3A_213 = arith.extui %sign3A_212 : i1 to i32
    %sign3A_214 = arith.subi %sign3A_210, %sign3A_213 : i32
    %sign3A_215 = arith.constant 0 : i32
    %sign3A_216 = arith.cmpi sgt, %jit3A_206, %sign3A_215 : i32
    %sign3A_217 = arith.extui %sign3A_216 : i1 to i32
    %sign3A_218 = arith.constant 0 : i32
    %sign3A_219 = arith.cmpi slt, %jit3A_206, %sign3A_218 : i32
    %sign3A_220 = arith.extui %sign3A_219 : i1 to i32
    %sign3A_221 = arith.subi %sign3A_217, %sign3A_220 : i32
    %ne3A_222 = arith.cmpi ne, %sign3A_214, %sign3A_221 : i32
    %rem3A_223 = arith.remsi %add3A_186, %jit3A_206 : i32
    %ne3A_224 = arith.constant 0 : i32
    %ne3A_225 = arith.cmpi ne, %rem3A_223, %ne3A_224 : i32
    %and3A_226 = arith.andi %ne3A_222, %ne3A_225 : i1
    %sub3A_227 = arith.constant 1 : i32
    %sub3A_228 = arith.subi %div3A_207, %sub3A_227 : i32
    %select_n3A_229 = arith.select %and3A_226, %sub3A_228, %div3A_207 : i32
    %eq3A_230 = arith.constant 2 : i32
    %eq3A_231 = arith.cmpi eq, %select_n3A_229, %eq3A_230 : i32
    %select_n3A_232 = arith.select %eq3A_231, %get3A_39, %get3A_41 : vector<16xi32>
    %eq3A_233 = arith.constant 1 : i32
    %eq3A_234 = arith.cmpi eq, %select_n3A_229, %eq3A_233 : i32
    %select_n3A_235 = arith.select %eq3A_234, %get3A_37, %select_n3A_232 : vector<16xi32>
    %eq3A_236 = arith.constant 0 : i32
    %eq3A_237 = arith.cmpi eq, %select_n3A_229, %eq3A_236 : i32
    %select_n3A_238 = arith.select %eq3A_237, %get3A_35, %select_n3A_235 : vector<16xi32>
    %jit3A_239 = arith.constant -1 : i32
    %broadcast_in_dim3A_240 = vector.broadcast %jit3A_239 : i32 to vector<16xi32>
    %select_n3A_241 = arith.select %eq3A_205, %select_n3A_238, %broadcast_in_dim3A_240 : vector<16xi1>, vector<16xi32>
    %reduce_max3A_242 = arith.constant true
    %reduce_max3A_243 = vector.broadcast %reduce_max3A_242 : i1 to vector<16xi1>
    %reduce_max3A_244 = arith.constant -2147483648 : i32
    %reduce_max3A_245 = vector.broadcast %reduce_max3A_244 : i32 to vector<16xi32>
    %reduce_max3A_246 = arith.xori %select_n3A_241, %reduce_max3A_245 : vector<16xi32>
    %reduce_max3A_247 = tpu.scan <max>, %reduce_max3A_246 masked %reduce_max3A_243 : vector<16xi32>, vector<16xi1> -> vector<16xi32>
    %reduce_max3A_248 = arith.xori %reduce_max3A_247, %reduce_max3A_245 : vector<16xi32>
    %reduce_max3A_249 = vector.extract %reduce_max3A_248[15] : i32 from vector<16xi32>
    %add3A_250 = arith.constant 3 : i32
    %add3A_251 = arith.addi %mul3A_34, %add3A_250 : i32
    %jit3A_252 = arith.constant 16 : i32
    %eq3A_253 = arith.constant 0 : i32
    %eq3A_254 = arith.cmpi eq, %jit3A_252, %eq3A_253 : i32
    %jit3A_255 = arith.constant 1 : i32
    %select_n3A_256 = arith.select %eq3A_254, %jit3A_255, %jit3A_252 : i32
    %rem3A_257 = arith.remsi %add3A_251, %select_n3A_256 : i32
    %ne3A_258 = arith.constant 0 : i32
    %ne3A_259 = arith.cmpi ne, %rem3A_257, %ne3A_258 : i32
    %lt3A_260 = arith.constant 0 : i32
    %lt3A_261 = arith.cmpi slt, %rem3A_257, %lt3A_260 : i32
    %lt3A_262 = arith.constant 0 : i32
    %lt3A_263 = arith.cmpi slt, %select_n3A_256, %lt3A_262 : i32
    %ne3A_264 = arith.xori %lt3A_261, %lt3A_263 : i1
    %and3A_265 = arith.andi %ne3A_264, %ne3A_259 : i1
    %add3A_266 = arith.addi %rem3A_257, %select_n3A_256 : i32
    %select_n3A_267 = arith.select %and3A_265, %add3A_266, %rem3A_257 : i32
    %broadcast_in_dim3A_268 = vector.broadcast %select_n3A_267 : i32 to vector<16xi32>
    %iota3A_269 = tpu.iota {dimensions = array<i32: 0>} : vector<16xi32>
    %eq3A_270 = arith.cmpi eq, %iota3A_269, %broadcast_in_dim3A_268 : vector<16xi32>
    %jit3A_271 = arith.constant 16 : i32
    %div3A_272 = arith.divsi %add3A_251, %jit3A_271 : i32
    %sign3A_273 = arith.constant 0 : i32
    %sign3A_274 = arith.cmpi sgt, %add3A_251, %sign3A_273 : i32
    %sign3A_275 = arith.extui %sign3A_274 : i1 to i32
    %sign3A_276 = arith.constant 0 : i32
    %sign3A_277 = arith.cmpi slt, %add3A_251, %sign3A_276 : i32
    %sign3A_278 = arith.extui %sign3A_277 : i1 to i32
    %sign3A_279 = arith.subi %sign3A_275, %sign3A_278 : i32
    %sign3A_280 = arith.constant 0 : i32
    %sign3A_281 = arith.cmpi sgt, %jit3A_271, %sign3A_280 : i32
    %sign3A_282 = arith.extui %sign3A_281 : i1 to i32
    %sign3A_283 = arith.constant 0 : i32
    %sign3A_284 = arith.cmpi slt, %jit3A_271, %sign3A_283 : i32
    %sign3A_285 = arith.extui %sign3A_284 : i1 to i32
    %sign3A_286 = arith.subi %sign3A_282, %sign3A_285 : i32
    %ne3A_287 = arith.cmpi ne, %sign3A_279, %sign3A_286 : i32
    %rem3A_288 = arith.remsi %add3A_251, %jit3A_271 : i32
    %ne3A_289 = arith.constant 0 : i32
    %ne3A_290 = arith.cmpi ne, %rem3A_288, %ne3A_289 : i32
    %and3A_291 = arith.andi %ne3A_287, %ne3A_290 : i1
    %sub3A_292 = arith.constant 1 : i32
    %sub3A_293 = arith.subi %div3A_272, %sub3A_292 : i32
    %select_n3A_294 = arith.select %and3A_291, %sub3A_293, %div3A_272 : i32
    %eq3A_295 = arith.constant 2 : i32
    %eq3A_296 = arith.cmpi eq, %select_n3A_294, %eq3A_295 : i32
    %select_n3A_297 = arith.select %eq3A_296, %get3A_39, %get3A_41 : vector<16xi32>
    %eq3A_298 = arith.constant 1 : i32
    %eq3A_299 = arith.cmpi eq, %select_n3A_294, %eq3A_298 : i32
    %select_n3A_300 = arith.select %eq3A_299, %get3A_37, %select_n3A_297 : vector<16xi32>
    %eq3A_301 = arith.constant 0 : i32
    %eq3A_302 = arith.cmpi eq, %select_n3A_294, %eq3A_301 : i32
    %select_n3A_303 = arith.select %eq3A_302, %get3A_35, %select_n3A_300 : vector<16xi32>
    %jit3A_304 = arith.constant -1 : i32
    %broadcast_in_dim3A_305 = vector.broadcast %jit3A_304 : i32 to vector<16xi32>
    %select_n3A_306 = arith.select %eq3A_270, %select_n3A_303, %broadcast_in_dim3A_305 : vector<16xi1>, vector<16xi32>
    %reduce_max3A_307 = arith.constant true
    %reduce_max3A_308 = vector.broadcast %reduce_max3A_307 : i1 to vector<16xi1>
    %reduce_max3A_309 = arith.constant -2147483648 : i32
    %reduce_max3A_310 = vector.broadcast %reduce_max3A_309 : i32 to vector<16xi32>
    %reduce_max3A_311 = arith.xori %select_n3A_306, %reduce_max3A_310 : vector<16xi32>
    %reduce_max3A_312 = tpu.scan <max>, %reduce_max3A_311 masked %reduce_max3A_308 : vector<16xi32>, vector<16xi1> -> vector<16xi32>
    %reduce_max3A_313 = arith.xori %reduce_max3A_312, %reduce_max3A_310 : vector<16xi32>
    %reduce_max3A_314 = vector.extract %reduce_max3A_313[15] : i32 from vector<16xi32>
    %add3A_315 = arith.constant 4 : i32
    %add3A_316 = arith.addi %mul3A_34, %add3A_315 : i32
    %jit3A_317 = arith.constant 16 : i32
    %eq3A_318 = arith.constant 0 : i32
    %eq3A_319 = arith.cmpi eq, %jit3A_317, %eq3A_318 : i32
    %jit3A_320 = arith.constant 1 : i32
    %select_n3A_321 = arith.select %eq3A_319, %jit3A_320, %jit3A_317 : i32
    %rem3A_322 = arith.remsi %add3A_316, %select_n3A_321 : i32
    %ne3A_323 = arith.constant 0 : i32
    %ne3A_324 = arith.cmpi ne, %rem3A_322, %ne3A_323 : i32
    %lt3A_325 = arith.constant 0 : i32
    %lt3A_326 = arith.cmpi slt, %rem3A_322, %lt3A_325 : i32
    %lt3A_327 = arith.constant 0 : i32
    %lt3A_328 = arith.cmpi slt, %select_n3A_321, %lt3A_327 : i32
    %ne3A_329 = arith.xori %lt3A_326, %lt3A_328 : i1
    %and3A_330 = arith.andi %ne3A_329, %ne3A_324 : i1
    %add3A_331 = arith.addi %rem3A_322, %select_n3A_321 : i32
    %select_n3A_332 = arith.select %and3A_330, %add3A_331, %rem3A_322 : i32
    %broadcast_in_dim3A_333 = vector.broadcast %select_n3A_332 : i32 to vector<16xi32>
    %iota3A_334 = tpu.iota {dimensions = array<i32: 0>} : vector<16xi32>
    %eq3A_335 = arith.cmpi eq, %iota3A_334, %broadcast_in_dim3A_333 : vector<16xi32>
    %jit3A_336 = arith.constant 16 : i32
    %div3A_337 = arith.divsi %add3A_316, %jit3A_336 : i32
    %sign3A_338 = arith.constant 0 : i32
    %sign3A_339 = arith.cmpi sgt, %add3A_316, %sign3A_338 : i32
    %sign3A_340 = arith.extui %sign3A_339 : i1 to i32
    %sign3A_341 = arith.constant 0 : i32
    %sign3A_342 = arith.cmpi slt, %add3A_316, %sign3A_341 : i32
    %sign3A_343 = arith.extui %sign3A_342 : i1 to i32
    %sign3A_344 = arith.subi %sign3A_340, %sign3A_343 : i32
    %sign3A_345 = arith.constant 0 : i32
    %sign3A_346 = arith.cmpi sgt, %jit3A_336, %sign3A_345 : i32
    %sign3A_347 = arith.extui %sign3A_346 : i1 to i32
    %sign3A_348 = arith.constant 0 : i32
    %sign3A_349 = arith.cmpi slt, %jit3A_336, %sign3A_348 : i32
    %sign3A_350 = arith.extui %sign3A_349 : i1 to i32
    %sign3A_351 = arith.subi %sign3A_347, %sign3A_350 : i32
    %ne3A_352 = arith.cmpi ne, %sign3A_344, %sign3A_351 : i32
    %rem3A_353 = arith.remsi %add3A_316, %jit3A_336 : i32
    %ne3A_354 = arith.constant 0 : i32
    %ne3A_355 = arith.cmpi ne, %rem3A_353, %ne3A_354 : i32
    %and3A_356 = arith.andi %ne3A_352, %ne3A_355 : i1
    %sub3A_357 = arith.constant 1 : i32
    %sub3A_358 = arith.subi %div3A_337, %sub3A_357 : i32
    %select_n3A_359 = arith.select %and3A_356, %sub3A_358, %div3A_337 : i32
    %eq3A_360 = arith.constant 2 : i32
    %eq3A_361 = arith.cmpi eq, %select_n3A_359, %eq3A_360 : i32
    %select_n3A_362 = arith.select %eq3A_361, %get3A_39, %get3A_41 : vector<16xi32>
    %eq3A_363 = arith.constant 1 : i32
    %eq3A_364 = arith.cmpi eq, %select_n3A_359, %eq3A_363 : i32
    %select_n3A_365 = arith.select %eq3A_364, %get3A_37, %select_n3A_362 : vector<16xi32>
    %eq3A_366 = arith.constant 0 : i32
    %eq3A_367 = arith.cmpi eq, %select_n3A_359, %eq3A_366 : i32
    %select_n3A_368 = arith.select %eq3A_367, %get3A_35, %select_n3A_365 : vector<16xi32>
    %jit3A_369 = arith.constant -1 : i32
    %broadcast_in_dim3A_370 = vector.broadcast %jit3A_369 : i32 to vector<16xi32>
    %select_n3A_371 = arith.select %eq3A_335, %select_n3A_368, %broadcast_in_dim3A_370 : vector<16xi1>, vector<16xi32>
    %reduce_max3A_372 = arith.constant true
    %reduce_max3A_373 = vector.broadcast %reduce_max3A_372 : i1 to vector<16xi1>
    %reduce_max3A_374 = arith.constant -2147483648 : i32
    %reduce_max3A_375 = vector.broadcast %reduce_max3A_374 : i32 to vector<16xi32>
    %reduce_max3A_376 = arith.xori %select_n3A_371, %reduce_max3A_375 : vector<16xi32>
    %reduce_max3A_377 = tpu.scan <max>, %reduce_max3A_376 masked %reduce_max3A_373 : vector<16xi32>, vector<16xi1> -> vector<16xi32>
    %reduce_max3A_378 = arith.xori %reduce_max3A_377, %reduce_max3A_375 : vector<16xi32>
    %reduce_max3A_379 = vector.extract %reduce_max3A_378[15] : i32 from vector<16xi32>
    %add3A_380 = arith.constant 5 : i32
    %add3A_381 = arith.addi %mul3A_34, %add3A_380 : i32
    %jit3A_382 = arith.constant 16 : i32
    %eq3A_383 = arith.constant 0 : i32
    %eq3A_384 = arith.cmpi eq, %jit3A_382, %eq3A_383 : i32
    %jit3A_385 = arith.constant 1 : i32
    %select_n3A_386 = arith.select %eq3A_384, %jit3A_385, %jit3A_382 : i32
    %rem3A_387 = arith.remsi %add3A_381, %select_n3A_386 : i32
    %ne3A_388 = arith.constant 0 : i32
    %ne3A_389 = arith.cmpi ne, %rem3A_387, %ne3A_388 : i32
    %lt3A_390 = arith.constant 0 : i32
    %lt3A_391 = arith.cmpi slt, %rem3A_387, %lt3A_390 : i32
    %lt3A_392 = arith.constant 0 : i32
    %lt3A_393 = arith.cmpi slt, %select_n3A_386, %lt3A_392 : i32
    %ne3A_394 = arith.xori %lt3A_391, %lt3A_393 : i1
    %and3A_395 = arith.andi %ne3A_394, %ne3A_389 : i1
    %add3A_396 = arith.addi %rem3A_387, %select_n3A_386 : i32
    %select_n3A_397 = arith.select %and3A_395, %add3A_396, %rem3A_387 : i32
    %broadcast_in_dim3A_398 = vector.broadcast %select_n3A_397 : i32 to vector<16xi32>
    %iota3A_399 = tpu.iota {dimensions = array<i32: 0>} : vector<16xi32>
    %eq3A_400 = arith.cmpi eq, %iota3A_399, %broadcast_in_dim3A_398 : vector<16xi32>
    %jit3A_401 = arith.constant 16 : i32
    %div3A_402 = arith.divsi %add3A_381, %jit3A_401 : i32
    %sign3A_403 = arith.constant 0 : i32
    %sign3A_404 = arith.cmpi sgt, %add3A_381, %sign3A_403 : i32
    %sign3A_405 = arith.extui %sign3A_404 : i1 to i32
    %sign3A_406 = arith.constant 0 : i32
    %sign3A_407 = arith.cmpi slt, %add3A_381, %sign3A_406 : i32
    %sign3A_408 = arith.extui %sign3A_407 : i1 to i32
    %sign3A_409 = arith.subi %sign3A_405, %sign3A_408 : i32
    %sign3A_410 = arith.constant 0 : i32
    %sign3A_411 = arith.cmpi sgt, %jit3A_401, %sign3A_410 : i32
    %sign3A_412 = arith.extui %sign3A_411 : i1 to i32
    %sign3A_413 = arith.constant 0 : i32
    %sign3A_414 = arith.cmpi slt, %jit3A_401, %sign3A_413 : i32
    %sign3A_415 = arith.extui %sign3A_414 : i1 to i32
    %sign3A_416 = arith.subi %sign3A_412, %sign3A_415 : i32
    %ne3A_417 = arith.cmpi ne, %sign3A_409, %sign3A_416 : i32
    %rem3A_418 = arith.remsi %add3A_381, %jit3A_401 : i32
    %ne3A_419 = arith.constant 0 : i32
    %ne3A_420 = arith.cmpi ne, %rem3A_418, %ne3A_419 : i32
    %and3A_421 = arith.andi %ne3A_417, %ne3A_420 : i1
    %sub3A_422 = arith.constant 1 : i32
    %sub3A_423 = arith.subi %div3A_402, %sub3A_422 : i32
    %select_n3A_424 = arith.select %and3A_421, %sub3A_423, %div3A_402 : i32
    %eq3A_425 = arith.constant 2 : i32
    %eq3A_426 = arith.cmpi eq, %select_n3A_424, %eq3A_425 : i32
    %select_n3A_427 = arith.select %eq3A_426, %get3A_39, %get3A_41 : vector<16xi32>
    %eq3A_428 = arith.constant 1 : i32
    %eq3A_429 = arith.cmpi eq, %select_n3A_424, %eq3A_428 : i32
    %select_n3A_430 = arith.select %eq3A_429, %get3A_37, %select_n3A_427 : vector<16xi32>
    %eq3A_431 = arith.constant 0 : i32
    %eq3A_432 = arith.cmpi eq, %select_n3A_424, %eq3A_431 : i32
    %select_n3A_433 = arith.select %eq3A_432, %get3A_35, %select_n3A_430 : vector<16xi32>
    %jit3A_434 = arith.constant -1 : i32
    %broadcast_in_dim3A_435 = vector.broadcast %jit3A_434 : i32 to vector<16xi32>
    %select_n3A_436 = arith.select %eq3A_400, %select_n3A_433, %broadcast_in_dim3A_435 : vector<16xi1>, vector<16xi32>
    %reduce_max3A_437 = arith.constant true
    %reduce_max3A_438 = vector.broadcast %reduce_max3A_437 : i1 to vector<16xi1>
    %reduce_max3A_439 = arith.constant -2147483648 : i32
    %reduce_max3A_440 = vector.broadcast %reduce_max3A_439 : i32 to vector<16xi32>
    %reduce_max3A_441 = arith.xori %select_n3A_436, %reduce_max3A_440 : vector<16xi32>
    %reduce_max3A_442 = tpu.scan <max>, %reduce_max3A_441 masked %reduce_max3A_438 : vector<16xi32>, vector<16xi1> -> vector<16xi32>
    %reduce_max3A_443 = arith.xori %reduce_max3A_442, %reduce_max3A_440 : vector<16xi32>
    %reduce_max3A_444 = vector.extract %reduce_max3A_443[15] : i32 from vector<16xi32>
    %add3A_445 = arith.constant 6 : i32
    %add3A_446 = arith.addi %mul3A_34, %add3A_445 : i32
    %jit3A_447 = arith.constant 16 : i32
    %eq3A_448 = arith.constant 0 : i32
    %eq3A_449 = arith.cmpi eq, %jit3A_447, %eq3A_448 : i32
    %jit3A_450 = arith.constant 1 : i32
    %select_n3A_451 = arith.select %eq3A_449, %jit3A_450, %jit3A_447 : i32
    %rem3A_452 = arith.remsi %add3A_446, %select_n3A_451 : i32
    %ne3A_453 = arith.constant 0 : i32
    %ne3A_454 = arith.cmpi ne, %rem3A_452, %ne3A_453 : i32
    %lt3A_455 = arith.constant 0 : i32
    %lt3A_456 = arith.cmpi slt, %rem3A_452, %lt3A_455 : i32
    %lt3A_457 = arith.constant 0 : i32
    %lt3A_458 = arith.cmpi slt, %select_n3A_451, %lt3A_457 : i32
    %ne3A_459 = arith.xori %lt3A_456, %lt3A_458 : i1
    %and3A_460 = arith.andi %ne3A_459, %ne3A_454 : i1
    %add3A_461 = arith.addi %rem3A_452, %select_n3A_451 : i32
    %select_n3A_462 = arith.select %and3A_460, %add3A_461, %rem3A_452 : i32
    %broadcast_in_dim3A_463 = vector.broadcast %select_n3A_462 : i32 to vector<16xi32>
    %iota3A_464 = tpu.iota {dimensions = array<i32: 0>} : vector<16xi32>
    %eq3A_465 = arith.cmpi eq, %iota3A_464, %broadcast_in_dim3A_463 : vector<16xi32>
    %jit3A_466 = arith.constant 16 : i32
    %div3A_467 = arith.divsi %add3A_446, %jit3A_466 : i32
    %sign3A_468 = arith.constant 0 : i32
    %sign3A_469 = arith.cmpi sgt, %add3A_446, %sign3A_468 : i32
    %sign3A_470 = arith.extui %sign3A_469 : i1 to i32
    %sign3A_471 = arith.constant 0 : i32
    %sign3A_472 = arith.cmpi slt, %add3A_446, %sign3A_471 : i32
    %sign3A_473 = arith.extui %sign3A_472 : i1 to i32
    %sign3A_474 = arith.subi %sign3A_470, %sign3A_473 : i32
    %sign3A_475 = arith.constant 0 : i32
    %sign3A_476 = arith.cmpi sgt, %jit3A_466, %sign3A_475 : i32
    %sign3A_477 = arith.extui %sign3A_476 : i1 to i32
    %sign3A_478 = arith.constant 0 : i32
    %sign3A_479 = arith.cmpi slt, %jit3A_466, %sign3A_478 : i32
    %sign3A_480 = arith.extui %sign3A_479 : i1 to i32
    %sign3A_481 = arith.subi %sign3A_477, %sign3A_480 : i32
    %ne3A_482 = arith.cmpi ne, %sign3A_474, %sign3A_481 : i32
    %rem3A_483 = arith.remsi %add3A_446, %jit3A_466 : i32
    %ne3A_484 = arith.constant 0 : i32
    %ne3A_485 = arith.cmpi ne, %rem3A_483, %ne3A_484 : i32
    %and3A_486 = arith.andi %ne3A_482, %ne3A_485 : i1
    %sub3A_487 = arith.constant 1 : i32
    %sub3A_488 = arith.subi %div3A_467, %sub3A_487 : i32
    %select_n3A_489 = arith.select %and3A_486, %sub3A_488, %div3A_467 : i32
    %eq3A_490 = arith.constant 2 : i32
    %eq3A_491 = arith.cmpi eq, %select_n3A_489, %eq3A_490 : i32
    %select_n3A_492 = arith.select %eq3A_491, %get3A_39, %get3A_41 : vector<16xi32>
    %eq3A_493 = arith.constant 1 : i32
    %eq3A_494 = arith.cmpi eq, %select_n3A_489, %eq3A_493 : i32
    %select_n3A_495 = arith.select %eq3A_494, %get3A_37, %select_n3A_492 : vector<16xi32>
    %eq3A_496 = arith.constant 0 : i32
    %eq3A_497 = arith.cmpi eq, %select_n3A_489, %eq3A_496 : i32
    %select_n3A_498 = arith.select %eq3A_497, %get3A_35, %select_n3A_495 : vector<16xi32>
    %jit3A_499 = arith.constant -1 : i32
    %broadcast_in_dim3A_500 = vector.broadcast %jit3A_499 : i32 to vector<16xi32>
    %select_n3A_501 = arith.select %eq3A_465, %select_n3A_498, %broadcast_in_dim3A_500 : vector<16xi1>, vector<16xi32>
    %reduce_max3A_502 = arith.constant true
    %reduce_max3A_503 = vector.broadcast %reduce_max3A_502 : i1 to vector<16xi1>
    %reduce_max3A_504 = arith.constant -2147483648 : i32
    %reduce_max3A_505 = vector.broadcast %reduce_max3A_504 : i32 to vector<16xi32>
    %reduce_max3A_506 = arith.xori %select_n3A_501, %reduce_max3A_505 : vector<16xi32>
    %reduce_max3A_507 = tpu.scan <max>, %reduce_max3A_506 masked %reduce_max3A_503 : vector<16xi32>, vector<16xi1> -> vector<16xi32>
    %reduce_max3A_508 = arith.xori %reduce_max3A_507, %reduce_max3A_505 : vector<16xi32>
    %reduce_max3A_509 = vector.extract %reduce_max3A_508[15] : i32 from vector<16xi32>
    %add3A_510 = arith.constant 7 : i32
    %add3A_511 = arith.addi %mul3A_34, %add3A_510 : i32
    %jit3A_512 = arith.constant 16 : i32
    %eq3A_513 = arith.constant 0 : i32
    %eq3A_514 = arith.cmpi eq, %jit3A_512, %eq3A_513 : i32
    %jit3A_515 = arith.constant 1 : i32
    %select_n3A_516 = arith.select %eq3A_514, %jit3A_515, %jit3A_512 : i32
    %rem3A_517 = arith.remsi %add3A_511, %select_n3A_516 : i32
    %ne3A_518 = arith.constant 0 : i32
    %ne3A_519 = arith.cmpi ne, %rem3A_517, %ne3A_518 : i32
    %lt3A_520 = arith.constant 0 : i32
    %lt3A_521 = arith.cmpi slt, %rem3A_517, %lt3A_520 : i32
    %lt3A_522 = arith.constant 0 : i32
    %lt3A_523 = arith.cmpi slt, %select_n3A_516, %lt3A_522 : i32
    %ne3A_524 = arith.xori %lt3A_521, %lt3A_523 : i1
    %and3A_525 = arith.andi %ne3A_524, %ne3A_519 : i1
    %add3A_526 = arith.addi %rem3A_517, %select_n3A_516 : i32
    %select_n3A_527 = arith.select %and3A_525, %add3A_526, %rem3A_517 : i32
    %broadcast_in_dim3A_528 = vector.broadcast %select_n3A_527 : i32 to vector<16xi32>
    %iota3A_529 = tpu.iota {dimensions = array<i32: 0>} : vector<16xi32>
    %eq3A_530 = arith.cmpi eq, %iota3A_529, %broadcast_in_dim3A_528 : vector<16xi32>
    %jit3A_531 = arith.constant 16 : i32
    %div3A_532 = arith.divsi %add3A_511, %jit3A_531 : i32
    %sign3A_533 = arith.constant 0 : i32
    %sign3A_534 = arith.cmpi sgt, %add3A_511, %sign3A_533 : i32
    %sign3A_535 = arith.extui %sign3A_534 : i1 to i32
    %sign3A_536 = arith.constant 0 : i32
    %sign3A_537 = arith.cmpi slt, %add3A_511, %sign3A_536 : i32
    %sign3A_538 = arith.extui %sign3A_537 : i1 to i32
    %sign3A_539 = arith.subi %sign3A_535, %sign3A_538 : i32
    %sign3A_540 = arith.constant 0 : i32
    %sign3A_541 = arith.cmpi sgt, %jit3A_531, %sign3A_540 : i32
    %sign3A_542 = arith.extui %sign3A_541 : i1 to i32
    %sign3A_543 = arith.constant 0 : i32
    %sign3A_544 = arith.cmpi slt, %jit3A_531, %sign3A_543 : i32
    %sign3A_545 = arith.extui %sign3A_544 : i1 to i32
    %sign3A_546 = arith.subi %sign3A_542, %sign3A_545 : i32
    %ne3A_547 = arith.cmpi ne, %sign3A_539, %sign3A_546 : i32
    %rem3A_548 = arith.remsi %add3A_511, %jit3A_531 : i32
    %ne3A_549 = arith.constant 0 : i32
    %ne3A_550 = arith.cmpi ne, %rem3A_548, %ne3A_549 : i32
    %and3A_551 = arith.andi %ne3A_547, %ne3A_550 : i1
    %sub3A_552 = arith.constant 1 : i32
    %sub3A_553 = arith.subi %div3A_532, %sub3A_552 : i32
    %select_n3A_554 = arith.select %and3A_551, %sub3A_553, %div3A_532 : i32
    %eq3A_555 = arith.constant 2 : i32
    %eq3A_556 = arith.cmpi eq, %select_n3A_554, %eq3A_555 : i32
    %select_n3A_557 = arith.select %eq3A_556, %get3A_39, %get3A_41 : vector<16xi32>
    %eq3A_558 = arith.constant 1 : i32
    %eq3A_559 = arith.cmpi eq, %select_n3A_554, %eq3A_558 : i32
    %select_n3A_560 = arith.select %eq3A_559, %get3A_37, %select_n3A_557 : vector<16xi32>
    %eq3A_561 = arith.constant 0 : i32
    %eq3A_562 = arith.cmpi eq, %select_n3A_554, %eq3A_561 : i32
    %select_n3A_563 = arith.select %eq3A_562, %get3A_35, %select_n3A_560 : vector<16xi32>
    %jit3A_564 = arith.constant -1 : i32
    %broadcast_in_dim3A_565 = vector.broadcast %jit3A_564 : i32 to vector<16xi32>
    %select_n3A_566 = arith.select %eq3A_530, %select_n3A_563, %broadcast_in_dim3A_565 : vector<16xi1>, vector<16xi32>
    %reduce_max3A_567 = arith.constant true
    %reduce_max3A_568 = vector.broadcast %reduce_max3A_567 : i1 to vector<16xi1>
    %reduce_max3A_569 = arith.constant -2147483648 : i32
    %reduce_max3A_570 = vector.broadcast %reduce_max3A_569 : i32 to vector<16xi32>
    %reduce_max3A_571 = arith.xori %select_n3A_566, %reduce_max3A_570 : vector<16xi32>
    %reduce_max3A_572 = tpu.scan <max>, %reduce_max3A_571 masked %reduce_max3A_568 : vector<16xi32>, vector<16xi1> -> vector<16xi32>
    %reduce_max3A_573 = arith.xori %reduce_max3A_572, %reduce_max3A_570 : vector<16xi32>
    %reduce_max3A_574 = vector.extract %reduce_max3A_573[15] : i32 from vector<16xi32>
    %add3A_575 = arith.constant 0 : i32
    %add3A_576 = arith.addi %mul3A_34, %add3A_575 : i32
    %jit3A_577 = arith.constant 16 : i32
    %eq3A_578 = arith.constant 0 : i32
    %eq3A_579 = arith.cmpi eq, %jit3A_577, %eq3A_578 : i32
    %jit3A_580 = arith.constant 1 : i32
    %select_n3A_581 = arith.select %eq3A_579, %jit3A_580, %jit3A_577 : i32
    %rem3A_582 = arith.remsi %add3A_576, %select_n3A_581 : i32
    %ne3A_583 = arith.constant 0 : i32
    %ne3A_584 = arith.cmpi ne, %rem3A_582, %ne3A_583 : i32
    %lt3A_585 = arith.constant 0 : i32
    %lt3A_586 = arith.cmpi slt, %rem3A_582, %lt3A_585 : i32
    %lt3A_587 = arith.constant 0 : i32
    %lt3A_588 = arith.cmpi slt, %select_n3A_581, %lt3A_587 : i32
    %ne3A_589 = arith.xori %lt3A_586, %lt3A_588 : i1
    %and3A_590 = arith.andi %ne3A_589, %ne3A_584 : i1
    %add3A_591 = arith.addi %rem3A_582, %select_n3A_581 : i32
    %select_n3A_592 = arith.select %and3A_590, %add3A_591, %rem3A_582 : i32
    %broadcast_in_dim3A_593 = vector.broadcast %select_n3A_592 : i32 to vector<16xi32>
    %iota3A_594 = tpu.iota {dimensions = array<i32: 0>} : vector<16xi32>
    %eq3A_595 = arith.cmpi eq, %iota3A_594, %broadcast_in_dim3A_593 : vector<16xi32>
    %jit3A_596 = arith.constant 16 : i32
    %div3A_597 = arith.divsi %add3A_576, %jit3A_596 : i32
    %sign3A_598 = arith.constant 0 : i32
    %sign3A_599 = arith.cmpi sgt, %add3A_576, %sign3A_598 : i32
    %sign3A_600 = arith.extui %sign3A_599 : i1 to i32
    %sign3A_601 = arith.constant 0 : i32
    %sign3A_602 = arith.cmpi slt, %add3A_576, %sign3A_601 : i32
    %sign3A_603 = arith.extui %sign3A_602 : i1 to i32
    %sign3A_604 = arith.subi %sign3A_600, %sign3A_603 : i32
    %sign3A_605 = arith.constant 0 : i32
    %sign3A_606 = arith.cmpi sgt, %jit3A_596, %sign3A_605 : i32
    %sign3A_607 = arith.extui %sign3A_606 : i1 to i32
    %sign3A_608 = arith.constant 0 : i32
    %sign3A_609 = arith.cmpi slt, %jit3A_596, %sign3A_608 : i32
    %sign3A_610 = arith.extui %sign3A_609 : i1 to i32
    %sign3A_611 = arith.subi %sign3A_607, %sign3A_610 : i32
    %ne3A_612 = arith.cmpi ne, %sign3A_604, %sign3A_611 : i32
    %rem3A_613 = arith.remsi %add3A_576, %jit3A_596 : i32
    %ne3A_614 = arith.constant 0 : i32
    %ne3A_615 = arith.cmpi ne, %rem3A_613, %ne3A_614 : i32
    %and3A_616 = arith.andi %ne3A_612, %ne3A_615 : i1
    %sub3A_617 = arith.constant 1 : i32
    %sub3A_618 = arith.subi %div3A_597, %sub3A_617 : i32
    %select_n3A_619 = arith.select %and3A_616, %sub3A_618, %div3A_597 : i32
    %eq3A_620 = arith.constant 2 : i32
    %eq3A_621 = arith.cmpi eq, %select_n3A_619, %eq3A_620 : i32
    %select_n3A_622 = arith.select %eq3A_621, %get3A_47, %get3A_49 : vector<16xi32>
    %eq3A_623 = arith.constant 1 : i32
    %eq3A_624 = arith.cmpi eq, %select_n3A_619, %eq3A_623 : i32
    %select_n3A_625 = arith.select %eq3A_624, %get3A_45, %select_n3A_622 : vector<16xi32>
    %eq3A_626 = arith.constant 0 : i32
    %eq3A_627 = arith.cmpi eq, %select_n3A_619, %eq3A_626 : i32
    %select_n3A_628 = arith.select %eq3A_627, %get3A_43, %select_n3A_625 : vector<16xi32>
    %jit3A_629 = arith.constant -1 : i32
    %broadcast_in_dim3A_630 = vector.broadcast %jit3A_629 : i32 to vector<16xi32>
    %select_n3A_631 = arith.select %eq3A_595, %select_n3A_628, %broadcast_in_dim3A_630 : vector<16xi1>, vector<16xi32>
    %reduce_max3A_632 = arith.constant true
    %reduce_max3A_633 = vector.broadcast %reduce_max3A_632 : i1 to vector<16xi1>
    %reduce_max3A_634 = arith.constant -2147483648 : i32
    %reduce_max3A_635 = vector.broadcast %reduce_max3A_634 : i32 to vector<16xi32>
    %reduce_max3A_636 = arith.xori %select_n3A_631, %reduce_max3A_635 : vector<16xi32>
    %reduce_max3A_637 = tpu.scan <max>, %reduce_max3A_636 masked %reduce_max3A_633 : vector<16xi32>, vector<16xi1> -> vector<16xi32>
    %reduce_max3A_638 = arith.xori %reduce_max3A_637, %reduce_max3A_635 : vector<16xi32>
    %reduce_max3A_639 = vector.extract %reduce_max3A_638[15] : i32 from vector<16xi32>
    %add3A_640 = arith.constant 1 : i32
    %add3A_641 = arith.addi %mul3A_34, %add3A_640 : i32
    %jit3A_642 = arith.constant 16 : i32
    %eq3A_643 = arith.constant 0 : i32
    %eq3A_644 = arith.cmpi eq, %jit3A_642, %eq3A_643 : i32
    %jit3A_645 = arith.constant 1 : i32
    %select_n3A_646 = arith.select %eq3A_644, %jit3A_645, %jit3A_642 : i32
    %rem3A_647 = arith.remsi %add3A_641, %select_n3A_646 : i32
    %ne3A_648 = arith.constant 0 : i32
    %ne3A_649 = arith.cmpi ne, %rem3A_647, %ne3A_648 : i32
    %lt3A_650 = arith.constant 0 : i32
    %lt3A_651 = arith.cmpi slt, %rem3A_647, %lt3A_650 : i32
    %lt3A_652 = arith.constant 0 : i32
    %lt3A_653 = arith.cmpi slt, %select_n3A_646, %lt3A_652 : i32
    %ne3A_654 = arith.xori %lt3A_651, %lt3A_653 : i1
    %and3A_655 = arith.andi %ne3A_654, %ne3A_649 : i1
    %add3A_656 = arith.addi %rem3A_647, %select_n3A_646 : i32
    %select_n3A_657 = arith.select %and3A_655, %add3A_656, %rem3A_647 : i32
    %broadcast_in_dim3A_658 = vector.broadcast %select_n3A_657 : i32 to vector<16xi32>
    %iota3A_659 = tpu.iota {dimensions = array<i32: 0>} : vector<16xi32>
    %eq3A_660 = arith.cmpi eq, %iota3A_659, %broadcast_in_dim3A_658 : vector<16xi32>
    %jit3A_661 = arith.constant 16 : i32
    %div3A_662 = arith.divsi %add3A_641, %jit3A_661 : i32
    %sign3A_663 = arith.constant 0 : i32
    %sign3A_664 = arith.cmpi sgt, %add3A_641, %sign3A_663 : i32
    %sign3A_665 = arith.extui %sign3A_664 : i1 to i32
    %sign3A_666 = arith.constant 0 : i32
    %sign3A_667 = arith.cmpi slt, %add3A_641, %sign3A_666 : i32
    %sign3A_668 = arith.extui %sign3A_667 : i1 to i32
    %sign3A_669 = arith.subi %sign3A_665, %sign3A_668 : i32
    %sign3A_670 = arith.constant 0 : i32
    %sign3A_671 = arith.cmpi sgt, %jit3A_661, %sign3A_670 : i32
    %sign3A_672 = arith.extui %sign3A_671 : i1 to i32
    %sign3A_673 = arith.constant 0 : i32
    %sign3A_674 = arith.cmpi slt, %jit3A_661, %sign3A_673 : i32
    %sign3A_675 = arith.extui %sign3A_674 : i1 to i32
    %sign3A_676 = arith.subi %sign3A_672, %sign3A_675 : i32
    %ne3A_677 = arith.cmpi ne, %sign3A_669, %sign3A_676 : i32
    %rem3A_678 = arith.remsi %add3A_641, %jit3A_661 : i32
    %ne3A_679 = arith.constant 0 : i32
    %ne3A_680 = arith.cmpi ne, %rem3A_678, %ne3A_679 : i32
    %and3A_681 = arith.andi %ne3A_677, %ne3A_680 : i1
    %sub3A_682 = arith.constant 1 : i32
    %sub3A_683 = arith.subi %div3A_662, %sub3A_682 : i32
    %select_n3A_684 = arith.select %and3A_681, %sub3A_683, %div3A_662 : i32
    %eq3A_685 = arith.constant 2 : i32
    %eq3A_686 = arith.cmpi eq, %select_n3A_684, %eq3A_685 : i32
    %select_n3A_687 = arith.select %eq3A_686, %get3A_47, %get3A_49 : vector<16xi32>
    %eq3A_688 = arith.constant 1 : i32
    %eq3A_689 = arith.cmpi eq, %select_n3A_684, %eq3A_688 : i32
    %select_n3A_690 = arith.select %eq3A_689, %get3A_45, %select_n3A_687 : vector<16xi32>
    %eq3A_691 = arith.constant 0 : i32
    %eq3A_692 = arith.cmpi eq, %select_n3A_684, %eq3A_691 : i32
    %select_n3A_693 = arith.select %eq3A_692, %get3A_43, %select_n3A_690 : vector<16xi32>
    %jit3A_694 = arith.constant -1 : i32
    %broadcast_in_dim3A_695 = vector.broadcast %jit3A_694 : i32 to vector<16xi32>
    %select_n3A_696 = arith.select %eq3A_660, %select_n3A_693, %broadcast_in_dim3A_695 : vector<16xi1>, vector<16xi32>
    %reduce_max3A_697 = arith.constant true
    %reduce_max3A_698 = vector.broadcast %reduce_max3A_697 : i1 to vector<16xi1>
    %reduce_max3A_699 = arith.constant -2147483648 : i32
    %reduce_max3A_700 = vector.broadcast %reduce_max3A_699 : i32 to vector<16xi32>
    %reduce_max3A_701 = arith.xori %select_n3A_696, %reduce_max3A_700 : vector<16xi32>
    %reduce_max3A_702 = tpu.scan <max>, %reduce_max3A_701 masked %reduce_max3A_698 : vector<16xi32>, vector<16xi1> -> vector<16xi32>
    %reduce_max3A_703 = arith.xori %reduce_max3A_702, %reduce_max3A_700 : vector<16xi32>
    %reduce_max3A_704 = vector.extract %reduce_max3A_703[15] : i32 from vector<16xi32>
    %add3A_705 = arith.constant 2 : i32
    %add3A_706 = arith.addi %mul3A_34, %add3A_705 : i32
    %jit3A_707 = arith.constant 16 : i32
    %eq3A_708 = arith.constant 0 : i32
    %eq3A_709 = arith.cmpi eq, %jit3A_707, %eq3A_708 : i32
    %jit3A_710 = arith.constant 1 : i32
    %select_n3A_711 = arith.select %eq3A_709, %jit3A_710, %jit3A_707 : i32
    %rem3A_712 = arith.remsi %add3A_706, %select_n3A_711 : i32
    %ne3A_713 = arith.constant 0 : i32
    %ne3A_714 = arith.cmpi ne, %rem3A_712, %ne3A_713 : i32
    %lt3A_715 = arith.constant 0 : i32
    %lt3A_716 = arith.cmpi slt, %rem3A_712, %lt3A_715 : i32
    %lt3A_717 = arith.constant 0 : i32
    %lt3A_718 = arith.cmpi slt, %select_n3A_711, %lt3A_717 : i32
    %ne3A_719 = arith.xori %lt3A_716, %lt3A_718 : i1
    %and3A_720 = arith.andi %ne3A_719, %ne3A_714 : i1
    %add3A_721 = arith.addi %rem3A_712, %select_n3A_711 : i32
    %select_n3A_722 = arith.select %and3A_720, %add3A_721, %rem3A_712 : i32
    %broadcast_in_dim3A_723 = vector.broadcast %select_n3A_722 : i32 to vector<16xi32>
    %iota3A_724 = tpu.iota {dimensions = array<i32: 0>} : vector<16xi32>
    %eq3A_725 = arith.cmpi eq, %iota3A_724, %broadcast_in_dim3A_723 : vector<16xi32>
    %jit3A_726 = arith.constant 16 : i32
    %div3A_727 = arith.divsi %add3A_706, %jit3A_726 : i32
    %sign3A_728 = arith.constant 0 : i32
    %sign3A_729 = arith.cmpi sgt, %add3A_706, %sign3A_728 : i32
    %sign3A_730 = arith.extui %sign3A_729 : i1 to i32
    %sign3A_731 = arith.constant 0 : i32
    %sign3A_732 = arith.cmpi slt, %add3A_706, %sign3A_731 : i32
    %sign3A_733 = arith.extui %sign3A_732 : i1 to i32
    %sign3A_734 = arith.subi %sign3A_730, %sign3A_733 : i32
    %sign3A_735 = arith.constant 0 : i32
    %sign3A_736 = arith.cmpi sgt, %jit3A_726, %sign3A_735 : i32
    %sign3A_737 = arith.extui %sign3A_736 : i1 to i32
    %sign3A_738 = arith.constant 0 : i32
    %sign3A_739 = arith.cmpi slt, %jit3A_726, %sign3A_738 : i32
    %sign3A_740 = arith.extui %sign3A_739 : i1 to i32
    %sign3A_741 = arith.subi %sign3A_737, %sign3A_740 : i32
    %ne3A_742 = arith.cmpi ne, %sign3A_734, %sign3A_741 : i32
    %rem3A_743 = arith.remsi %add3A_706, %jit3A_726 : i32
    %ne3A_744 = arith.constant 0 : i32
    %ne3A_745 = arith.cmpi ne, %rem3A_743, %ne3A_744 : i32
    %and3A_746 = arith.andi %ne3A_742, %ne3A_745 : i1
    %sub3A_747 = arith.constant 1 : i32
    %sub3A_748 = arith.subi %div3A_727, %sub3A_747 : i32
    %select_n3A_749 = arith.select %and3A_746, %sub3A_748, %div3A_727 : i32
    %eq3A_750 = arith.constant 2 : i32
    %eq3A_751 = arith.cmpi eq, %select_n3A_749, %eq3A_750 : i32
    %select_n3A_752 = arith.select %eq3A_751, %get3A_47, %get3A_49 : vector<16xi32>
    %eq3A_753 = arith.constant 1 : i32
    %eq3A_754 = arith.cmpi eq, %select_n3A_749, %eq3A_753 : i32
    %select_n3A_755 = arith.select %eq3A_754, %get3A_45, %select_n3A_752 : vector<16xi32>
    %eq3A_756 = arith.constant 0 : i32
    %eq3A_757 = arith.cmpi eq, %select_n3A_749, %eq3A_756 : i32
    %select_n3A_758 = arith.select %eq3A_757, %get3A_43, %select_n3A_755 : vector<16xi32>
    %jit3A_759 = arith.constant -1 : i32
    %broadcast_in_dim3A_760 = vector.broadcast %jit3A_759 : i32 to vector<16xi32>
    %select_n3A_761 = arith.select %eq3A_725, %select_n3A_758, %broadcast_in_dim3A_760 : vector<16xi1>, vector<16xi32>
    %reduce_max3A_762 = arith.constant true
    %reduce_max3A_763 = vector.broadcast %reduce_max3A_762 : i1 to vector<16xi1>
    %reduce_max3A_764 = arith.constant -2147483648 : i32
    %reduce_max3A_765 = vector.broadcast %reduce_max3A_764 : i32 to vector<16xi32>
    %reduce_max3A_766 = arith.xori %select_n3A_761, %reduce_max3A_765 : vector<16xi32>
    %reduce_max3A_767 = tpu.scan <max>, %reduce_max3A_766 masked %reduce_max3A_763 : vector<16xi32>, vector<16xi1> -> vector<16xi32>
    %reduce_max3A_768 = arith.xori %reduce_max3A_767, %reduce_max3A_765 : vector<16xi32>
    %reduce_max3A_769 = vector.extract %reduce_max3A_768[15] : i32 from vector<16xi32>
    %add3A_770 = arith.constant 3 : i32
    %add3A_771 = arith.addi %mul3A_34, %add3A_770 : i32
    %jit3A_772 = arith.constant 16 : i32
    %eq3A_773 = arith.constant 0 : i32
    %eq3A_774 = arith.cmpi eq, %jit3A_772, %eq3A_773 : i32
    %jit3A_775 = arith.constant 1 : i32
    %select_n3A_776 = arith.select %eq3A_774, %jit3A_775, %jit3A_772 : i32
    %rem3A_777 = arith.remsi %add3A_771, %select_n3A_776 : i32
    %ne3A_778 = arith.constant 0 : i32
    %ne3A_779 = arith.cmpi ne, %rem3A_777, %ne3A_778 : i32
    %lt3A_780 = arith.constant 0 : i32
    %lt3A_781 = arith.cmpi slt, %rem3A_777, %lt3A_780 : i32
    %lt3A_782 = arith.constant 0 : i32
    %lt3A_783 = arith.cmpi slt, %select_n3A_776, %lt3A_782 : i32
    %ne3A_784 = arith.xori %lt3A_781, %lt3A_783 : i1
    %and3A_785 = arith.andi %ne3A_784, %ne3A_779 : i1
    %add3A_786 = arith.addi %rem3A_777, %select_n3A_776 : i32
    %select_n3A_787 = arith.select %and3A_785, %add3A_786, %rem3A_777 : i32
    %broadcast_in_dim3A_788 = vector.broadcast %select_n3A_787 : i32 to vector<16xi32>
    %iota3A_789 = tpu.iota {dimensions = array<i32: 0>} : vector<16xi32>
    %eq3A_790 = arith.cmpi eq, %iota3A_789, %broadcast_in_dim3A_788 : vector<16xi32>
    %jit3A_791 = arith.constant 16 : i32
    %div3A_792 = arith.divsi %add3A_771, %jit3A_791 : i32
    %sign3A_793 = arith.constant 0 : i32
    %sign3A_794 = arith.cmpi sgt, %add3A_771, %sign3A_793 : i32
    %sign3A_795 = arith.extui %sign3A_794 : i1 to i32
    %sign3A_796 = arith.constant 0 : i32
    %sign3A_797 = arith.cmpi slt, %add3A_771, %sign3A_796 : i32
    %sign3A_798 = arith.extui %sign3A_797 : i1 to i32
    %sign3A_799 = arith.subi %sign3A_795, %sign3A_798 : i32
    %sign3A_800 = arith.constant 0 : i32
    %sign3A_801 = arith.cmpi sgt, %jit3A_791, %sign3A_800 : i32
    %sign3A_802 = arith.extui %sign3A_801 : i1 to i32
    %sign3A_803 = arith.constant 0 : i32
    %sign3A_804 = arith.cmpi slt, %jit3A_791, %sign3A_803 : i32
    %sign3A_805 = arith.extui %sign3A_804 : i1 to i32
    %sign3A_806 = arith.subi %sign3A_802, %sign3A_805 : i32
    %ne3A_807 = arith.cmpi ne, %sign3A_799, %sign3A_806 : i32
    %rem3A_808 = arith.remsi %add3A_771, %jit3A_791 : i32
    %ne3A_809 = arith.constant 0 : i32
    %ne3A_810 = arith.cmpi ne, %rem3A_808, %ne3A_809 : i32
    %and3A_811 = arith.andi %ne3A_807, %ne3A_810 : i1
    %sub3A_812 = arith.constant 1 : i32
    %sub3A_813 = arith.subi %div3A_792, %sub3A_812 : i32
    %select_n3A_814 = arith.select %and3A_811, %sub3A_813, %div3A_792 : i32
    %eq3A_815 = arith.constant 2 : i32
    %eq3A_816 = arith.cmpi eq, %select_n3A_814, %eq3A_815 : i32
    %select_n3A_817 = arith.select %eq3A_816, %get3A_47, %get3A_49 : vector<16xi32>
    %eq3A_818 = arith.constant 1 : i32
    %eq3A_819 = arith.cmpi eq, %select_n3A_814, %eq3A_818 : i32
    %select_n3A_820 = arith.select %eq3A_819, %get3A_45, %select_n3A_817 : vector<16xi32>
    %eq3A_821 = arith.constant 0 : i32
    %eq3A_822 = arith.cmpi eq, %select_n3A_814, %eq3A_821 : i32
    %select_n3A_823 = arith.select %eq3A_822, %get3A_43, %select_n3A_820 : vector<16xi32>
    %jit3A_824 = arith.constant -1 : i32
    %broadcast_in_dim3A_825 = vector.broadcast %jit3A_824 : i32 to vector<16xi32>
    %select_n3A_826 = arith.select %eq3A_790, %select_n3A_823, %broadcast_in_dim3A_825 : vector<16xi1>, vector<16xi32>
    %reduce_max3A_827 = arith.constant true
    %reduce_max3A_828 = vector.broadcast %reduce_max3A_827 : i1 to vector<16xi1>
    %reduce_max3A_829 = arith.constant -2147483648 : i32
    %reduce_max3A_830 = vector.broadcast %reduce_max3A_829 : i32 to vector<16xi32>
    %reduce_max3A_831 = arith.xori %select_n3A_826, %reduce_max3A_830 : vector<16xi32>
    %reduce_max3A_832 = tpu.scan <max>, %reduce_max3A_831 masked %reduce_max3A_828 : vector<16xi32>, vector<16xi1> -> vector<16xi32>
    %reduce_max3A_833 = arith.xori %reduce_max3A_832, %reduce_max3A_830 : vector<16xi32>
    %reduce_max3A_834 = vector.extract %reduce_max3A_833[15] : i32 from vector<16xi32>
    %add3A_835 = arith.constant 4 : i32
    %add3A_836 = arith.addi %mul3A_34, %add3A_835 : i32
    %jit3A_837 = arith.constant 16 : i32
    %eq3A_838 = arith.constant 0 : i32
    %eq3A_839 = arith.cmpi eq, %jit3A_837, %eq3A_838 : i32
    %jit3A_840 = arith.constant 1 : i32
    %select_n3A_841 = arith.select %eq3A_839, %jit3A_840, %jit3A_837 : i32
    %rem3A_842 = arith.remsi %add3A_836, %select_n3A_841 : i32
    %ne3A_843 = arith.constant 0 : i32
    %ne3A_844 = arith.cmpi ne, %rem3A_842, %ne3A_843 : i32
    %lt3A_845 = arith.constant 0 : i32
    %lt3A_846 = arith.cmpi slt, %rem3A_842, %lt3A_845 : i32
    %lt3A_847 = arith.constant 0 : i32
    %lt3A_848 = arith.cmpi slt, %select_n3A_841, %lt3A_847 : i32
    %ne3A_849 = arith.xori %lt3A_846, %lt3A_848 : i1
    %and3A_850 = arith.andi %ne3A_849, %ne3A_844 : i1
    %add3A_851 = arith.addi %rem3A_842, %select_n3A_841 : i32
    %select_n3A_852 = arith.select %and3A_850, %add3A_851, %rem3A_842 : i32
    %broadcast_in_dim3A_853 = vector.broadcast %select_n3A_852 : i32 to vector<16xi32>
    %iota3A_854 = tpu.iota {dimensions = array<i32: 0>} : vector<16xi32>
    %eq3A_855 = arith.cmpi eq, %iota3A_854, %broadcast_in_dim3A_853 : vector<16xi32>
    %jit3A_856 = arith.constant 16 : i32
    %div3A_857 = arith.divsi %add3A_836, %jit3A_856 : i32
    %sign3A_858 = arith.constant 0 : i32
    %sign3A_859 = arith.cmpi sgt, %add3A_836, %sign3A_858 : i32
    %sign3A_860 = arith.extui %sign3A_859 : i1 to i32
    %sign3A_861 = arith.constant 0 : i32
    %sign3A_862 = arith.cmpi slt, %add3A_836, %sign3A_861 : i32
    %sign3A_863 = arith.extui %sign3A_862 : i1 to i32
    %sign3A_864 = arith.subi %sign3A_860, %sign3A_863 : i32
    %sign3A_865 = arith.constant 0 : i32
    %sign3A_866 = arith.cmpi sgt, %jit3A_856, %sign3A_865 : i32
    %sign3A_867 = arith.extui %sign3A_866 : i1 to i32
    %sign3A_868 = arith.constant 0 : i32
    %sign3A_869 = arith.cmpi slt, %jit3A_856, %sign3A_868 : i32
    %sign3A_870 = arith.extui %sign3A_869 : i1 to i32
    %sign3A_871 = arith.subi %sign3A_867, %sign3A_870 : i32
    %ne3A_872 = arith.cmpi ne, %sign3A_864, %sign3A_871 : i32
    %rem3A_873 = arith.remsi %add3A_836, %jit3A_856 : i32
    %ne3A_874 = arith.constant 0 : i32
    %ne3A_875 = arith.cmpi ne, %rem3A_873, %ne3A_874 : i32
    %and3A_876 = arith.andi %ne3A_872, %ne3A_875 : i1
    %sub3A_877 = arith.constant 1 : i32
    %sub3A_878 = arith.subi %div3A_857, %sub3A_877 : i32
    %select_n3A_879 = arith.select %and3A_876, %sub3A_878, %div3A_857 : i32
    %eq3A_880 = arith.constant 2 : i32
    %eq3A_881 = arith.cmpi eq, %select_n3A_879, %eq3A_880 : i32
    %select_n3A_882 = arith.select %eq3A_881, %get3A_47, %get3A_49 : vector<16xi32>
    %eq3A_883 = arith.constant 1 : i32
    %eq3A_884 = arith.cmpi eq, %select_n3A_879, %eq3A_883 : i32
    %select_n3A_885 = arith.select %eq3A_884, %get3A_45, %select_n3A_882 : vector<16xi32>
    %eq3A_886 = arith.constant 0 : i32
    %eq3A_887 = arith.cmpi eq, %select_n3A_879, %eq3A_886 : i32
    %select_n3A_888 = arith.select %eq3A_887, %get3A_43, %select_n3A_885 : vector<16xi32>
    %jit3A_889 = arith.constant -1 : i32
    %broadcast_in_dim3A_890 = vector.broadcast %jit3A_889 : i32 to vector<16xi32>
    %select_n3A_891 = arith.select %eq3A_855, %select_n3A_888, %broadcast_in_dim3A_890 : vector<16xi1>, vector<16xi32>
    %reduce_max3A_892 = arith.constant true
    %reduce_max3A_893 = vector.broadcast %reduce_max3A_892 : i1 to vector<16xi1>
    %reduce_max3A_894 = arith.constant -2147483648 : i32
    %reduce_max3A_895 = vector.broadcast %reduce_max3A_894 : i32 to vector<16xi32>
    %reduce_max3A_896 = arith.xori %select_n3A_891, %reduce_max3A_895 : vector<16xi32>
    %reduce_max3A_897 = tpu.scan <max>, %reduce_max3A_896 masked %reduce_max3A_893 : vector<16xi32>, vector<16xi1> -> vector<16xi32>
    %reduce_max3A_898 = arith.xori %reduce_max3A_897, %reduce_max3A_895 : vector<16xi32>
    %reduce_max3A_899 = vector.extract %reduce_max3A_898[15] : i32 from vector<16xi32>
    %add3A_900 = arith.constant 5 : i32
    %add3A_901 = arith.addi %mul3A_34, %add3A_900 : i32
    %jit3A_902 = arith.constant 16 : i32
    %eq3A_903 = arith.constant 0 : i32
    %eq3A_904 = arith.cmpi eq, %jit3A_902, %eq3A_903 : i32
    %jit3A_905 = arith.constant 1 : i32
    %select_n3A_906 = arith.select %eq3A_904, %jit3A_905, %jit3A_902 : i32
    %rem3A_907 = arith.remsi %add3A_901, %select_n3A_906 : i32
    %ne3A_908 = arith.constant 0 : i32
    %ne3A_909 = arith.cmpi ne, %rem3A_907, %ne3A_908 : i32
    %lt3A_910 = arith.constant 0 : i32
    %lt3A_911 = arith.cmpi slt, %rem3A_907, %lt3A_910 : i32
    %lt3A_912 = arith.constant 0 : i32
    %lt3A_913 = arith.cmpi slt, %select_n3A_906, %lt3A_912 : i32
    %ne3A_914 = arith.xori %lt3A_911, %lt3A_913 : i1
    %and3A_915 = arith.andi %ne3A_914, %ne3A_909 : i1
    %add3A_916 = arith.addi %rem3A_907, %select_n3A_906 : i32
    %select_n3A_917 = arith.select %and3A_915, %add3A_916, %rem3A_907 : i32
    %broadcast_in_dim3A_918 = vector.broadcast %select_n3A_917 : i32 to vector<16xi32>
    %iota3A_919 = tpu.iota {dimensions = array<i32: 0>} : vector<16xi32>
    %eq3A_920 = arith.cmpi eq, %iota3A_919, %broadcast_in_dim3A_918 : vector<16xi32>
    %jit3A_921 = arith.constant 16 : i32
    %div3A_922 = arith.divsi %add3A_901, %jit3A_921 : i32
    %sign3A_923 = arith.constant 0 : i32
    %sign3A_924 = arith.cmpi sgt, %add3A_901, %sign3A_923 : i32
    %sign3A_925 = arith.extui %sign3A_924 : i1 to i32
    %sign3A_926 = arith.constant 0 : i32
    %sign3A_927 = arith.cmpi slt, %add3A_901, %sign3A_926 : i32
    %sign3A_928 = arith.extui %sign3A_927 : i1 to i32
    %sign3A_929 = arith.subi %sign3A_925, %sign3A_928 : i32
    %sign3A_930 = arith.constant 0 : i32
    %sign3A_931 = arith.cmpi sgt, %jit3A_921, %sign3A_930 : i32
    %sign3A_932 = arith.extui %sign3A_931 : i1 to i32
    %sign3A_933 = arith.constant 0 : i32
    %sign3A_934 = arith.cmpi slt, %jit3A_921, %sign3A_933 : i32
    %sign3A_935 = arith.extui %sign3A_934 : i1 to i32
    %sign3A_936 = arith.subi %sign3A_932, %sign3A_935 : i32
    %ne3A_937 = arith.cmpi ne, %sign3A_929, %sign3A_936 : i32
    %rem3A_938 = arith.remsi %add3A_901, %jit3A_921 : i32
    %ne3A_939 = arith.constant 0 : i32
    %ne3A_940 = arith.cmpi ne, %rem3A_938, %ne3A_939 : i32
    %and3A_941 = arith.andi %ne3A_937, %ne3A_940 : i1
    %sub3A_942 = arith.constant 1 : i32
    %sub3A_943 = arith.subi %div3A_922, %sub3A_942 : i32
    %select_n3A_944 = arith.select %and3A_941, %sub3A_943, %div3A_922 : i32
    %eq3A_945 = arith.constant 2 : i32
    %eq3A_946 = arith.cmpi eq, %select_n3A_944, %eq3A_945 : i32
    %select_n3A_947 = arith.select %eq3A_946, %get3A_47, %get3A_49 : vector<16xi32>
    %eq3A_948 = arith.constant 1 : i32
    %eq3A_949 = arith.cmpi eq, %select_n3A_944, %eq3A_948 : i32
    %select_n3A_950 = arith.select %eq3A_949, %get3A_45, %select_n3A_947 : vector<16xi32>
    %eq3A_951 = arith.constant 0 : i32
    %eq3A_952 = arith.cmpi eq, %select_n3A_944, %eq3A_951 : i32
    %select_n3A_953 = arith.select %eq3A_952, %get3A_43, %select_n3A_950 : vector<16xi32>
    %jit3A_954 = arith.constant -1 : i32
    %broadcast_in_dim3A_955 = vector.broadcast %jit3A_954 : i32 to vector<16xi32>
    %select_n3A_956 = arith.select %eq3A_920, %select_n3A_953, %broadcast_in_dim3A_955 : vector<16xi1>, vector<16xi32>
    %reduce_max3A_957 = arith.constant true
    %reduce_max3A_958 = vector.broadcast %reduce_max3A_957 : i1 to vector<16xi1>
    %reduce_max3A_959 = arith.constant -2147483648 : i32
    %reduce_max3A_960 = vector.broadcast %reduce_max3A_959 : i32 to vector<16xi32>
    %reduce_max3A_961 = arith.xori %select_n3A_956, %reduce_max3A_960 : vector<16xi32>
    %reduce_max3A_962 = tpu.scan <max>, %reduce_max3A_961 masked %reduce_max3A_958 : vector<16xi32>, vector<16xi1> -> vector<16xi32>
    %reduce_max3A_963 = arith.xori %reduce_max3A_962, %reduce_max3A_960 : vector<16xi32>
    %reduce_max3A_964 = vector.extract %reduce_max3A_963[15] : i32 from vector<16xi32>
    %add3A_965 = arith.constant 6 : i32
    %add3A_966 = arith.addi %mul3A_34, %add3A_965 : i32
    %jit3A_967 = arith.constant 16 : i32
    %eq3A_968 = arith.constant 0 : i32
    %eq3A_969 = arith.cmpi eq, %jit3A_967, %eq3A_968 : i32
    %jit3A_970 = arith.constant 1 : i32
    %select_n3A_971 = arith.select %eq3A_969, %jit3A_970, %jit3A_967 : i32
    %rem3A_972 = arith.remsi %add3A_966, %select_n3A_971 : i32
    %ne3A_973 = arith.constant 0 : i32
    %ne3A_974 = arith.cmpi ne, %rem3A_972, %ne3A_973 : i32
    %lt3A_975 = arith.constant 0 : i32
    %lt3A_976 = arith.cmpi slt, %rem3A_972, %lt3A_975 : i32
    %lt3A_977 = arith.constant 0 : i32
    %lt3A_978 = arith.cmpi slt, %select_n3A_971, %lt3A_977 : i32
    %ne3A_979 = arith.xori %lt3A_976, %lt3A_978 : i1
    %and3A_980 = arith.andi %ne3A_979, %ne3A_974 : i1
    %add3A_981 = arith.addi %rem3A_972, %select_n3A_971 : i32
    %select_n3A_982 = arith.select %and3A_980, %add3A_981, %rem3A_972 : i32
    %broadcast_in_dim3A_983 = vector.broadcast %select_n3A_982 : i32 to vector<16xi32>
    %iota3A_984 = tpu.iota {dimensions = array<i32: 0>} : vector<16xi32>
    %eq3A_985 = arith.cmpi eq, %iota3A_984, %broadcast_in_dim3A_983 : vector<16xi32>
    %jit3A_986 = arith.constant 16 : i32
    %div3A_987 = arith.divsi %add3A_966, %jit3A_986 : i32
    %sign3A_988 = arith.constant 0 : i32
    %sign3A_989 = arith.cmpi sgt, %add3A_966, %sign3A_988 : i32
    %sign3A_990 = arith.extui %sign3A_989 : i1 to i32
    %sign3A_991 = arith.constant 0 : i32
    %sign3A_992 = arith.cmpi slt, %add3A_966, %sign3A_991 : i32
    %sign3A_993 = arith.extui %sign3A_992 : i1 to i32
    %sign3A_994 = arith.subi %sign3A_990, %sign3A_993 : i32
    %sign3A_995 = arith.constant 0 : i32
    %sign3A_996 = arith.cmpi sgt, %jit3A_986, %sign3A_995 : i32
    %sign3A_997 = arith.extui %sign3A_996 : i1 to i32
    %sign3A_998 = arith.constant 0 : i32
    %sign3A_999 = arith.cmpi slt, %jit3A_986, %sign3A_998 : i32
    %sign3A_1000 = arith.extui %sign3A_999 : i1 to i32
    %sign3A_1001 = arith.subi %sign3A_997, %sign3A_1000 : i32
    %ne3A_1002 = arith.cmpi ne, %sign3A_994, %sign3A_1001 : i32
    %rem3A_1003 = arith.remsi %add3A_966, %jit3A_986 : i32
    %ne3A_1004 = arith.constant 0 : i32
    %ne3A_1005 = arith.cmpi ne, %rem3A_1003, %ne3A_1004 : i32
    %and3A_1006 = arith.andi %ne3A_1002, %ne3A_1005 : i1
    %sub3A_1007 = arith.constant 1 : i32
    %sub3A_1008 = arith.subi %div3A_987, %sub3A_1007 : i32
    %select_n3A_1009 = arith.select %and3A_1006, %sub3A_1008, %div3A_987 : i32
    %eq3A_1010 = arith.constant 2 : i32
    %eq3A_1011 = arith.cmpi eq, %select_n3A_1009, %eq3A_1010 : i32
    %select_n3A_1012 = arith.select %eq3A_1011, %get3A_47, %get3A_49 : vector<16xi32>
    %eq3A_1013 = arith.constant 1 : i32
    %eq3A_1014 = arith.cmpi eq, %select_n3A_1009, %eq3A_1013 : i32
    %select_n3A_1015 = arith.select %eq3A_1014, %get3A_45, %select_n3A_1012 : vector<16xi32>
    %eq3A_1016 = arith.constant 0 : i32
    %eq3A_1017 = arith.cmpi eq, %select_n3A_1009, %eq3A_1016 : i32
    %select_n3A_1018 = arith.select %eq3A_1017, %get3A_43, %select_n3A_1015 : vector<16xi32>
    %jit3A_1019 = arith.constant -1 : i32
    %broadcast_in_dim3A_1020 = vector.broadcast %jit3A_1019 : i32 to vector<16xi32>
    %select_n3A_1021 = arith.select %eq3A_985, %select_n3A_1018, %broadcast_in_dim3A_1020 : vector<16xi1>, vector<16xi32>
    %reduce_max3A_1022 = arith.constant true
    %reduce_max3A_1023 = vector.broadcast %reduce_max3A_1022 : i1 to vector<16xi1>
    %reduce_max3A_1024 = arith.constant -2147483648 : i32
    %reduce_max3A_1025 = vector.broadcast %reduce_max3A_1024 : i32 to vector<16xi32>
    %reduce_max3A_1026 = arith.xori %select_n3A_1021, %reduce_max3A_1025 : vector<16xi32>
    %reduce_max3A_1027 = tpu.scan <max>, %reduce_max3A_1026 masked %reduce_max3A_1023 : vector<16xi32>, vector<16xi1> -> vector<16xi32>
    %reduce_max3A_1028 = arith.xori %reduce_max3A_1027, %reduce_max3A_1025 : vector<16xi32>
    %reduce_max3A_1029 = vector.extract %reduce_max3A_1028[15] : i32 from vector<16xi32>
    %add3A_1030 = arith.constant 7 : i32
    %add3A_1031 = arith.addi %mul3A_34, %add3A_1030 : i32
    %jit3A_1032 = arith.constant 16 : i32
    %eq3A_1033 = arith.constant 0 : i32
    %eq3A_1034 = arith.cmpi eq, %jit3A_1032, %eq3A_1033 : i32
    %jit3A_1035 = arith.constant 1 : i32
    %select_n3A_1036 = arith.select %eq3A_1034, %jit3A_1035, %jit3A_1032 : i32
    %rem3A_1037 = arith.remsi %add3A_1031, %select_n3A_1036 : i32
    %ne3A_1038 = arith.constant 0 : i32
    %ne3A_1039 = arith.cmpi ne, %rem3A_1037, %ne3A_1038 : i32
    %lt3A_1040 = arith.constant 0 : i32
    %lt3A_1041 = arith.cmpi slt, %rem3A_1037, %lt3A_1040 : i32
    %lt3A_1042 = arith.constant 0 : i32
    %lt3A_1043 = arith.cmpi slt, %select_n3A_1036, %lt3A_1042 : i32
    %ne3A_1044 = arith.xori %lt3A_1041, %lt3A_1043 : i1
    %and3A_1045 = arith.andi %ne3A_1044, %ne3A_1039 : i1
    %add3A_1046 = arith.addi %rem3A_1037, %select_n3A_1036 : i32
    %select_n3A_1047 = arith.select %and3A_1045, %add3A_1046, %rem3A_1037 : i32
    %broadcast_in_dim3A_1048 = vector.broadcast %select_n3A_1047 : i32 to vector<16xi32>
    %iota3A_1049 = tpu.iota {dimensions = array<i32: 0>} : vector<16xi32>
    %eq3A_1050 = arith.cmpi eq, %iota3A_1049, %broadcast_in_dim3A_1048 : vector<16xi32>
    %jit3A_1051 = arith.constant 16 : i32
    %div3A_1052 = arith.divsi %add3A_1031, %jit3A_1051 : i32
    %sign3A_1053 = arith.constant 0 : i32
    %sign3A_1054 = arith.cmpi sgt, %add3A_1031, %sign3A_1053 : i32
    %sign3A_1055 = arith.extui %sign3A_1054 : i1 to i32
    %sign3A_1056 = arith.constant 0 : i32
    %sign3A_1057 = arith.cmpi slt, %add3A_1031, %sign3A_1056 : i32
    %sign3A_1058 = arith.extui %sign3A_1057 : i1 to i32
    %sign3A_1059 = arith.subi %sign3A_1055, %sign3A_1058 : i32
    %sign3A_1060 = arith.constant 0 : i32
    %sign3A_1061 = arith.cmpi sgt, %jit3A_1051, %sign3A_1060 : i32
    %sign3A_1062 = arith.extui %sign3A_1061 : i1 to i32
    %sign3A_1063 = arith.constant 0 : i32
    %sign3A_1064 = arith.cmpi slt, %jit3A_1051, %sign3A_1063 : i32
    %sign3A_1065 = arith.extui %sign3A_1064 : i1 to i32
    %sign3A_1066 = arith.subi %sign3A_1062, %sign3A_1065 : i32
    %ne3A_1067 = arith.cmpi ne, %sign3A_1059, %sign3A_1066 : i32
    %rem3A_1068 = arith.remsi %add3A_1031, %jit3A_1051 : i32
    %ne3A_1069 = arith.constant 0 : i32
    %ne3A_1070 = arith.cmpi ne, %rem3A_1068, %ne3A_1069 : i32
    %and3A_1071 = arith.andi %ne3A_1067, %ne3A_1070 : i1
    %sub3A_1072 = arith.constant 1 : i32
    %sub3A_1073 = arith.subi %div3A_1052, %sub3A_1072 : i32
    %select_n3A_1074 = arith.select %and3A_1071, %sub3A_1073, %div3A_1052 : i32
    %eq3A_1075 = arith.constant 2 : i32
    %eq3A_1076 = arith.cmpi eq, %select_n3A_1074, %eq3A_1075 : i32
    %select_n3A_1077 = arith.select %eq3A_1076, %get3A_47, %get3A_49 : vector<16xi32>
    %eq3A_1078 = arith.constant 1 : i32
    %eq3A_1079 = arith.cmpi eq, %select_n3A_1074, %eq3A_1078 : i32
    %select_n3A_1080 = arith.select %eq3A_1079, %get3A_45, %select_n3A_1077 : vector<16xi32>
    %eq3A_1081 = arith.constant 0 : i32
    %eq3A_1082 = arith.cmpi eq, %select_n3A_1074, %eq3A_1081 : i32
    %select_n3A_1083 = arith.select %eq3A_1082, %get3A_43, %select_n3A_1080 : vector<16xi32>
    %jit3A_1084 = arith.constant -1 : i32
    %broadcast_in_dim3A_1085 = vector.broadcast %jit3A_1084 : i32 to vector<16xi32>
    %select_n3A_1086 = arith.select %eq3A_1050, %select_n3A_1083, %broadcast_in_dim3A_1085 : vector<16xi1>, vector<16xi32>
    %reduce_max3A_1087 = arith.constant true
    %reduce_max3A_1088 = vector.broadcast %reduce_max3A_1087 : i1 to vector<16xi1>
    %reduce_max3A_1089 = arith.constant -2147483648 : i32
    %reduce_max3A_1090 = vector.broadcast %reduce_max3A_1089 : i32 to vector<16xi32>
    %reduce_max3A_1091 = arith.xori %select_n3A_1086, %reduce_max3A_1090 : vector<16xi32>
    %reduce_max3A_1092 = tpu.scan <max>, %reduce_max3A_1091 masked %reduce_max3A_1088 : vector<16xi32>, vector<16xi1> -> vector<16xi32>
    %reduce_max3A_1093 = arith.xori %reduce_max3A_1092, %reduce_max3A_1090 : vector<16xi32>
    %reduce_max3A_1094 = vector.extract %reduce_max3A_1093[15] : i32 from vector<16xi32>
    %add3A_1095 = arith.constant 0 : i32
    %add3A_1096 = arith.addi %mul3A_34, %add3A_1095 : i32
    %jit3A_1097 = arith.constant 16 : i32
    %eq3A_1098 = arith.constant 0 : i32
    %eq3A_1099 = arith.cmpi eq, %jit3A_1097, %eq3A_1098 : i32
    %jit3A_1100 = arith.constant 1 : i32
    %select_n3A_1101 = arith.select %eq3A_1099, %jit3A_1100, %jit3A_1097 : i32
    %rem3A_1102 = arith.remsi %add3A_1096, %select_n3A_1101 : i32
    %ne3A_1103 = arith.constant 0 : i32
    %ne3A_1104 = arith.cmpi ne, %rem3A_1102, %ne3A_1103 : i32
    %lt3A_1105 = arith.constant 0 : i32
    %lt3A_1106 = arith.cmpi slt, %rem3A_1102, %lt3A_1105 : i32
    %lt3A_1107 = arith.constant 0 : i32
    %lt3A_1108 = arith.cmpi slt, %select_n3A_1101, %lt3A_1107 : i32
    %ne3A_1109 = arith.xori %lt3A_1106, %lt3A_1108 : i1
    %and3A_1110 = arith.andi %ne3A_1109, %ne3A_1104 : i1
    %add3A_1111 = arith.addi %rem3A_1102, %select_n3A_1101 : i32
    %select_n3A_1112 = arith.select %and3A_1110, %add3A_1111, %rem3A_1102 : i32
    %broadcast_in_dim3A_1113 = vector.broadcast %select_n3A_1112 : i32 to vector<16xi32>
    %iota3A_1114 = tpu.iota {dimensions = array<i32: 0>} : vector<16xi32>
    %eq3A_1115 = arith.cmpi eq, %iota3A_1114, %broadcast_in_dim3A_1113 : vector<16xi32>
    %jit3A_1116 = arith.constant 16 : i32
    %div3A_1117 = arith.divsi %add3A_1096, %jit3A_1116 : i32
    %sign3A_1118 = arith.constant 0 : i32
    %sign3A_1119 = arith.cmpi sgt, %add3A_1096, %sign3A_1118 : i32
    %sign3A_1120 = arith.extui %sign3A_1119 : i1 to i32
    %sign3A_1121 = arith.constant 0 : i32
    %sign3A_1122 = arith.cmpi slt, %add3A_1096, %sign3A_1121 : i32
    %sign3A_1123 = arith.extui %sign3A_1122 : i1 to i32
    %sign3A_1124 = arith.subi %sign3A_1120, %sign3A_1123 : i32
    %sign3A_1125 = arith.constant 0 : i32
    %sign3A_1126 = arith.cmpi sgt, %jit3A_1116, %sign3A_1125 : i32
    %sign3A_1127 = arith.extui %sign3A_1126 : i1 to i32
    %sign3A_1128 = arith.constant 0 : i32
    %sign3A_1129 = arith.cmpi slt, %jit3A_1116, %sign3A_1128 : i32
    %sign3A_1130 = arith.extui %sign3A_1129 : i1 to i32
    %sign3A_1131 = arith.subi %sign3A_1127, %sign3A_1130 : i32
    %ne3A_1132 = arith.cmpi ne, %sign3A_1124, %sign3A_1131 : i32
    %rem3A_1133 = arith.remsi %add3A_1096, %jit3A_1116 : i32
    %ne3A_1134 = arith.constant 0 : i32
    %ne3A_1135 = arith.cmpi ne, %rem3A_1133, %ne3A_1134 : i32
    %and3A_1136 = arith.andi %ne3A_1132, %ne3A_1135 : i1
    %sub3A_1137 = arith.constant 1 : i32
    %sub3A_1138 = arith.subi %div3A_1117, %sub3A_1137 : i32
    %select_n3A_1139 = arith.select %and3A_1136, %sub3A_1138, %div3A_1117 : i32
    %eq3A_1140 = arith.constant 2 : i32
    %eq3A_1141 = arith.cmpi eq, %select_n3A_1139, %eq3A_1140 : i32
    %select_n3A_1142 = arith.select %eq3A_1141, %get3A_55, %get3A_57 : vector<16xi32>
    %eq3A_1143 = arith.constant 1 : i32
    %eq3A_1144 = arith.cmpi eq, %select_n3A_1139, %eq3A_1143 : i32
    %select_n3A_1145 = arith.select %eq3A_1144, %get3A_53, %select_n3A_1142 : vector<16xi32>
    %eq3A_1146 = arith.constant 0 : i32
    %eq3A_1147 = arith.cmpi eq, %select_n3A_1139, %eq3A_1146 : i32
    %select_n3A_1148 = arith.select %eq3A_1147, %get3A_51, %select_n3A_1145 : vector<16xi32>
    %jit3A_1149 = arith.constant -1 : i32
    %broadcast_in_dim3A_1150 = vector.broadcast %jit3A_1149 : i32 to vector<16xi32>
    %select_n3A_1151 = arith.select %eq3A_1115, %select_n3A_1148, %broadcast_in_dim3A_1150 : vector<16xi1>, vector<16xi32>
    %reduce_max3A_1152 = arith.constant true
    %reduce_max3A_1153 = vector.broadcast %reduce_max3A_1152 : i1 to vector<16xi1>
    %reduce_max3A_1154 = arith.constant -2147483648 : i32
    %reduce_max3A_1155 = vector.broadcast %reduce_max3A_1154 : i32 to vector<16xi32>
    %reduce_max3A_1156 = arith.xori %select_n3A_1151, %reduce_max3A_1155 : vector<16xi32>
    %reduce_max3A_1157 = tpu.scan <max>, %reduce_max3A_1156 masked %reduce_max3A_1153 : vector<16xi32>, vector<16xi1> -> vector<16xi32>
    %reduce_max3A_1158 = arith.xori %reduce_max3A_1157, %reduce_max3A_1155 : vector<16xi32>
    %reduce_max3A_1159 = vector.extract %reduce_max3A_1158[15] : i32 from vector<16xi32>
    %add3A_1160 = arith.constant 1 : i32
    %add3A_1161 = arith.addi %mul3A_34, %add3A_1160 : i32
    %jit3A_1162 = arith.constant 16 : i32
    %eq3A_1163 = arith.constant 0 : i32
    %eq3A_1164 = arith.cmpi eq, %jit3A_1162, %eq3A_1163 : i32
    %jit3A_1165 = arith.constant 1 : i32
    %select_n3A_1166 = arith.select %eq3A_1164, %jit3A_1165, %jit3A_1162 : i32
    %rem3A_1167 = arith.remsi %add3A_1161, %select_n3A_1166 : i32
    %ne3A_1168 = arith.constant 0 : i32
    %ne3A_1169 = arith.cmpi ne, %rem3A_1167, %ne3A_1168 : i32
    %lt3A_1170 = arith.constant 0 : i32
    %lt3A_1171 = arith.cmpi slt, %rem3A_1167, %lt3A_1170 : i32
    %lt3A_1172 = arith.constant 0 : i32
    %lt3A_1173 = arith.cmpi slt, %select_n3A_1166, %lt3A_1172 : i32
    %ne3A_1174 = arith.xori %lt3A_1171, %lt3A_1173 : i1
    %and3A_1175 = arith.andi %ne3A_1174, %ne3A_1169 : i1
    %add3A_1176 = arith.addi %rem3A_1167, %select_n3A_1166 : i32
    %select_n3A_1177 = arith.select %and3A_1175, %add3A_1176, %rem3A_1167 : i32
    %broadcast_in_dim3A_1178 = vector.broadcast %select_n3A_1177 : i32 to vector<16xi32>
    %iota3A_1179 = tpu.iota {dimensions = array<i32: 0>} : vector<16xi32>
    %eq3A_1180 = arith.cmpi eq, %iota3A_1179, %broadcast_in_dim3A_1178 : vector<16xi32>
    %jit3A_1181 = arith.constant 16 : i32
    %div3A_1182 = arith.divsi %add3A_1161, %jit3A_1181 : i32
    %sign3A_1183 = arith.constant 0 : i32
    %sign3A_1184 = arith.cmpi sgt, %add3A_1161, %sign3A_1183 : i32
    %sign3A_1185 = arith.extui %sign3A_1184 : i1 to i32
    %sign3A_1186 = arith.constant 0 : i32
    %sign3A_1187 = arith.cmpi slt, %add3A_1161, %sign3A_1186 : i32
    %sign3A_1188 = arith.extui %sign3A_1187 : i1 to i32
    %sign3A_1189 = arith.subi %sign3A_1185, %sign3A_1188 : i32
    %sign3A_1190 = arith.constant 0 : i32
    %sign3A_1191 = arith.cmpi sgt, %jit3A_1181, %sign3A_1190 : i32
    %sign3A_1192 = arith.extui %sign3A_1191 : i1 to i32
    %sign3A_1193 = arith.constant 0 : i32
    %sign3A_1194 = arith.cmpi slt, %jit3A_1181, %sign3A_1193 : i32
    %sign3A_1195 = arith.extui %sign3A_1194 : i1 to i32
    %sign3A_1196 = arith.subi %sign3A_1192, %sign3A_1195 : i32
    %ne3A_1197 = arith.cmpi ne, %sign3A_1189, %sign3A_1196 : i32
    %rem3A_1198 = arith.remsi %add3A_1161, %jit3A_1181 : i32
    %ne3A_1199 = arith.constant 0 : i32
    %ne3A_1200 = arith.cmpi ne, %rem3A_1198, %ne3A_1199 : i32
    %and3A_1201 = arith.andi %ne3A_1197, %ne3A_1200 : i1
    %sub3A_1202 = arith.constant 1 : i32
    %sub3A_1203 = arith.subi %div3A_1182, %sub3A_1202 : i32
    %select_n3A_1204 = arith.select %and3A_1201, %sub3A_1203, %div3A_1182 : i32
    %eq3A_1205 = arith.constant 2 : i32
    %eq3A_1206 = arith.cmpi eq, %select_n3A_1204, %eq3A_1205 : i32
    %select_n3A_1207 = arith.select %eq3A_1206, %get3A_55, %get3A_57 : vector<16xi32>
    %eq3A_1208 = arith.constant 1 : i32
    %eq3A_1209 = arith.cmpi eq, %select_n3A_1204, %eq3A_1208 : i32
    %select_n3A_1210 = arith.select %eq3A_1209, %get3A_53, %select_n3A_1207 : vector<16xi32>
    %eq3A_1211 = arith.constant 0 : i32
    %eq3A_1212 = arith.cmpi eq, %select_n3A_1204, %eq3A_1211 : i32
    %select_n3A_1213 = arith.select %eq3A_1212, %get3A_51, %select_n3A_1210 : vector<16xi32>
    %jit3A_1214 = arith.constant -1 : i32
    %broadcast_in_dim3A_1215 = vector.broadcast %jit3A_1214 : i32 to vector<16xi32>
    %select_n3A_1216 = arith.select %eq3A_1180, %select_n3A_1213, %broadcast_in_dim3A_1215 : vector<16xi1>, vector<16xi32>
    %reduce_max3A_1217 = arith.constant true
    %reduce_max3A_1218 = vector.broadcast %reduce_max3A_1217 : i1 to vector<16xi1>
    %reduce_max3A_1219 = arith.constant -2147483648 : i32
    %reduce_max3A_1220 = vector.broadcast %reduce_max3A_1219 : i32 to vector<16xi32>
    %reduce_max3A_1221 = arith.xori %select_n3A_1216, %reduce_max3A_1220 : vector<16xi32>
    %reduce_max3A_1222 = tpu.scan <max>, %reduce_max3A_1221 masked %reduce_max3A_1218 : vector<16xi32>, vector<16xi1> -> vector<16xi32>
    %reduce_max3A_1223 = arith.xori %reduce_max3A_1222, %reduce_max3A_1220 : vector<16xi32>
    %reduce_max3A_1224 = vector.extract %reduce_max3A_1223[15] : i32 from vector<16xi32>
    %add3A_1225 = arith.constant 2 : i32
    %add3A_1226 = arith.addi %mul3A_34, %add3A_1225 : i32
    %jit3A_1227 = arith.constant 16 : i32
    %eq3A_1228 = arith.constant 0 : i32
    %eq3A_1229 = arith.cmpi eq, %jit3A_1227, %eq3A_1228 : i32
    %jit3A_1230 = arith.constant 1 : i32
    %select_n3A_1231 = arith.select %eq3A_1229, %jit3A_1230, %jit3A_1227 : i32
    %rem3A_1232 = arith.remsi %add3A_1226, %select_n3A_1231 : i32
    %ne3A_1233 = arith.constant 0 : i32
    %ne3A_1234 = arith.cmpi ne, %rem3A_1232, %ne3A_1233 : i32
    %lt3A_1235 = arith.constant 0 : i32
    %lt3A_1236 = arith.cmpi slt, %rem3A_1232, %lt3A_1235 : i32
    %lt3A_1237 = arith.constant 0 : i32
    %lt3A_1238 = arith.cmpi slt, %select_n3A_1231, %lt3A_1237 : i32
    %ne3A_1239 = arith.xori %lt3A_1236, %lt3A_1238 : i1
    %and3A_1240 = arith.andi %ne3A_1239, %ne3A_1234 : i1
    %add3A_1241 = arith.addi %rem3A_1232, %select_n3A_1231 : i32
    %select_n3A_1242 = arith.select %and3A_1240, %add3A_1241, %rem3A_1232 : i32
    %broadcast_in_dim3A_1243 = vector.broadcast %select_n3A_1242 : i32 to vector<16xi32>
    %iota3A_1244 = tpu.iota {dimensions = array<i32: 0>} : vector<16xi32>
    %eq3A_1245 = arith.cmpi eq, %iota3A_1244, %broadcast_in_dim3A_1243 : vector<16xi32>
    %jit3A_1246 = arith.constant 16 : i32
    %div3A_1247 = arith.divsi %add3A_1226, %jit3A_1246 : i32
    %sign3A_1248 = arith.constant 0 : i32
    %sign3A_1249 = arith.cmpi sgt, %add3A_1226, %sign3A_1248 : i32
    %sign3A_1250 = arith.extui %sign3A_1249 : i1 to i32
    %sign3A_1251 = arith.constant 0 : i32
    %sign3A_1252 = arith.cmpi slt, %add3A_1226, %sign3A_1251 : i32
    %sign3A_1253 = arith.extui %sign3A_1252 : i1 to i32
    %sign3A_1254 = arith.subi %sign3A_1250, %sign3A_1253 : i32
    %sign3A_1255 = arith.constant 0 : i32
    %sign3A_1256 = arith.cmpi sgt, %jit3A_1246, %sign3A_1255 : i32
    %sign3A_1257 = arith.extui %sign3A_1256 : i1 to i32
    %sign3A_1258 = arith.constant 0 : i32
    %sign3A_1259 = arith.cmpi slt, %jit3A_1246, %sign3A_1258 : i32
    %sign3A_1260 = arith.extui %sign3A_1259 : i1 to i32
    %sign3A_1261 = arith.subi %sign3A_1257, %sign3A_1260 : i32
    %ne3A_1262 = arith.cmpi ne, %sign3A_1254, %sign3A_1261 : i32
    %rem3A_1263 = arith.remsi %add3A_1226, %jit3A_1246 : i32
    %ne3A_1264 = arith.constant 0 : i32
    %ne3A_1265 = arith.cmpi ne, %rem3A_1263, %ne3A_1264 : i32
    %and3A_1266 = arith.andi %ne3A_1262, %ne3A_1265 : i1
    %sub3A_1267 = arith.constant 1 : i32
    %sub3A_1268 = arith.subi %div3A_1247, %sub3A_1267 : i32
    %select_n3A_1269 = arith.select %and3A_1266, %sub3A_1268, %div3A_1247 : i32
    %eq3A_1270 = arith.constant 2 : i32
    %eq3A_1271 = arith.cmpi eq, %select_n3A_1269, %eq3A_1270 : i32
    %select_n3A_1272 = arith.select %eq3A_1271, %get3A_55, %get3A_57 : vector<16xi32>
    %eq3A_1273 = arith.constant 1 : i32
    %eq3A_1274 = arith.cmpi eq, %select_n3A_1269, %eq3A_1273 : i32
    %select_n3A_1275 = arith.select %eq3A_1274, %get3A_53, %select_n3A_1272 : vector<16xi32>
    %eq3A_1276 = arith.constant 0 : i32
    %eq3A_1277 = arith.cmpi eq, %select_n3A_1269, %eq3A_1276 : i32
    %select_n3A_1278 = arith.select %eq3A_1277, %get3A_51, %select_n3A_1275 : vector<16xi32>
    %jit3A_1279 = arith.constant -1 : i32
    %broadcast_in_dim3A_1280 = vector.broadcast %jit3A_1279 : i32 to vector<16xi32>
    %select_n3A_1281 = arith.select %eq3A_1245, %select_n3A_1278, %broadcast_in_dim3A_1280 : vector<16xi1>, vector<16xi32>
    %reduce_max3A_1282 = arith.constant true
    %reduce_max3A_1283 = vector.broadcast %reduce_max3A_1282 : i1 to vector<16xi1>
    %reduce_max3A_1284 = arith.constant -2147483648 : i32
    %reduce_max3A_1285 = vector.broadcast %reduce_max3A_1284 : i32 to vector<16xi32>
    %reduce_max3A_1286 = arith.xori %select_n3A_1281, %reduce_max3A_1285 : vector<16xi32>
    %reduce_max3A_1287 = tpu.scan <max>, %reduce_max3A_1286 masked %reduce_max3A_1283 : vector<16xi32>, vector<16xi1> -> vector<16xi32>
    %reduce_max3A_1288 = arith.xori %reduce_max3A_1287, %reduce_max3A_1285 : vector<16xi32>
    %reduce_max3A_1289 = vector.extract %reduce_max3A_1288[15] : i32 from vector<16xi32>
    %add3A_1290 = arith.constant 3 : i32
    %add3A_1291 = arith.addi %mul3A_34, %add3A_1290 : i32
    %jit3A_1292 = arith.constant 16 : i32
    %eq3A_1293 = arith.constant 0 : i32
    %eq3A_1294 = arith.cmpi eq, %jit3A_1292, %eq3A_1293 : i32
    %jit3A_1295 = arith.constant 1 : i32
    %select_n3A_1296 = arith.select %eq3A_1294, %jit3A_1295, %jit3A_1292 : i32
    %rem3A_1297 = arith.remsi %add3A_1291, %select_n3A_1296 : i32
    %ne3A_1298 = arith.constant 0 : i32
    %ne3A_1299 = arith.cmpi ne, %rem3A_1297, %ne3A_1298 : i32
    %lt3A_1300 = arith.constant 0 : i32
    %lt3A_1301 = arith.cmpi slt, %rem3A_1297, %lt3A_1300 : i32
    %lt3A_1302 = arith.constant 0 : i32
    %lt3A_1303 = arith.cmpi slt, %select_n3A_1296, %lt3A_1302 : i32
    %ne3A_1304 = arith.xori %lt3A_1301, %lt3A_1303 : i1
    %and3A_1305 = arith.andi %ne3A_1304, %ne3A_1299 : i1
    %add3A_1306 = arith.addi %rem3A_1297, %select_n3A_1296 : i32
    %select_n3A_1307 = arith.select %and3A_1305, %add3A_1306, %rem3A_1297 : i32
    %broadcast_in_dim3A_1308 = vector.broadcast %select_n3A_1307 : i32 to vector<16xi32>
    %iota3A_1309 = tpu.iota {dimensions = array<i32: 0>} : vector<16xi32>
    %eq3A_1310 = arith.cmpi eq, %iota3A_1309, %broadcast_in_dim3A_1308 : vector<16xi32>
    %jit3A_1311 = arith.constant 16 : i32
    %div3A_1312 = arith.divsi %add3A_1291, %jit3A_1311 : i32
    %sign3A_1313 = arith.constant 0 : i32
    %sign3A_1314 = arith.cmpi sgt, %add3A_1291, %sign3A_1313 : i32
    %sign3A_1315 = arith.extui %sign3A_1314 : i1 to i32
    %sign3A_1316 = arith.constant 0 : i32
    %sign3A_1317 = arith.cmpi slt, %add3A_1291, %sign3A_1316 : i32
    %sign3A_1318 = arith.extui %sign3A_1317 : i1 to i32
    %sign3A_1319 = arith.subi %sign3A_1315, %sign3A_1318 : i32
    %sign3A_1320 = arith.constant 0 : i32
    %sign3A_1321 = arith.cmpi sgt, %jit3A_1311, %sign3A_1320 : i32
    %sign3A_1322 = arith.extui %sign3A_1321 : i1 to i32
    %sign3A_1323 = arith.constant 0 : i32
    %sign3A_1324 = arith.cmpi slt, %jit3A_1311, %sign3A_1323 : i32
    %sign3A_1325 = arith.extui %sign3A_1324 : i1 to i32
    %sign3A_1326 = arith.subi %sign3A_1322, %sign3A_1325 : i32
    %ne3A_1327 = arith.cmpi ne, %sign3A_1319, %sign3A_1326 : i32
    %rem3A_1328 = arith.remsi %add3A_1291, %jit3A_1311 : i32
    %ne3A_1329 = arith.constant 0 : i32
    %ne3A_1330 = arith.cmpi ne, %rem3A_1328, %ne3A_1329 : i32
    %and3A_1331 = arith.andi %ne3A_1327, %ne3A_1330 : i1
    %sub3A_1332 = arith.constant 1 : i32
    %sub3A_1333 = arith.subi %div3A_1312, %sub3A_1332 : i32
    %select_n3A_1334 = arith.select %and3A_1331, %sub3A_1333, %div3A_1312 : i32
    %eq3A_1335 = arith.constant 2 : i32
    %eq3A_1336 = arith.cmpi eq, %select_n3A_1334, %eq3A_1335 : i32
    %select_n3A_1337 = arith.select %eq3A_1336, %get3A_55, %get3A_57 : vector<16xi32>
    %eq3A_1338 = arith.constant 1 : i32
    %eq3A_1339 = arith.cmpi eq, %select_n3A_1334, %eq3A_1338 : i32
    %select_n3A_1340 = arith.select %eq3A_1339, %get3A_53, %select_n3A_1337 : vector<16xi32>
    %eq3A_1341 = arith.constant 0 : i32
    %eq3A_1342 = arith.cmpi eq, %select_n3A_1334, %eq3A_1341 : i32
    %select_n3A_1343 = arith.select %eq3A_1342, %get3A_51, %select_n3A_1340 : vector<16xi32>
    %jit3A_1344 = arith.constant -1 : i32
    %broadcast_in_dim3A_1345 = vector.broadcast %jit3A_1344 : i32 to vector<16xi32>
    %select_n3A_1346 = arith.select %eq3A_1310, %select_n3A_1343, %broadcast_in_dim3A_1345 : vector<16xi1>, vector<16xi32>
    %reduce_max3A_1347 = arith.constant true
    %reduce_max3A_1348 = vector.broadcast %reduce_max3A_1347 : i1 to vector<16xi1>
    %reduce_max3A_1349 = arith.constant -2147483648 : i32
    %reduce_max3A_1350 = vector.broadcast %reduce_max3A_1349 : i32 to vector<16xi32>
    %reduce_max3A_1351 = arith.xori %select_n3A_1346, %reduce_max3A_1350 : vector<16xi32>
    %reduce_max3A_1352 = tpu.scan <max>, %reduce_max3A_1351 masked %reduce_max3A_1348 : vector<16xi32>, vector<16xi1> -> vector<16xi32>
    %reduce_max3A_1353 = arith.xori %reduce_max3A_1352, %reduce_max3A_1350 : vector<16xi32>
    %reduce_max3A_1354 = vector.extract %reduce_max3A_1353[15] : i32 from vector<16xi32>
    %add3A_1355 = arith.constant 4 : i32
    %add3A_1356 = arith.addi %mul3A_34, %add3A_1355 : i32
    %jit3A_1357 = arith.constant 16 : i32
    %eq3A_1358 = arith.constant 0 : i32
    %eq3A_1359 = arith.cmpi eq, %jit3A_1357, %eq3A_1358 : i32
    %jit3A_1360 = arith.constant 1 : i32
    %select_n3A_1361 = arith.select %eq3A_1359, %jit3A_1360, %jit3A_1357 : i32
    %rem3A_1362 = arith.remsi %add3A_1356, %select_n3A_1361 : i32
    %ne3A_1363 = arith.constant 0 : i32
    %ne3A_1364 = arith.cmpi ne, %rem3A_1362, %ne3A_1363 : i32
    %lt3A_1365 = arith.constant 0 : i32
    %lt3A_1366 = arith.cmpi slt, %rem3A_1362, %lt3A_1365 : i32
    %lt3A_1367 = arith.constant 0 : i32
    %lt3A_1368 = arith.cmpi slt, %select_n3A_1361, %lt3A_1367 : i32
    %ne3A_1369 = arith.xori %lt3A_1366, %lt3A_1368 : i1
    %and3A_1370 = arith.andi %ne3A_1369, %ne3A_1364 : i1
    %add3A_1371 = arith.addi %rem3A_1362, %select_n3A_1361 : i32
    %select_n3A_1372 = arith.select %and3A_1370, %add3A_1371, %rem3A_1362 : i32
    %broadcast_in_dim3A_1373 = vector.broadcast %select_n3A_1372 : i32 to vector<16xi32>
    %iota3A_1374 = tpu.iota {dimensions = array<i32: 0>} : vector<16xi32>
    %eq3A_1375 = arith.cmpi eq, %iota3A_1374, %broadcast_in_dim3A_1373 : vector<16xi32>
    %jit3A_1376 = arith.constant 16 : i32
    %div3A_1377 = arith.divsi %add3A_1356, %jit3A_1376 : i32
    %sign3A_1378 = arith.constant 0 : i32
    %sign3A_1379 = arith.cmpi sgt, %add3A_1356, %sign3A_1378 : i32
    %sign3A_1380 = arith.extui %sign3A_1379 : i1 to i32
    %sign3A_1381 = arith.constant 0 : i32
    %sign3A_1382 = arith.cmpi slt, %add3A_1356, %sign3A_1381 : i32
    %sign3A_1383 = arith.extui %sign3A_1382 : i1 to i32
    %sign3A_1384 = arith.subi %sign3A_1380, %sign3A_1383 : i32
    %sign3A_1385 = arith.constant 0 : i32
    %sign3A_1386 = arith.cmpi sgt, %jit3A_1376, %sign3A_1385 : i32
    %sign3A_1387 = arith.extui %sign3A_1386 : i1 to i32
    %sign3A_1388 = arith.constant 0 : i32
    %sign3A_1389 = arith.cmpi slt, %jit3A_1376, %sign3A_1388 : i32
    %sign3A_1390 = arith.extui %sign3A_1389 : i1 to i32
    %sign3A_1391 = arith.subi %sign3A_1387, %sign3A_1390 : i32
    %ne3A_1392 = arith.cmpi ne, %sign3A_1384, %sign3A_1391 : i32
    %rem3A_1393 = arith.remsi %add3A_1356, %jit3A_1376 : i32
    %ne3A_1394 = arith.constant 0 : i32
    %ne3A_1395 = arith.cmpi ne, %rem3A_1393, %ne3A_1394 : i32
    %and3A_1396 = arith.andi %ne3A_1392, %ne3A_1395 : i1
    %sub3A_1397 = arith.constant 1 : i32
    %sub3A_1398 = arith.subi %div3A_1377, %sub3A_1397 : i32
    %select_n3A_1399 = arith.select %and3A_1396, %sub3A_1398, %div3A_1377 : i32
    %eq3A_1400 = arith.constant 2 : i32
    %eq3A_1401 = arith.cmpi eq, %select_n3A_1399, %eq3A_1400 : i32
    %select_n3A_1402 = arith.select %eq3A_1401, %get3A_55, %get3A_57 : vector<16xi32>
    %eq3A_1403 = arith.constant 1 : i32
    %eq3A_1404 = arith.cmpi eq, %select_n3A_1399, %eq3A_1403 : i32
    %select_n3A_1405 = arith.select %eq3A_1404, %get3A_53, %select_n3A_1402 : vector<16xi32>
    %eq3A_1406 = arith.constant 0 : i32
    %eq3A_1407 = arith.cmpi eq, %select_n3A_1399, %eq3A_1406 : i32
    %select_n3A_1408 = arith.select %eq3A_1407, %get3A_51, %select_n3A_1405 : vector<16xi32>
    %jit3A_1409 = arith.constant -1 : i32
    %broadcast_in_dim3A_1410 = vector.broadcast %jit3A_1409 : i32 to vector<16xi32>
    %select_n3A_1411 = arith.select %eq3A_1375, %select_n3A_1408, %broadcast_in_dim3A_1410 : vector<16xi1>, vector<16xi32>
    %reduce_max3A_1412 = arith.constant true
    %reduce_max3A_1413 = vector.broadcast %reduce_max3A_1412 : i1 to vector<16xi1>
    %reduce_max3A_1414 = arith.constant -2147483648 : i32
    %reduce_max3A_1415 = vector.broadcast %reduce_max3A_1414 : i32 to vector<16xi32>
    %reduce_max3A_1416 = arith.xori %select_n3A_1411, %reduce_max3A_1415 : vector<16xi32>
    %reduce_max3A_1417 = tpu.scan <max>, %reduce_max3A_1416 masked %reduce_max3A_1413 : vector<16xi32>, vector<16xi1> -> vector<16xi32>
    %reduce_max3A_1418 = arith.xori %reduce_max3A_1417, %reduce_max3A_1415 : vector<16xi32>
    %reduce_max3A_1419 = vector.extract %reduce_max3A_1418[15] : i32 from vector<16xi32>
    %add3A_1420 = arith.constant 5 : i32
    %add3A_1421 = arith.addi %mul3A_34, %add3A_1420 : i32
    %jit3A_1422 = arith.constant 16 : i32
    %eq3A_1423 = arith.constant 0 : i32
    %eq3A_1424 = arith.cmpi eq, %jit3A_1422, %eq3A_1423 : i32
    %jit3A_1425 = arith.constant 1 : i32
    %select_n3A_1426 = arith.select %eq3A_1424, %jit3A_1425, %jit3A_1422 : i32
    %rem3A_1427 = arith.remsi %add3A_1421, %select_n3A_1426 : i32
    %ne3A_1428 = arith.constant 0 : i32
    %ne3A_1429 = arith.cmpi ne, %rem3A_1427, %ne3A_1428 : i32
    %lt3A_1430 = arith.constant 0 : i32
    %lt3A_1431 = arith.cmpi slt, %rem3A_1427, %lt3A_1430 : i32
    %lt3A_1432 = arith.constant 0 : i32
    %lt3A_1433 = arith.cmpi slt, %select_n3A_1426, %lt3A_1432 : i32
    %ne3A_1434 = arith.xori %lt3A_1431, %lt3A_1433 : i1
    %and3A_1435 = arith.andi %ne3A_1434, %ne3A_1429 : i1
    %add3A_1436 = arith.addi %rem3A_1427, %select_n3A_1426 : i32
    %select_n3A_1437 = arith.select %and3A_1435, %add3A_1436, %rem3A_1427 : i32
    %broadcast_in_dim3A_1438 = vector.broadcast %select_n3A_1437 : i32 to vector<16xi32>
    %iota3A_1439 = tpu.iota {dimensions = array<i32: 0>} : vector<16xi32>
    %eq3A_1440 = arith.cmpi eq, %iota3A_1439, %broadcast_in_dim3A_1438 : vector<16xi32>
    %jit3A_1441 = arith.constant 16 : i32
    %div3A_1442 = arith.divsi %add3A_1421, %jit3A_1441 : i32
    %sign3A_1443 = arith.constant 0 : i32
    %sign3A_1444 = arith.cmpi sgt, %add3A_1421, %sign3A_1443 : i32
    %sign3A_1445 = arith.extui %sign3A_1444 : i1 to i32
    %sign3A_1446 = arith.constant 0 : i32
    %sign3A_1447 = arith.cmpi slt, %add3A_1421, %sign3A_1446 : i32
    %sign3A_1448 = arith.extui %sign3A_1447 : i1 to i32
    %sign3A_1449 = arith.subi %sign3A_1445, %sign3A_1448 : i32
    %sign3A_1450 = arith.constant 0 : i32
    %sign3A_1451 = arith.cmpi sgt, %jit3A_1441, %sign3A_1450 : i32
    %sign3A_1452 = arith.extui %sign3A_1451 : i1 to i32
    %sign3A_1453 = arith.constant 0 : i32
    %sign3A_1454 = arith.cmpi slt, %jit3A_1441, %sign3A_1453 : i32
    %sign3A_1455 = arith.extui %sign3A_1454 : i1 to i32
    %sign3A_1456 = arith.subi %sign3A_1452, %sign3A_1455 : i32
    %ne3A_1457 = arith.cmpi ne, %sign3A_1449, %sign3A_1456 : i32
    %rem3A_1458 = arith.remsi %add3A_1421, %jit3A_1441 : i32
    %ne3A_1459 = arith.constant 0 : i32
    %ne3A_1460 = arith.cmpi ne, %rem3A_1458, %ne3A_1459 : i32
    %and3A_1461 = arith.andi %ne3A_1457, %ne3A_1460 : i1
    %sub3A_1462 = arith.constant 1 : i32
    %sub3A_1463 = arith.subi %div3A_1442, %sub3A_1462 : i32
    %select_n3A_1464 = arith.select %and3A_1461, %sub3A_1463, %div3A_1442 : i32
    %eq3A_1465 = arith.constant 2 : i32
    %eq3A_1466 = arith.cmpi eq, %select_n3A_1464, %eq3A_1465 : i32
    %select_n3A_1467 = arith.select %eq3A_1466, %get3A_55, %get3A_57 : vector<16xi32>
    %eq3A_1468 = arith.constant 1 : i32
    %eq3A_1469 = arith.cmpi eq, %select_n3A_1464, %eq3A_1468 : i32
    %select_n3A_1470 = arith.select %eq3A_1469, %get3A_53, %select_n3A_1467 : vector<16xi32>
    %eq3A_1471 = arith.constant 0 : i32
    %eq3A_1472 = arith.cmpi eq, %select_n3A_1464, %eq3A_1471 : i32
    %select_n3A_1473 = arith.select %eq3A_1472, %get3A_51, %select_n3A_1470 : vector<16xi32>
    %jit3A_1474 = arith.constant -1 : i32
    %broadcast_in_dim3A_1475 = vector.broadcast %jit3A_1474 : i32 to vector<16xi32>
    %select_n3A_1476 = arith.select %eq3A_1440, %select_n3A_1473, %broadcast_in_dim3A_1475 : vector<16xi1>, vector<16xi32>
    %reduce_max3A_1477 = arith.constant true
    %reduce_max3A_1478 = vector.broadcast %reduce_max3A_1477 : i1 to vector<16xi1>
    %reduce_max3A_1479 = arith.constant -2147483648 : i32
    %reduce_max3A_1480 = vector.broadcast %reduce_max3A_1479 : i32 to vector<16xi32>
    %reduce_max3A_1481 = arith.xori %select_n3A_1476, %reduce_max3A_1480 : vector<16xi32>
    %reduce_max3A_1482 = tpu.scan <max>, %reduce_max3A_1481 masked %reduce_max3A_1478 : vector<16xi32>, vector<16xi1> -> vector<16xi32>
    %reduce_max3A_1483 = arith.xori %reduce_max3A_1482, %reduce_max3A_1480 : vector<16xi32>
    %reduce_max3A_1484 = vector.extract %reduce_max3A_1483[15] : i32 from vector<16xi32>
    %add3A_1485 = arith.constant 6 : i32
    %add3A_1486 = arith.addi %mul3A_34, %add3A_1485 : i32
    %jit3A_1487 = arith.constant 16 : i32
    %eq3A_1488 = arith.constant 0 : i32
    %eq3A_1489 = arith.cmpi eq, %jit3A_1487, %eq3A_1488 : i32
    %jit3A_1490 = arith.constant 1 : i32
    %select_n3A_1491 = arith.select %eq3A_1489, %jit3A_1490, %jit3A_1487 : i32
    %rem3A_1492 = arith.remsi %add3A_1486, %select_n3A_1491 : i32
    %ne3A_1493 = arith.constant 0 : i32
    %ne3A_1494 = arith.cmpi ne, %rem3A_1492, %ne3A_1493 : i32
    %lt3A_1495 = arith.constant 0 : i32
    %lt3A_1496 = arith.cmpi slt, %rem3A_1492, %lt3A_1495 : i32
    %lt3A_1497 = arith.constant 0 : i32
    %lt3A_1498 = arith.cmpi slt, %select_n3A_1491, %lt3A_1497 : i32
    %ne3A_1499 = arith.xori %lt3A_1496, %lt3A_1498 : i1
    %and3A_1500 = arith.andi %ne3A_1499, %ne3A_1494 : i1
    %add3A_1501 = arith.addi %rem3A_1492, %select_n3A_1491 : i32
    %select_n3A_1502 = arith.select %and3A_1500, %add3A_1501, %rem3A_1492 : i32
    %broadcast_in_dim3A_1503 = vector.broadcast %select_n3A_1502 : i32 to vector<16xi32>
    %iota3A_1504 = tpu.iota {dimensions = array<i32: 0>} : vector<16xi32>
    %eq3A_1505 = arith.cmpi eq, %iota3A_1504, %broadcast_in_dim3A_1503 : vector<16xi32>
    %jit3A_1506 = arith.constant 16 : i32
    %div3A_1507 = arith.divsi %add3A_1486, %jit3A_1506 : i32
    %sign3A_1508 = arith.constant 0 : i32
    %sign3A_1509 = arith.cmpi sgt, %add3A_1486, %sign3A_1508 : i32
    %sign3A_1510 = arith.extui %sign3A_1509 : i1 to i32
    %sign3A_1511 = arith.constant 0 : i32
    %sign3A_1512 = arith.cmpi slt, %add3A_1486, %sign3A_1511 : i32
    %sign3A_1513 = arith.extui %sign3A_1512 : i1 to i32
    %sign3A_1514 = arith.subi %sign3A_1510, %sign3A_1513 : i32
    %sign3A_1515 = arith.constant 0 : i32
    %sign3A_1516 = arith.cmpi sgt, %jit3A_1506, %sign3A_1515 : i32
    %sign3A_1517 = arith.extui %sign3A_1516 : i1 to i32
    %sign3A_1518 = arith.constant 0 : i32
    %sign3A_1519 = arith.cmpi slt, %jit3A_1506, %sign3A_1518 : i32
    %sign3A_1520 = arith.extui %sign3A_1519 : i1 to i32
    %sign3A_1521 = arith.subi %sign3A_1517, %sign3A_1520 : i32
    %ne3A_1522 = arith.cmpi ne, %sign3A_1514, %sign3A_1521 : i32
    %rem3A_1523 = arith.remsi %add3A_1486, %jit3A_1506 : i32
    %ne3A_1524 = arith.constant 0 : i32
    %ne3A_1525 = arith.cmpi ne, %rem3A_1523, %ne3A_1524 : i32
    %and3A_1526 = arith.andi %ne3A_1522, %ne3A_1525 : i1
    %sub3A_1527 = arith.constant 1 : i32
    %sub3A_1528 = arith.subi %div3A_1507, %sub3A_1527 : i32
    %select_n3A_1529 = arith.select %and3A_1526, %sub3A_1528, %div3A_1507 : i32
    %eq3A_1530 = arith.constant 2 : i32
    %eq3A_1531 = arith.cmpi eq, %select_n3A_1529, %eq3A_1530 : i32
    %select_n3A_1532 = arith.select %eq3A_1531, %get3A_55, %get3A_57 : vector<16xi32>
    %eq3A_1533 = arith.constant 1 : i32
    %eq3A_1534 = arith.cmpi eq, %select_n3A_1529, %eq3A_1533 : i32
    %select_n3A_1535 = arith.select %eq3A_1534, %get3A_53, %select_n3A_1532 : vector<16xi32>
    %eq3A_1536 = arith.constant 0 : i32
    %eq3A_1537 = arith.cmpi eq, %select_n3A_1529, %eq3A_1536 : i32
    %select_n3A_1538 = arith.select %eq3A_1537, %get3A_51, %select_n3A_1535 : vector<16xi32>
    %jit3A_1539 = arith.constant -1 : i32
    %broadcast_in_dim3A_1540 = vector.broadcast %jit3A_1539 : i32 to vector<16xi32>
    %select_n3A_1541 = arith.select %eq3A_1505, %select_n3A_1538, %broadcast_in_dim3A_1540 : vector<16xi1>, vector<16xi32>
    %reduce_max3A_1542 = arith.constant true
    %reduce_max3A_1543 = vector.broadcast %reduce_max3A_1542 : i1 to vector<16xi1>
    %reduce_max3A_1544 = arith.constant -2147483648 : i32
    %reduce_max3A_1545 = vector.broadcast %reduce_max3A_1544 : i32 to vector<16xi32>
    %reduce_max3A_1546 = arith.xori %select_n3A_1541, %reduce_max3A_1545 : vector<16xi32>
    %reduce_max3A_1547 = tpu.scan <max>, %reduce_max3A_1546 masked %reduce_max3A_1543 : vector<16xi32>, vector<16xi1> -> vector<16xi32>
    %reduce_max3A_1548 = arith.xori %reduce_max3A_1547, %reduce_max3A_1545 : vector<16xi32>
    %reduce_max3A_1549 = vector.extract %reduce_max3A_1548[15] : i32 from vector<16xi32>
    %add3A_1550 = arith.constant 7 : i32
    %add3A_1551 = arith.addi %mul3A_34, %add3A_1550 : i32
    %jit3A_1552 = arith.constant 16 : i32
    %eq3A_1553 = arith.constant 0 : i32
    %eq3A_1554 = arith.cmpi eq, %jit3A_1552, %eq3A_1553 : i32
    %jit3A_1555 = arith.constant 1 : i32
    %select_n3A_1556 = arith.select %eq3A_1554, %jit3A_1555, %jit3A_1552 : i32
    %rem3A_1557 = arith.remsi %add3A_1551, %select_n3A_1556 : i32
    %ne3A_1558 = arith.constant 0 : i32
    %ne3A_1559 = arith.cmpi ne, %rem3A_1557, %ne3A_1558 : i32
    %lt3A_1560 = arith.constant 0 : i32
    %lt3A_1561 = arith.cmpi slt, %rem3A_1557, %lt3A_1560 : i32
    %lt3A_1562 = arith.constant 0 : i32
    %lt3A_1563 = arith.cmpi slt, %select_n3A_1556, %lt3A_1562 : i32
    %ne3A_1564 = arith.xori %lt3A_1561, %lt3A_1563 : i1
    %and3A_1565 = arith.andi %ne3A_1564, %ne3A_1559 : i1
    %add3A_1566 = arith.addi %rem3A_1557, %select_n3A_1556 : i32
    %select_n3A_1567 = arith.select %and3A_1565, %add3A_1566, %rem3A_1557 : i32
    %broadcast_in_dim3A_1568 = vector.broadcast %select_n3A_1567 : i32 to vector<16xi32>
    %iota3A_1569 = tpu.iota {dimensions = array<i32: 0>} : vector<16xi32>
    %eq3A_1570 = arith.cmpi eq, %iota3A_1569, %broadcast_in_dim3A_1568 : vector<16xi32>
    %jit3A_1571 = arith.constant 16 : i32
    %div3A_1572 = arith.divsi %add3A_1551, %jit3A_1571 : i32
    %sign3A_1573 = arith.constant 0 : i32
    %sign3A_1574 = arith.cmpi sgt, %add3A_1551, %sign3A_1573 : i32
    %sign3A_1575 = arith.extui %sign3A_1574 : i1 to i32
    %sign3A_1576 = arith.constant 0 : i32
    %sign3A_1577 = arith.cmpi slt, %add3A_1551, %sign3A_1576 : i32
    %sign3A_1578 = arith.extui %sign3A_1577 : i1 to i32
    %sign3A_1579 = arith.subi %sign3A_1575, %sign3A_1578 : i32
    %sign3A_1580 = arith.constant 0 : i32
    %sign3A_1581 = arith.cmpi sgt, %jit3A_1571, %sign3A_1580 : i32
    %sign3A_1582 = arith.extui %sign3A_1581 : i1 to i32
    %sign3A_1583 = arith.constant 0 : i32
    %sign3A_1584 = arith.cmpi slt, %jit3A_1571, %sign3A_1583 : i32
    %sign3A_1585 = arith.extui %sign3A_1584 : i1 to i32
    %sign3A_1586 = arith.subi %sign3A_1582, %sign3A_1585 : i32
    %ne3A_1587 = arith.cmpi ne, %sign3A_1579, %sign3A_1586 : i32
    %rem3A_1588 = arith.remsi %add3A_1551, %jit3A_1571 : i32
    %ne3A_1589 = arith.constant 0 : i32
    %ne3A_1590 = arith.cmpi ne, %rem3A_1588, %ne3A_1589 : i32
    %and3A_1591 = arith.andi %ne3A_1587, %ne3A_1590 : i1
    %sub3A_1592 = arith.constant 1 : i32
    %sub3A_1593 = arith.subi %div3A_1572, %sub3A_1592 : i32
    %select_n3A_1594 = arith.select %and3A_1591, %sub3A_1593, %div3A_1572 : i32
    %eq3A_1595 = arith.constant 2 : i32
    %eq3A_1596 = arith.cmpi eq, %select_n3A_1594, %eq3A_1595 : i32
    %select_n3A_1597 = arith.select %eq3A_1596, %get3A_55, %get3A_57 : vector<16xi32>
    %eq3A_1598 = arith.constant 1 : i32
    %eq3A_1599 = arith.cmpi eq, %select_n3A_1594, %eq3A_1598 : i32
    %select_n3A_1600 = arith.select %eq3A_1599, %get3A_53, %select_n3A_1597 : vector<16xi32>
    %eq3A_1601 = arith.constant 0 : i32
    %eq3A_1602 = arith.cmpi eq, %select_n3A_1594, %eq3A_1601 : i32
    %select_n3A_1603 = arith.select %eq3A_1602, %get3A_51, %select_n3A_1600 : vector<16xi32>
    %jit3A_1604 = arith.constant -1 : i32
    %broadcast_in_dim3A_1605 = vector.broadcast %jit3A_1604 : i32 to vector<16xi32>
    %select_n3A_1606 = arith.select %eq3A_1570, %select_n3A_1603, %broadcast_in_dim3A_1605 : vector<16xi1>, vector<16xi32>
    %reduce_max3A_1607 = arith.constant true
    %reduce_max3A_1608 = vector.broadcast %reduce_max3A_1607 : i1 to vector<16xi1>
    %reduce_max3A_1609 = arith.constant -2147483648 : i32
    %reduce_max3A_1610 = vector.broadcast %reduce_max3A_1609 : i32 to vector<16xi32>
    %reduce_max3A_1611 = arith.xori %select_n3A_1606, %reduce_max3A_1610 : vector<16xi32>
    %reduce_max3A_1612 = tpu.scan <max>, %reduce_max3A_1611 masked %reduce_max3A_1608 : vector<16xi32>, vector<16xi1> -> vector<16xi32>
    %reduce_max3A_1613 = arith.xori %reduce_max3A_1612, %reduce_max3A_1610 : vector<16xi32>
    %reduce_max3A_1614 = vector.extract %reduce_max3A_1613[15] : i32 from vector<16xi32>
    %add3A_1615 = arith.constant 0 : i32
    %add3A_1616 = arith.addi %mul3A_18, %add3A_1615 : i32
    "tpu.region"() ({
      %run_scoped3A = tpu.sem_alloc : memref<!tpu.dma_semaphore, #tpu.memory_space<semaphore_mem>>
      %dma_start3A = arith.constant 0 : i32
      %dma_start3A_1623 = tpu.memref_slice %arg4[%reduce_max3A_639, %add3A_1616, %reduce_max3A_1159, %dma_start3A] : memref<8x512x8x1024xf32, #tpu.memory_space<hbm>> -> memref<1x32x1x1024xf32, #tpu.memory_space<hbm>>
      %dma_start3A_1624 = tpu.memref_squeeze %dma_start3A_1623 : memref<1x32x1x1024xf32, #tpu.memory_space<hbm>> -> memref<32x1024xf32, #tpu.memory_space<hbm>>
      %dma_start3A_1625 = arith.constant 0 : i32
      %dma_start3A_1626 = tpu.memref_slice %arg4[%reduce_max3A_639, %add3A_1616, %reduce_max3A_1159, %dma_start3A_1625] : memref<8x512x8x1024xf32, #tpu.memory_space<hbm>> -> memref<1x32x1x1024xf32, #tpu.memory_space<hbm>>
      %dma_start3A_1627 = tpu.memref_squeeze %dma_start3A_1626 : memref<1x32x1x1024xf32, #tpu.memory_space<hbm>> -> memref<32x1024xf32, #tpu.memory_space<hbm>>
      tpu.enqueue_dma source(%arg6 : memref<32x1024xf32, #tpu.memory_space<vmem>>) target(%dma_start3A_1627 : memref<32x1024xf32, #tpu.memory_space<hbm>>) target_semaphore(%run_scoped3A : memref<!tpu.dma_semaphore, #tpu.memory_space<semaphore_mem>>)
      %dma_wait3A = arith.constant 0 : i32
      %dma_wait3A_1628 = tpu.memref_slice %arg4[%reduce_max3A_639, %add3A_1616, %reduce_max3A_1159, %dma_wait3A] : memref<8x512x8x1024xf32, #tpu.memory_space<hbm>> -> memref<1x32x1x1024xf32, #tpu.memory_space<hbm>>
      %dma_wait3A_1629 = tpu.memref_squeeze %dma_wait3A_1628 : memref<1x32x1x1024xf32, #tpu.memory_space<hbm>> -> memref<32x1024xf32, #tpu.memory_space<hbm>>
      %dma_wait3A_1630 = arith.constant 0 : i32
      %dma_wait3A_1631 = tpu.memref_slice %arg4[%reduce_max3A_639, %add3A_1616, %reduce_max3A_1159, %dma_wait3A_1630] : memref<8x512x8x1024xf32, #tpu.memory_space<hbm>> -> memref<1x32x1x1024xf32, #tpu.memory_space<hbm>>
      %dma_wait3A_1632 = tpu.memref_squeeze %dma_wait3A_1631 : memref<1x32x1x1024xf32, #tpu.memory_space<hbm>> -> memref<32x1024xf32, #tpu.memory_space<hbm>>
      tpu.wait_dma2 semaphore(%run_scoped3A : memref<!tpu.dma_semaphore, #tpu.memory_space<semaphore_mem>>) src(%arg6 : memref<32x1024xf32, #tpu.memory_space<vmem>>) dst(%dma_wait3A_1632 : memref<32x1024xf32, #tpu.memory_space<hbm>>)
      tpu.yield
    }) : () -> ()
    "tpu.region"() ({
      %run_scoped3A = tpu.sem_alloc : memref<!tpu.dma_semaphore, #tpu.memory_space<semaphore_mem>>
      %dma_start3A = arith.constant 0 : i32
      %dma_start3A_1623 = tpu.memref_slice %arg4[%reduce_max3A_704, %add3A_1616, %reduce_max3A_1224, %dma_start3A] : memref<8x512x8x1024xf32, #tpu.memory_space<hbm>> -> memref<1x32x1x1024xf32, #tpu.memory_space<hbm>>
      %dma_start3A_1624 = tpu.memref_squeeze %dma_start3A_1623 : memref<1x32x1x1024xf32, #tpu.memory_space<hbm>> -> memref<32x1024xf32, #tpu.memory_space<hbm>>
      %dma_start3A_1625 = arith.constant 0 : i32
      %dma_start3A_1626 = tpu.memref_slice %arg4[%reduce_max3A_704, %add3A_1616, %reduce_max3A_1224, %dma_start3A_1625] : memref<8x512x8x1024xf32, #tpu.memory_space<hbm>> -> memref<1x32x1x1024xf32, #tpu.memory_space<hbm>>
      %dma_start3A_1627 = tpu.memref_squeeze %dma_start3A_1626 : memref<1x32x1x1024xf32, #tpu.memory_space<hbm>> -> memref<32x1024xf32, #tpu.memory_space<hbm>>
      tpu.enqueue_dma source(%arg6 : memref<32x1024xf32, #tpu.memory_space<vmem>>) target(%dma_start3A_1627 : memref<32x1024xf32, #tpu.memory_space<hbm>>) target_semaphore(%run_scoped3A : memref<!tpu.dma_semaphore, #tpu.memory_space<semaphore_mem>>)
      %dma_wait3A = arith.constant 0 : i32
      %dma_wait3A_1628 = tpu.memref_slice %arg4[%reduce_max3A_704, %add3A_1616, %reduce_max3A_1224, %dma_wait3A] : memref<8x512x8x1024xf32, #tpu.memory_space<hbm>> -> memref<1x32x1x1024xf32, #tpu.memory_space<hbm>>
      %dma_wait3A_1629 = tpu.memref_squeeze %dma_wait3A_1628 : memref<1x32x1x1024xf32, #tpu.memory_space<hbm>> -> memref<32x1024xf32, #tpu.memory_space<hbm>>
      %dma_wait3A_1630 = arith.constant 0 : i32
      %dma_wait3A_1631 = tpu.memref_slice %arg4[%reduce_max3A_704, %add3A_1616, %reduce_max3A_1224, %dma_wait3A_1630] : memref<8x512x8x1024xf32, #tpu.memory_space<hbm>> -> memref<1x32x1x1024xf32, #tpu.memory_space<hbm>>
      %dma_wait3A_1632 = tpu.memref_squeeze %dma_wait3A_1631 : memref<1x32x1x1024xf32, #tpu.memory_space<hbm>> -> memref<32x1024xf32, #tpu.memory_space<hbm>>
      tpu.wait_dma2 semaphore(%run_scoped3A : memref<!tpu.dma_semaphore, #tpu.memory_space<semaphore_mem>>) src(%arg6 : memref<32x1024xf32, #tpu.memory_space<vmem>>) dst(%dma_wait3A_1632 : memref<32x1024xf32, #tpu.memory_space<hbm>>)
      tpu.yield
    }) : () -> ()
    "tpu.region"() ({
      %run_scoped3A = tpu.sem_alloc : memref<!tpu.dma_semaphore, #tpu.memory_space<semaphore_mem>>
      %dma_start3A = arith.constant 0 : i32
      %dma_start3A_1623 = tpu.memref_slice %arg4[%reduce_max3A_769, %add3A_1616, %reduce_max3A_1289, %dma_start3A] : memref<8x512x8x1024xf32, #tpu.memory_space<hbm>> -> memref<1x32x1x1024xf32, #tpu.memory_space<hbm>>
      %dma_start3A_1624 = tpu.memref_squeeze %dma_start3A_1623 : memref<1x32x1x1024xf32, #tpu.memory_space<hbm>> -> memref<32x1024xf32, #tpu.memory_space<hbm>>
      %dma_start3A_1625 = arith.constant 0 : i32
      %dma_start3A_1626 = tpu.memref_slice %arg4[%reduce_max3A_769, %add3A_1616, %reduce_max3A_1289, %dma_start3A_1625] : memref<8x512x8x1024xf32, #tpu.memory_space<hbm>> -> memref<1x32x1x1024xf32, #tpu.memory_space<hbm>>
      %dma_start3A_1627 = tpu.memref_squeeze %dma_start3A_1626 : memref<1x32x1x1024xf32, #tpu.memory_space<hbm>> -> memref<32x1024xf32, #tpu.memory_space<hbm>>
      tpu.enqueue_dma source(%arg6 : memref<32x1024xf32, #tpu.memory_space<vmem>>) target(%dma_start3A_1627 : memref<32x1024xf32, #tpu.memory_space<hbm>>) target_semaphore(%run_scoped3A : memref<!tpu.dma_semaphore, #tpu.memory_space<semaphore_mem>>)
      %dma_wait3A = arith.constant 0 : i32
      %dma_wait3A_1628 = tpu.memref_slice %arg4[%reduce_max3A_769, %add3A_1616, %reduce_max3A_1289, %dma_wait3A] : memref<8x512x8x1024xf32, #tpu.memory_space<hbm>> -> memref<1x32x1x1024xf32, #tpu.memory_space<hbm>>
      %dma_wait3A_1629 = tpu.memref_squeeze %dma_wait3A_1628 : memref<1x32x1x1024xf32, #tpu.memory_space<hbm>> -> memref<32x1024xf32, #tpu.memory_space<hbm>>
      %dma_wait3A_1630 = arith.constant 0 : i32
      %dma_wait3A_1631 = tpu.memref_slice %arg4[%reduce_max3A_769, %add3A_1616, %reduce_max3A_1289, %dma_wait3A_1630] : memref<8x512x8x1024xf32, #tpu.memory_space<hbm>> -> memref<1x32x1x1024xf32, #tpu.memory_space<hbm>>
      %dma_wait3A_1632 = tpu.memref_squeeze %dma_wait3A_1631 : memref<1x32x1x1024xf32, #tpu.memory_space<hbm>> -> memref<32x1024xf32, #tpu.memory_space<hbm>>
      tpu.wait_dma2 semaphore(%run_scoped3A : memref<!tpu.dma_semaphore, #tpu.memory_space<semaphore_mem>>) src(%arg6 : memref<32x1024xf32, #tpu.memory_space<vmem>>) dst(%dma_wait3A_1632 : memref<32x1024xf32, #tpu.memory_space<hbm>>)
      tpu.yield
    }) : () -> ()
    "tpu.region"() ({
      %run_scoped3A = tpu.sem_alloc : memref<!tpu.dma_semaphore, #tpu.memory_space<semaphore_mem>>
      %dma_start3A = arith.constant 0 : i32
      %dma_start3A_1623 = tpu.memref_slice %arg4[%reduce_max3A_834, %add3A_1616, %reduce_max3A_1354, %dma_start3A] : memref<8x512x8x1024xf32, #tpu.memory_space<hbm>> -> memref<1x32x1x1024xf32, #tpu.memory_space<hbm>>
      %dma_start3A_1624 = tpu.memref_squeeze %dma_start3A_1623 : memref<1x32x1x1024xf32, #tpu.memory_space<hbm>> -> memref<32x1024xf32, #tpu.memory_space<hbm>>
      %dma_start3A_1625 = arith.constant 0 : i32
      %dma_start3A_1626 = tpu.memref_slice %arg4[%reduce_max3A_834, %add3A_1616, %reduce_max3A_1354, %dma_start3A_1625] : memref<8x512x8x1024xf32, #tpu.memory_space<hbm>> -> memref<1x32x1x1024xf32, #tpu.memory_space<hbm>>
      %dma_start3A_1627 = tpu.memref_squeeze %dma_start3A_1626 : memref<1x32x1x1024xf32, #tpu.memory_space<hbm>> -> memref<32x1024xf32, #tpu.memory_space<hbm>>
      tpu.enqueue_dma source(%arg6 : memref<32x1024xf32, #tpu.memory_space<vmem>>) target(%dma_start3A_1627 : memref<32x1024xf32, #tpu.memory_space<hbm>>) target_semaphore(%run_scoped3A : memref<!tpu.dma_semaphore, #tpu.memory_space<semaphore_mem>>)
      %dma_wait3A = arith.constant 0 : i32
      %dma_wait3A_1628 = tpu.memref_slice %arg4[%reduce_max3A_834, %add3A_1616, %reduce_max3A_1354, %dma_wait3A] : memref<8x512x8x1024xf32, #tpu.memory_space<hbm>> -> memref<1x32x1x1024xf32, #tpu.memory_space<hbm>>
      %dma_wait3A_1629 = tpu.memref_squeeze %dma_wait3A_1628 : memref<1x32x1x1024xf32, #tpu.memory_space<hbm>> -> memref<32x1024xf32, #tpu.memory_space<hbm>>
      %dma_wait3A_1630 = arith.constant 0 : i32
      %dma_wait3A_1631 = tpu.memref_slice %arg4[%reduce_max3A_834, %add3A_1616, %reduce_max3A_1354, %dma_wait3A_1630] : memref<8x512x8x1024xf32, #tpu.memory_space<hbm>> -> memref<1x32x1x1024xf32, #tpu.memory_space<hbm>>
      %dma_wait3A_1632 = tpu.memref_squeeze %dma_wait3A_1631 : memref<1x32x1x1024xf32, #tpu.memory_space<hbm>> -> memref<32x1024xf32, #tpu.memory_space<hbm>>
      tpu.wait_dma2 semaphore(%run_scoped3A : memref<!tpu.dma_semaphore, #tpu.memory_space<semaphore_mem>>) src(%arg6 : memref<32x1024xf32, #tpu.memory_space<vmem>>) dst(%dma_wait3A_1632 : memref<32x1024xf32, #tpu.memory_space<hbm>>)
      tpu.yield
    }) : () -> ()
    "tpu.region"() ({
      %run_scoped3A = tpu.sem_alloc : memref<!tpu.dma_semaphore, #tpu.memory_space<semaphore_mem>>
      %dma_start3A = arith.constant 0 : i32
      %dma_start3A_1623 = tpu.memref_slice %arg4[%reduce_max3A_899, %add3A_1616, %reduce_max3A_1419, %dma_start3A] : memref<8x512x8x1024xf32, #tpu.memory_space<hbm>> -> memref<1x32x1x1024xf32, #tpu.memory_space<hbm>>
      %dma_start3A_1624 = tpu.memref_squeeze %dma_start3A_1623 : memref<1x32x1x1024xf32, #tpu.memory_space<hbm>> -> memref<32x1024xf32, #tpu.memory_space<hbm>>
      %dma_start3A_1625 = arith.constant 0 : i32
      %dma_start3A_1626 = tpu.memref_slice %arg4[%reduce_max3A_899, %add3A_1616, %reduce_max3A_1419, %dma_start3A_1625] : memref<8x512x8x1024xf32, #tpu.memory_space<hbm>> -> memref<1x32x1x1024xf32, #tpu.memory_space<hbm>>
      %dma_start3A_1627 = tpu.memref_squeeze %dma_start3A_1626 : memref<1x32x1x1024xf32, #tpu.memory_space<hbm>> -> memref<32x1024xf32, #tpu.memory_space<hbm>>
      tpu.enqueue_dma source(%arg6 : memref<32x1024xf32, #tpu.memory_space<vmem>>) target(%dma_start3A_1627 : memref<32x1024xf32, #tpu.memory_space<hbm>>) target_semaphore(%run_scoped3A : memref<!tpu.dma_semaphore, #tpu.memory_space<semaphore_mem>>)
      %dma_wait3A = arith.constant 0 : i32
      %dma_wait3A_1628 = tpu.memref_slice %arg4[%reduce_max3A_899, %add3A_1616, %reduce_max3A_1419, %dma_wait3A] : memref<8x512x8x1024xf32, #tpu.memory_space<hbm>> -> memref<1x32x1x1024xf32, #tpu.memory_space<hbm>>
      %dma_wait3A_1629 = tpu.memref_squeeze %dma_wait3A_1628 : memref<1x32x1x1024xf32, #tpu.memory_space<hbm>> -> memref<32x1024xf32, #tpu.memory_space<hbm>>
      %dma_wait3A_1630 = arith.constant 0 : i32
      %dma_wait3A_1631 = tpu.memref_slice %arg4[%reduce_max3A_899, %add3A_1616, %reduce_max3A_1419, %dma_wait3A_1630] : memref<8x512x8x1024xf32, #tpu.memory_space<hbm>> -> memref<1x32x1x1024xf32, #tpu.memory_space<hbm>>
      %dma_wait3A_1632 = tpu.memref_squeeze %dma_wait3A_1631 : memref<1x32x1x1024xf32, #tpu.memory_space<hbm>> -> memref<32x1024xf32, #tpu.memory_space<hbm>>
      tpu.wait_dma2 semaphore(%run_scoped3A : memref<!tpu.dma_semaphore, #tpu.memory_space<semaphore_mem>>) src(%arg6 : memref<32x1024xf32, #tpu.memory_space<vmem>>) dst(%dma_wait3A_1632 : memref<32x1024xf32, #tpu.memory_space<hbm>>)
      tpu.yield
    }) : () -> ()
    "tpu.region"() ({
      %run_scoped3A = tpu.sem_alloc : memref<!tpu.dma_semaphore, #tpu.memory_space<semaphore_mem>>
      %dma_start3A = arith.constant 0 : i32
      %dma_start3A_1623 = tpu.memref_slice %arg4[%reduce_max3A_964, %add3A_1616, %reduce_max3A_1484, %dma_start3A] : memref<8x512x8x1024xf32, #tpu.memory_space<hbm>> -> memref<1x32x1x1024xf32, #tpu.memory_space<hbm>>
      %dma_start3A_1624 = tpu.memref_squeeze %dma_start3A_1623 : memref<1x32x1x1024xf32, #tpu.memory_space<hbm>> -> memref<32x1024xf32, #tpu.memory_space<hbm>>
      %dma_start3A_1625 = arith.constant 0 : i32
      %dma_start3A_1626 = tpu.memref_slice %arg4[%reduce_max3A_964, %add3A_1616, %reduce_max3A_1484, %dma_start3A_1625] : memref<8x512x8x1024xf32, #tpu.memory_space<hbm>> -> memref<1x32x1x1024xf32, #tpu.memory_space<hbm>>
      %dma_start3A_1627 = tpu.memref_squeeze %dma_start3A_1626 : memref<1x32x1x1024xf32, #tpu.memory_space<hbm>> -> memref<32x1024xf32, #tpu.memory_space<hbm>>
      tpu.enqueue_dma source(%arg6 : memref<32x1024xf32, #tpu.memory_space<vmem>>) target(%dma_start3A_1627 : memref<32x1024xf32, #tpu.memory_space<hbm>>) target_semaphore(%run_scoped3A : memref<!tpu.dma_semaphore, #tpu.memory_space<semaphore_mem>>)
      %dma_wait3A = arith.constant 0 : i32
      %dma_wait3A_1628 = tpu.memref_slice %arg4[%reduce_max3A_964, %add3A_1616, %reduce_max3A_1484, %dma_wait3A] : memref<8x512x8x1024xf32, #tpu.memory_space<hbm>> -> memref<1x32x1x1024xf32, #tpu.memory_space<hbm>>
      %dma_wait3A_1629 = tpu.memref_squeeze %dma_wait3A_1628 : memref<1x32x1x1024xf32, #tpu.memory_space<hbm>> -> memref<32x1024xf32, #tpu.memory_space<hbm>>
      %dma_wait3A_1630 = arith.constant 0 : i32
      %dma_wait3A_1631 = tpu.memref_slice %arg4[%reduce_max3A_964, %add3A_1616, %reduce_max3A_1484, %dma_wait3A_1630] : memref<8x512x8x1024xf32, #tpu.memory_space<hbm>> -> memref<1x32x1x1024xf32, #tpu.memory_space<hbm>>
      %dma_wait3A_1632 = tpu.memref_squeeze %dma_wait3A_1631 : memref<1x32x1x1024xf32, #tpu.memory_space<hbm>> -> memref<32x1024xf32, #tpu.memory_space<hbm>>
      tpu.wait_dma2 semaphore(%run_scoped3A : memref<!tpu.dma_semaphore, #tpu.memory_space<semaphore_mem>>) src(%arg6 : memref<32x1024xf32, #tpu.memory_space<vmem>>) dst(%dma_wait3A_1632 : memref<32x1024xf32, #tpu.memory_space<hbm>>)
      tpu.yield
    }) : () -> ()
    "tpu.region"() ({
      %run_scoped3A = tpu.sem_alloc : memref<!tpu.dma_semaphore, #tpu.memory_space<semaphore_mem>>
      %dma_start3A = arith.constant 0 : i32
      %dma_start3A_1623 = tpu.memref_slice %arg4[%reduce_max3A_1029, %add3A_1616, %reduce_max3A_1549, %dma_start3A] : memref<8x512x8x1024xf32, #tpu.memory_space<hbm>> -> memref<1x32x1x1024xf32, #tpu.memory_space<hbm>>
      %dma_start3A_1624 = tpu.memref_squeeze %dma_start3A_1623 : memref<1x32x1x1024xf32, #tpu.memory_space<hbm>> -> memref<32x1024xf32, #tpu.memory_space<hbm>>
      %dma_start3A_1625 = arith.constant 0 : i32
      %dma_start3A_1626 = tpu.memref_slice %arg4[%reduce_max3A_1029, %add3A_1616, %reduce_max3A_1549, %dma_start3A_1625] : memref<8x512x8x1024xf32, #tpu.memory_space<hbm>> -> memref<1x32x1x1024xf32, #tpu.memory_space<hbm>>
      %dma_start3A_1627 = tpu.memref_squeeze %dma_start3A_1626 : memref<1x32x1x1024xf32, #tpu.memory_space<hbm>> -> memref<32x1024xf32, #tpu.memory_space<hbm>>
      tpu.enqueue_dma source(%arg6 : memref<32x1024xf32, #tpu.memory_space<vmem>>) target(%dma_start3A_1627 : memref<32x1024xf32, #tpu.memory_space<hbm>>) target_semaphore(%run_scoped3A : memref<!tpu.dma_semaphore, #tpu.memory_space<semaphore_mem>>)
      %dma_wait3A = arith.constant 0 : i32
      %dma_wait3A_1628 = tpu.memref_slice %arg4[%reduce_max3A_1029, %add3A_1616, %reduce_max3A_1549, %dma_wait3A] : memref<8x512x8x1024xf32, #tpu.memory_space<hbm>> -> memref<1x32x1x1024xf32, #tpu.memory_space<hbm>>
      %dma_wait3A_1629 = tpu.memref_squeeze %dma_wait3A_1628 : memref<1x32x1x1024xf32, #tpu.memory_space<hbm>> -> memref<32x1024xf32, #tpu.memory_space<hbm>>
      %dma_wait3A_1630 = arith.constant 0 : i32
      %dma_wait3A_1631 = tpu.memref_slice %arg4[%reduce_max3A_1029, %add3A_1616, %reduce_max3A_1549, %dma_wait3A_1630] : memref<8x512x8x1024xf32, #tpu.memory_space<hbm>> -> memref<1x32x1x1024xf32, #tpu.memory_space<hbm>>
      %dma_wait3A_1632 = tpu.memref_squeeze %dma_wait3A_1631 : memref<1x32x1x1024xf32, #tpu.memory_space<hbm>> -> memref<32x1024xf32, #tpu.memory_space<hbm>>
      tpu.wait_dma2 semaphore(%run_scoped3A : memref<!tpu.dma_semaphore, #tpu.memory_space<semaphore_mem>>) src(%arg6 : memref<32x1024xf32, #tpu.memory_space<vmem>>) dst(%dma_wait3A_1632 : memref<32x1024xf32, #tpu.memory_space<hbm>>)
      tpu.yield
    }) : () -> ()
    "tpu.region"() ({
      %run_scoped3A = tpu.sem_alloc : memref<!tpu.dma_semaphore, #tpu.memory_space<semaphore_mem>>
      %dma_start3A = arith.constant 0 : i32
      %dma_start3A_1623 = tpu.memref_slice %arg4[%reduce_max3A_1094, %add3A_1616, %reduce_max3A_1614, %dma_start3A] : memref<8x512x8x1024xf32, #tpu.memory_space<hbm>> -> memref<1x32x1x1024xf32, #tpu.memory_space<hbm>>
      %dma_start3A_1624 = tpu.memref_squeeze %dma_start3A_1623 : memref<1x32x1x1024xf32, #tpu.memory_space<hbm>> -> memref<32x1024xf32, #tpu.memory_space<hbm>>
      %dma_start3A_1625 = arith.constant 0 : i32
      %dma_start3A_1626 = tpu.memref_slice %arg4[%reduce_max3A_1094, %add3A_1616, %reduce_max3A_1614, %dma_start3A_1625] : memref<8x512x8x1024xf32, #tpu.memory_space<hbm>> -> memref<1x32x1x1024xf32, #tpu.memory_space<hbm>>
      %dma_start3A_1627 = tpu.memref_squeeze %dma_start3A_1626 : memref<1x32x1x1024xf32, #tpu.memory_space<hbm>> -> memref<32x1024xf32, #tpu.memory_space<hbm>>
      tpu.enqueue_dma source(%arg6 : memref<32x1024xf32, #tpu.memory_space<vmem>>) target(%dma_start3A_1627 : memref<32x1024xf32, #tpu.memory_space<hbm>>) target_semaphore(%run_scoped3A : memref<!tpu.dma_semaphore, #tpu.memory_space<semaphore_mem>>)
      %dma_wait3A = arith.constant 0 : i32
      %dma_wait3A_1628 = tpu.memref_slice %arg4[%reduce_max3A_1094, %add3A_1616, %reduce_max3A_1614, %dma_wait3A] : memref<8x512x8x1024xf32, #tpu.memory_space<hbm>> -> memref<1x32x1x1024xf32, #tpu.memory_space<hbm>>
      %dma_wait3A_1629 = tpu.memref_squeeze %dma_wait3A_1628 : memref<1x32x1x1024xf32, #tpu.memory_space<hbm>> -> memref<32x1024xf32, #tpu.memory_space<hbm>>
      %dma_wait3A_1630 = arith.constant 0 : i32
      %dma_wait3A_1631 = tpu.memref_slice %arg4[%reduce_max3A_1094, %add3A_1616, %reduce_max3A_1614, %dma_wait3A_1630] : memref<8x512x8x1024xf32, #tpu.memory_space<hbm>> -> memref<1x32x1x1024xf32, #tpu.memory_space<hbm>>
      %dma_wait3A_1632 = tpu.memref_squeeze %dma_wait3A_1631 : memref<1x32x1x1024xf32, #tpu.memory_space<hbm>> -> memref<32x1024xf32, #tpu.memory_space<hbm>>
      tpu.wait_dma2 semaphore(%run_scoped3A : memref<!tpu.dma_semaphore, #tpu.memory_space<semaphore_mem>>) src(%arg6 : memref<32x1024xf32, #tpu.memory_space<vmem>>) dst(%dma_wait3A_1632 : memref<32x1024xf32, #tpu.memory_space<hbm>>)
      tpu.yield
    }) : () -> ()
    %add3A_1617 = arith.constant 32 : i32
    %add3A_1618 = arith.addi %mul3A_18, %add3A_1617 : i32
    "tpu.region"() ({
      %run_scoped3A = tpu.sem_alloc : memref<!tpu.dma_semaphore, #tpu.memory_space<semaphore_mem>>
      %dma_start3A = arith.constant 0 : i32
      %dma_start3A_1623 = tpu.memref_slice %arg4[%reduce_max3A_639, %add3A_1618, %reduce_max3A_1159, %dma_start3A] : memref<8x512x8x1024xf32, #tpu.memory_space<hbm>> -> memref<1x32x1x1024xf32, #tpu.memory_space<hbm>>
      %dma_start3A_1624 = tpu.memref_squeeze %dma_start3A_1623 : memref<1x32x1x1024xf32, #tpu.memory_space<hbm>> -> memref<32x1024xf32, #tpu.memory_space<hbm>>
      %dma_start3A_1625 = arith.constant 0 : i32
      %dma_start3A_1626 = tpu.memref_slice %arg4[%reduce_max3A_639, %add3A_1618, %reduce_max3A_1159, %dma_start3A_1625] : memref<8x512x8x1024xf32, #tpu.memory_space<hbm>> -> memref<1x32x1x1024xf32, #tpu.memory_space<hbm>>
      %dma_start3A_1627 = tpu.memref_squeeze %dma_start3A_1626 : memref<1x32x1x1024xf32, #tpu.memory_space<hbm>> -> memref<32x1024xf32, #tpu.memory_space<hbm>>
      tpu.enqueue_dma source(%arg6 : memref<32x1024xf32, #tpu.memory_space<vmem>>) target(%dma_start3A_1627 : memref<32x1024xf32, #tpu.memory_space<hbm>>) target_semaphore(%run_scoped3A : memref<!tpu.dma_semaphore, #tpu.memory_space<semaphore_mem>>)
      %dma_wait3A = arith.constant 0 : i32
      %dma_wait3A_1628 = tpu.memref_slice %arg4[%reduce_max3A_639, %add3A_1618, %reduce_max3A_1159, %dma_wait3A] : memref<8x512x8x1024xf32, #tpu.memory_space<hbm>> -> memref<1x32x1x1024xf32, #tpu.memory_space<hbm>>
      %dma_wait3A_1629 = tpu.memref_squeeze %dma_wait3A_1628 : memref<1x32x1x1024xf32, #tpu.memory_space<hbm>> -> memref<32x1024xf32, #tpu.memory_space<hbm>>
      %dma_wait3A_1630 = arith.constant 0 : i32
      %dma_wait3A_1631 = tpu.memref_slice %arg4[%reduce_max3A_639, %add3A_1618, %reduce_max3A_1159, %dma_wait3A_1630] : memref<8x512x8x1024xf32, #tpu.memory_space<hbm>> -> memref<1x32x1x1024xf32, #tpu.memory_space<hbm>>
      %dma_wait3A_1632 = tpu.memref_squeeze %dma_wait3A_1631 : memref<1x32x1x1024xf32, #tpu.memory_space<hbm>> -> memref<32x1024xf32, #tpu.memory_space<hbm>>
      tpu.wait_dma2 semaphore(%run_scoped3A : memref<!tpu.dma_semaphore, #tpu.memory_space<semaphore_mem>>) src(%arg6 : memref<32x1024xf32, #tpu.memory_space<vmem>>) dst(%dma_wait3A_1632 : memref<32x1024xf32, #tpu.memory_space<hbm>>)
      tpu.yield
    }) : () -> ()
    "tpu.region"() ({
      %run_scoped3A = tpu.sem_alloc : memref<!tpu.dma_semaphore, #tpu.memory_space<semaphore_mem>>
      %dma_start3A = arith.constant 0 : i32
      %dma_start3A_1623 = tpu.memref_slice %arg4[%reduce_max3A_704, %add3A_1618, %reduce_max3A_1224, %dma_start3A] : memref<8x512x8x1024xf32, #tpu.memory_space<hbm>> -> memref<1x32x1x1024xf32, #tpu.memory_space<hbm>>
      %dma_start3A_1624 = tpu.memref_squeeze %dma_start3A_1623 : memref<1x32x1x1024xf32, #tpu.memory_space<hbm>> -> memref<32x1024xf32, #tpu.memory_space<hbm>>
      %dma_start3A_1625 = arith.constant 0 : i32
      %dma_start3A_1626 = tpu.memref_slice %arg4[%reduce_max3A_704, %add3A_1618, %reduce_max3A_1224, %dma_start3A_1625] : memref<8x512x8x1024xf32, #tpu.memory_space<hbm>> -> memref<1x32x1x1024xf32, #tpu.memory_space<hbm>>
      %dma_start3A_1627 = tpu.memref_squeeze %dma_start3A_1626 : memref<1x32x1x1024xf32, #tpu.memory_space<hbm>> -> memref<32x1024xf32, #tpu.memory_space<hbm>>
      tpu.enqueue_dma source(%arg6 : memref<32x1024xf32, #tpu.memory_space<vmem>>) target(%dma_start3A_1627 : memref<32x1024xf32, #tpu.memory_space<hbm>>) target_semaphore(%run_scoped3A : memref<!tpu.dma_semaphore, #tpu.memory_space<semaphore_mem>>)
      %dma_wait3A = arith.constant 0 : i32
      %dma_wait3A_1628 = tpu.memref_slice %arg4[%reduce_max3A_704, %add3A_1618, %reduce_max3A_1224, %dma_wait3A] : memref<8x512x8x1024xf32, #tpu.memory_space<hbm>> -> memref<1x32x1x1024xf32, #tpu.memory_space<hbm>>
      %dma_wait3A_1629 = tpu.memref_squeeze %dma_wait3A_1628 : memref<1x32x1x1024xf32, #tpu.memory_space<hbm>> -> memref<32x1024xf32, #tpu.memory_space<hbm>>
      %dma_wait3A_1630 = arith.constant 0 : i32
      %dma_wait3A_1631 = tpu.memref_slice %arg4[%reduce_max3A_704, %add3A_1618, %reduce_max3A_1224, %dma_wait3A_1630] : memref<8x512x8x1024xf32, #tpu.memory_space<hbm>> -> memref<1x32x1x1024xf32, #tpu.memory_space<hbm>>
      %dma_wait3A_1632 = tpu.memref_squeeze %dma_wait3A_1631 : memref<1x32x1x1024xf32, #tpu.memory_space<hbm>> -> memref<32x1024xf32, #tpu.memory_space<hbm>>
      tpu.wait_dma2 semaphore(%run_scoped3A : memref<!tpu.dma_semaphore, #tpu.memory_space<semaphore_mem>>) src(%arg6 : memref<32x1024xf32, #tpu.memory_space<vmem>>) dst(%dma_wait3A_1632 : memref<32x1024xf32, #tpu.memory_space<hbm>>)
      tpu.yield
    }) : () -> ()
    "tpu.region"() ({
      %run_scoped3A = tpu.sem_alloc : memref<!tpu.dma_semaphore, #tpu.memory_space<semaphore_mem>>
      %dma_start3A = arith.constant 0 : i32
      %dma_start3A_1623 = tpu.memref_slice %arg4[%reduce_max3A_769, %add3A_1618, %reduce_max3A_1289, %dma_start3A] : memref<8x512x8x1024xf32, #tpu.memory_space<hbm>> -> memref<1x32x1x1024xf32, #tpu.memory_space<hbm>>
      %dma_start3A_1624 = tpu.memref_squeeze %dma_start3A_1623 : memref<1x32x1x1024xf32, #tpu.memory_space<hbm>> -> memref<32x1024xf32, #tpu.memory_space<hbm>>
      %dma_start3A_1625 = arith.constant 0 : i32
      %dma_start3A_1626 = tpu.memref_slice %arg4[%reduce_max3A_769, %add3A_1618, %reduce_max3A_1289, %dma_start3A_1625] : memref<8x512x8x1024xf32, #tpu.memory_space<hbm>> -> memref<1x32x1x1024xf32, #tpu.memory_space<hbm>>
      %dma_start3A_1627 = tpu.memref_squeeze %dma_start3A_1626 : memref<1x32x1x1024xf32, #tpu.memory_space<hbm>> -> memref<32x1024xf32, #tpu.memory_space<hbm>>
      tpu.enqueue_dma source(%arg6 : memref<32x1024xf32, #tpu.memory_space<vmem>>) target(%dma_start3A_1627 : memref<32x1024xf32, #tpu.memory_space<hbm>>) target_semaphore(%run_scoped3A : memref<!tpu.dma_semaphore, #tpu.memory_space<semaphore_mem>>)
      %dma_wait3A = arith.constant 0 : i32
      %dma_wait3A_1628 = tpu.memref_slice %arg4[%reduce_max3A_769, %add3A_1618, %reduce_max3A_1289, %dma_wait3A] : memref<8x512x8x1024xf32, #tpu.memory_space<hbm>> -> memref<1x32x1x1024xf32, #tpu.memory_space<hbm>>
      %dma_wait3A_1629 = tpu.memref_squeeze %dma_wait3A_1628 : memref<1x32x1x1024xf32, #tpu.memory_space<hbm>> -> memref<32x1024xf32, #tpu.memory_space<hbm>>
      %dma_wait3A_1630 = arith.constant 0 : i32
      %dma_wait3A_1631 = tpu.memref_slice %arg4[%reduce_max3A_769, %add3A_1618, %reduce_max3A_1289, %dma_wait3A_1630] : memref<8x512x8x1024xf32, #tpu.memory_space<hbm>> -> memref<1x32x1x1024xf32, #tpu.memory_space<hbm>>
      %dma_wait3A_1632 = tpu.memref_squeeze %dma_wait3A_1631 : memref<1x32x1x1024xf32, #tpu.memory_space<hbm>> -> memref<32x1024xf32, #tpu.memory_space<hbm>>
      tpu.wait_dma2 semaphore(%run_scoped3A : memref<!tpu.dma_semaphore, #tpu.memory_space<semaphore_mem>>) src(%arg6 : memref<32x1024xf32, #tpu.memory_space<vmem>>) dst(%dma_wait3A_1632 : memref<32x1024xf32, #tpu.memory_space<hbm>>)
      tpu.yield
    }) : () -> ()
    "tpu.region"() ({
      %run_scoped3A = tpu.sem_alloc : memref<!tpu.dma_semaphore, #tpu.memory_space<semaphore_mem>>
      %dma_start3A = arith.constant 0 : i32
      %dma_start3A_1623 = tpu.memref_slice %arg4[%reduce_max3A_834, %add3A_1618, %reduce_max3A_1354, %dma_start3A] : memref<8x512x8x1024xf32, #tpu.memory_space<hbm>> -> memref<1x32x1x1024xf32, #tpu.memory_space<hbm>>
      %dma_start3A_1624 = tpu.memref_squeeze %dma_start3A_1623 : memref<1x32x1x1024xf32, #tpu.memory_space<hbm>> -> memref<32x1024xf32, #tpu.memory_space<hbm>>
      %dma_start3A_1625 = arith.constant 0 : i32
      %dma_start3A_1626 = tpu.memref_slice %arg4[%reduce_max3A_834, %add3A_1618, %reduce_max3A_1354, %dma_start3A_1625] : memref<8x512x8x1024xf32, #tpu.memory_space<hbm>> -> memref<1x32x1x1024xf32, #tpu.memory_space<hbm>>
      %dma_start3A_1627 = tpu.memref_squeeze %dma_start3A_1626 : memref<1x32x1x1024xf32, #tpu.memory_space<hbm>> -> memref<32x1024xf32, #tpu.memory_space<hbm>>
      tpu.enqueue_dma source(%arg6 : memref<32x1024xf32, #tpu.memory_space<vmem>>) target(%dma_start3A_1627 : memref<32x1024xf32, #tpu.memory_space<hbm>>) target_semaphore(%run_scoped3A : memref<!tpu.dma_semaphore, #tpu.memory_space<semaphore_mem>>)
      %dma_wait3A = arith.constant 0 : i32
      %dma_wait3A_1628 = tpu.memref_slice %arg4[%reduce_max3A_834, %add3A_1618, %reduce_max3A_1354, %dma_wait3A] : memref<8x512x8x1024xf32, #tpu.memory_space<hbm>> -> memref<1x32x1x1024xf32, #tpu.memory_space<hbm>>
      %dma_wait3A_1629 = tpu.memref_squeeze %dma_wait3A_1628 : memref<1x32x1x1024xf32, #tpu.memory_space<hbm>> -> memref<32x1024xf32, #tpu.memory_space<hbm>>
      %dma_wait3A_1630 = arith.constant 0 : i32
      %dma_wait3A_1631 = tpu.memref_slice %arg4[%reduce_max3A_834, %add3A_1618, %reduce_max3A_1354, %dma_wait3A_1630] : memref<8x512x8x1024xf32, #tpu.memory_space<hbm>> -> memref<1x32x1x1024xf32, #tpu.memory_space<hbm>>
      %dma_wait3A_1632 = tpu.memref_squeeze %dma_wait3A_1631 : memref<1x32x1x1024xf32, #tpu.memory_space<hbm>> -> memref<32x1024xf32, #tpu.memory_space<hbm>>
      tpu.wait_dma2 semaphore(%run_scoped3A : memref<!tpu.dma_semaphore, #tpu.memory_space<semaphore_mem>>) src(%arg6 : memref<32x1024xf32, #tpu.memory_space<vmem>>) dst(%dma_wait3A_1632 : memref<32x1024xf32, #tpu.memory_space<hbm>>)
      tpu.yield
    }) : () -> ()
    "tpu.region"() ({
      %run_scoped3A = tpu.sem_alloc : memref<!tpu.dma_semaphore, #tpu.memory_space<semaphore_mem>>
      %dma_start3A = arith.constant 0 : i32
      %dma_start3A_1623 = tpu.memref_slice %arg4[%reduce_max3A_899, %add3A_1618, %reduce_max3A_1419, %dma_start3A] : memref<8x512x8x1024xf32, #tpu.memory_space<hbm>> -> memref<1x32x1x1024xf32, #tpu.memory_space<hbm>>
      %dma_start3A_1624 = tpu.memref_squeeze %dma_start3A_1623 : memref<1x32x1x1024xf32, #tpu.memory_space<hbm>> -> memref<32x1024xf32, #tpu.memory_space<hbm>>
      %dma_start3A_1625 = arith.constant 0 : i32
      %dma_start3A_1626 = tpu.memref_slice %arg4[%reduce_max3A_899, %add3A_1618, %reduce_max3A_1419, %dma_start3A_1625] : memref<8x512x8x1024xf32, #tpu.memory_space<hbm>> -> memref<1x32x1x1024xf32, #tpu.memory_space<hbm>>
      %dma_start3A_1627 = tpu.memref_squeeze %dma_start3A_1626 : memref<1x32x1x1024xf32, #tpu.memory_space<hbm>> -> memref<32x1024xf32, #tpu.memory_space<hbm>>
      tpu.enqueue_dma source(%arg6 : memref<32x1024xf32, #tpu.memory_space<vmem>>) target(%dma_start3A_1627 : memref<32x1024xf32, #tpu.memory_space<hbm>>) target_semaphore(%run_scoped3A : memref<!tpu.dma_semaphore, #tpu.memory_space<semaphore_mem>>)
      %dma_wait3A = arith.constant 0 : i32
      %dma_wait3A_1628 = tpu.memref_slice %arg4[%reduce_max3A_899, %add3A_1618, %reduce_max3A_1419, %dma_wait3A] : memref<8x512x8x1024xf32, #tpu.memory_space<hbm>> -> memref<1x32x1x1024xf32, #tpu.memory_space<hbm>>
      %dma_wait3A_1629 = tpu.memref_squeeze %dma_wait3A_1628 : memref<1x32x1x1024xf32, #tpu.memory_space<hbm>> -> memref<32x1024xf32, #tpu.memory_space<hbm>>
      %dma_wait3A_1630 = arith.constant 0 : i32
      %dma_wait3A_1631 = tpu.memref_slice %arg4[%reduce_max3A_899, %add3A_1618, %reduce_max3A_1419, %dma_wait3A_1630] : memref<8x512x8x1024xf32, #tpu.memory_space<hbm>> -> memref<1x32x1x1024xf32, #tpu.memory_space<hbm>>
      %dma_wait3A_1632 = tpu.memref_squeeze %dma_wait3A_1631 : memref<1x32x1x1024xf32, #tpu.memory_space<hbm>> -> memref<32x1024xf32, #tpu.memory_space<hbm>>
      tpu.wait_dma2 semaphore(%run_scoped3A : memref<!tpu.dma_semaphore, #tpu.memory_space<semaphore_mem>>) src(%arg6 : memref<32x1024xf32, #tpu.memory_space<vmem>>) dst(%dma_wait3A_1632 : memref<32x1024xf32, #tpu.memory_space<hbm>>)
      tpu.yield
    }) : () -> ()
    "tpu.region"() ({
      %run_scoped3A = tpu.sem_alloc : memref<!tpu.dma_semaphore, #tpu.memory_space<semaphore_mem>>
      %dma_start3A = arith.constant 0 : i32
      %dma_start3A_1623 = tpu.memref_slice %arg4[%reduce_max3A_964, %add3A_1618, %reduce_max3A_1484, %dma_start3A] : memref<8x512x8x1024xf32, #tpu.memory_space<hbm>> -> memref<1x32x1x1024xf32, #tpu.memory_space<hbm>>
      %dma_start3A_1624 = tpu.memref_squeeze %dma_start3A_1623 : memref<1x32x1x1024xf32, #tpu.memory_space<hbm>> -> memref<32x1024xf32, #tpu.memory_space<hbm>>
      %dma_start3A_1625 = arith.constant 0 : i32
      %dma_start3A_1626 = tpu.memref_slice %arg4[%reduce_max3A_964, %add3A_1618, %reduce_max3A_1484, %dma_start3A_1625] : memref<8x512x8x1024xf32, #tpu.memory_space<hbm>> -> memref<1x32x1x1024xf32, #tpu.memory_space<hbm>>
      %dma_start3A_1627 = tpu.memref_squeeze %dma_start3A_1626 : memref<1x32x1x1024xf32, #tpu.memory_space<hbm>> -> memref<32x1024xf32, #tpu.memory_space<hbm>>
      tpu.enqueue_dma source(%arg6 : memref<32x1024xf32, #tpu.memory_space<vmem>>) target(%dma_start3A_1627 : memref<32x1024xf32, #tpu.memory_space<hbm>>) target_semaphore(%run_scoped3A : memref<!tpu.dma_semaphore, #tpu.memory_space<semaphore_mem>>)
      %dma_wait3A = arith.constant 0 : i32
      %dma_wait3A_1628 = tpu.memref_slice %arg4[%reduce_max3A_964, %add3A_1618, %reduce_max3A_1484, %dma_wait3A] : memref<8x512x8x1024xf32, #tpu.memory_space<hbm>> -> memref<1x32x1x1024xf32, #tpu.memory_space<hbm>>
      %dma_wait3A_1629 = tpu.memref_squeeze %dma_wait3A_1628 : memref<1x32x1x1024xf32, #tpu.memory_space<hbm>> -> memref<32x1024xf32, #tpu.memory_space<hbm>>
      %dma_wait3A_1630 = arith.constant 0 : i32
      %dma_wait3A_1631 = tpu.memref_slice %arg4[%reduce_max3A_964, %add3A_1618, %reduce_max3A_1484, %dma_wait3A_1630] : memref<8x512x8x1024xf32, #tpu.memory_space<hbm>> -> memref<1x32x1x1024xf32, #tpu.memory_space<hbm>>
      %dma_wait3A_1632 = tpu.memref_squeeze %dma_wait3A_1631 : memref<1x32x1x1024xf32, #tpu.memory_space<hbm>> -> memref<32x1024xf32, #tpu.memory_space<hbm>>
      tpu.wait_dma2 semaphore(%run_scoped3A : memref<!tpu.dma_semaphore, #tpu.memory_space<semaphore_mem>>) src(%arg6 : memref<32x1024xf32, #tpu.memory_space<vmem>>) dst(%dma_wait3A_1632 : memref<32x1024xf32, #tpu.memory_space<hbm>>)
      tpu.yield
    }) : () -> ()
    "tpu.region"() ({
      %run_scoped3A = tpu.sem_alloc : memref<!tpu.dma_semaphore, #tpu.memory_space<semaphore_mem>>
      %dma_start3A = arith.constant 0 : i32
      %dma_start3A_1623 = tpu.memref_slice %arg4[%reduce_max3A_1029, %add3A_1618, %reduce_max3A_1549, %dma_start3A] : memref<8x512x8x1024xf32, #tpu.memory_space<hbm>> -> memref<1x32x1x1024xf32, #tpu.memory_space<hbm>>
      %dma_start3A_1624 = tpu.memref_squeeze %dma_start3A_1623 : memref<1x32x1x1024xf32, #tpu.memory_space<hbm>> -> memref<32x1024xf32, #tpu.memory_space<hbm>>
      %dma_start3A_1625 = arith.constant 0 : i32
      %dma_start3A_1626 = tpu.memref_slice %arg4[%reduce_max3A_1029, %add3A_1618, %reduce_max3A_1549, %dma_start3A_1625] : memref<8x512x8x1024xf32, #tpu.memory_space<hbm>> -> memref<1x32x1x1024xf32, #tpu.memory_space<hbm>>
      %dma_start3A_1627 = tpu.memref_squeeze %dma_start3A_1626 : memref<1x32x1x1024xf32, #tpu.memory_space<hbm>> -> memref<32x1024xf32, #tpu.memory_space<hbm>>
      tpu.enqueue_dma source(%arg6 : memref<32x1024xf32, #tpu.memory_space<vmem>>) target(%dma_start3A_1627 : memref<32x1024xf32, #tpu.memory_space<hbm>>) target_semaphore(%run_scoped3A : memref<!tpu.dma_semaphore, #tpu.memory_space<semaphore_mem>>)
      %dma_wait3A = arith.constant 0 : i32
      %dma_wait3A_1628 = tpu.memref_slice %arg4[%reduce_max3A_1029, %add3A_1618, %reduce_max3A_1549, %dma_wait3A] : memref<8x512x8x1024xf32, #tpu.memory_space<hbm>> -> memref<1x32x1x1024xf32, #tpu.memory_space<hbm>>
      %dma_wait3A_1629 = tpu.memref_squeeze %dma_wait3A_1628 : memref<1x32x1x1024xf32, #tpu.memory_space<hbm>> -> memref<32x1024xf32, #tpu.memory_space<hbm>>
      %dma_wait3A_1630 = arith.constant 0 : i32
      %dma_wait3A_1631 = tpu.memref_slice %arg4[%reduce_max3A_1029, %add3A_1618, %reduce_max3A_1549, %dma_wait3A_1630] : memref<8x512x8x1024xf32, #tpu.memory_space<hbm>> -> memref<1x32x1x1024xf32, #tpu.memory_space<hbm>>
      %dma_wait3A_1632 = tpu.memref_squeeze %dma_wait3A_1631 : memref<1x32x1x1024xf32, #tpu.memory_space<hbm>> -> memref<32x1024xf32, #tpu.memory_space<hbm>>
      tpu.wait_dma2 semaphore(%run_scoped3A : memref<!tpu.dma_semaphore, #tpu.memory_space<semaphore_mem>>) src(%arg6 : memref<32x1024xf32, #tpu.memory_space<vmem>>) dst(%dma_wait3A_1632 : memref<32x1024xf32, #tpu.memory_space<hbm>>)
      tpu.yield
    }) : () -> ()
    "tpu.region"() ({
      %run_scoped3A = tpu.sem_alloc : memref<!tpu.dma_semaphore, #tpu.memory_space<semaphore_mem>>
      %dma_start3A = arith.constant 0 : i32
      %dma_start3A_1623 = tpu.memref_slice %arg4[%reduce_max3A_1094, %add3A_1618, %reduce_max3A_1614, %dma_start3A] : memref<8x512x8x1024xf32, #tpu.memory_space<hbm>> -> memref<1x32x1x1024xf32, #tpu.memory_space<hbm>>
      %dma_start3A_1624 = tpu.memref_squeeze %dma_start3A_1623 : memref<1x32x1x1024xf32, #tpu.memory_space<hbm>> -> memref<32x1024xf32, #tpu.memory_space<hbm>>
      %dma_start3A_1625 = arith.constant 0 : i32
      %dma_start3A_1626 = tpu.memref_slice %arg4[%reduce_max3A_1094, %add3A_1618, %reduce_max3A_1614, %dma_start3A_1625] : memref<8x512x8x1024xf32, #tpu.memory_space<hbm>> -> memref<1x32x1x1024xf32, #tpu.memory_space<hbm>>
      %dma_start3A_1627 = tpu.memref_squeeze %dma_start3A_1626 : memref<1x32x1x1024xf32, #tpu.memory_space<hbm>> -> memref<32x1024xf32, #tpu.memory_space<hbm>>
      tpu.enqueue_dma source(%arg6 : memref<32x1024xf32, #tpu.memory_space<vmem>>) target(%dma_start3A_1627 : memref<32x1024xf32, #tpu.memory_space<hbm>>) target_semaphore(%run_scoped3A : memref<!tpu.dma_semaphore, #tpu.memory_space<semaphore_mem>>)
      %dma_wait3A = arith.constant 0 : i32
      %dma_wait3A_1628 = tpu.memref_slice %arg4[%reduce_max3A_1094, %add3A_1618, %reduce_max3A_1614, %dma_wait3A] : memref<8x512x8x1024xf32, #tpu.memory_space<hbm>> -> memref<1x32x1x1024xf32, #tpu.memory_space<hbm>>
      %dma_wait3A_1629 = tpu.memref_squeeze %dma_wait3A_1628 : memref<1x32x1x1024xf32, #tpu.memory_space<hbm>> -> memref<32x1024xf32, #tpu.memory_space<hbm>>
      %dma_wait3A_1630 = arith.constant 0 : i32
      %dma_wait3A_1631 = tpu.memref_slice %arg4[%reduce_max3A_1094, %add3A_1618, %reduce_max3A_1614, %dma_wait3A_1630] : memref<8x512x8x1024xf32, #tpu.memory_space<hbm>> -> memref<1x32x1x1024xf32, #tpu.memory_space<hbm>>
      %dma_wait3A_1632 = tpu.memref_squeeze %dma_wait3A_1631 : memref<1x32x1x1024xf32, #tpu.memory_space<hbm>> -> memref<32x1024xf32, #tpu.memory_space<hbm>>
      tpu.wait_dma2 semaphore(%run_scoped3A : memref<!tpu.dma_semaphore, #tpu.memory_space<semaphore_mem>>) src(%arg6 : memref<32x1024xf32, #tpu.memory_space<vmem>>) dst(%dma_wait3A_1632 : memref<32x1024xf32, #tpu.memory_space<hbm>>)
      tpu.yield
    }) : () -> ()
    %add3A_1619 = arith.constant 64 : i32
    %add3A_1620 = arith.addi %mul3A_18, %add3A_1619 : i32
    "tpu.region"() ({
      %run_scoped3A = tpu.sem_alloc : memref<!tpu.dma_semaphore, #tpu.memory_space<semaphore_mem>>
      %dma_start3A = arith.constant 0 : i32
      %dma_start3A_1623 = tpu.memref_slice %arg4[%reduce_max3A_639, %add3A_1620, %reduce_max3A_1159, %dma_start3A] : memref<8x512x8x1024xf32, #tpu.memory_space<hbm>> -> memref<1x32x1x1024xf32, #tpu.memory_space<hbm>>
      %dma_start3A_1624 = tpu.memref_squeeze %dma_start3A_1623 : memref<1x32x1x1024xf32, #tpu.memory_space<hbm>> -> memref<32x1024xf32, #tpu.memory_space<hbm>>
      %dma_start3A_1625 = arith.constant 0 : i32
      %dma_start3A_1626 = tpu.memref_slice %arg4[%reduce_max3A_639, %add3A_1620, %reduce_max3A_1159, %dma_start3A_1625] : memref<8x512x8x1024xf32, #tpu.memory_space<hbm>> -> memref<1x32x1x1024xf32, #tpu.memory_space<hbm>>
      %dma_start3A_1627 = tpu.memref_squeeze %dma_start3A_1626 : memref<1x32x1x1024xf32, #tpu.memory_space<hbm>> -> memref<32x1024xf32, #tpu.memory_space<hbm>>
      tpu.enqueue_dma source(%arg6 : memref<32x1024xf32, #tpu.memory_space<vmem>>) target(%dma_start3A_1627 : memref<32x1024xf32, #tpu.memory_space<hbm>>) target_semaphore(%run_scoped3A : memref<!tpu.dma_semaphore, #tpu.memory_space<semaphore_mem>>)
      %dma_wait3A = arith.constant 0 : i32
      %dma_wait3A_1628 = tpu.memref_slice %arg4[%reduce_max3A_639, %add3A_1620, %reduce_max3A_1159, %dma_wait3A] : memref<8x512x8x1024xf32, #tpu.memory_space<hbm>> -> memref<1x32x1x1024xf32, #tpu.memory_space<hbm>>
      %dma_wait3A_1629 = tpu.memref_squeeze %dma_wait3A_1628 : memref<1x32x1x1024xf32, #tpu.memory_space<hbm>> -> memref<32x1024xf32, #tpu.memory_space<hbm>>
      %dma_wait3A_1630 = arith.constant 0 : i32
      %dma_wait3A_1631 = tpu.memref_slice %arg4[%reduce_max3A_639, %add3A_1620, %reduce_max3A_1159, %dma_wait3A_1630] : memref<8x512x8x1024xf32, #tpu.memory_space<hbm>> -> memref<1x32x1x1024xf32, #tpu.memory_space<hbm>>
      %dma_wait3A_1632 = tpu.memref_squeeze %dma_wait3A_1631 : memref<1x32x1x1024xf32, #tpu.memory_space<hbm>> -> memref<32x1024xf32, #tpu.memory_space<hbm>>
      tpu.wait_dma2 semaphore(%run_scoped3A : memref<!tpu.dma_semaphore, #tpu.memory_space<semaphore_mem>>) src(%arg6 : memref<32x1024xf32, #tpu.memory_space<vmem>>) dst(%dma_wait3A_1632 : memref<32x1024xf32, #tpu.memory_space<hbm>>)
      tpu.yield
    }) : () -> ()
    "tpu.region"() ({
      %run_scoped3A = tpu.sem_alloc : memref<!tpu.dma_semaphore, #tpu.memory_space<semaphore_mem>>
      %dma_start3A = arith.constant 0 : i32
      %dma_start3A_1623 = tpu.memref_slice %arg4[%reduce_max3A_704, %add3A_1620, %reduce_max3A_1224, %dma_start3A] : memref<8x512x8x1024xf32, #tpu.memory_space<hbm>> -> memref<1x32x1x1024xf32, #tpu.memory_space<hbm>>
      %dma_start3A_1624 = tpu.memref_squeeze %dma_start3A_1623 : memref<1x32x1x1024xf32, #tpu.memory_space<hbm>> -> memref<32x1024xf32, #tpu.memory_space<hbm>>
      %dma_start3A_1625 = arith.constant 0 : i32
      %dma_start3A_1626 = tpu.memref_slice %arg4[%reduce_max3A_704, %add3A_1620, %reduce_max3A_1224, %dma_start3A_1625] : memref<8x512x8x1024xf32, #tpu.memory_space<hbm>> -> memref<1x32x1x1024xf32, #tpu.memory_space<hbm>>
      %dma_start3A_1627 = tpu.memref_squeeze %dma_start3A_1626 : memref<1x32x1x1024xf32, #tpu.memory_space<hbm>> -> memref<32x1024xf32, #tpu.memory_space<hbm>>
      tpu.enqueue_dma source(%arg6 : memref<32x1024xf32, #tpu.memory_space<vmem>>) target(%dma_start3A_1627 : memref<32x1024xf32, #tpu.memory_space<hbm>>) target_semaphore(%run_scoped3A : memref<!tpu.dma_semaphore, #tpu.memory_space<semaphore_mem>>)
      %dma_wait3A = arith.constant 0 : i32
      %dma_wait3A_1628 = tpu.memref_slice %arg4[%reduce_max3A_704, %add3A_1620, %reduce_max3A_1224, %dma_wait3A] : memref<8x512x8x1024xf32, #tpu.memory_space<hbm>> -> memref<1x32x1x1024xf32, #tpu.memory_space<hbm>>
      %dma_wait3A_1629 = tpu.memref_squeeze %dma_wait3A_1628 : memref<1x32x1x1024xf32, #tpu.memory_space<hbm>> -> memref<32x1024xf32, #tpu.memory_space<hbm>>
      %dma_wait3A_1630 = arith.constant 0 : i32
      %dma_wait3A_1631 = tpu.memref_slice %arg4[%reduce_max3A_704, %add3A_1620, %reduce_max3A_1224, %dma_wait3A_1630] : memref<8x512x8x1024xf32, #tpu.memory_space<hbm>> -> memref<1x32x1x1024xf32, #tpu.memory_space<hbm>>
      %dma_wait3A_1632 = tpu.memref_squeeze %dma_wait3A_1631 : memref<1x32x1x1024xf32, #tpu.memory_space<hbm>> -> memref<32x1024xf32, #tpu.memory_space<hbm>>
      tpu.wait_dma2 semaphore(%run_scoped3A : memref<!tpu.dma_semaphore, #tpu.memory_space<semaphore_mem>>) src(%arg6 : memref<32x1024xf32, #tpu.memory_space<vmem>>) dst(%dma_wait3A_1632 : memref<32x1024xf32, #tpu.memory_space<hbm>>)
      tpu.yield
    }) : () -> ()
    "tpu.region"() ({
      %run_scoped3A = tpu.sem_alloc : memref<!tpu.dma_semaphore, #tpu.memory_space<semaphore_mem>>
      %dma_start3A = arith.constant 0 : i32
      %dma_start3A_1623 = tpu.memref_slice %arg4[%reduce_max3A_769, %add3A_1620, %reduce_max3A_1289, %dma_start3A] : memref<8x512x8x1024xf32, #tpu.memory_space<hbm>> -> memref<1x32x1x1024xf32, #tpu.memory_space<hbm>>
      %dma_start3A_1624 = tpu.memref_squeeze %dma_start3A_1623 : memref<1x32x1x1024xf32, #tpu.memory_space<hbm>> -> memref<32x1024xf32, #tpu.memory_space<hbm>>
      %dma_start3A_1625 = arith.constant 0 : i32
      %dma_start3A_1626 = tpu.memref_slice %arg4[%reduce_max3A_769, %add3A_1620, %reduce_max3A_1289, %dma_start3A_1625] : memref<8x512x8x1024xf32, #tpu.memory_space<hbm>> -> memref<1x32x1x1024xf32, #tpu.memory_space<hbm>>
      %dma_start3A_1627 = tpu.memref_squeeze %dma_start3A_1626 : memref<1x32x1x1024xf32, #tpu.memory_space<hbm>> -> memref<32x1024xf32, #tpu.memory_space<hbm>>
      tpu.enqueue_dma source(%arg6 : memref<32x1024xf32, #tpu.memory_space<vmem>>) target(%dma_start3A_1627 : memref<32x1024xf32, #tpu.memory_space<hbm>>) target_semaphore(%run_scoped3A : memref<!tpu.dma_semaphore, #tpu.memory_space<semaphore_mem>>)
      %dma_wait3A = arith.constant 0 : i32
      %dma_wait3A_1628 = tpu.memref_slice %arg4[%reduce_max3A_769, %add3A_1620, %reduce_max3A_1289, %dma_wait3A] : memref<8x512x8x1024xf32, #tpu.memory_space<hbm>> -> memref<1x32x1x1024xf32, #tpu.memory_space<hbm>>
      %dma_wait3A_1629 = tpu.memref_squeeze %dma_wait3A_1628 : memref<1x32x1x1024xf32, #tpu.memory_space<hbm>> -> memref<32x1024xf32, #tpu.memory_space<hbm>>
      %dma_wait3A_1630 = arith.constant 0 : i32
      %dma_wait3A_1631 = tpu.memref_slice %arg4[%reduce_max3A_769, %add3A_1620, %reduce_max3A_1289, %dma_wait3A_1630] : memref<8x512x8x1024xf32, #tpu.memory_space<hbm>> -> memref<1x32x1x1024xf32, #tpu.memory_space<hbm>>
      %dma_wait3A_1632 = tpu.memref_squeeze %dma_wait3A_1631 : memref<1x32x1x1024xf32, #tpu.memory_space<hbm>> -> memref<32x1024xf32, #tpu.memory_space<hbm>>
      tpu.wait_dma2 semaphore(%run_scoped3A : memref<!tpu.dma_semaphore, #tpu.memory_space<semaphore_mem>>) src(%arg6 : memref<32x1024xf32, #tpu.memory_space<vmem>>) dst(%dma_wait3A_1632 : memref<32x1024xf32, #tpu.memory_space<hbm>>)
      tpu.yield
    }) : () -> ()
    "tpu.region"() ({
      %run_scoped3A = tpu.sem_alloc : memref<!tpu.dma_semaphore, #tpu.memory_space<semaphore_mem>>
      %dma_start3A = arith.constant 0 : i32
      %dma_start3A_1623 = tpu.memref_slice %arg4[%reduce_max3A_834, %add3A_1620, %reduce_max3A_1354, %dma_start3A] : memref<8x512x8x1024xf32, #tpu.memory_space<hbm>> -> memref<1x32x1x1024xf32, #tpu.memory_space<hbm>>
      %dma_start3A_1624 = tpu.memref_squeeze %dma_start3A_1623 : memref<1x32x1x1024xf32, #tpu.memory_space<hbm>> -> memref<32x1024xf32, #tpu.memory_space<hbm>>
      %dma_start3A_1625 = arith.constant 0 : i32
      %dma_start3A_1626 = tpu.memref_slice %arg4[%reduce_max3A_834, %add3A_1620, %reduce_max3A_1354, %dma_start3A_1625] : memref<8x512x8x1024xf32, #tpu.memory_space<hbm>> -> memref<1x32x1x1024xf32, #tpu.memory_space<hbm>>
      %dma_start3A_1627 = tpu.memref_squeeze %dma_start3A_1626 : memref<1x32x1x1024xf32, #tpu.memory_space<hbm>> -> memref<32x1024xf32, #tpu.memory_space<hbm>>
      tpu.enqueue_dma source(%arg6 : memref<32x1024xf32, #tpu.memory_space<vmem>>) target(%dma_start3A_1627 : memref<32x1024xf32, #tpu.memory_space<hbm>>) target_semaphore(%run_scoped3A : memref<!tpu.dma_semaphore, #tpu.memory_space<semaphore_mem>>)
      %dma_wait3A = arith.constant 0 : i32
      %dma_wait3A_1628 = tpu.memref_slice %arg4[%reduce_max3A_834, %add3A_1620, %reduce_max3A_1354, %dma_wait3A] : memref<8x512x8x1024xf32, #tpu.memory_space<hbm>> -> memref<1x32x1x1024xf32, #tpu.memory_space<hbm>>
      %dma_wait3A_1629 = tpu.memref_squeeze %dma_wait3A_1628 : memref<1x32x1x1024xf32, #tpu.memory_space<hbm>> -> memref<32x1024xf32, #tpu.memory_space<hbm>>
      %dma_wait3A_1630 = arith.constant 0 : i32
      %dma_wait3A_1631 = tpu.memref_slice %arg4[%reduce_max3A_834, %add3A_1620, %reduce_max3A_1354, %dma_wait3A_1630] : memref<8x512x8x1024xf32, #tpu.memory_space<hbm>> -> memref<1x32x1x1024xf32, #tpu.memory_space<hbm>>
      %dma_wait3A_1632 = tpu.memref_squeeze %dma_wait3A_1631 : memref<1x32x1x1024xf32, #tpu.memory_space<hbm>> -> memref<32x1024xf32, #tpu.memory_space<hbm>>
      tpu.wait_dma2 semaphore(%run_scoped3A : memref<!tpu.dma_semaphore, #tpu.memory_space<semaphore_mem>>) src(%arg6 : memref<32x1024xf32, #tpu.memory_space<vmem>>) dst(%dma_wait3A_1632 : memref<32x1024xf32, #tpu.memory_space<hbm>>)
      tpu.yield
    }) : () -> ()
    "tpu.region"() ({
      %run_scoped3A = tpu.sem_alloc : memref<!tpu.dma_semaphore, #tpu.memory_space<semaphore_mem>>
      %dma_start3A = arith.constant 0 : i32
      %dma_start3A_1623 = tpu.memref_slice %arg4[%reduce_max3A_899, %add3A_1620, %reduce_max3A_1419, %dma_start3A] : memref<8x512x8x1024xf32, #tpu.memory_space<hbm>> -> memref<1x32x1x1024xf32, #tpu.memory_space<hbm>>
      %dma_start3A_1624 = tpu.memref_squeeze %dma_start3A_1623 : memref<1x32x1x1024xf32, #tpu.memory_space<hbm>> -> memref<32x1024xf32, #tpu.memory_space<hbm>>
      %dma_start3A_1625 = arith.constant 0 : i32
      %dma_start3A_1626 = tpu.memref_slice %arg4[%reduce_max3A_899, %add3A_1620, %reduce_max3A_1419, %dma_start3A_1625] : memref<8x512x8x1024xf32, #tpu.memory_space<hbm>> -> memref<1x32x1x1024xf32, #tpu.memory_space<hbm>>
      %dma_start3A_1627 = tpu.memref_squeeze %dma_start3A_1626 : memref<1x32x1x1024xf32, #tpu.memory_space<hbm>> -> memref<32x1024xf32, #tpu.memory_space<hbm>>
      tpu.enqueue_dma source(%arg6 : memref<32x1024xf32, #tpu.memory_space<vmem>>) target(%dma_start3A_1627 : memref<32x1024xf32, #tpu.memory_space<hbm>>) target_semaphore(%run_scoped3A : memref<!tpu.dma_semaphore, #tpu.memory_space<semaphore_mem>>)
      %dma_wait3A = arith.constant 0 : i32
      %dma_wait3A_1628 = tpu.memref_slice %arg4[%reduce_max3A_899, %add3A_1620, %reduce_max3A_1419, %dma_wait3A] : memref<8x512x8x1024xf32, #tpu.memory_space<hbm>> -> memref<1x32x1x1024xf32, #tpu.memory_space<hbm>>
      %dma_wait3A_1629 = tpu.memref_squeeze %dma_wait3A_1628 : memref<1x32x1x1024xf32, #tpu.memory_space<hbm>> -> memref<32x1024xf32, #tpu.memory_space<hbm>>
      %dma_wait3A_1630 = arith.constant 0 : i32
      %dma_wait3A_1631 = tpu.memref_slice %arg4[%reduce_max3A_899, %add3A_1620, %reduce_max3A_1419, %dma_wait3A_1630] : memref<8x512x8x1024xf32, #tpu.memory_space<hbm>> -> memref<1x32x1x1024xf32, #tpu.memory_space<hbm>>
      %dma_wait3A_1632 = tpu.memref_squeeze %dma_wait3A_1631 : memref<1x32x1x1024xf32, #tpu.memory_space<hbm>> -> memref<32x1024xf32, #tpu.memory_space<hbm>>
      tpu.wait_dma2 semaphore(%run_scoped3A : memref<!tpu.dma_semaphore, #tpu.memory_space<semaphore_mem>>) src(%arg6 : memref<32x1024xf32, #tpu.memory_space<vmem>>) dst(%dma_wait3A_1632 : memref<32x1024xf32, #tpu.memory_space<hbm>>)
      tpu.yield
    }) : () -> ()
    "tpu.region"() ({
      %run_scoped3A = tpu.sem_alloc : memref<!tpu.dma_semaphore, #tpu.memory_space<semaphore_mem>>
      %dma_start3A = arith.constant 0 : i32
      %dma_start3A_1623 = tpu.memref_slice %arg4[%reduce_max3A_964, %add3A_1620, %reduce_max3A_1484, %dma_start3A] : memref<8x512x8x1024xf32, #tpu.memory_space<hbm>> -> memref<1x32x1x1024xf32, #tpu.memory_space<hbm>>
      %dma_start3A_1624 = tpu.memref_squeeze %dma_start3A_1623 : memref<1x32x1x1024xf32, #tpu.memory_space<hbm>> -> memref<32x1024xf32, #tpu.memory_space<hbm>>
      %dma_start3A_1625 = arith.constant 0 : i32
      %dma_start3A_1626 = tpu.memref_slice %arg4[%reduce_max3A_964, %add3A_1620, %reduce_max3A_1484, %dma_start3A_1625] : memref<8x512x8x1024xf32, #tpu.memory_space<hbm>> -> memref<1x32x1x1024xf32, #tpu.memory_space<hbm>>
      %dma_start3A_1627 = tpu.memref_squeeze %dma_start3A_1626 : memref<1x32x1x1024xf32, #tpu.memory_space<hbm>> -> memref<32x1024xf32, #tpu.memory_space<hbm>>
      tpu.enqueue_dma source(%arg6 : memref<32x1024xf32, #tpu.memory_space<vmem>>) target(%dma_start3A_1627 : memref<32x1024xf32, #tpu.memory_space<hbm>>) target_semaphore(%run_scoped3A : memref<!tpu.dma_semaphore, #tpu.memory_space<semaphore_mem>>)
      %dma_wait3A = arith.constant 0 : i32
      %dma_wait3A_1628 = tpu.memref_slice %arg4[%reduce_max3A_964, %add3A_1620, %reduce_max3A_1484, %dma_wait3A] : memref<8x512x8x1024xf32, #tpu.memory_space<hbm>> -> memref<1x32x1x1024xf32, #tpu.memory_space<hbm>>
      %dma_wait3A_1629 = tpu.memref_squeeze %dma_wait3A_1628 : memref<1x32x1x1024xf32, #tpu.memory_space<hbm>> -> memref<32x1024xf32, #tpu.memory_space<hbm>>
      %dma_wait3A_1630 = arith.constant 0 : i32
      %dma_wait3A_1631 = tpu.memref_slice %arg4[%reduce_max3A_964, %add3A_1620, %reduce_max3A_1484, %dma_wait3A_1630] : memref<8x512x8x1024xf32, #tpu.memory_space<hbm>> -> memref<1x32x1x1024xf32, #tpu.memory_space<hbm>>
      %dma_wait3A_1632 = tpu.memref_squeeze %dma_wait3A_1631 : memref<1x32x1x1024xf32, #tpu.memory_space<hbm>> -> memref<32x1024xf32, #tpu.memory_space<hbm>>
      tpu.wait_dma2 semaphore(%run_scoped3A : memref<!tpu.dma_semaphore, #tpu.memory_space<semaphore_mem>>) src(%arg6 : memref<32x1024xf32, #tpu.memory_space<vmem>>) dst(%dma_wait3A_1632 : memref<32x1024xf32, #tpu.memory_space<hbm>>)
      tpu.yield
    }) : () -> ()
    "tpu.region"() ({
      %run_scoped3A = tpu.sem_alloc : memref<!tpu.dma_semaphore, #tpu.memory_space<semaphore_mem>>
      %dma_start3A = arith.constant 0 : i32
      %dma_start3A_1623 = tpu.memref_slice %arg4[%reduce_max3A_1029, %add3A_1620, %reduce_max3A_1549, %dma_start3A] : memref<8x512x8x1024xf32, #tpu.memory_space<hbm>> -> memref<1x32x1x1024xf32, #tpu.memory_space<hbm>>
      %dma_start3A_1624 = tpu.memref_squeeze %dma_start3A_1623 : memref<1x32x1x1024xf32, #tpu.memory_space<hbm>> -> memref<32x1024xf32, #tpu.memory_space<hbm>>
      %dma_start3A_1625 = arith.constant 0 : i32
      %dma_start3A_1626 = tpu.memref_slice %arg4[%reduce_max3A_1029, %add3A_1620, %reduce_max3A_1549, %dma_start3A_1625] : memref<8x512x8x1024xf32, #tpu.memory_space<hbm>> -> memref<1x32x1x1024xf32, #tpu.memory_space<hbm>>
      %dma_start3A_1627 = tpu.memref_squeeze %dma_start3A_1626 : memref<1x32x1x1024xf32, #tpu.memory_space<hbm>> -> memref<32x1024xf32, #tpu.memory_space<hbm>>
      tpu.enqueue_dma source(%arg6 : memref<32x1024xf32, #tpu.memory_space<vmem>>) target(%dma_start3A_1627 : memref<32x1024xf32, #tpu.memory_space<hbm>>) target_semaphore(%run_scoped3A : memref<!tpu.dma_semaphore, #tpu.memory_space<semaphore_mem>>)
      %dma_wait3A = arith.constant 0 : i32
      %dma_wait3A_1628 = tpu.memref_slice %arg4[%reduce_max3A_1029, %add3A_1620, %reduce_max3A_1549, %dma_wait3A] : memref<8x512x8x1024xf32, #tpu.memory_space<hbm>> -> memref<1x32x1x1024xf32, #tpu.memory_space<hbm>>
      %dma_wait3A_1629 = tpu.memref_squeeze %dma_wait3A_1628 : memref<1x32x1x1024xf32, #tpu.memory_space<hbm>> -> memref<32x1024xf32, #tpu.memory_space<hbm>>
      %dma_wait3A_1630 = arith.constant 0 : i32
      %dma_wait3A_1631 = tpu.memref_slice %arg4[%reduce_max3A_1029, %add3A_1620, %reduce_max3A_1549, %dma_wait3A_1630] : memref<8x512x8x1024xf32, #tpu.memory_space<hbm>> -> memref<1x32x1x1024xf32, #tpu.memory_space<hbm>>
      %dma_wait3A_1632 = tpu.memref_squeeze %dma_wait3A_1631 : memref<1x32x1x1024xf32, #tpu.memory_space<hbm>> -> memref<32x1024xf32, #tpu.memory_space<hbm>>
      tpu.wait_dma2 semaphore(%run_scoped3A : memref<!tpu.dma_semaphore, #tpu.memory_space<semaphore_mem>>) src(%arg6 : memref<32x1024xf32, #tpu.memory_space<vmem>>) dst(%dma_wait3A_1632 : memref<32x1024xf32, #tpu.memory_space<hbm>>)
      tpu.yield
    }) : () -> ()
    "tpu.region"() ({
      %run_scoped3A = tpu.sem_alloc : memref<!tpu.dma_semaphore, #tpu.memory_space<semaphore_mem>>
      %dma_start3A = arith.constant 0 : i32
      %dma_start3A_1623 = tpu.memref_slice %arg4[%reduce_max3A_1094, %add3A_1620, %reduce_max3A_1614, %dma_start3A] : memref<8x512x8x1024xf32, #tpu.memory_space<hbm>> -> memref<1x32x1x1024xf32, #tpu.memory_space<hbm>>
      %dma_start3A_1624 = tpu.memref_squeeze %dma_start3A_1623 : memref<1x32x1x1024xf32, #tpu.memory_space<hbm>> -> memref<32x1024xf32, #tpu.memory_space<hbm>>
      %dma_start3A_1625 = arith.constant 0 : i32
      %dma_start3A_1626 = tpu.memref_slice %arg4[%reduce_max3A_1094, %add3A_1620, %reduce_max3A_1614, %dma_start3A_1625] : memref<8x512x8x1024xf32, #tpu.memory_space<hbm>> -> memref<1x32x1x1024xf32, #tpu.memory_space<hbm>>
      %dma_start3A_1627 = tpu.memref_squeeze %dma_start3A_1626 : memref<1x32x1x1024xf32, #tpu.memory_space<hbm>> -> memref<32x1024xf32, #tpu.memory_space<hbm>>
      tpu.enqueue_dma source(%arg6 : memref<32x1024xf32, #tpu.memory_space<vmem>>) target(%dma_start3A_1627 : memref<32x1024xf32, #tpu.memory_space<hbm>>) target_semaphore(%run_scoped3A : memref<!tpu.dma_semaphore, #tpu.memory_space<semaphore_mem>>)
      %dma_wait3A = arith.constant 0 : i32
      %dma_wait3A_1628 = tpu.memref_slice %arg4[%reduce_max3A_1094, %add3A_1620, %reduce_max3A_1614, %dma_wait3A] : memref<8x512x8x1024xf32, #tpu.memory_space<hbm>> -> memref<1x32x1x1024xf32, #tpu.memory_space<hbm>>
      %dma_wait3A_1629 = tpu.memref_squeeze %dma_wait3A_1628 : memref<1x32x1x1024xf32, #tpu.memory_space<hbm>> -> memref<32x1024xf32, #tpu.memory_space<hbm>>
      %dma_wait3A_1630 = arith.constant 0 : i32
      %dma_wait3A_1631 = tpu.memref_slice %arg4[%reduce_max3A_1094, %add3A_1620, %reduce_max3A_1614, %dma_wait3A_1630] : memref<8x512x8x1024xf32, #tpu.memory_space<hbm>> -> memref<1x32x1x1024xf32, #tpu.memory_space<hbm>>
      %dma_wait3A_1632 = tpu.memref_squeeze %dma_wait3A_1631 : memref<1x32x1x1024xf32, #tpu.memory_space<hbm>> -> memref<32x1024xf32, #tpu.memory_space<hbm>>
      tpu.wait_dma2 semaphore(%run_scoped3A : memref<!tpu.dma_semaphore, #tpu.memory_space<semaphore_mem>>) src(%arg6 : memref<32x1024xf32, #tpu.memory_space<vmem>>) dst(%dma_wait3A_1632 : memref<32x1024xf32, #tpu.memory_space<hbm>>)
      tpu.yield
    }) : () -> ()
    %add3A_1621 = arith.constant 96 : i32
    %add3A_1622 = arith.addi %mul3A_18, %add3A_1621 : i32
    "tpu.region"() ({
      %run_scoped3A = tpu.sem_alloc : memref<!tpu.dma_semaphore, #tpu.memory_space<semaphore_mem>>
      %dma_start3A = arith.constant 0 : i32
      %dma_start3A_1623 = tpu.memref_slice %arg4[%reduce_max3A_639, %add3A_1622, %reduce_max3A_1159, %dma_start3A] : memref<8x512x8x1024xf32, #tpu.memory_space<hbm>> -> memref<1x32x1x1024xf32, #tpu.memory_space<hbm>>
      %dma_start3A_1624 = tpu.memref_squeeze %dma_start3A_1623 : memref<1x32x1x1024xf32, #tpu.memory_space<hbm>> -> memref<32x1024xf32, #tpu.memory_space<hbm>>
      %dma_start3A_1625 = arith.constant 0 : i32
      %dma_start3A_1626 = tpu.memref_slice %arg4[%reduce_max3A_639, %add3A_1622, %reduce_max3A_1159, %dma_start3A_1625] : memref<8x512x8x1024xf32, #tpu.memory_space<hbm>> -> memref<1x32x1x1024xf32, #tpu.memory_space<hbm>>
      %dma_start3A_1627 = tpu.memref_squeeze %dma_start3A_1626 : memref<1x32x1x1024xf32, #tpu.memory_space<hbm>> -> memref<32x1024xf32, #tpu.memory_space<hbm>>
      tpu.enqueue_dma source(%arg6 : memref<32x1024xf32, #tpu.memory_space<vmem>>) target(%dma_start3A_1627 : memref<32x1024xf32, #tpu.memory_space<hbm>>) target_semaphore(%run_scoped3A : memref<!tpu.dma_semaphore, #tpu.memory_space<semaphore_mem>>)
      %dma_wait3A = arith.constant 0 : i32
      %dma_wait3A_1628 = tpu.memref_slice %arg4[%reduce_max3A_639, %add3A_1622, %reduce_max3A_1159, %dma_wait3A] : memref<8x512x8x1024xf32, #tpu.memory_space<hbm>> -> memref<1x32x1x1024xf32, #tpu.memory_space<hbm>>
      %dma_wait3A_1629 = tpu.memref_squeeze %dma_wait3A_1628 : memref<1x32x1x1024xf32, #tpu.memory_space<hbm>> -> memref<32x1024xf32, #tpu.memory_space<hbm>>
      %dma_wait3A_1630 = arith.constant 0 : i32
      %dma_wait3A_1631 = tpu.memref_slice %arg4[%reduce_max3A_639, %add3A_1622, %reduce_max3A_1159, %dma_wait3A_1630] : memref<8x512x8x1024xf32, #tpu.memory_space<hbm>> -> memref<1x32x1x1024xf32, #tpu.memory_space<hbm>>
      %dma_wait3A_1632 = tpu.memref_squeeze %dma_wait3A_1631 : memref<1x32x1x1024xf32, #tpu.memory_space<hbm>> -> memref<32x1024xf32, #tpu.memory_space<hbm>>
      tpu.wait_dma2 semaphore(%run_scoped3A : memref<!tpu.dma_semaphore, #tpu.memory_space<semaphore_mem>>) src(%arg6 : memref<32x1024xf32, #tpu.memory_space<vmem>>) dst(%dma_wait3A_1632 : memref<32x1024xf32, #tpu.memory_space<hbm>>)
      tpu.yield
    }) : () -> ()
    "tpu.region"() ({
      %run_scoped3A = tpu.sem_alloc : memref<!tpu.dma_semaphore, #tpu.memory_space<semaphore_mem>>
      %dma_start3A = arith.constant 0 : i32
      %dma_start3A_1623 = tpu.memref_slice %arg4[%reduce_max3A_704, %add3A_1622, %reduce_max3A_1224, %dma_start3A] : memref<8x512x8x1024xf32, #tpu.memory_space<hbm>> -> memref<1x32x1x1024xf32, #tpu.memory_space<hbm>>
      %dma_start3A_1624 = tpu.memref_squeeze %dma_start3A_1623 : memref<1x32x1x1024xf32, #tpu.memory_space<hbm>> -> memref<32x1024xf32, #tpu.memory_space<hbm>>
      %dma_start3A_1625 = arith.constant 0 : i32
      %dma_start3A_1626 = tpu.memref_slice %arg4[%reduce_max3A_704, %add3A_1622, %reduce_max3A_1224, %dma_start3A_1625] : memref<8x512x8x1024xf32, #tpu.memory_space<hbm>> -> memref<1x32x1x1024xf32, #tpu.memory_space<hbm>>
      %dma_start3A_1627 = tpu.memref_squeeze %dma_start3A_1626 : memref<1x32x1x1024xf32, #tpu.memory_space<hbm>> -> memref<32x1024xf32, #tpu.memory_space<hbm>>
      tpu.enqueue_dma source(%arg6 : memref<32x1024xf32, #tpu.memory_space<vmem>>) target(%dma_start3A_1627 : memref<32x1024xf32, #tpu.memory_space<hbm>>) target_semaphore(%run_scoped3A : memref<!tpu.dma_semaphore, #tpu.memory_space<semaphore_mem>>)
      %dma_wait3A = arith.constant 0 : i32
      %dma_wait3A_1628 = tpu.memref_slice %arg4[%reduce_max3A_704, %add3A_1622, %reduce_max3A_1224, %dma_wait3A] : memref<8x512x8x1024xf32, #tpu.memory_space<hbm>> -> memref<1x32x1x1024xf32, #tpu.memory_space<hbm>>
      %dma_wait3A_1629 = tpu.memref_squeeze %dma_wait3A_1628 : memref<1x32x1x1024xf32, #tpu.memory_space<hbm>> -> memref<32x1024xf32, #tpu.memory_space<hbm>>
      %dma_wait3A_1630 = arith.constant 0 : i32
      %dma_wait3A_1631 = tpu.memref_slice %arg4[%reduce_max3A_704, %add3A_1622, %reduce_max3A_1224, %dma_wait3A_1630] : memref<8x512x8x1024xf32, #tpu.memory_space<hbm>> -> memref<1x32x1x1024xf32, #tpu.memory_space<hbm>>
      %dma_wait3A_1632 = tpu.memref_squeeze %dma_wait3A_1631 : memref<1x32x1x1024xf32, #tpu.memory_space<hbm>> -> memref<32x1024xf32, #tpu.memory_space<hbm>>
      tpu.wait_dma2 semaphore(%run_scoped3A : memref<!tpu.dma_semaphore, #tpu.memory_space<semaphore_mem>>) src(%arg6 : memref<32x1024xf32, #tpu.memory_space<vmem>>) dst(%dma_wait3A_1632 : memref<32x1024xf32, #tpu.memory_space<hbm>>)
      tpu.yield
    }) : () -> ()
    "tpu.region"() ({
      %run_scoped3A = tpu.sem_alloc : memref<!tpu.dma_semaphore, #tpu.memory_space<semaphore_mem>>
      %dma_start3A = arith.constant 0 : i32
      %dma_start3A_1623 = tpu.memref_slice %arg4[%reduce_max3A_769, %add3A_1622, %reduce_max3A_1289, %dma_start3A] : memref<8x512x8x1024xf32, #tpu.memory_space<hbm>> -> memref<1x32x1x1024xf32, #tpu.memory_space<hbm>>
      %dma_start3A_1624 = tpu.memref_squeeze %dma_start3A_1623 : memref<1x32x1x1024xf32, #tpu.memory_space<hbm>> -> memref<32x1024xf32, #tpu.memory_space<hbm>>
      %dma_start3A_1625 = arith.constant 0 : i32
      %dma_start3A_1626 = tpu.memref_slice %arg4[%reduce_max3A_769, %add3A_1622, %reduce_max3A_1289, %dma_start3A_1625] : memref<8x512x8x1024xf32, #tpu.memory_space<hbm>> -> memref<1x32x1x1024xf32, #tpu.memory_space<hbm>>
      %dma_start3A_1627 = tpu.memref_squeeze %dma_start3A_1626 : memref<1x32x1x1024xf32, #tpu.memory_space<hbm>> -> memref<32x1024xf32, #tpu.memory_space<hbm>>
      tpu.enqueue_dma source(%arg6 : memref<32x1024xf32, #tpu.memory_space<vmem>>) target(%dma_start3A_1627 : memref<32x1024xf32, #tpu.memory_space<hbm>>) target_semaphore(%run_scoped3A : memref<!tpu.dma_semaphore, #tpu.memory_space<semaphore_mem>>)
      %dma_wait3A = arith.constant 0 : i32
      %dma_wait3A_1628 = tpu.memref_slice %arg4[%reduce_max3A_769, %add3A_1622, %reduce_max3A_1289, %dma_wait3A] : memref<8x512x8x1024xf32, #tpu.memory_space<hbm>> -> memref<1x32x1x1024xf32, #tpu.memory_space<hbm>>
      %dma_wait3A_1629 = tpu.memref_squeeze %dma_wait3A_1628 : memref<1x32x1x1024xf32, #tpu.memory_space<hbm>> -> memref<32x1024xf32, #tpu.memory_space<hbm>>
      %dma_wait3A_1630 = arith.constant 0 : i32
      %dma_wait3A_1631 = tpu.memref_slice %arg4[%reduce_max3A_769, %add3A_1622, %reduce_max3A_1289, %dma_wait3A_1630] : memref<8x512x8x1024xf32, #tpu.memory_space<hbm>> -> memref<1x32x1x1024xf32, #tpu.memory_space<hbm>>
      %dma_wait3A_1632 = tpu.memref_squeeze %dma_wait3A_1631 : memref<1x32x1x1024xf32, #tpu.memory_space<hbm>> -> memref<32x1024xf32, #tpu.memory_space<hbm>>
      tpu.wait_dma2 semaphore(%run_scoped3A : memref<!tpu.dma_semaphore, #tpu.memory_space<semaphore_mem>>) src(%arg6 : memref<32x1024xf32, #tpu.memory_space<vmem>>) dst(%dma_wait3A_1632 : memref<32x1024xf32, #tpu.memory_space<hbm>>)
      tpu.yield
    }) : () -> ()
    "tpu.region"() ({
      %run_scoped3A = tpu.sem_alloc : memref<!tpu.dma_semaphore, #tpu.memory_space<semaphore_mem>>
      %dma_start3A = arith.constant 0 : i32
      %dma_start3A_1623 = tpu.memref_slice %arg4[%reduce_max3A_834, %add3A_1622, %reduce_max3A_1354, %dma_start3A] : memref<8x512x8x1024xf32, #tpu.memory_space<hbm>> -> memref<1x32x1x1024xf32, #tpu.memory_space<hbm>>
      %dma_start3A_1624 = tpu.memref_squeeze %dma_start3A_1623 : memref<1x32x1x1024xf32, #tpu.memory_space<hbm>> -> memref<32x1024xf32, #tpu.memory_space<hbm>>
      %dma_start3A_1625 = arith.constant 0 : i32
      %dma_start3A_1626 = tpu.memref_slice %arg4[%reduce_max3A_834, %add3A_1622, %reduce_max3A_1354, %dma_start3A_1625] : memref<8x512x8x1024xf32, #tpu.memory_space<hbm>> -> memref<1x32x1x1024xf32, #tpu.memory_space<hbm>>
      %dma_start3A_1627 = tpu.memref_squeeze %dma_start3A_1626 : memref<1x32x1x1024xf32, #tpu.memory_space<hbm>> -> memref<32x1024xf32, #tpu.memory_space<hbm>>
      tpu.enqueue_dma source(%arg6 : memref<32x1024xf32, #tpu.memory_space<vmem>>) target(%dma_start3A_1627 : memref<32x1024xf32, #tpu.memory_space<hbm>>) target_semaphore(%run_scoped3A : memref<!tpu.dma_semaphore, #tpu.memory_space<semaphore_mem>>)
      %dma_wait3A = arith.constant 0 : i32
      %dma_wait3A_1628 = tpu.memref_slice %arg4[%reduce_max3A_834, %add3A_1622, %reduce_max3A_1354, %dma_wait3A] : memref<8x512x8x1024xf32, #tpu.memory_space<hbm>> -> memref<1x32x1x1024xf32, #tpu.memory_space<hbm>>
      %dma_wait3A_1629 = tpu.memref_squeeze %dma_wait3A_1628 : memref<1x32x1x1024xf32, #tpu.memory_space<hbm>> -> memref<32x1024xf32, #tpu.memory_space<hbm>>
      %dma_wait3A_1630 = arith.constant 0 : i32
      %dma_wait3A_1631 = tpu.memref_slice %arg4[%reduce_max3A_834, %add3A_1622, %reduce_max3A_1354, %dma_wait3A_1630] : memref<8x512x8x1024xf32, #tpu.memory_space<hbm>> -> memref<1x32x1x1024xf32, #tpu.memory_space<hbm>>
      %dma_wait3A_1632 = tpu.memref_squeeze %dma_wait3A_1631 : memref<1x32x1x1024xf32, #tpu.memory_space<hbm>> -> memref<32x1024xf32, #tpu.memory_space<hbm>>
      tpu.wait_dma2 semaphore(%run_scoped3A : memref<!tpu.dma_semaphore, #tpu.memory_space<semaphore_mem>>) src(%arg6 : memref<32x1024xf32, #tpu.memory_space<vmem>>) dst(%dma_wait3A_1632 : memref<32x1024xf32, #tpu.memory_space<hbm>>)
      tpu.yield
    }) : () -> ()
    "tpu.region"() ({
      %run_scoped3A = tpu.sem_alloc : memref<!tpu.dma_semaphore, #tpu.memory_space<semaphore_mem>>
      %dma_start3A = arith.constant 0 : i32
      %dma_start3A_1623 = tpu.memref_slice %arg4[%reduce_max3A_899, %add3A_1622, %reduce_max3A_1419, %dma_start3A] : memref<8x512x8x1024xf32, #tpu.memory_space<hbm>> -> memref<1x32x1x1024xf32, #tpu.memory_space<hbm>>
      %dma_start3A_1624 = tpu.memref_squeeze %dma_start3A_1623 : memref<1x32x1x1024xf32, #tpu.memory_space<hbm>> -> memref<32x1024xf32, #tpu.memory_space<hbm>>
      %dma_start3A_1625 = arith.constant 0 : i32
      %dma_start3A_1626 = tpu.memref_slice %arg4[%reduce_max3A_899, %add3A_1622, %reduce_max3A_1419, %dma_start3A_1625] : memref<8x512x8x1024xf32, #tpu.memory_space<hbm>> -> memref<1x32x1x1024xf32, #tpu.memory_space<hbm>>
      %dma_start3A_1627 = tpu.memref_squeeze %dma_start3A_1626 : memref<1x32x1x1024xf32, #tpu.memory_space<hbm>> -> memref<32x1024xf32, #tpu.memory_space<hbm>>
      tpu.enqueue_dma source(%arg6 : memref<32x1024xf32, #tpu.memory_space<vmem>>) target(%dma_start3A_1627 : memref<32x1024xf32, #tpu.memory_space<hbm>>) target_semaphore(%run_scoped3A : memref<!tpu.dma_semaphore, #tpu.memory_space<semaphore_mem>>)
      %dma_wait3A = arith.constant 0 : i32
      %dma_wait3A_1628 = tpu.memref_slice %arg4[%reduce_max3A_899, %add3A_1622, %reduce_max3A_1419, %dma_wait3A] : memref<8x512x8x1024xf32, #tpu.memory_space<hbm>> -> memref<1x32x1x1024xf32, #tpu.memory_space<hbm>>
      %dma_wait3A_1629 = tpu.memref_squeeze %dma_wait3A_1628 : memref<1x32x1x1024xf32, #tpu.memory_space<hbm>> -> memref<32x1024xf32, #tpu.memory_space<hbm>>
      %dma_wait3A_1630 = arith.constant 0 : i32
      %dma_wait3A_1631 = tpu.memref_slice %arg4[%reduce_max3A_899, %add3A_1622, %reduce_max3A_1419, %dma_wait3A_1630] : memref<8x512x8x1024xf32, #tpu.memory_space<hbm>> -> memref<1x32x1x1024xf32, #tpu.memory_space<hbm>>
      %dma_wait3A_1632 = tpu.memref_squeeze %dma_wait3A_1631 : memref<1x32x1x1024xf32, #tpu.memory_space<hbm>> -> memref<32x1024xf32, #tpu.memory_space<hbm>>
      tpu.wait_dma2 semaphore(%run_scoped3A : memref<!tpu.dma_semaphore, #tpu.memory_space<semaphore_mem>>) src(%arg6 : memref<32x1024xf32, #tpu.memory_space<vmem>>) dst(%dma_wait3A_1632 : memref<32x1024xf32, #tpu.memory_space<hbm>>)
      tpu.yield
    }) : () -> ()
    "tpu.region"() ({
      %run_scoped3A = tpu.sem_alloc : memref<!tpu.dma_semaphore, #tpu.memory_space<semaphore_mem>>
      %dma_start3A = arith.constant 0 : i32
      %dma_start3A_1623 = tpu.memref_slice %arg4[%reduce_max3A_964, %add3A_1622, %reduce_max3A_1484, %dma_start3A] : memref<8x512x8x1024xf32, #tpu.memory_space<hbm>> -> memref<1x32x1x1024xf32, #tpu.memory_space<hbm>>
      %dma_start3A_1624 = tpu.memref_squeeze %dma_start3A_1623 : memref<1x32x1x1024xf32, #tpu.memory_space<hbm>> -> memref<32x1024xf32, #tpu.memory_space<hbm>>
      %dma_start3A_1625 = arith.constant 0 : i32
      %dma_start3A_1626 = tpu.memref_slice %arg4[%reduce_max3A_964, %add3A_1622, %reduce_max3A_1484, %dma_start3A_1625] : memref<8x512x8x1024xf32, #tpu.memory_space<hbm>> -> memref<1x32x1x1024xf32, #tpu.memory_space<hbm>>
      %dma_start3A_1627 = tpu.memref_squeeze %dma_start3A_1626 : memref<1x32x1x1024xf32, #tpu.memory_space<hbm>> -> memref<32x1024xf32, #tpu.memory_space<hbm>>
      tpu.enqueue_dma source(%arg6 : memref<32x1024xf32, #tpu.memory_space<vmem>>) target(%dma_start3A_1627 : memref<32x1024xf32, #tpu.memory_space<hbm>>) target_semaphore(%run_scoped3A : memref<!tpu.dma_semaphore, #tpu.memory_space<semaphore_mem>>)
      %dma_wait3A = arith.constant 0 : i32
      %dma_wait3A_1628 = tpu.memref_slice %arg4[%reduce_max3A_964, %add3A_1622, %reduce_max3A_1484, %dma_wait3A] : memref<8x512x8x1024xf32, #tpu.memory_space<hbm>> -> memref<1x32x1x1024xf32, #tpu.memory_space<hbm>>
      %dma_wait3A_1629 = tpu.memref_squeeze %dma_wait3A_1628 : memref<1x32x1x1024xf32, #tpu.memory_space<hbm>> -> memref<32x1024xf32, #tpu.memory_space<hbm>>
      %dma_wait3A_1630 = arith.constant 0 : i32
      %dma_wait3A_1631 = tpu.memref_slice %arg4[%reduce_max3A_964, %add3A_1622, %reduce_max3A_1484, %dma_wait3A_1630] : memref<8x512x8x1024xf32, #tpu.memory_space<hbm>> -> memref<1x32x1x1024xf32, #tpu.memory_space<hbm>>
      %dma_wait3A_1632 = tpu.memref_squeeze %dma_wait3A_1631 : memref<1x32x1x1024xf32, #tpu.memory_space<hbm>> -> memref<32x1024xf32, #tpu.memory_space<hbm>>
      tpu.wait_dma2 semaphore(%run_scoped3A : memref<!tpu.dma_semaphore, #tpu.memory_space<semaphore_mem>>) src(%arg6 : memref<32x1024xf32, #tpu.memory_space<vmem>>) dst(%dma_wait3A_1632 : memref<32x1024xf32, #tpu.memory_space<hbm>>)
      tpu.yield
    }) : () -> ()
    "tpu.region"() ({
      %run_scoped3A = tpu.sem_alloc : memref<!tpu.dma_semaphore, #tpu.memory_space<semaphore_mem>>
      %dma_start3A = arith.constant 0 : i32
      %dma_start3A_1623 = tpu.memref_slice %arg4[%reduce_max3A_1029, %add3A_1622, %reduce_max3A_1549, %dma_start3A] : memref<8x512x8x1024xf32, #tpu.memory_space<hbm>> -> memref<1x32x1x1024xf32, #tpu.memory_space<hbm>>
      %dma_start3A_1624 = tpu.memref_squeeze %dma_start3A_1623 : memref<1x32x1x1024xf32, #tpu.memory_space<hbm>> -> memref<32x1024xf32, #tpu.memory_space<hbm>>
      %dma_start3A_1625 = arith.constant 0 : i32
      %dma_start3A_1626 = tpu.memref_slice %arg4[%reduce_max3A_1029, %add3A_1622, %reduce_max3A_1549, %dma_start3A_1625] : memref<8x512x8x1024xf32, #tpu.memory_space<hbm>> -> memref<1x32x1x1024xf32, #tpu.memory_space<hbm>>
      %dma_start3A_1627 = tpu.memref_squeeze %dma_start3A_1626 : memref<1x32x1x1024xf32, #tpu.memory_space<hbm>> -> memref<32x1024xf32, #tpu.memory_space<hbm>>
      tpu.enqueue_dma source(%arg6 : memref<32x1024xf32, #tpu.memory_space<vmem>>) target(%dma_start3A_1627 : memref<32x1024xf32, #tpu.memory_space<hbm>>) target_semaphore(%run_scoped3A : memref<!tpu.dma_semaphore, #tpu.memory_space<semaphore_mem>>)
      %dma_wait3A = arith.constant 0 : i32
      %dma_wait3A_1628 = tpu.memref_slice %arg4[%reduce_max3A_1029, %add3A_1622, %reduce_max3A_1549, %dma_wait3A] : memref<8x512x8x1024xf32, #tpu.memory_space<hbm>> -> memref<1x32x1x1024xf32, #tpu.memory_space<hbm>>
      %dma_wait3A_1629 = tpu.memref_squeeze %dma_wait3A_1628 : memref<1x32x1x1024xf32, #tpu.memory_space<hbm>> -> memref<32x1024xf32, #tpu.memory_space<hbm>>
      %dma_wait3A_1630 = arith.constant 0 : i32
      %dma_wait3A_1631 = tpu.memref_slice %arg4[%reduce_max3A_1029, %add3A_1622, %reduce_max3A_1549, %dma_wait3A_1630] : memref<8x512x8x1024xf32, #tpu.memory_space<hbm>> -> memref<1x32x1x1024xf32, #tpu.memory_space<hbm>>
      %dma_wait3A_1632 = tpu.memref_squeeze %dma_wait3A_1631 : memref<1x32x1x1024xf32, #tpu.memory_space<hbm>> -> memref<32x1024xf32, #tpu.memory_space<hbm>>
      tpu.wait_dma2 semaphore(%run_scoped3A : memref<!tpu.dma_semaphore, #tpu.memory_space<semaphore_mem>>) src(%arg6 : memref<32x1024xf32, #tpu.memory_space<vmem>>) dst(%dma_wait3A_1632 : memref<32x1024xf32, #tpu.memory_space<hbm>>)
      tpu.yield
    }) : () -> ()
    "tpu.region"() ({
      %run_scoped3A = tpu.sem_alloc : memref<!tpu.dma_semaphore, #tpu.memory_space<semaphore_mem>>
      %dma_start3A = arith.constant 0 : i32
      %dma_start3A_1623 = tpu.memref_slice %arg4[%reduce_max3A_1094, %add3A_1622, %reduce_max3A_1614, %dma_start3A] : memref<8x512x8x1024xf32, #tpu.memory_space<hbm>> -> memref<1x32x1x1024xf32, #tpu.memory_space<hbm>>
      %dma_start3A_1624 = tpu.memref_squeeze %dma_start3A_1623 : memref<1x32x1x1024xf32, #tpu.memory_space<hbm>> -> memref<32x1024xf32, #tpu.memory_space<hbm>>
      %dma_start3A_1625 = arith.constant 0 : i32
      %dma_start3A_1626 = tpu.memref_slice %arg4[%reduce_max3A_1094, %add3A_1622, %reduce_max3A_1614, %dma_start3A_1625] : memref<8x512x8x1024xf32, #tpu.memory_space<hbm>> -> memref<1x32x1x1024xf32, #tpu.memory_space<hbm>>
      %dma_start3A_1627 = tpu.memref_squeeze %dma_start3A_1626 : memref<1x32x1x1024xf32, #tpu.memory_space<hbm>> -> memref<32x1024xf32, #tpu.memory_space<hbm>>
      tpu.enqueue_dma source(%arg6 : memref<32x1024xf32, #tpu.memory_space<vmem>>) target(%dma_start3A_1627 : memref<32x1024xf32, #tpu.memory_space<hbm>>) target_semaphore(%run_scoped3A : memref<!tpu.dma_semaphore, #tpu.memory_space<semaphore_mem>>)
      %dma_wait3A = arith.constant 0 : i32
      %dma_wait3A_1628 = tpu.memref_slice %arg4[%reduce_max3A_1094, %add3A_1622, %reduce_max3A_1614, %dma_wait3A] : memref<8x512x8x1024xf32, #tpu.memory_space<hbm>> -> memref<1x32x1x1024xf32, #tpu.memory_space<hbm>>
      %dma_wait3A_1629 = tpu.memref_squeeze %dma_wait3A_1628 : memref<1x32x1x1024xf32, #tpu.memory_space<hbm>> -> memref<32x1024xf32, #tpu.memory_space<hbm>>
      %dma_wait3A_1630 = arith.constant 0 : i32
      %dma_wait3A_1631 = tpu.memref_slice %arg4[%reduce_max3A_1094, %add3A_1622, %reduce_max3A_1614, %dma_wait3A_1630] : memref<8x512x8x1024xf32, #tpu.memory_space<hbm>> -> memref<1x32x1x1024xf32, #tpu.memory_space<hbm>>
      %dma_wait3A_1632 = tpu.memref_squeeze %dma_wait3A_1631 : memref<1x32x1x1024xf32, #tpu.memory_space<hbm>> -> memref<32x1024xf32, #tpu.memory_space<hbm>>
      tpu.wait_dma2 semaphore(%run_scoped3A : memref<!tpu.dma_semaphore, #tpu.memory_space<semaphore_mem>>) src(%arg6 : memref<32x1024xf32, #tpu.memory_space<vmem>>) dst(%dma_wait3A_1632 : memref<32x1024xf32, #tpu.memory_space<hbm>>)
      tpu.yield
    }) : () -> ()
    return
  }
}

</mosaic_0001>

<sc_bundles>
// kernel: kernel.3.cloned.1.call-start
scs
__scs_entry_jumppad:
0x0: {  	(pc) =	sbr.rel $0x88, $3  }
0x1: {  	(tag) =	ssettag $0x0;
	lr =	simm.s32 $0x1  }
0x2: {  	[smem:$0x3F9F] =	sst lr;
	_ =	strace $0xD0000000  }
0x3: {  	_ = 	snop  }
0x4: {  	_ = 	snop  }
0x5: {  	_ = 	snop  }
0x6: {  	_ = 	snop  }
0x7: {  	_ = 	snop  }
__scs_overlays_trampoline_lowered:
0x8: {  	[smem:$0x3FAE] =	sst s0  }
0x9: {  	[smem:$0x3FAF] =	sst s1  }
0xa: {  	[smem:$0x3FB0] =	sst s2  }
0xb: {  	[smem:$0x3FB1] =	sst s3  }
0xc: {  	[smem:$0x3FB2] =	sst s4  }
0xd: {  	[smem:$0x3FB3] =	sst s5  }
0xe: {  	[smem:$0x3FB4] =	sst s6  }
0xf: {  	[smem:$0x3FB5] =	sst s7  }
0x10: {  	[smem:$0x3FB6] =	sst s8  }
0x11: {  	[smem:$0x3FB7] =	sst s9;
	s0 =	simm.s32 @!p0 $0x0  }
0x12: {  	s1 =	sld [smem:$0x3F9D];
	s0 =	simm.s32 @p0 $0x1  }
0x13: {  	[smem:$0x3FB8] =	sst s0;
	s0 =	simm.s32 @!p1 $0x0  }
0x14: {  	s2 =	sld [smem:$0x3F9C];
	s0 =	simm.s32 @p1 $0x1  }
0x15: {  	[smem:$0x3FB9] =	sst s0;
	s0 =	simm.s32 @!p2 $0x0  }
0x16: {  	s3 =	sld [smem:$0x3FDB];
	s0 =	simm.s32 @p2 $0x1  }
0x17: {  	s4 =	simm.s32 $0x1BF5;
	[smem:$0x3FBB] =	sst s0  }
0x18: {  	s0 =	sld [smem:$0x3F9E];
	_ =	swait.ge [sflag:s4], $0x0  }
0x19: {  	s7 =	sld [smem:$0x3F9F]  }
0x1a: {  	s8 =	sadd.s32 $0xFFFFE003, lr  }
0x1b: {  	s9 =	sadd.s32 $0xFFFFFEF7, lr;
	s5 =	simm.s32 $0xFFFFFFFF;
	p2 =	slt.u32 s8, $0xFFFFF086  }
0x1c: {  	p1 =	slt.u32 s9, $0xF7A;
	s5 =	simm.s32 @!p2 $0x0  }
0x1d: {  	s5 =	simm.s32 @p1 $0x1;
	p0 =	seq.s32 s7, s2  }
0x1e: {  	s7 =	smul.u32 @!p0 $0xF7A, s2;
	p2 =	seq.s32 @!p0 s5, $0x0  }
0x1f: {  	s9 =	smul.u32 $0xF7A, s1;
	s8 =	simm.s32 @!p0 $0x1BF5;
	p2 =	por !p2, p0  }
0x20: {  	[sflag:s8] =	ssyncset.s32 @!p0 $0xFFFFF086;
	s6 =	sadd.s32 @!p0 s3, s7;
	s7 =	simm.s32 @!p0 $0x108  }
0x21: {  	s3 =	sadd.s32 s3, s9;
	s6 =	sadd.s32 @!p0 $0x88, s6;
	s7 =	simm.s32 @p2 $0x1082  }
0x22: {  	[simem:s7], [sflag:s8] =	dma.local @!p0 [hbm:s6], $0xF7A  }
0x23: {  	s9 =	sor.u32 $0xD0000000, s2;
	s6 =	simm.s32 $0x108;
	_ =	swait.ge @!p0 [sflag:s8], $0x0  }
0x24: {  	s3 =	sadd.s32 $0x88, s3;
	s6 =	simm.s32 @!p1 $0x1082;
	[sflag:s4] =	ssyncset.s32 $0xFFFFF086  }
0x25: {  	[simem:s6], [sflag:s4] =	dma.local [hbm:s3], $0xF7A  }
0x26: {  	[smem:$0x3F9F] =	sst s1;
	(tag) =	ssettag s2;
	_ =	strace s9  }
0x27: {  	s1 =	sld [smem:$0x3FAF]  }
0x28: {  	s2 =	sld [smem:$0x3FB0]  }
0x29: {  	s4 =	sld [smem:$0x3FB2]  }
0x2a: {  	p0 =	seq.s32 s5, $0x0;
	s5 =	sld [smem:$0x3FB3]  }
0x2b: {  	s6 =	sld [smem:$0x3FB4]  }
0x2c: {  	s7 =	sld [smem:$0x3FB5]  }
0x2d: {  	s3 =	simm.s32 $0x108;
	s8 =	sld [smem:$0x3FB6]  }
0x2e: {  	s3 =	simm.s32 @!p0 $0x1082;
	s9 =	sld [smem:$0x3FB7]  }
0x2f: {  	lr =	sadd.s32 s0, s3;
	s0 =	sld [smem:$0x3FAE]  }
0x30: {  	s3 =	sld [smem:$0x3FB1]  }
0x31: {  	[smem:$0x3FBA] =	sst s10  }
0x32: {  	s10 =	sld [smem:$0x3FB8];
	_ =	sdelay $0x3  }
0x33: {  	p0 =	seq.s32 s10, $0x1;
	s10 =	sld [smem:$0x3FBA];
	_ =	sdelay $0x3  }
0x34: {  	[smem:$0x3FBA] =	sst s10  }
0x35: {  	s10 =	sld [smem:$0x3FB9];
	_ =	sdelay $0x3  }
0x36: {  	p1 =	seq.s32 s10, $0x1;
	s10 =	sld [smem:$0x3FBA];
	_ =	sdelay $0x3  }
0x37: {  	[smem:$0x3FBA] =	sst s10  }
0x38: {  	s10 =	sld [smem:$0x3FBB]  }
0x39: {  	_ = 	snop;
	(pc) =	sbr.ind lr, $3  }
0x3a: {  	_ = 	snop  }
0x3b: {  	_ = 	snop  }
0x3c: {  	p2 =	seq.s32 s10, $0x1;
	s10 =	sld [smem:$0x3FBA]  }
0x3d: {  	_ =	shalt  }
0x3e: {  	_ =	shalt  }
0x3f: {  	_ =	shalt  }
0x40: {  	_ =	shalt  }
0x41: {  	_ =	shalt  }
0x42: {  	_ =	shalt  }
0x43: {  	_ =	shalt  }
0x44: {  	_ =	shalt  }
0x45: {  	_ =	shalt  }
0x46: {  	_ =	shalt  }
0x47: {  	_ =	shalt  }
0x48: {  	_ =	shalt  }
0x49: {  	_ =	shalt  }
0x4a: {  	_ =	shalt  }
0x4b: {  	_ =	shalt  }
0x4c: {  	_ =	shalt  }
0x4d: {  	_ =	shalt  }
0x4e: {  	_ =	shalt  }
0x4f: {  	_ =	shalt  }
0x50: {  	_ =	shalt  }
0x51: {  	_ =	shalt  }
0x52: {  	_ =	shalt  }
0x53: {  	_ =	shalt  }
0x54: {  	_ =	shalt  }
0x55: {  	_ =	shalt  }
0x56: {  	_ =	shalt  }
0x57: {  	_ =	shalt  }
0x58: {  	_ =	shalt  }
0x59: {  	_ =	shalt  }
0x5a: {  	_ =	shalt  }
0x5b: {  	_ =	shalt  }
0x5c: {  	_ =	shalt  }
0x5d: {  	_ =	shalt  }
0x5e: {  	_ =	shalt  }
0x5f: {  	_ =	shalt  }
0x60: {  	_ =	shalt  }
0x61: {  	_ =	shalt  }
0x62: {  	_ =	shalt  }
0x63: {  	_ =	shalt  }
0x64: {  	_ =	shalt  }
0x65: {  	_ =	shalt  }
0x66: {  	_ =	shalt  }
0x67: {  	_ =	shalt  }
0x68: {  	_ =	shalt  }
0x69: {  	_ =	shalt  }
0x6a: {  	_ =	shalt  }
0x6b: {  	_ =	shalt  }
0x6c: {  	_ =	shalt  }
0x6d: {  	_ =	shalt  }
0x6e: {  	_ =	shalt  }
0x6f: {  	_ =	shalt  }
0x70: {  	_ =	shalt  }
0x71: {  	_ =	shalt  }
0x72: {  	_ =	shalt  }
0x73: {  	_ =	shalt  }
0x74: {  	_ =	shalt  }
0x75: {  	_ =	shalt  }
0x76: {  	_ =	shalt  }
0x77: {  	_ =	shalt  }
0x78: {  	_ =	shalt  }
0x79: {  	_ =	shalt  }
0x7a: {  	_ =	shalt  }
0x7b: {  	_ =	shalt  }
0x7c: {  	_ =	shalt  }
0x7d: {  	_ =	shalt  }
0x7e: {  	_ =	shalt  }
0x7f: {  	_ =	shalt  }
0x80: {  	_ =	shalt  }
0x81: {  	_ =	shalt  }
0x82: {  	_ =	shalt  }
0x83: {  	_ =	shalt  }
0x84: {  	_ =	shalt  }
0x85: {  	_ =	shalt  }
0x86: {  	_ =	shalt  }
0x87: {  	_ =	shalt  }
.Lfunc_end0:
.L_simem_size_0:
called_computation_lowered:
.L_overlay_start_0:
0x88: {  	s2 =	sld [smem:$0x3FD9]  }
0x89: {  	s3 =	sld [smem:$0x3FFE];
	_ =	sdelay $0x1  }
0x8a: {  	s1 =	srdreg.scid  }
0x8b: {  	s0 =	sand.u32 $0x1, s1  }
0x8c: {  	s17 =	sshll.u32 s0, $0xA;
	s2 =	sadd.s32 s3, s2  }
0x8d: {  	s2 =	sadd.s32 s2, s17  }
0x8e: {  	[smem:$0x3FC6] =	sst s2  }
0x8f: {  	_ = 	snop  }
0x90: {  	s2 =	sld [smem:$0x3FD0];
	(tm) =	ssettm $0x1  }
0x91: {  	s18 =	sld [smem:$0x3FFB];
	_ =	sdelay $0x3  }
0x92: {  	_ =	strace s18  }
0x93: {  	s3 =	sld [smem:$0x3FFC];
	_ =	sdelay $0x3  }
0x94: {  	_ =	strace s3  }
0x95: {  	s3 =	sld [smem:$0x3FFD];
	_ =	sdelay $0x3  }
0x96: {  	_ =	strace s3  }
0x97: {  	_ =	strace $0x8FFFFFFF  }
0x98: {  	s19 =	sld [smem:$0x3FDB];
	_ =	sdelay $0x1  }
0x99: {  	s4 =	simm.s32 $_scs_section_size  }
0x9a: {  	s5 =	simm.s32 $_size__tile_overlayer_lowered;
	s6 =	simm.s32 $_tile_overlayer_lowered  }
0x9b: {  	s22 =	simm.s32 $0x1BFF;
	s21 =	sshll.u32 s6, $0x1;
	s3 =	sadd.s32 s4, s19  }
0x9c: {  	s7 =	simm.s32 $0x0;
	s20 =	sshll.u32 s5, $0x1;
	s5 =	sadd.s32 s21, s3  }
0x9d: {  	[timem:s7], [sflag:s22] =	dma.local [hbm:s5], s20  }
0x9e: {  	_ =	swait.ge [sflag:s22], s20  }
0x9f: {  	s4 =	ssub.s32 $0x0, s20;
	[sflag:s22] =	ssyncset.done $0x0  }
0xa0: {  	[sflag:s22] =	ssyncadd.s32 s4;
	_ =	sdelay $0x1  }
0xa1: {  	s23 =	simm.s32 $0x1B8B  }
0xa2: {  	_ =	swait.ge [sflag:s23], $0x1  }
0xa3: {  	[sflag:s23] =	ssyncset.done $0x0  }
0xa4: {  	s25 =	simm.s32 $0x1B8E;
	s24 =	sld [smem:$0x3FFE];
	[sflag:s23] =	ssyncadd.s32 $0xFFFFFFFF  }
0xa5: {  	s26 =	simm.s32 $execute0_lowered;
	[smem:$0x3FD2] =	sst s25  }
0xa6: {  	s5 =	sshll.u32 s26, $0x1;
	_ =	strace $0x80000046;
	[dreg:$0x1] =	wrdreg $0xFFFFFFFF  }
0xa7: {  	s28 =	simm.s32 $_size_execute0_lowered;
	s3 =	sadd.s32 s3, s5;
	[dreg:$0x0] =	wrdreg $0x0  }
0xa8: {  	s5 =	sshll.u32 s28, $0x1;
	[dreg:$0x2] =	wrdreg s3  }
0xa9: {  	[dreg:$0x3] =	wrdreg s5  }
0xaa: {  	[dreg:$0x4] =	wrdreg $0xC0  }
0xab: {  	_ =	task [dreg:s7], $0x5FFFF  }
0xac: {  	[dreg:$0x1] =	wrdreg $0xFFFFFFFF  }
0xad: {  	[dreg:$0x0] =	wrdreg $0x60  }
0xae: {  	[dreg:$0x2] =	wrdreg s24  }
0xaf: {  	[dreg:$0x3] =	wrdreg s2  }
0xb0: {  	[dreg:$0x4] =	wrdreg $0x9  }
0xb1: {  	_ =	task.clear_ibuf [dreg:s7], $0x5FFFF;
	_ =	strace $0x90000046  }
0xb2: {  	s29 =	simm.s32 $0x9;
	_ =	strace $0x80000048  }
0xb3: {  	_ =	swait.ge [sflag:s29], $0x1  }
0xb4: {  	[sflag:s29] =	ssyncadd.s32 $0xFFFFFFFF  }
0xb5: {  	_ =	strace $0x90000048  }
0xb6: {  	_ =	sfence  }
0xb7: {  	s30 =	sld [smem:$0x0];
	_ =	sdelay $0x2  }
0xb8: {  	s31 =	sshll.u32 s1, $0xD;
	s1 =	sshrl.u32 s1, $0x2  }
0xb9: {  	s3 =	sand.u32 $0x4000, s31;
	s1 =	sadd.s32 s1, s30  }
0xba: {  	s0 =	sor.u32 s3, s0;
	s1 =	sshll.u32 s1, $0x11  }
0xbb: {  	s0 =	sor.u32 s1, s0  }
0xbc: {  	s0 =	sadd.s32 $0x8F2B, s0  }
0xbd: {  	[sflag:s0] =	ssyncadd.remote.s32 $0x1  }
0xbe: {  	_ =	sfence.sel $0xFFFF  }
0xbf: {  	[dreg:$0x0] =	wrdreg $0xFFFFFFFF;
	(pc) =	sbr.abs _section_cstart, $3  }
0xc0: {  	[dreg:$0x1] =	wrdreg $0xFFFFFFFF  }
0xc1: {  	_ =	task.clear_ibuf [dreg:s7], $0x2FFFF;
	_ =	strace $0x9FFFFFFF  }
0xc2: {  	(tm) =	ssettm $0x7FFFFFFF  }
0xc3: {  	_ =	shalt  }
tec
execute0_lowered:
.L_overlay_start_1:
0x0: {  	(tag) =	ssettag $0x1  }
0x1: {  	s0 =	srdreg.scid;
	s2 =	rddreg [dreg:$0x1]  }
0x2: {  	s3 =	simm.s32 $0x0;
	s4 =	stileid.u32;
	s14 =	simm.s32 $0x2000  }
0x3: {  	s15 =	simm.s32 $0x0;
	s0 =	sand.u32 $0x1, s0;
	[smem:$0x7FF] =	sst s3  }
0x4: {  	s31 =	sshll.u32 s4, $0x1;
	s4 =	sshll.u32 s4, $0x12;
	s1 =	ssub.s32 $0x2, s0  }
0x5: {  	_ =	strace $0x80000047;
	s3 =	sand.u32 $0x6, s31;
	s7 =	sshll.u32 s0, $0x3  }
0x6: {  	s5 =	sand.u32 $0x300000, s4;
	s0 =	sshllo.u32 s0, $0x3;
	s30 =	sshrl.u32 s1, $0x1  }
0x7: {  	s8 =	sor.u32 $0x1, s7;
	s9 =	sor.u32 $0x2, s7;
	s10 =	sor.u32 $0x3, s7  }
0x8: {  	s11 =	sor.u32 $0x4, s7;
	s12 =	sor.u32 $0x5, s7;
	s13 =	sor.u32 $0x6, s7  }
0x9: {  	p0 =	seq.s32 s3, $0x4;
	p1 =	seq.s32 s3, $0x2;
	s1 =	ssub.s32 s1, s30  }
0xa: {  	v7 =	vlaneseq.u32;
	v1 =	vmov s8;
	s8 =	sor.u32 $0xC0000, s4;
	s4 =	simm.s32 $0xA0;
	s1 =	smax.u32 s1, $0x1  }
0xb: {  	v0 =	vmov s7;
	v8 =	vmov s0;
	v2 =	vmov s9;
	s4 =	simm.s32 @!p0 $0xB0;
	[dreg:$0x3] =	wrdreg s1;
	s1 =	simm.s32 $0x60  }
0xc: {  	v3 =	vmov s10;
	v4 =	vmov s11;
	v5 =	vmov s12;
	s4 =	simm.s32 @p1 $0x90;
	s1 =	simm.s32 @!p0 $0x70;
	p0 =	seq.s32 s3, $0x0  }
0xd: {  	s6 =	sor.u32 $0x40000, s5;
	v6 =	vmov s13;
	vm0 =	veq.s32 v0, v7;
	vm7 =	veq.s32 v8, v7;
	s1 =	simm.s32 @p1 $0x50;
	s4 =	simm.s32 @p0 $0x80  }
0xe: {  	s7 =	sor.u32 $0x80000, s5;
	vm1 =	veq.s32 v1, v7;
	vm2 =	veq.s32 v2, v7;
	vm3 =	veq.s32 v3, v7;
	s1 =	simm.s32 @p0 $0x40;
	[dreg:$0x5] =	wrdreg s4  }
0xf: {  	s12 =	simm.s32 $0x1;
	s13 =	simm.s32 $0x80;
	vm4 =	veq.s32 v4, v7;
	vm5 =	veq.s32 v5, v7;
	vm6 =	veq.s32 v6, v7;
	[dreg:$0x4] =	wrdreg s1  }
.LBB2_1:
0x10: {  	s0 =	rddreg [dreg:$0x0];
	s1 =	simm.s32 $0x0  }
0x11: {  	[tilespmem:s1], [sflag:$0x1] =	stream.linear.gather [hbm4b:s0+s1], $0x100, $0x38;
	[tilespmem:$0x8100] =	vst v63  }
0x12: {  	_ =	swait.ge [sflag:s12], $0x100  }
0x13: {  	[sflag:s12] =	ssyncset.done $0x0  }
0x14: {  	s28 =	rddreg [dreg:$0x4];
	[sflag:s12] =	ssyncadd.s32 $0xFFFFFF00  }
0x15: {  	s29 =	rddreg [dreg:$0x5];
	v0 =	vld [tilespmem:s28+$0x0]  }
0x16: {  	v1 =	vld [tilespmem:s29+$0x0];
	_ =	sdelay $0x3  }
0x17: {  	v0 =	vxor.u32 $0x80000000, v0  }
0x18: {  	v1 =	vxor.u32 $0x80000000, v1;
	v2 =	vnsel vm0, $0x7FFFFFFF, v0  }
0x19: {  	(xrf0) =	vmax.scan.msk.u32 $0xffff, v2;
	v2 =	vnsel vm0, $0x7FFFFFFF, v1  }
0x1a: {  	(xrf0) =	vmax.scan.msk.u32 $0xffff, v2;
	_ =	sdelay $0x4  }
0x1b: {  	v2, _, _ =	vpop (xrf0)  }
0x1c: {  	(v2sf) =	vpush v2, $0xF;
	v2, _, _ =	vpop (xrf0)  }
0x1d: {  	(v2sf) =	vpush v2, $0xF;
	_ =	sdelay $0xd  }
0x1e: {  	s30 =	spop (v2sf)  }
0x1f: {  	s31 =	spop (v2sf)  }
0x20: {  	s3 =	sshll.u32 s30, $0x16;
	s4 =	sshll.u32 s31, $0xA  }
0x21: {  	s9 =	sshll.u32 s31, $0x7;
	s10 =	sor.u32 s5, s3;
	s4 =	sand.u32 $0xFFFFE000, s4  }
0x22: {  	s11 =	sand.u32 $0x380, s9;
	s16 =	sadd.s32 s4, s10  }
0x23: {  	s0 =	sor.u32 s11, s16  }
0x24: {  	s18 =	simm.s32 $0x100;
	s0 =	sshrl.u32 s0, $0x3  }
0x25: {  	s19 =	simm.s32 $0x500;
	s21 =	simm.s32 $0x900;
	s17 =	sadd.s32 s2, s0  }
0x26: {  	[hbm4b:s17+s13] =	stream.strided.scatter [tilespmem:s18], [sflag:$0x1], $0x400, s14, s13, $0x38;
	[tilespmem:$0x8100] =	vst v63  }
0x27: {  	s23 =	simm.s32 $0xD00;
	s25 =	simm.s32 $0x1100;
	s20 =	sadd.s32 $0x80, s17  }
0x28: {  	[hbm4b:s20+s13] =	stream.strided.scatter [tilespmem:s19], [sflag:$0x1], $0x400, s14, s13, $0x38;
	[tilespmem:$0x8100] =	vst v63  }
0x29: {  	s28 =	simm.s32 $0x1500;
	[dreg:$0x6] =	wrdreg s3;
	s22 =	sadd.s32 $0x100, s17  }
0x2a: {  	[hbm4b:s22+s13] =	stream.strided.scatter [tilespmem:s21], [sflag:$0x1], $0x400, s14, s13, $0x38;
	[tilespmem:$0x8100] =	vst v63  }
0x2b: {  	s30 =	simm.s32 $0x1900;
	[dreg:$0x7] =	wrdreg s4;
	s24 =	sadd.s32 $0x180, s17  }
0x2c: {  	[hbm4b:s24+s13] =	stream.strided.scatter [tilespmem:s23], [sflag:$0x1], $0x400, s14, s13, $0x38;
	[tilespmem:$0x8100] =	vst v63  }
0x2d: {  	s3 =	simm.s32 $0x10000;
	[dreg:$0x8] =	wrdreg s11;
	s26 =	sadd.s32 $0x200, s17  }
0x2e: {  	[hbm4b:s26+s13] =	stream.strided.scatter [tilespmem:s25], [sflag:$0x1], $0x400, s14, s13, $0x38;
	[tilespmem:$0x8100] =	vst v63  }
0x2f: {  	s4 =	simm.s32 $0x1D00;
	s0 =	simm.s32 $0x2000;
	s29 =	sadd.s32 $0x280, s17  }
0x30: {  	[hbm4b:s29+s13] =	stream.strided.scatter [tilespmem:s28], [sflag:$0x1], $0x400, s14, s13, $0x38;
	[tilespmem:$0x8100] =	vst v63  }
0x31: {  	s31 =	sadd.s32 $0x300, s17;
	s9 =	sadd.s32 $0x380, s17;
	s1 =	sadd.s32 $0x2000, s17  }
0x32: {  	[hbm4b:s31+s13] =	stream.strided.scatter [tilespmem:s30], [sflag:$0x1], $0x400, s14, s13, $0x38;
	[tilespmem:$0x8100] =	vst v63  }
.LBB2_2:
0x33: {  	[hbm4b:s9+s13] =	stream.strided.scatter [tilespmem:s4], [sflag:$0x1], $0x400, s14, s13, $0x38;
	[tilespmem:$0x8100] =	vst v63  }
0x34: {  	s4 =	smov.u32 s0;
	s0 =	smov.u32 s3  }
0x35: {  	s10 =	sadd.s32 $0x8000, s3;
	s0 =	sshra.s32 s0, $0x2;
	s9 =	sadd.s32 $0x100, s4  }
0x36: {  	[hbm4b:s1+s13] =	stream.strided.scatter [tilespmem:s9], [sflag:$0x1], $0x400, s14, s13, $0x38;
	[tilespmem:$0x8100] =	vst v63  }
0x37: {  	p0 =	sne.s32 s3, $0x18000;
	s3 =	sadd.s32 $0x500, s4;
	s9 =	sadd.s32 $0x80, s1  }
0x38: {  	[hbm4b:s9+s13] =	stream.strided.scatter [tilespmem:s3], [sflag:$0x1], $0x400, s14, s13, $0x38;
	[tilespmem:$0x8100] =	vst v63  }
0x39: {  	s3 =	sadd.s32 $0x900, s4;
	s9 =	sadd.s32 $0x100, s1  }
0x3a: {  	[hbm4b:s9+s13] =	stream.strided.scatter [tilespmem:s3], [sflag:$0x1], $0x400, s14, s13, $0x38;
	[tilespmem:$0x8100] =	vst v63  }
0x3b: {  	s3 =	sadd.s32 $0xD00, s4;
	s9 =	sadd.s32 $0x180, s1  }
0x3c: {  	[hbm4b:s9+s13] =	stream.strided.scatter [tilespmem:s3], [sflag:$0x1], $0x400, s14, s13, $0x38;
	[tilespmem:$0x8100] =	vst v63  }
0x3d: {  	s3 =	sadd.s32 $0x1100, s4;
	s9 =	sadd.s32 $0x200, s1  }
0x3e: {  	[hbm4b:s9+s13] =	stream.strided.scatter [tilespmem:s3], [sflag:$0x1], $0x400, s14, s13, $0x38;
	[tilespmem:$0x8100] =	vst v63  }
.Ltmp0:
0x3f: {  	s3 =	sadd.s32 $0x1500, s4;
	s9 =	sadd.s32 $0x280, s1;
	(pc) =	sbr.rel @p0 .LBB2_2-.Ltmp0, $4  }
0x40: {  	[hbm4b:s9+s13] =	stream.strided.scatter [tilespmem:s3], [sflag:$0x1], $0x400, s14, s13, $0x38;
	[tilespmem:$0x8100] =	vst v63  }
0x41: {  	s3 =	sadd.s32 $0x1900, s4;
	s9 =	sadd.s32 $0x300, s1;
	s4 =	sadd.s32 $0x1D00, s4  }
0x42: {  	[hbm4b:s9+s13] =	stream.strided.scatter [tilespmem:s3], [sflag:$0x1], $0x400, s14, s13, $0x38;
	[tilespmem:$0x8100] =	vst v63  }
0x43: {  	s9 =	sadd.s32 $0x380, s1;
	s1 =	sadd.s32 $0x2000, s1;
	s3 =	smov.u32 s10  }
0x44: {  	v2 =	vnsel vm1, $0x7FFFFFFF, v0  }
0x45: {  	(xrf0) =	vmax.scan.msk.u32 $0xffff, v2;
	v2 =	vnsel vm1, $0x7FFFFFFF, v1  }
0x46: {  	(xrf0) =	vmax.scan.msk.u32 $0xffff, v2;
	_ =	sdelay $0x3  }
0x47: {  	[hbm4b:s9+s13] =	stream.strided.scatter [tilespmem:s4], [sflag:$0x1], $0x400, s14, s13, $0x38;
	[tilespmem:$0x8100] =	vst v63  }
0x48: {  	s3 =	sadd.s32 $0x100, s0;
	v2, _, _ =	vpop (xrf0)  }
0x49: {  	[hbm4b:s1+s13] =	stream.strided.scatter [tilespmem:s3], [sflag:$0x1], $0x400, s14, s13, $0x38;
	(v2sf) =	vpush v2, $0xF;
	v2, _, _ =	vpop (xrf0);
	[tilespmem:$0x8100] =	vst v63  }
0x4a: {  	s11 =	sadd.s32 $0x500, s0;
	s16 =	sadd.s32 $0x80, s1;
	(v2sf) =	vpush v2, $0xF  }
0x4b: {  	[hbm4b:s16+s13] =	stream.strided.scatter [tilespmem:s11], [sflag:$0x1], $0x400, s14, s13, $0x38;
	[tilespmem:$0x8100] =	vst v63  }
0x4c: {  	s17 =	sadd.s32 $0x900, s0;
	s18 =	sadd.s32 $0x100, s1  }
0x4d: {  	[hbm4b:s18+s13] =	stream.strided.scatter [tilespmem:s17], [sflag:$0x1], $0x400, s14, s13, $0x38;
	[tilespmem:$0x8100] =	vst v63  }
0x4e: {  	s19 =	sadd.s32 $0xD00, s0;
	s20 =	sadd.s32 $0x180, s1  }
0x4f: {  	[hbm4b:s20+s13] =	stream.strided.scatter [tilespmem:s19], [sflag:$0x1], $0x400, s14, s13, $0x38;
	[tilespmem:$0x8100] =	vst v63  }
0x50: {  	s21 =	sadd.s32 $0x1100, s0;
	s22 =	sadd.s32 $0x200, s1  }
0x51: {  	[hbm4b:s22+s13] =	stream.strided.scatter [tilespmem:s21], [sflag:$0x1], $0x400, s14, s13, $0x38;
	[tilespmem:$0x8100] =	vst v63  }
0x52: {  	s23 =	sadd.s32 $0x1500, s0;
	s24 =	sadd.s32 $0x280, s1  }
0x53: {  	[hbm4b:s24+s13] =	stream.strided.scatter [tilespmem:s23], [sflag:$0x1], $0x400, s14, s13, $0x38;
	[tilespmem:$0x8100] =	vst v63  }
0x54: {  	s25 =	sadd.s32 $0x1900, s0;
	s26 =	sadd.s32 $0x300, s1  }
0x55: {  	[hbm4b:s26+s13] =	stream.strided.scatter [tilespmem:s25], [sflag:$0x1], $0x400, s14, s13, $0x38;
	[tilespmem:$0x8100] =	vst v63  }
0x56: {  	s29 =	sadd.s32 $0x1D00, s0;
	s30 =	sadd.s32 $0x380, s1  }
0x57: {  	[hbm4b:s30+s13] =	stream.strided.scatter [tilespmem:s29], [sflag:$0x1], $0x400, s14, s13, $0x38;
	[tilespmem:$0x8100] =	vst v63  }
0x58: {  	s28 =	spop (v2sf)  }
0x59: {  	s31 =	spop (v2sf)  }
0x5a: {  	s3 =	sshll.u32 s28, $0x16;
	s4 =	sshll.u32 s31, $0xA;
	s0 =	sshll.u32 s31, $0x7  }
0x5b: {  	[dreg:$0x9] =	wrdreg s3;
	s10 =	sor.u32 s5, s3;
	s9 =	sand.u32 $0xFFFFE000, s4  }
0x5c: {  	s11 =	sand.u32 $0x380, s0;
	[dreg:$0xa] =	wrdreg s9;
	s16 =	sadd.s32 s9, s10  }
0x5d: {  	_ =	swait.ge [sflag:s12], $0x8000;
	s0 =	sor.u32 s11, s16  }
0x5e: {  	[sflag:s12] =	ssyncset.done $0x0;
	s0 =	sshrl.u32 s0, $0x3  }
0x5f: {  	s18 =	simm.s32 $0x100;
	[sflag:s12] =	ssyncadd.s32 $0xFFFF8000;
	s17 =	sadd.s32 s2, s0  }
0x60: {  	[hbm4b:s17+s13] =	stream.strided.scatter [tilespmem:s18], [sflag:$0x1], $0x400, s14, s13, $0x38;
	[tilespmem:$0x8100] =	vst v63  }
0x61: {  	s19 =	simm.s32 $0x500;
	s21 =	simm.s32 $0x900;
	s20 =	sadd.s32 $0x80, s17  }
0x62: {  	[hbm4b:s20+s13] =	stream.strided.scatter [tilespmem:s19], [sflag:$0x1], $0x400, s14, s13, $0x38;
	[tilespmem:$0x8100] =	vst v63  }
0x63: {  	s23 =	simm.s32 $0xD00;
	s25 =	simm.s32 $0x1100;
	s22 =	sadd.s32 $0x100, s17  }
0x64: {  	[hbm4b:s22+s13] =	stream.strided.scatter [tilespmem:s21], [sflag:$0x1], $0x400, s14, s13, $0x38;
	[tilespmem:$0x8100] =	vst v63  }
0x65: {  	s30 =	simm.s32 $0x1900;
	s28 =	simm.s32 $0x1500;
	s24 =	sadd.s32 $0x180, s17  }
0x66: {  	[hbm4b:s24+s13] =	stream.strided.scatter [tilespmem:s23], [sflag:$0x1], $0x400, s14, s13, $0x38;
	[tilespmem:$0x8100] =	vst v63  }
0x67: {  	s3 =	simm.s32 $0x10000;
	s4 =	simm.s32 $0x1D00;
	s26 =	sadd.s32 $0x200, s17  }
0x68: {  	[hbm4b:s26+s13] =	stream.strided.scatter [tilespmem:s25], [sflag:$0x1], $0x400, s14, s13, $0x38;
	[tilespmem:$0x8100] =	vst v63  }
0x69: {  	[dreg:$0xb] =	wrdreg s11;
	s0 =	simm.s32 $0x2000;
	s29 =	sadd.s32 $0x280, s17  }
0x6a: {  	[hbm4b:s29+s13] =	stream.strided.scatter [tilespmem:s28], [sflag:$0x1], $0x400, s14, s13, $0x38;
	[tilespmem:$0x8100] =	vst v63  }
0x6b: {  	s31 =	sadd.s32 $0x300, s17;
	s9 =	sadd.s32 $0x380, s17;
	s1 =	sadd.s32 $0x2000, s17  }
0x6c: {  	[hbm4b:s31+s13] =	stream.strided.scatter [tilespmem:s30], [sflag:$0x1], $0x400, s14, s13, $0x38;
	[tilespmem:$0x8100] =	vst v63  }
.LBB2_4:
0x6d: {  	[hbm4b:s9+s13] =	stream.strided.scatter [tilespmem:s4], [sflag:$0x1], $0x400, s14, s13, $0x38;
	[tilespmem:$0x8100] =	vst v63  }
0x6e: {  	s4 =	smov.u32 s0;
	s0 =	smov.u32 s3  }
0x6f: {  	s10 =	sadd.s32 $0x8000, s3;
	s0 =	sshra.s32 s0, $0x2;
	s9 =	sadd.s32 $0x100, s4  }
0x70: {  	[hbm4b:s1+s13] =	stream.strided.scatter [tilespmem:s9], [sflag:$0x1], $0x400, s14, s13, $0x38;
	[tilespmem:$0x8100] =	vst v63  }
0x71: {  	p0 =	sne.s32 s3, $0x18000;
	s3 =	sadd.s32 $0x500, s4;
	s9 =	sadd.s32 $0x80, s1  }
0x72: {  	[hbm4b:s9+s13] =	stream.strided.scatter [tilespmem:s3], [sflag:$0x1], $0x400, s14, s13, $0x38;
	[tilespmem:$0x8100] =	vst v63  }
0x73: {  	s3 =	sadd.s32 $0x900, s4;
	s9 =	sadd.s32 $0x100, s1  }
0x74: {  	[hbm4b:s9+s13] =	stream.strided.scatter [tilespmem:s3], [sflag:$0x1], $0x400, s14, s13, $0x38;
	[tilespmem:$0x8100] =	vst v63  }
0x75: {  	s3 =	sadd.s32 $0xD00, s4;
	s9 =	sadd.s32 $0x180, s1  }
0x76: {  	[hbm4b:s9+s13] =	stream.strided.scatter [tilespmem:s3], [sflag:$0x1], $0x400, s14, s13, $0x38;
	[tilespmem:$0x8100] =	vst v63  }
0x77: {  	s3 =	sadd.s32 $0x1100, s4;
	s9 =	sadd.s32 $0x200, s1  }
0x78: {  	[hbm4b:s9+s13] =	stream.strided.scatter [tilespmem:s3], [sflag:$0x1], $0x400, s14, s13, $0x38;
	[tilespmem:$0x8100] =	vst v63  }
.Ltmp1:
0x79: {  	s3 =	sadd.s32 $0x1500, s4;
	s9 =	sadd.s32 $0x280, s1;
	(pc) =	sbr.rel @p0 .LBB2_4-.Ltmp1, $4  }
0x7a: {  	[hbm4b:s9+s13] =	stream.strided.scatter [tilespmem:s3], [sflag:$0x1], $0x400, s14, s13, $0x38;
	[tilespmem:$0x8100] =	vst v63  }
0x7b: {  	s3 =	sadd.s32 $0x1900, s4;
	s9 =	sadd.s32 $0x300, s1;
	s4 =	sadd.s32 $0x1D00, s4  }
0x7c: {  	[hbm4b:s9+s13] =	stream.strided.scatter [tilespmem:s3], [sflag:$0x1], $0x400, s14, s13, $0x38;
	[tilespmem:$0x8100] =	vst v63  }
0x7d: {  	s9 =	sadd.s32 $0x380, s1;
	s1 =	sadd.s32 $0x2000, s1;
	s3 =	smov.u32 s10  }
0x7e: {  	v2 =	vnsel vm2, $0x7FFFFFFF, v0  }
0x7f: {  	(xrf0) =	vmax.scan.msk.u32 $0xffff, v2;
	v2 =	vnsel vm2, $0x7FFFFFFF, v1  }
0x80: {  	(xrf0) =	vmax.scan.msk.u32 $0xffff, v2;
	_ =	sdelay $0x3  }
0x81: {  	[hbm4b:s9+s13] =	stream.strided.scatter [tilespmem:s4], [sflag:$0x1], $0x400, s14, s13, $0x38;
	[tilespmem:$0x8100] =	vst v63  }
0x82: {  	s3 =	sadd.s32 $0x100, s0;
	v2, _, _ =	vpop (xrf0)  }
0x83: {  	[hbm4b:s1+s13] =	stream.strided.scatter [tilespmem:s3], [sflag:$0x1], $0x400, s14, s13, $0x38;
	(v2sf) =	vpush v2, $0xF;
	v2, _, _ =	vpop (xrf0);
	[tilespmem:$0x8100] =	vst v63  }
0x84: {  	s11 =	sadd.s32 $0x500, s0;
	s16 =	sadd.s32 $0x80, s1;
	(v2sf) =	vpush v2, $0xF  }
0x85: {  	[hbm4b:s16+s13] =	stream.strided.scatter [tilespmem:s11], [sflag:$0x1], $0x400, s14, s13, $0x38;
	[tilespmem:$0x8100] =	vst v63  }
0x86: {  	s17 =	sadd.s32 $0x900, s0;
	s18 =	sadd.s32 $0x100, s1  }
0x87: {  	[hbm4b:s18+s13] =	stream.strided.scatter [tilespmem:s17], [sflag:$0x1], $0x400, s14, s13, $0x38;
	[tilespmem:$0x8100] =	vst v63  }
0x88: {  	s19 =	sadd.s32 $0xD00, s0;
	s20 =	sadd.s32 $0x180, s1  }
0x89: {  	[hbm4b:s20+s13] =	stream.strided.scatter [tilespmem:s19], [sflag:$0x1], $0x400, s14, s13, $0x38;
	[tilespmem:$0x8100] =	vst v63  }
0x8a: {  	s21 =	sadd.s32 $0x1100, s0;
	s22 =	sadd.s32 $0x200, s1  }
0x8b: {  	[hbm4b:s22+s13] =	stream.strided.scatter [tilespmem:s21], [sflag:$0x1], $0x400, s14, s13, $0x38;
	[tilespmem:$0x8100] =	vst v63  }
0x8c: {  	s23 =	sadd.s32 $0x1500, s0;
	s24 =	sadd.s32 $0x280, s1  }
0x8d: {  	[hbm4b:s24+s13] =	stream.strided.scatter [tilespmem:s23], [sflag:$0x1], $0x400, s14, s13, $0x38;
	[tilespmem:$0x8100] =	vst v63  }
0x8e: {  	s25 =	sadd.s32 $0x1900, s0;
	s26 =	sadd.s32 $0x300, s1  }
0x8f: {  	[hbm4b:s26+s13] =	stream.strided.scatter [tilespmem:s25], [sflag:$0x1], $0x400, s14, s13, $0x38;
	[tilespmem:$0x8100] =	vst v63  }
0x90: {  	s29 =	sadd.s32 $0x1D00, s0;
	s30 =	sadd.s32 $0x380, s1  }
0x91: {  	[hbm4b:s30+s13] =	stream.strided.scatter [tilespmem:s29], [sflag:$0x1], $0x400, s14, s13, $0x38;
	[tilespmem:$0x8100] =	vst v63  }
0x92: {  	s28 =	spop (v2sf)  }
0x93: {  	s31 =	spop (v2sf)  }
0x94: {  	s3 =	sshll.u32 s28, $0x16;
	s4 =	sshll.u32 s31, $0xA;
	s0 =	sshll.u32 s31, $0x7  }
0x95: {  	[dreg:$0xc] =	wrdreg s3;
	s10 =	sor.u32 s5, s3;
	s9 =	sand.u32 $0xFFFFE000, s4  }
0x96: {  	s24 =	sand.u32 $0x380, s0;
	[dreg:$0xd] =	wrdreg s9;
	s11 =	sadd.s32 s9, s10  }
0x97: {  	_ =	swait.ge [sflag:s12], $0x8000;
	s0 =	sor.u32 s24, s11  }
0x98: {  	[sflag:s12] =	ssyncset.done $0x0;
	s0 =	sshrl.u32 s0, $0x3  }
0x99: {  	s17 =	simm.s32 $0x100;
	[sflag:s12] =	ssyncadd.s32 $0xFFFF8000;
	s16 =	sadd.s32 s2, s0  }
0x9a: {  	[hbm4b:s16+s13] =	stream.strided.scatter [tilespmem:s17], [sflag:$0x1], $0x400, s14, s13, $0x38;
	[tilespmem:$0x8100] =	vst v63  }
0x9b: {  	s18 =	simm.s32 $0x500;
	s19 =	sadd.s32 $0x80, s16  }
0x9c: {  	[hbm4b:s19+s13] =	stream.strided.scatter [tilespmem:s18], [sflag:$0x1], $0x400, s14, s13, $0x38;
	[tilespmem:$0x8100] =	vst v63  }
0x9d: {  	s20 =	simm.s32 $0x900;
	s22 =	simm.s32 $0xD00;
	s21 =	sadd.s32 $0x100, s16  }
0x9e: {  	[hbm4b:s21+s13] =	stream.strided.scatter [tilespmem:s20], [sflag:$0x1], $0x400, s14, s13, $0x38;
	[tilespmem:$0x8100] =	vst v63  }
0x9f: {  	s25 =	simm.s32 $0x1100;
	s30 =	simm.s32 $0x1900;
	s23 =	sadd.s32 $0x180, s16  }
0xa0: {  	[hbm4b:s23+s13] =	stream.strided.scatter [tilespmem:s22], [sflag:$0x1], $0x400, s14, s13, $0x38;
	[tilespmem:$0x8100] =	vst v63  }
0xa1: {  	s28 =	simm.s32 $0x1500;
	s3 =	simm.s32 $0x10000;
	s26 =	sadd.s32 $0x200, s16  }
0xa2: {  	[hbm4b:s26+s13] =	stream.strided.scatter [tilespmem:s25], [sflag:$0x1], $0x400, s14, s13, $0x38;
	[tilespmem:$0x8100] =	vst v63  }
0xa3: {  	s4 =	simm.s32 $0x1D00;
	s0 =	simm.s32 $0x2000;
	s29 =	sadd.s32 $0x280, s16  }
0xa4: {  	[hbm4b:s29+s13] =	stream.strided.scatter [tilespmem:s28], [sflag:$0x1], $0x400, s14, s13, $0x38;
	[tilespmem:$0x8100] =	vst v63  }
0xa5: {  	s31 =	sadd.s32 $0x300, s16;
	s9 =	sadd.s32 $0x380, s16;
	s1 =	sadd.s32 $0x2000, s16  }
0xa6: {  	[hbm4b:s31+s13] =	stream.strided.scatter [tilespmem:s30], [sflag:$0x1], $0x400, s14, s13, $0x38;
	[tilespmem:$0x8100] =	vst v63  }
.LBB2_6:
0xa7: {  	[hbm4b:s9+s13] =	stream.strided.scatter [tilespmem:s4], [sflag:$0x1], $0x400, s14, s13, $0x38;
	[tilespmem:$0x8100] =	vst v63  }
0xa8: {  	s4 =	smov.u32 s0;
	s0 =	smov.u32 s3  }
0xa9: {  	s10 =	sadd.s32 $0x8000, s3;
	s0 =	sshra.s32 s0, $0x2;
	s9 =	sadd.s32 $0x100, s4  }
0xaa: {  	[hbm4b:s1+s13] =	stream.strided.scatter [tilespmem:s9], [sflag:$0x1], $0x400, s14, s13, $0x38;
	[tilespmem:$0x8100] =	vst v63  }
0xab: {  	p0 =	sne.s32 s3, $0x18000;
	s3 =	sadd.s32 $0x500, s4;
	s9 =	sadd.s32 $0x80, s1  }
0xac: {  	[hbm4b:s9+s13] =	stream.strided.scatter [tilespmem:s3], [sflag:$0x1], $0x400, s14, s13, $0x38;
	[tilespmem:$0x8100] =	vst v63  }
0xad: {  	s3 =	sadd.s32 $0x900, s4;
	s9 =	sadd.s32 $0x100, s1  }
0xae: {  	[hbm4b:s9+s13] =	stream.strided.scatter [tilespmem:s3], [sflag:$0x1], $0x400, s14, s13, $0x38;
	[tilespmem:$0x8100] =	vst v63  }
0xaf: {  	s3 =	sadd.s32 $0xD00, s4;
	s9 =	sadd.s32 $0x180, s1  }
0xb0: {  	[hbm4b:s9+s13] =	stream.strided.scatter [tilespmem:s3], [sflag:$0x1], $0x400, s14, s13, $0x38;
	[tilespmem:$0x8100] =	vst v63  }
0xb1: {  	s3 =	sadd.s32 $0x1100, s4;
	s9 =	sadd.s32 $0x200, s1  }
0xb2: {  	[hbm4b:s9+s13] =	stream.strided.scatter [tilespmem:s3], [sflag:$0x1], $0x400, s14, s13, $0x38;
	[tilespmem:$0x8100] =	vst v63  }
.Ltmp2:
0xb3: {  	s3 =	sadd.s32 $0x1500, s4;
	s9 =	sadd.s32 $0x280, s1;
	(pc) =	sbr.rel @p0 .LBB2_6-.Ltmp2, $4  }
0xb4: {  	[hbm4b:s9+s13] =	stream.strided.scatter [tilespmem:s3], [sflag:$0x1], $0x400, s14, s13, $0x38;
	[tilespmem:$0x8100] =	vst v63  }
0xb5: {  	s3 =	sadd.s32 $0x1900, s4;
	s9 =	sadd.s32 $0x300, s1;
	s4 =	sadd.s32 $0x1D00, s4  }
0xb6: {  	[hbm4b:s9+s13] =	stream.strided.scatter [tilespmem:s3], [sflag:$0x1], $0x400, s14, s13, $0x38;
	[tilespmem:$0x8100] =	vst v63  }
0xb7: {  	s9 =	sadd.s32 $0x380, s1;
	s1 =	sadd.s32 $0x2000, s1;
	s3 =	smov.u32 s10  }
0xb8: {  	v2 =	vnsel vm3, $0x7FFFFFFF, v0  }
0xb9: {  	(xrf0) =	vmax.scan.msk.u32 $0xffff, v2;
	v2 =	vnsel vm3, $0x7FFFFFFF, v1  }
0xba: {  	(xrf0) =	vmax.scan.msk.u32 $0xffff, v2;
	_ =	sdelay $0x3  }
0xbb: {  	[hbm4b:s9+s13] =	stream.strided.scatter [tilespmem:s4], [sflag:$0x1], $0x400, s14, s13, $0x38;
	[tilespmem:$0x8100] =	vst v63  }
0xbc: {  	s3 =	sadd.s32 $0x100, s0;
	v2, _, _ =	vpop (xrf0)  }
0xbd: {  	[hbm4b:s1+s13] =	stream.strided.scatter [tilespmem:s3], [sflag:$0x1], $0x400, s14, s13, $0x38;
	(v2sf) =	vpush v2, $0xF;
	v2, _, _ =	vpop (xrf0);
	[tilespmem:$0x8100] =	vst v63  }
0xbe: {  	s9 =	sadd.s32 $0x500, s0;
	s10 =	sadd.s32 $0x80, s1;
	(v2sf) =	vpush v2, $0xF  }
0xbf: {  	[hbm4b:s10+s13] =	stream.strided.scatter [tilespmem:s9], [sflag:$0x1], $0x400, s14, s13, $0x38;
	[tilespmem:$0x8100] =	vst v63  }
0xc0: {  	s11 =	sadd.s32 $0x900, s0;
	s16 =	sadd.s32 $0x100, s1  }
0xc1: {  	[hbm4b:s16+s13] =	stream.strided.scatter [tilespmem:s11], [sflag:$0x1], $0x400, s14, s13, $0x38;
	[tilespmem:$0x8100] =	vst v63  }
0xc2: {  	s17 =	sadd.s32 $0xD00, s0;
	s18 =	sadd.s32 $0x180, s1  }
0xc3: {  	[hbm4b:s18+s13] =	stream.strided.scatter [tilespmem:s17], [sflag:$0x1], $0x400, s14, s13, $0x38;
	[tilespmem:$0x8100] =	vst v63  }
0xc4: {  	s19 =	sadd.s32 $0x1100, s0;
	s20 =	sadd.s32 $0x200, s1  }
0xc5: {  	[hbm4b:s20+s13] =	stream.strided.scatter [tilespmem:s19], [sflag:$0x1], $0x400, s14, s13, $0x38;
	[tilespmem:$0x8100] =	vst v63  }
0xc6: {  	s21 =	sadd.s32 $0x1500, s0;
	s22 =	sadd.s32 $0x280, s1  }
0xc7: {  	[hbm4b:s22+s13] =	stream.strided.scatter [tilespmem:s21], [sflag:$0x1], $0x400, s14, s13, $0x38;
	[tilespmem:$0x8100] =	vst v63  }
0xc8: {  	s23 =	sadd.s32 $0x1900, s0;
	s25 =	sadd.s32 $0x300, s1  }
0xc9: {  	[hbm4b:s25+s13] =	stream.strided.scatter [tilespmem:s23], [sflag:$0x1], $0x400, s14, s13, $0x38;
	[tilespmem:$0x8100] =	vst v63  }
0xca: {  	s29 =	sadd.s32 $0x1D00, s0;
	s30 =	sadd.s32 $0x380, s1  }
0xcb: {  	[hbm4b:s30+s13] =	stream.strided.scatter [tilespmem:s29], [sflag:$0x1], $0x400, s14, s13, $0x38;
	[tilespmem:$0x8100] =	vst v63  }
0xcc: {  	s26 =	spop (v2sf)  }
0xcd: {  	s31 =	spop (v2sf)  }
0xce: {  	s25 =	sshll.u32 s26, $0x16;
	s3 =	sshll.u32 s31, $0xA  }
0xcf: {  	s0 =	sshll.u32 s31, $0x7;
	s4 =	sor.u32 s5, s25;
	s26 =	sand.u32 $0xFFFFE000, s3  }
0xd0: {  	s28 =	sand.u32 $0x380, s0;
	s9 =	sadd.s32 s26, s4  }
0xd1: {  	_ =	swait.ge [sflag:s12], $0x8000;
	s0 =	sor.u32 s28, s9  }
0xd2: {  	[sflag:s12] =	ssyncset.done $0x0;
	s0 =	sshrl.u32 s0, $0x3  }
0xd3: {  	s10 =	simm.s32 $0x100;
	[sflag:s12] =	ssyncadd.s32 $0xFFFF8000;
	s1 =	sadd.s32 s2, s0  }
0xd4: {  	[hbm4b:s1+s13] =	stream.strided.scatter [tilespmem:s10], [sflag:$0x1], $0x400, s14, s13, $0x38;
	[tilespmem:$0x8100] =	vst v63  }
0xd5: {  	s11 =	simm.s32 $0x500;
	s16 =	sadd.s32 $0x80, s1  }
0xd6: {  	[hbm4b:s16+s13] =	stream.strided.scatter [tilespmem:s11], [sflag:$0x1], $0x400, s14, s13, $0x38;
	[tilespmem:$0x8100] =	vst v63  }
0xd7: {  	s17 =	simm.s32 $0x900;
	s19 =	simm.s32 $0xD00;
	s18 =	sadd.s32 $0x100, s1  }
0xd8: {  	[hbm4b:s18+s13] =	stream.strided.scatter [tilespmem:s17], [sflag:$0x1], $0x400, s14, s13, $0x38;
	[tilespmem:$0x8100] =	vst v63  }
0xd9: {  	s21 =	simm.s32 $0x1100;
	s23 =	simm.s32 $0x1500;
	s20 =	sadd.s32 $0x180, s1  }
0xda: {  	[hbm4b:s20+s13] =	stream.strided.scatter [tilespmem:s19], [sflag:$0x1], $0x400, s14, s13, $0x38;
	[tilespmem:$0x8100] =	vst v63  }
0xdb: {  	s30 =	simm.s32 $0x1900;
	s3 =	simm.s32 $0x10000;
	s22 =	sadd.s32 $0x200, s1  }
0xdc: {  	[hbm4b:s22+s13] =	stream.strided.scatter [tilespmem:s21], [sflag:$0x1], $0x400, s14, s13, $0x38;
	[tilespmem:$0x8100] =	vst v63  }
0xdd: {  	s4 =	simm.s32 $0x1D00;
	s0 =	simm.s32 $0x2000;
	s29 =	sadd.s32 $0x280, s1  }
0xde: {  	[hbm4b:s29+s13] =	stream.strided.scatter [tilespmem:s23], [sflag:$0x1], $0x400, s14, s13, $0x38;
	[tilespmem:$0x8100] =	vst v63  }
0xdf: {  	s31 =	sadd.s32 $0x300, s1;
	s9 =	sadd.s32 $0x380, s1;
	s1 =	sadd.s32 $0x2000, s1  }
0xe0: {  	[hbm4b:s31+s13] =	stream.strided.scatter [tilespmem:s30], [sflag:$0x1], $0x400, s14, s13, $0x38;
	[tilespmem:$0x8100] =	vst v63  }
.LBB2_8:
0xe1: {  	[hbm4b:s9+s13] =	stream.strided.scatter [tilespmem:s4], [sflag:$0x1], $0x400, s14, s13, $0x38;
	[tilespmem:$0x8100] =	vst v63  }
0xe2: {  	s4 =	smov.u32 s0;
	s0 =	smov.u32 s3  }
0xe3: {  	s10 =	sadd.s32 $0x8000, s3;
	s0 =	sshra.s32 s0, $0x2;
	s9 =	sadd.s32 $0x100, s4  }
0xe4: {  	[hbm4b:s1+s13] =	stream.strided.scatter [tilespmem:s9], [sflag:$0x1], $0x400, s14, s13, $0x38;
	[tilespmem:$0x8100] =	vst v63  }
0xe5: {  	p0 =	sne.s32 s3, $0x18000;
	s3 =	sadd.s32 $0x500, s4;
	s9 =	sadd.s32 $0x80, s1  }
0xe6: {  	[hbm4b:s9+s13] =	stream.strided.scatter [tilespmem:s3], [sflag:$0x1], $0x400, s14, s13, $0x38;
	[tilespmem:$0x8100] =	vst v63  }
0xe7: {  	s3 =	sadd.s32 $0x900, s4;
	s9 =	sadd.s32 $0x100, s1  }
0xe8: {  	[hbm4b:s9+s13] =	stream.strided.scatter [tilespmem:s3], [sflag:$0x1], $0x400, s14, s13, $0x38;
	[tilespmem:$0x8100] =	vst v63  }
0xe9: {  	s3 =	sadd.s32 $0xD00, s4;
	s9 =	sadd.s32 $0x180, s1  }
0xea: {  	[hbm4b:s9+s13] =	stream.strided.scatter [tilespmem:s3], [sflag:$0x1], $0x400, s14, s13, $0x38;
	[tilespmem:$0x8100] =	vst v63  }
0xeb: {  	s3 =	sadd.s32 $0x1100, s4;
	s9 =	sadd.s32 $0x200, s1  }
0xec: {  	[hbm4b:s9+s13] =	stream.strided.scatter [tilespmem:s3], [sflag:$0x1], $0x400, s14, s13, $0x38;
	[tilespmem:$0x8100] =	vst v63  }
.Ltmp3:
0xed: {  	s3 =	sadd.s32 $0x1500, s4;
	s9 =	sadd.s32 $0x280, s1;
	(pc) =	sbr.rel @p0 .LBB2_8-.Ltmp3, $4  }
0xee: {  	[hbm4b:s9+s13] =	stream.strided.scatter [tilespmem:s3], [sflag:$0x1], $0x400, s14, s13, $0x38;
	[tilespmem:$0x8100] =	vst v63  }
0xef: {  	s3 =	sadd.s32 $0x1900, s4;
	s9 =	sadd.s32 $0x300, s1;
	s4 =	sadd.s32 $0x1D00, s4  }
0xf0: {  	[hbm4b:s9+s13] =	stream.strided.scatter [tilespmem:s3], [sflag:$0x1], $0x400, s14, s13, $0x38;
	[tilespmem:$0x8100] =	vst v63  }
0xf1: {  	s9 =	sadd.s32 $0x380, s1;
	s1 =	sadd.s32 $0x2000, s1;
	s3 =	smov.u32 s10  }
0xf2: {  	v2 =	vnsel vm4, $0x7FFFFFFF, v0  }
0xf3: {  	(xrf0) =	vmax.scan.msk.u32 $0xffff, v2;
	v2 =	vnsel vm4, $0x7FFFFFFF, v1  }
0xf4: {  	(xrf0) =	vmax.scan.msk.u32 $0xffff, v2;
	_ =	sdelay $0x3  }
0xf5: {  	[hbm4b:s9+s13] =	stream.strided.scatter [tilespmem:s4], [sflag:$0x1], $0x400, s14, s13, $0x38;
	[tilespmem:$0x8100] =	vst v63  }
0xf6: {  	s3 =	sadd.s32 $0x100, s0;
	v2, _, _ =	vpop (xrf0)  }
0xf7: {  	[hbm4b:s1+s13] =	stream.strided.scatter [tilespmem:s3], [sflag:$0x1], $0x400, s14, s13, $0x38;
	(v2sf) =	vpush v2, $0xF;
	v2, _, _ =	vpop (xrf0);
	[tilespmem:$0x8100] =	vst v63  }
0xf8: {  	s18 =	sadd.s32 $0x500, s0;
	s19 =	sadd.s32 $0x80, s1;
	(v2sf) =	vpush v2, $0xF  }
0xf9: {  	[hbm4b:s19+s13] =	stream.strided.scatter [tilespmem:s18], [sflag:$0x1], $0x400, s14, s13, $0x38;
	[tilespmem:$0x8100] =	vst v63  }
0xfa: {  	s20 =	sadd.s32 $0x900, s0;
	s21 =	sadd.s32 $0x100, s1  }
0xfb: {  	[hbm4b:s21+s13] =	stream.strided.scatter [tilespmem:s20], [sflag:$0x1], $0x400, s14, s13, $0x38;
	[tilespmem:$0x8100] =	vst v63  }
0xfc: {  	s22 =	sadd.s32 $0xD00, s0;
	s23 =	sadd.s32 $0x180, s1  }
0xfd: {  	[hbm4b:s23+s13] =	stream.strided.scatter [tilespmem:s22], [sflag:$0x1], $0x400, s14, s13, $0x38;
	[tilespmem:$0x8100] =	vst v63  }
0xfe: {  	s4 =	sadd.s32 $0x1100, s0;
	s9 =	sadd.s32 $0x200, s1  }
0xff: {  	[hbm4b:s9+s13] =	stream.strided.scatter [tilespmem:s4], [sflag:$0x1], $0x400, s14, s13, $0x38;
	[tilespmem:$0x8100] =	vst v63  }
0x100: {  	s10 =	sadd.s32 $0x1500, s0;
	s11 =	sadd.s32 $0x280, s1  }
0x101: {  	[hbm4b:s11+s13] =	stream.strided.scatter [tilespmem:s10], [sflag:$0x1], $0x400, s14, s13, $0x38;
	[tilespmem:$0x8100] =	vst v63  }
0x102: {  	s16 =	sadd.s32 $0x1900, s0;
	s17 =	sadd.s32 $0x300, s1  }
0x103: {  	[hbm4b:s17+s13] =	stream.strided.scatter [tilespmem:s16], [sflag:$0x1], $0x400, s14, s13, $0x38;
	[tilespmem:$0x8100] =	vst v63  }
0x104: {  	s19 =	sadd.s32 $0x1D00, s0;
	s20 =	sadd.s32 $0x380, s1  }
0x105: {  	[hbm4b:s20+s13] =	stream.strided.scatter [tilespmem:s19], [sflag:$0x1], $0x400, s14, s13, $0x38;
	[tilespmem:$0x8100] =	vst v63  }
0x106: {  	s18 =	spop (v2sf)  }
0x107: {  	s21 =	spop (v2sf)  }
0x108: {  	s29 =	sshll.u32 s18, $0x16;
	s22 =	sshll.u32 s21, $0xA  }
0x109: {  	s0 =	sshll.u32 s21, $0x7;
	s23 =	sor.u32 s5, s29;
	s30 =	sand.u32 $0xFFFFE000, s22  }
0x10a: {  	s31 =	sand.u32 $0x380, s0;
	s1 =	sadd.s32 s30, s23  }
0x10b: {  	_ =	swait.ge [sflag:s12], $0x8000;
	s0 =	sor.u32 s31, s1  }
0x10c: {  	[sflag:s12] =	ssyncset.done $0x0;
	s0 =	sshrl.u32 s0, $0x3  }
0x10d: {  	s3 =	simm.s32 $0x100;
	[sflag:s12] =	ssyncadd.s32 $0xFFFF8000;
	s1 =	sadd.s32 s2, s0  }
0x10e: {  	[hbm4b:s1+s13] =	stream.strided.scatter [tilespmem:s3], [sflag:$0x1], $0x400, s14, s13, $0x38;
	[tilespmem:$0x8100] =	vst v63  }
0x10f: {  	s4 =	simm.s32 $0x500;
	s9 =	sadd.s32 $0x80, s1  }
0x110: {  	[hbm4b:s9+s13] =	stream.strided.scatter [tilespmem:s4], [sflag:$0x1], $0x400, s14, s13, $0x38;
	[tilespmem:$0x8100] =	vst v63  }
0x111: {  	s10 =	simm.s32 $0x900;
	s16 =	simm.s32 $0xD00;
	s11 =	sadd.s32 $0x100, s1  }
0x112: {  	[hbm4b:s11+s13] =	stream.strided.scatter [tilespmem:s10], [sflag:$0x1], $0x400, s14, s13, $0x38;
	[tilespmem:$0x8100] =	vst v63  }
0x113: {  	s20 =	simm.s32 $0x1500;
	s18 =	simm.s32 $0x1100;
	s17 =	sadd.s32 $0x180, s1  }
0x114: {  	[hbm4b:s17+s13] =	stream.strided.scatter [tilespmem:s16], [sflag:$0x1], $0x400, s14, s13, $0x38;
	[tilespmem:$0x8100] =	vst v63  }
0x115: {  	s22 =	simm.s32 $0x1900;
	s0 =	simm.s32 $0x2000;
	s19 =	sadd.s32 $0x200, s1  }
0x116: {  	[hbm4b:s19+s13] =	stream.strided.scatter [tilespmem:s18], [sflag:$0x1], $0x400, s14, s13, $0x38;
	[tilespmem:$0x8100] =	vst v63  }
0x117: {  	s21 =	sadd.s32 $0x280, s1;
	s23 =	sadd.s32 $0x300, s1;
	s3 =	simm.s32 $0x10000  }
0x118: {  	[hbm4b:s21+s13] =	stream.strided.scatter [tilespmem:s20], [sflag:$0x1], $0x400, s14, s13, $0x38;
	[tilespmem:$0x8100] =	vst v63  }
0x119: {  	s4 =	simm.s32 $0x1D00;
	s9 =	sadd.s32 $0x380, s1;
	s1 =	sadd.s32 $0x2000, s1  }
0x11a: {  	[hbm4b:s23+s13] =	stream.strided.scatter [tilespmem:s22], [sflag:$0x1], $0x400, s14, s13, $0x38;
	[tilespmem:$0x8100] =	vst v63  }
.LBB2_10:
0x11b: {  	[hbm4b:s9+s13] =	stream.strided.scatter [tilespmem:s4], [sflag:$0x1], $0x400, s14, s13, $0x38;
	[tilespmem:$0x8100] =	vst v63  }
0x11c: {  	s4 =	smov.u32 s0;
	s0 =	smov.u32 s3  }
0x11d: {  	s10 =	sadd.s32 $0x8000, s3;
	s0 =	sshra.s32 s0, $0x2;
	s9 =	sadd.s32 $0x100, s4  }
0x11e: {  	[hbm4b:s1+s13] =	stream.strided.scatter [tilespmem:s9], [sflag:$0x1], $0x400, s14, s13, $0x38;
	[tilespmem:$0x8100] =	vst v63  }
0x11f: {  	p0 =	sne.s32 s3, $0x18000;
	s3 =	sadd.s32 $0x500, s4;
	s9 =	sadd.s32 $0x80, s1  }
0x120: {  	[hbm4b:s9+s13] =	stream.strided.scatter [tilespmem:s3], [sflag:$0x1], $0x400, s14, s13, $0x38;
	[tilespmem:$0x8100] =	vst v63  }
0x121: {  	s3 =	sadd.s32 $0x900, s4;
	s9 =	sadd.s32 $0x100, s1  }
0x122: {  	[hbm4b:s9+s13] =	stream.strided.scatter [tilespmem:s3], [sflag:$0x1], $0x400, s14, s13, $0x38;
	[tilespmem:$0x8100] =	vst v63  }
0x123: {  	s3 =	sadd.s32 $0xD00, s4;
	s9 =	sadd.s32 $0x180, s1  }
0x124: {  	[hbm4b:s9+s13] =	stream.strided.scatter [tilespmem:s3], [sflag:$0x1], $0x400, s14, s13, $0x38;
	[tilespmem:$0x8100] =	vst v63  }
0x125: {  	s3 =	sadd.s32 $0x1100, s4;
	s9 =	sadd.s32 $0x200, s1  }
0x126: {  	[hbm4b:s9+s13] =	stream.strided.scatter [tilespmem:s3], [sflag:$0x1], $0x400, s14, s13, $0x38;
	[tilespmem:$0x8100] =	vst v63  }
.Ltmp4:
0x127: {  	s3 =	sadd.s32 $0x1500, s4;
	s9 =	sadd.s32 $0x280, s1;
	(pc) =	sbr.rel @p0 .LBB2_10-.Ltmp4, $4  }
0x128: {  	[hbm4b:s9+s13] =	stream.strided.scatter [tilespmem:s3], [sflag:$0x1], $0x400, s14, s13, $0x38;
	[tilespmem:$0x8100] =	vst v63  }
0x129: {  	s3 =	sadd.s32 $0x1900, s4;
	s9 =	sadd.s32 $0x300, s1;
	s4 =	sadd.s32 $0x1D00, s4  }
0x12a: {  	[hbm4b:s9+s13] =	stream.strided.scatter [tilespmem:s3], [sflag:$0x1], $0x400, s14, s13, $0x38;
	[tilespmem:$0x8100] =	vst v63  }
0x12b: {  	s9 =	sadd.s32 $0x380, s1;
	s1 =	sadd.s32 $0x2000, s1;
	s3 =	smov.u32 s10  }
0x12c: {  	v2 =	vnsel vm5, $0x7FFFFFFF, v0  }
0x12d: {  	(xrf0) =	vmax.scan.msk.u32 $0xffff, v2;
	v2 =	vnsel vm5, $0x7FFFFFFF, v1  }
0x12e: {  	(xrf0) =	vmax.scan.msk.u32 $0xffff, v2;
	_ =	sdelay $0x3  }
0x12f: {  	[hbm4b:s9+s13] =	stream.strided.scatter [tilespmem:s4], [sflag:$0x1], $0x400, s14, s13, $0x38;
	[tilespmem:$0x8100] =	vst v63  }
0x130: {  	s3 =	sadd.s32 $0x100, s0;
	v2, _, _ =	vpop (xrf0)  }
0x131: {  	[hbm4b:s1+s13] =	stream.strided.scatter [tilespmem:s3], [sflag:$0x1], $0x400, s14, s13, $0x38;
	(v2sf) =	vpush v2, $0xF;
	v2, _, _ =	vpop (xrf0);
	[tilespmem:$0x8100] =	vst v63  }
0x132: {  	s16 =	sadd.s32 $0x500, s0;
	s17 =	sadd.s32 $0x80, s1;
	(v2sf) =	vpush v2, $0xF  }
0x133: {  	[hbm4b:s17+s13] =	stream.strided.scatter [tilespmem:s16], [sflag:$0x1], $0x400, s14, s13, $0x38;
	[tilespmem:$0x8100] =	vst v63  }
0x134: {  	s18 =	sadd.s32 $0x900, s0;
	s19 =	sadd.s32 $0x100, s1  }
0x135: {  	[hbm4b:s19+s13] =	stream.strided.scatter [tilespmem:s18], [sflag:$0x1], $0x400, s14, s13, $0x38;
	[tilespmem:$0x8100] =	vst v63  }
0x136: {  	s20 =	sadd.s32 $0xD00, s0;
	s21 =	sadd.s32 $0x180, s1  }
0x137: {  	[hbm4b:s21+s13] =	stream.strided.scatter [tilespmem:s20], [sflag:$0x1], $0x400, s14, s13, $0x38;
	[tilespmem:$0x8100] =	vst v63  }
0x138: {  	s22 =	sadd.s32 $0x1100, s0;
	s23 =	sadd.s32 $0x200, s1  }
0x139: {  	[hbm4b:s23+s13] =	stream.strided.scatter [tilespmem:s22], [sflag:$0x1], $0x400, s14, s13, $0x38;
	[tilespmem:$0x8100] =	vst v63  }
0x13a: {  	s4 =	sadd.s32 $0x1500, s0;
	s9 =	sadd.s32 $0x280, s1  }
0x13b: {  	[hbm4b:s9+s13] =	stream.strided.scatter [tilespmem:s4], [sflag:$0x1], $0x400, s14, s13, $0x38;
	[tilespmem:$0x8100] =	vst v63  }
0x13c: {  	s10 =	sadd.s32 $0x1900, s0;
	s11 =	sadd.s32 $0x300, s1  }
0x13d: {  	[hbm4b:s11+s13] =	stream.strided.scatter [tilespmem:s10], [sflag:$0x1], $0x400, s14, s13, $0x38;
	[tilespmem:$0x8100] =	vst v63  }
0x13e: {  	s17 =	sadd.s32 $0x1D00, s0;
	s18 =	sadd.s32 $0x380, s1  }
0x13f: {  	[hbm4b:s18+s13] =	stream.strided.scatter [tilespmem:s17], [sflag:$0x1], $0x400, s14, s13, $0x38;
	[tilespmem:$0x8100] =	vst v63  }
0x140: {  	s16 =	spop (v2sf)  }
0x141: {  	s19 =	spop (v2sf)  }
0x142: {  	s0 =	sshll.u32 s16, $0x16;
	s20 =	sshll.u32 s19, $0xA  }
0x143: {  	s1 =	sshll.u32 s19, $0x7;
	s21 =	sor.u32 s5, s0;
	s3 =	sand.u32 $0xFFFFE000, s20  }
0x144: {  	s1 =	sand.u32 $0x380, s1;
	s4 =	sadd.s32 s3, s21  }
0x145: {  	_ =	swait.ge [sflag:s12], $0x8000;
	s4 =	sor.u32 s1, s4  }
0x146: {  	[sflag:s12] =	ssyncset.done $0x0;
	s4 =	sshrl.u32 s4, $0x3  }
0x147: {  	s22 =	simm.s32 $0x100;
	[sflag:s12] =	ssyncadd.s32 $0xFFFF8000;
	s9 =	sadd.s32 s2, s4  }
0x148: {  	[hbm4b:s9+s13] =	stream.strided.scatter [tilespmem:s22], [sflag:$0x1], $0x400, s14, s13, $0x38;
	[tilespmem:$0x8100] =	vst v63  }
0x149: {  	s23 =	simm.s32 $0x500;
	s10 =	sadd.s32 $0x80, s9  }
0x14a: {  	[hbm4b:s10+s13] =	stream.strided.scatter [tilespmem:s23], [sflag:$0x1], $0x400, s14, s13, $0x38;
	[tilespmem:$0x8100] =	vst v63  }
0x14b: {  	s18 =	simm.s32 $0x1100;
	s11 =	sadd.s32 $0x100, s9;
	s10 =	simm.s32 $0x900  }
0x14c: {  	[hbm4b:s11+s13] =	stream.strided.scatter [tilespmem:s10], [sflag:$0x1], $0x400, s14, s13, $0x38;
	[tilespmem:$0x8100] =	vst v63  }
0x14d: {  	s16 =	simm.s32 $0xD00;
	s20 =	simm.s32 $0x1500;
	s17 =	sadd.s32 $0x180, s9  }
0x14e: {  	[hbm4b:s17+s13] =	stream.strided.scatter [tilespmem:s16], [sflag:$0x1], $0x400, s14, s13, $0x38;
	[tilespmem:$0x8100] =	vst v63  }
0x14f: {  	s4 =	simm.s32 $0x2000;
	s19 =	sadd.s32 $0x200, s9;
	s21 =	sadd.s32 $0x280, s9  }
0x150: {  	[hbm4b:s19+s13] =	stream.strided.scatter [tilespmem:s18], [sflag:$0x1], $0x400, s14, s13, $0x38;
	[tilespmem:$0x8100] =	vst v63  }
0x151: {  	s22 =	simm.s32 $0x1900;
	s23 =	sadd.s32 $0x300, s9;
	s10 =	simm.s32 $0x10000  }
0x152: {  	[hbm4b:s21+s13] =	stream.strided.scatter [tilespmem:s20], [sflag:$0x1], $0x400, s14, s13, $0x38;
	[tilespmem:$0x8100] =	vst v63  }
0x153: {  	s11 =	simm.s32 $0x1D00;
	s16 =	sadd.s32 $0x380, s9;
	s9 =	sadd.s32 $0x2000, s9  }
0x154: {  	[hbm4b:s23+s13] =	stream.strided.scatter [tilespmem:s22], [sflag:$0x1], $0x400, s14, s13, $0x38;
	[tilespmem:$0x8100] =	vst v63  }
.LBB2_12:
0x155: {  	[hbm4b:s16+s13] =	stream.strided.scatter [tilespmem:s11], [sflag:$0x1], $0x400, s14, s13, $0x38;
	[tilespmem:$0x8100] =	vst v63  }
0x156: {  	s11 =	smov.u32 s4;
	s4 =	smov.u32 s10  }
0x157: {  	s17 =	sadd.s32 $0x8000, s10;
	s4 =	sshra.s32 s4, $0x2;
	s16 =	sadd.s32 $0x100, s11  }
0x158: {  	[hbm4b:s9+s13] =	stream.strided.scatter [tilespmem:s16], [sflag:$0x1], $0x400, s14, s13, $0x38;
	[tilespmem:$0x8100] =	vst v63  }
0x159: {  	p0 =	sne.s32 s10, $0x18000;
	s10 =	sadd.s32 $0x500, s11;
	s16 =	sadd.s32 $0x80, s9  }
0x15a: {  	[hbm4b:s16+s13] =	stream.strided.scatter [tilespmem:s10], [sflag:$0x1], $0x400, s14, s13, $0x38;
	[tilespmem:$0x8100] =	vst v63  }
0x15b: {  	s10 =	sadd.s32 $0x900, s11;
	s16 =	sadd.s32 $0x100, s9  }
0x15c: {  	[hbm4b:s16+s13] =	stream.strided.scatter [tilespmem:s10], [sflag:$0x1], $0x400, s14, s13, $0x38;
	[tilespmem:$0x8100] =	vst v63  }
0x15d: {  	s10 =	sadd.s32 $0xD00, s11;
	s16 =	sadd.s32 $0x180, s9  }
0x15e: {  	[hbm4b:s16+s13] =	stream.strided.scatter [tilespmem:s10], [sflag:$0x1], $0x400, s14, s13, $0x38;
	[tilespmem:$0x8100] =	vst v63  }
0x15f: {  	s10 =	sadd.s32 $0x1100, s11;
	s16 =	sadd.s32 $0x200, s9  }
0x160: {  	[hbm4b:s16+s13] =	stream.strided.scatter [tilespmem:s10], [sflag:$0x1], $0x400, s14, s13, $0x38;
	[tilespmem:$0x8100] =	vst v63  }
.Ltmp5:
0x161: {  	s10 =	sadd.s32 $0x1500, s11;
	s16 =	sadd.s32 $0x280, s9;
	(pc) =	sbr.rel @p0 .LBB2_12-.Ltmp5, $4  }
0x162: {  	[hbm4b:s16+s13] =	stream.strided.scatter [tilespmem:s10], [sflag:$0x1], $0x400, s14, s13, $0x38;
	[tilespmem:$0x8100] =	vst v63  }
0x163: {  	s10 =	sadd.s32 $0x1900, s11;
	s16 =	sadd.s32 $0x300, s9;
	s11 =	sadd.s32 $0x1D00, s11  }
0x164: {  	[hbm4b:s16+s13] =	stream.strided.scatter [tilespmem:s10], [sflag:$0x1], $0x400, s14, s13, $0x38;
	[tilespmem:$0x8100] =	vst v63  }
0x165: {  	s16 =	sadd.s32 $0x380, s9;
	s9 =	sadd.s32 $0x2000, s9;
	s10 =	smov.u32 s17  }
0x166: {  	v2 =	vnsel vm6, $0x7FFFFFFF, v0  }
0x167: {  	(xrf0) =	vmax.scan.msk.u32 $0xffff, v2;
	v2 =	vnsel vm6, $0x7FFFFFFF, v1  }
0x168: {  	(xrf0) =	vmax.scan.msk.u32 $0xffff, v2;
	_ =	sdelay $0x3  }
0x169: {  	[hbm4b:s16+s13] =	stream.strided.scatter [tilespmem:s11], [sflag:$0x1], $0x400, s14, s13, $0x38;
	[tilespmem:$0x8100] =	vst v63  }
0x16a: {  	s10 =	sadd.s32 $0x100, s4;
	v2, _, _ =	vpop (xrf0)  }
0x16b: {  	[hbm4b:s9+s13] =	stream.strided.scatter [tilespmem:s10], [sflag:$0x1], $0x400, s14, s13, $0x38;
	(v2sf) =	vpush v2, $0xF;
	v2, _, _ =	vpop (xrf0);
	[tilespmem:$0x8100] =	vst v63  }
0x16c: {  	s16 =	sadd.s32 $0x500, s4;
	s17 =	sadd.s32 $0x80, s9;
	(v2sf) =	vpush v2, $0xF  }
0x16d: {  	[hbm4b:s17+s13] =	stream.strided.scatter [tilespmem:s16], [sflag:$0x1], $0x400, s14, s13, $0x38;
	[tilespmem:$0x8100] =	vst v63  }
0x16e: {  	s18 =	sadd.s32 $0x900, s4;
	s19 =	sadd.s32 $0x100, s9  }
0x16f: {  	[hbm4b:s19+s13] =	stream.strided.scatter [tilespmem:s18], [sflag:$0x1], $0x400, s14, s13, $0x38;
	[tilespmem:$0x8100] =	vst v63  }
0x170: {  	s20 =	sadd.s32 $0xD00, s4;
	s21 =	sadd.s32 $0x180, s9  }
0x171: {  	[hbm4b:s21+s13] =	stream.strided.scatter [tilespmem:s20], [sflag:$0x1], $0x400, s14, s13, $0x38;
	[tilespmem:$0x8100] =	vst v63  }
0x172: {  	s22 =	sadd.s32 $0x1100, s4;
	s23 =	sadd.s32 $0x200, s9  }
0x173: {  	[hbm4b:s23+s13] =	stream.strided.scatter [tilespmem:s22], [sflag:$0x1], $0x400, s14, s13, $0x38;
	[tilespmem:$0x8100] =	vst v63  }
0x174: {  	s16 =	sadd.s32 $0x1500, s4;
	s17 =	sadd.s32 $0x280, s9  }
0x175: {  	[hbm4b:s17+s13] =	stream.strided.scatter [tilespmem:s16], [sflag:$0x1], $0x400, s14, s13, $0x38;
	[tilespmem:$0x8100] =	vst v63  }
0x176: {  	s18 =	sadd.s32 $0x1900, s4;
	s19 =	sadd.s32 $0x300, s9  }
0x177: {  	[hbm4b:s19+s13] =	stream.strided.scatter [tilespmem:s18], [sflag:$0x1], $0x400, s14, s13, $0x38;
	[tilespmem:$0x8100] =	vst v63  }
0x178: {  	s21 =	sadd.s32 $0x1D00, s4;
	s22 =	sadd.s32 $0x380, s9  }
0x179: {  	[hbm4b:s22+s13] =	stream.strided.scatter [tilespmem:s21], [sflag:$0x1], $0x400, s14, s13, $0x38;
	[tilespmem:$0x8100] =	vst v63  }
0x17a: {  	s20 =	spop (v2sf)  }
0x17b: {  	s23 =	spop (v2sf)  }
0x17c: {  	s4 =	sshll.u32 s20, $0x16;
	s10 =	sshll.u32 s23, $0xA  }
0x17d: {  	s16 =	sshll.u32 s23, $0x7;
	s17 =	sor.u32 s5, s4;
	s9 =	sand.u32 $0xFFFFE000, s10  }
0x17e: {  	s10 =	sand.u32 $0x380, s16;
	s11 =	sadd.s32 s9, s17  }
0x17f: {  	_ =	swait.ge [sflag:s12], $0x8000;
	s11 =	sor.u32 s10, s11  }
0x180: {  	[sflag:s12] =	ssyncset.done $0x0;
	s11 =	sshrl.u32 s11, $0x3  }
0x181: {  	s18 =	simm.s32 $0x100;
	[sflag:s12] =	ssyncadd.s32 $0xFFFF8000;
	s16 =	sadd.s32 s2, s11  }
0x182: {  	[hbm4b:s16+s13] =	stream.strided.scatter [tilespmem:s18], [sflag:$0x1], $0x400, s14, s13, $0x38;
	[tilespmem:$0x8100] =	vst v63  }
0x183: {  	s19 =	simm.s32 $0x500;
	s17 =	sadd.s32 $0x80, s16  }
0x184: {  	[hbm4b:s17+s13] =	stream.strided.scatter [tilespmem:s19], [sflag:$0x1], $0x400, s14, s13, $0x38;
	[tilespmem:$0x8100] =	vst v63  }
0x185: {  	s22 =	simm.s32 $0xD00;
	s20 =	simm.s32 $0x900;
	s21 =	sadd.s32 $0x100, s16  }
0x186: {  	[hbm4b:s21+s13] =	stream.strided.scatter [tilespmem:s20], [sflag:$0x1], $0x400, s14, s13, $0x38;
	[tilespmem:$0x8100] =	vst v63  }
0x187: {  	s11 =	simm.s32 $0x2000;
	s23 =	sadd.s32 $0x180, s16;
	s18 =	simm.s32 $0x1100  }
0x188: {  	[hbm4b:s23+s13] =	stream.strided.scatter [tilespmem:s22], [sflag:$0x1], $0x400, s14, s13, $0x38;
	[tilespmem:$0x8100] =	vst v63  }
0x189: {  	s19 =	sadd.s32 $0x200, s16;
	s17 =	simm.s32 $0x10000;
	s20 =	simm.s32 $0x1500  }
0x18a: {  	[hbm4b:s19+s13] =	stream.strided.scatter [tilespmem:s18], [sflag:$0x1], $0x400, s14, s13, $0x38;
	[tilespmem:$0x8100] =	vst v63  }
0x18b: {  	s21 =	sadd.s32 $0x280, s16;
	s22 =	simm.s32 $0x1900;
	s23 =	sadd.s32 $0x300, s16  }
0x18c: {  	[hbm4b:s21+s13] =	stream.strided.scatter [tilespmem:s20], [sflag:$0x1], $0x400, s14, s13, $0x38;
	[tilespmem:$0x8100] =	vst v63  }
0x18d: {  	s18 =	simm.s32 $0x1D00;
	s19 =	sadd.s32 $0x380, s16;
	s16 =	sadd.s32 $0x2000, s16  }
0x18e: {  	[hbm4b:s23+s13] =	stream.strided.scatter [tilespmem:s22], [sflag:$0x1], $0x400, s14, s13, $0x38;
	[tilespmem:$0x8100] =	vst v63  }
.LBB2_14:
0x18f: {  	[hbm4b:s19+s13] =	stream.strided.scatter [tilespmem:s18], [sflag:$0x1], $0x400, s14, s13, $0x38;
	[tilespmem:$0x8100] =	vst v63  }
0x190: {  	s18 =	smov.u32 s11;
	s11 =	smov.u32 s17  }
0x191: {  	s20 =	sadd.s32 $0x8000, s17;
	s11 =	sshra.s32 s11, $0x2;
	s19 =	sadd.s32 $0x100, s18  }
0x192: {  	[hbm4b:s16+s13] =	stream.strided.scatter [tilespmem:s19], [sflag:$0x1], $0x400, s14, s13, $0x38;
	[tilespmem:$0x8100] =	vst v63  }
0x193: {  	p0 =	sne.s32 s17, $0x18000;
	s17 =	sadd.s32 $0x500, s18;
	s19 =	sadd.s32 $0x80, s16  }
0x194: {  	[hbm4b:s19+s13] =	stream.strided.scatter [tilespmem:s17], [sflag:$0x1], $0x400, s14, s13, $0x38;
	[tilespmem:$0x8100] =	vst v63  }
0x195: {  	s17 =	sadd.s32 $0x900, s18;
	s19 =	sadd.s32 $0x100, s16  }
0x196: {  	[hbm4b:s19+s13] =	stream.strided.scatter [tilespmem:s17], [sflag:$0x1], $0x400, s14, s13, $0x38;
	[tilespmem:$0x8100] =	vst v63  }
0x197: {  	s17 =	sadd.s32 $0xD00, s18;
	s19 =	sadd.s32 $0x180, s16  }
0x198: {  	[hbm4b:s19+s13] =	stream.strided.scatter [tilespmem:s17], [sflag:$0x1], $0x400, s14, s13, $0x38;
	[tilespmem:$0x8100] =	vst v63  }
0x199: {  	s17 =	sadd.s32 $0x1100, s18;
	s19 =	sadd.s32 $0x200, s16  }
0x19a: {  	[hbm4b:s19+s13] =	stream.strided.scatter [tilespmem:s17], [sflag:$0x1], $0x400, s14, s13, $0x38;
	[tilespmem:$0x8100] =	vst v63  }
.Ltmp6:
0x19b: {  	s17 =	sadd.s32 $0x1500, s18;
	s19 =	sadd.s32 $0x280, s16;
	(pc) =	sbr.rel @p0 .LBB2_14-.Ltmp6, $4  }
0x19c: {  	[hbm4b:s19+s13] =	stream.strided.scatter [tilespmem:s17], [sflag:$0x1], $0x400, s14, s13, $0x38;
	[tilespmem:$0x8100] =	vst v63  }
0x19d: {  	s17 =	sadd.s32 $0x1900, s18;
	s19 =	sadd.s32 $0x300, s16;
	s18 =	sadd.s32 $0x1D00, s18  }
0x19e: {  	[hbm4b:s19+s13] =	stream.strided.scatter [tilespmem:s17], [sflag:$0x1], $0x400, s14, s13, $0x38;
	[tilespmem:$0x8100] =	vst v63  }
0x19f: {  	s19 =	sadd.s32 $0x380, s16;
	s16 =	sadd.s32 $0x2000, s16;
	s17 =	smov.u32 s20  }
0x1a0: {  	v0 =	vnsel vm7, $0x7FFFFFFF, v0  }
0x1a1: {  	v61 =	vnsel vm7, $0x7FFFFFFF, v1;
	(xrf0) =	vmax.scan.msk.u32 $0xffff, v0  }
0x1a2: {  	(xrf0) =	vmax.scan.msk.u32 $0xffff, v61;
	_ =	sdelay $0x3  }
0x1a3: {  	[hbm4b:s19+s13] =	stream.strided.scatter [tilespmem:s18], [sflag:$0x1], $0x400, s14, s13, $0x38;
	[tilespmem:$0x8100] =	vst v63  }
0x1a4: {  	s17 =	sadd.s32 $0x100, s11;
	v62, _, _ =	vpop (xrf0)  }
0x1a5: {  	[hbm4b:s16+s13] =	stream.strided.scatter [tilespmem:s17], [sflag:$0x1], $0x400, s14, s13, $0x38;
	(v2sf) =	vpush v62, $0xF;
	v63, _, _ =	vpop (xrf0);
	[tilespmem:$0x8100] =	vst v63  }
0x1a6: {  	s20 =	sadd.s32 $0x500, s11;
	s21 =	sadd.s32 $0x80, s16;
	(v2sf) =	vpush v63, $0xF  }
0x1a7: {  	[hbm4b:s21+s13] =	stream.strided.scatter [tilespmem:s20], [sflag:$0x1], $0x400, s14, s13, $0x38;
	[tilespmem:$0x8100] =	vst v63  }
0x1a8: {  	s22 =	sadd.s32 $0x900, s11;
	s23 =	sadd.s32 $0x100, s16  }
0x1a9: {  	[hbm4b:s23+s13] =	stream.strided.scatter [tilespmem:s22], [sflag:$0x1], $0x400, s14, s13, $0x38;
	[tilespmem:$0x8100] =	vst v63  }
0x1aa: {  	s18 =	sadd.s32 $0xD00, s11;
	s19 =	sadd.s32 $0x180, s16  }
0x1ab: {  	[hbm4b:s19+s13] =	stream.strided.scatter [tilespmem:s18], [sflag:$0x1], $0x400, s14, s13, $0x38;
	[tilespmem:$0x8100] =	vst v63  }
0x1ac: {  	s20 =	sadd.s32 $0x1100, s11;
	s21 =	sadd.s32 $0x200, s16  }
0x1ad: {  	[hbm4b:s21+s13] =	stream.strided.scatter [tilespmem:s20], [sflag:$0x1], $0x400, s14, s13, $0x38;
	[tilespmem:$0x8100] =	vst v63  }
0x1ae: {  	s22 =	sadd.s32 $0x1500, s11;
	s23 =	sadd.s32 $0x280, s16  }
0x1af: {  	[hbm4b:s23+s13] =	stream.strided.scatter [tilespmem:s22], [sflag:$0x1], $0x400, s14, s13, $0x38;
	[tilespmem:$0x8100] =	vst v63  }
0x1b0: {  	s18 =	sadd.s32 $0x1900, s11;
	s19 =	sadd.s32 $0x300, s16  }
0x1b1: {  	[hbm4b:s19+s13] =	stream.strided.scatter [tilespmem:s18], [sflag:$0x1], $0x400, s14, s13, $0x38;
	[tilespmem:$0x8100] =	vst v63  }
0x1b2: {  	s21 =	sadd.s32 $0x1D00, s11;
	s22 =	sadd.s32 $0x380, s16  }
0x1b3: {  	[hbm4b:s22+s13] =	stream.strided.scatter [tilespmem:s21], [sflag:$0x1], $0x400, s14, s13, $0x38;
	[tilespmem:$0x8100] =	vst v63  }
0x1b4: {  	s20 =	spop (v2sf)  }
0x1b5: {  	s23 =	spop (v2sf)  }
0x1b6: {  	s11 =	sshll.u32 s20, $0x16;
	s17 =	sshll.u32 s23, $0xA  }
0x1b7: {  	s18 =	sshll.u32 s23, $0x7;
	s19 =	sor.u32 s5, s11;
	s16 =	sand.u32 $0xFFFFE000, s17  }
0x1b8: {  	s17 =	sand.u32 $0x380, s18;
	s18 =	sadd.s32 s16, s19  }
0x1b9: {  	_ =	swait.ge [sflag:s12], $0x8000;
	s18 =	sor.u32 s17, s18  }
0x1ba: {  	[sflag:s12] =	ssyncset.done $0x0;
	s18 =	sshrl.u32 s18, $0x3  }
0x1bb: {  	s20 =	simm.s32 $0x100;
	[sflag:s12] =	ssyncadd.s32 $0xFFFF8000;
	s19 =	sadd.s32 s2, s18  }
0x1bc: {  	[hbm4b:s19+s13] =	stream.strided.scatter [tilespmem:s20], [sflag:$0x1], $0x400, s14, s13, $0x38;
	[tilespmem:$0x8100] =	vst v63  }
0x1bd: {  	s21 =	simm.s32 $0x500;
	s20 =	sadd.s32 $0x80, s19  }
0x1be: {  	[hbm4b:s20+s13] =	stream.strided.scatter [tilespmem:s21], [sflag:$0x1], $0x400, s14, s13, $0x38;
	[tilespmem:$0x8100] =	vst v63  }
0x1bf: {  	s22 =	simm.s32 $0x900;
	s23 =	sadd.s32 $0x100, s19  }
0x1c0: {  	[hbm4b:s23+s13] =	stream.strided.scatter [tilespmem:s22], [sflag:$0x1], $0x400, s14, s13, $0x38;
	[tilespmem:$0x8100] =	vst v63  }
0x1c1: {  	s20 =	simm.s32 $0xD00;
	s21 =	sadd.s32 $0x180, s19  }
0x1c2: {  	[hbm4b:s21+s13] =	stream.strided.scatter [tilespmem:s20], [sflag:$0x1], $0x400, s14, s13, $0x38;
	[tilespmem:$0x8100] =	vst v63  }
0x1c3: {  	s22 =	simm.s32 $0x1100;
	s23 =	sadd.s32 $0x200, s19  }
0x1c4: {  	[hbm4b:s23+s13] =	stream.strided.scatter [tilespmem:s22], [sflag:$0x1], $0x400, s14, s13, $0x38;
	[tilespmem:$0x8100] =	vst v63  }
0x1c5: {  	s18 =	simm.s32 $0x2000;
	s20 =	simm.s32 $0x1500;
	s21 =	sadd.s32 $0x280, s19  }
0x1c6: {  	[hbm4b:s21+s13] =	stream.strided.scatter [tilespmem:s20], [sflag:$0x1], $0x400, s14, s13, $0x38;
	[tilespmem:$0x8100] =	vst v63  }
0x1c7: {  	s22 =	simm.s32 $0x1900;
	s23 =	sadd.s32 $0x300, s19;
	s20 =	simm.s32 $0x10000  }
0x1c8: {  	[hbm4b:s23+s13] =	stream.strided.scatter [tilespmem:s22], [sflag:$0x1], $0x400, s14, s13, $0x38;
	[tilespmem:$0x8100] =	vst v63  }
0x1c9: {  	s21 =	simm.s32 $0x1D00;
	s22 =	sadd.s32 $0x380, s19;
	s19 =	sadd.s32 $0x2000, s19  }
.LBB2_16:
0x1ca: {  	[hbm4b:s22+s13] =	stream.strided.scatter [tilespmem:s21], [sflag:$0x1], $0x400, s14, s13, $0x38;
	[tilespmem:$0x8100] =	vst v63  }
0x1cb: {  	s21 =	smov.u32 s18;
	s18 =	smov.u32 s20  }
0x1cc: {  	s23 =	sadd.s32 $0x8000, s20;
	s18 =	sshra.s32 s18, $0x2;
	s22 =	sadd.s32 $0x100, s21  }
0x1cd: {  	[hbm4b:s19+s13] =	stream.strided.scatter [tilespmem:s22], [sflag:$0x1], $0x400, s14, s13, $0x38;
	[tilespmem:$0x8100] =	vst v63  }
0x1ce: {  	p0 =	sne.s32 s20, $0x18000;
	s20 =	sadd.s32 $0x500, s21;
	s22 =	sadd.s32 $0x80, s19  }
0x1cf: {  	[hbm4b:s22+s13] =	stream.strided.scatter [tilespmem:s20], [sflag:$0x1], $0x400, s14, s13, $0x38;
	[tilespmem:$0x8100] =	vst v63  }
0x1d0: {  	s20 =	sadd.s32 $0x900, s21;
	s22 =	sadd.s32 $0x100, s19  }
0x1d1: {  	[hbm4b:s22+s13] =	stream.strided.scatter [tilespmem:s20], [sflag:$0x1], $0x400, s14, s13, $0x38;
	[tilespmem:$0x8100] =	vst v63  }
0x1d2: {  	s20 =	sadd.s32 $0xD00, s21;
	s22 =	sadd.s32 $0x180, s19  }
0x1d3: {  	[hbm4b:s22+s13] =	stream.strided.scatter [tilespmem:s20], [sflag:$0x1], $0x400, s14, s13, $0x38;
	[tilespmem:$0x8100] =	vst v63  }
0x1d4: {  	s20 =	sadd.s32 $0x1100, s21;
	s22 =	sadd.s32 $0x200, s19  }
0x1d5: {  	[hbm4b:s22+s13] =	stream.strided.scatter [tilespmem:s20], [sflag:$0x1], $0x400, s14, s13, $0x38;
	[tilespmem:$0x8100] =	vst v63  }
.Ltmp7:
0x1d6: {  	s20 =	sadd.s32 $0x1500, s21;
	s22 =	sadd.s32 $0x280, s19;
	(pc) =	sbr.rel @p0 .LBB2_16-.Ltmp7, $4  }
0x1d7: {  	[hbm4b:s22+s13] =	stream.strided.scatter [tilespmem:s20], [sflag:$0x1], $0x400, s14, s13, $0x38;
	[tilespmem:$0x8100] =	vst v63  }
0x1d8: {  	s20 =	sadd.s32 $0x1900, s21;
	s22 =	sadd.s32 $0x300, s19;
	s21 =	sadd.s32 $0x1D00, s21  }
0x1d9: {  	[hbm4b:s22+s13] =	stream.strided.scatter [tilespmem:s20], [sflag:$0x1], $0x400, s14, s13, $0x38;
	[tilespmem:$0x8100] =	vst v63  }
0x1da: {  	s22 =	sadd.s32 $0x380, s19;
	s19 =	sadd.s32 $0x2000, s19;
	s20 =	smov.u32 s23  }
0x1db: {  	[hbm4b:s22+s13] =	stream.strided.scatter [tilespmem:s21], [sflag:$0x1], $0x400, s14, s13, $0x38;
	[tilespmem:$0x8100] =	vst v63  }
0x1dc: {  	s20 =	sadd.s32 $0x100, s18  }
0x1dd: {  	[hbm4b:s19+s13] =	stream.strided.scatter [tilespmem:s20], [sflag:$0x1], $0x400, s14, s13, $0x38;
	[tilespmem:$0x8100] =	vst v63  }
0x1de: {  	s22 =	sadd.s32 $0x500, s18;
	s23 =	sadd.s32 $0x80, s19  }
0x1df: {  	[hbm4b:s23+s13] =	stream.strided.scatter [tilespmem:s22], [sflag:$0x1], $0x400, s14, s13, $0x38;
	[tilespmem:$0x8100] =	vst v63  }
0x1e0: {  	s22 =	sadd.s32 $0x900, s18;
	s23 =	sadd.s32 $0x100, s19  }
0x1e1: {  	[hbm4b:s23+s13] =	stream.strided.scatter [tilespmem:s22], [sflag:$0x1], $0x400, s14, s13, $0x38;
	[tilespmem:$0x8100] =	vst v63  }
0x1e2: {  	s22 =	sadd.s32 $0xD00, s18;
	s23 =	sadd.s32 $0x180, s19  }
0x1e3: {  	[hbm4b:s23+s13] =	stream.strided.scatter [tilespmem:s22], [sflag:$0x1], $0x400, s14, s13, $0x38;
	[tilespmem:$0x8100] =	vst v63  }
0x1e4: {  	s22 =	sadd.s32 $0x1100, s18;
	s23 =	sadd.s32 $0x200, s19  }
0x1e5: {  	[hbm4b:s23+s13] =	stream.strided.scatter [tilespmem:s22], [sflag:$0x1], $0x400, s14, s13, $0x38;
	[tilespmem:$0x8100] =	vst v63  }
0x1e6: {  	s22 =	sadd.s32 $0x1500, s18;
	s23 =	sadd.s32 $0x280, s19  }
0x1e7: {  	[hbm4b:s23+s13] =	stream.strided.scatter [tilespmem:s22], [sflag:$0x1], $0x400, s14, s13, $0x38;
	[tilespmem:$0x8100] =	vst v63  }
0x1e8: {  	s22 =	sadd.s32 $0x1900, s18;
	s23 =	sadd.s32 $0x300, s19  }
0x1e9: {  	[hbm4b:s23+s13] =	stream.strided.scatter [tilespmem:s22], [sflag:$0x1], $0x400, s14, s13, $0x38;
	[tilespmem:$0x8100] =	vst v63  }
0x1ea: {  	s20 =	rddreg [dreg:$0x6];
	s22 =	sadd.s32 $0x1D00, s18;
	s23 =	sadd.s32 $0x380, s19  }
0x1eb: {  	[hbm4b:s23+s13] =	stream.strided.scatter [tilespmem:s22], [sflag:$0x1], $0x400, s14, s13, $0x38;
	[tilespmem:$0x8100] =	vst v63  }
0x1ec: {  	s21 =	rddreg [dreg:$0x7];
	s18 =	sor.u32 s6, s20;
	_ =	swait.ge [sflag:s12], $0x8000  }
0x1ed: {  	s18 =	sadd.s32 s21, s18;
	s22 =	rddreg [dreg:$0x8]  }
0x1ee: {  	s18 =	sor.u32 s22, s18  }
0x1ef: {  	[sflag:s12] =	ssyncset.done $0x0;
	s18 =	sshrl.u32 s18, $0x3  }
0x1f0: {  	s23 =	simm.s32 $0x100;
	[sflag:s12] =	ssyncadd.s32 $0xFFFF8000;
	s19 =	sadd.s32 s2, s18  }
0x1f1: {  	[hbm4b:s19+s13] =	stream.strided.scatter [tilespmem:s23], [sflag:$0x1], $0x400, s14, s13, $0x38;
	[tilespmem:$0x8100] =	vst v63  }
0x1f2: {  	s20 =	simm.s32 $0x500;
	s21 =	sadd.s32 $0x80, s19  }
0x1f3: {  	[hbm4b:s21+s13] =	stream.strided.scatter [tilespmem:s20], [sflag:$0x1], $0x400, s14, s13, $0x38;
	[tilespmem:$0x8100] =	vst v63  }
0x1f4: {  	s22 =	simm.s32 $0x900;
	s23 =	sadd.s32 $0x100, s19  }
0x1f5: {  	[hbm4b:s23+s13] =	stream.strided.scatter [tilespmem:s22], [sflag:$0x1], $0x400, s14, s13, $0x38;
	[tilespmem:$0x8100] =	vst v63  }
0x1f6: {  	s20 =	simm.s32 $0xD00;
	s21 =	sadd.s32 $0x180, s19  }
0x1f7: {  	[hbm4b:s21+s13] =	stream.strided.scatter [tilespmem:s20], [sflag:$0x1], $0x400, s14, s13, $0x38;
	[tilespmem:$0x8100] =	vst v63  }
0x1f8: {  	s22 =	simm.s32 $0x1100;
	s23 =	sadd.s32 $0x200, s19  }
0x1f9: {  	[hbm4b:s23+s13] =	stream.strided.scatter [tilespmem:s22], [sflag:$0x1], $0x400, s14, s13, $0x38;
	[tilespmem:$0x8100] =	vst v63  }
0x1fa: {  	s18 =	simm.s32 $0x2000;
	s20 =	simm.s32 $0x1500;
	s21 =	sadd.s32 $0x280, s19  }
0x1fb: {  	[hbm4b:s21+s13] =	stream.strided.scatter [tilespmem:s20], [sflag:$0x1], $0x400, s14, s13, $0x38;
	[tilespmem:$0x8100] =	vst v63  }
0x1fc: {  	s22 =	simm.s32 $0x1900;
	s23 =	sadd.s32 $0x300, s19;
	s20 =	simm.s32 $0x10000  }
0x1fd: {  	[hbm4b:s23+s13] =	stream.strided.scatter [tilespmem:s22], [sflag:$0x1], $0x400, s14, s13, $0x38;
	[tilespmem:$0x8100] =	vst v63  }
0x1fe: {  	s21 =	simm.s32 $0x1D00;
	s22 =	sadd.s32 $0x380, s19;
	s19 =	sadd.s32 $0x2000, s19  }
.LBB2_18:
0x1ff: {  	[hbm4b:s22+s13] =	stream.strided.scatter [tilespmem:s21], [sflag:$0x1], $0x400, s14, s13, $0x38;
	[tilespmem:$0x8100] =	vst v63  }
0x200: {  	s21 =	smov.u32 s18;
	s18 =	smov.u32 s20  }
0x201: {  	s23 =	sadd.s32 $0x8000, s20;
	s18 =	sshra.s32 s18, $0x2;
	s22 =	sadd.s32 $0x100, s21  }
0x202: {  	[hbm4b:s19+s13] =	stream.strided.scatter [tilespmem:s22], [sflag:$0x1], $0x400, s14, s13, $0x38;
	[tilespmem:$0x8100] =	vst v63  }
0x203: {  	p0 =	sne.s32 s20, $0x18000;
	s20 =	sadd.s32 $0x500, s21;
	s22 =	sadd.s32 $0x80, s19  }
0x204: {  	[hbm4b:s22+s13] =	stream.strided.scatter [tilespmem:s20], [sflag:$0x1], $0x400, s14, s13, $0x38;
	[tilespmem:$0x8100] =	vst v63  }
0x205: {  	s20 =	sadd.s32 $0x900, s21;
	s22 =	sadd.s32 $0x100, s19  }
0x206: {  	[hbm4b:s22+s13] =	stream.strided.scatter [tilespmem:s20], [sflag:$0x1], $0x400, s14, s13, $0x38;
	[tilespmem:$0x8100] =	vst v63  }
0x207: {  	s20 =	sadd.s32 $0xD00, s21;
	s22 =	sadd.s32 $0x180, s19  }
0x208: {  	[hbm4b:s22+s13] =	stream.strided.scatter [tilespmem:s20], [sflag:$0x1], $0x400, s14, s13, $0x38;
	[tilespmem:$0x8100] =	vst v63  }
0x209: {  	s20 =	sadd.s32 $0x1100, s21;
	s22 =	sadd.s32 $0x200, s19  }
0x20a: {  	[hbm4b:s22+s13] =	stream.strided.scatter [tilespmem:s20], [sflag:$0x1], $0x400, s14, s13, $0x38;
	[tilespmem:$0x8100] =	vst v63  }
.Ltmp8:
0x20b: {  	s20 =	sadd.s32 $0x1500, s21;
	s22 =	sadd.s32 $0x280, s19;
	(pc) =	sbr.rel @p0 .LBB2_18-.Ltmp8, $4  }
0x20c: {  	[hbm4b:s22+s13] =	stream.strided.scatter [tilespmem:s20], [sflag:$0x1], $0x400, s14, s13, $0x38;
	[tilespmem:$0x8100] =	vst v63  }
0x20d: {  	s20 =	sadd.s32 $0x1900, s21;
	s22 =	sadd.s32 $0x300, s19;
	s21 =	sadd.s32 $0x1D00, s21  }
0x20e: {  	[hbm4b:s22+s13] =	stream.strided.scatter [tilespmem:s20], [sflag:$0x1], $0x400, s14, s13, $0x38;
	[tilespmem:$0x8100] =	vst v63  }
0x20f: {  	s22 =	sadd.s32 $0x380, s19;
	s19 =	sadd.s32 $0x2000, s19;
	s20 =	smov.u32 s23  }
0x210: {  	[hbm4b:s22+s13] =	stream.strided.scatter [tilespmem:s21], [sflag:$0x1], $0x400, s14, s13, $0x38;
	[tilespmem:$0x8100] =	vst v63  }
0x211: {  	s20 =	sadd.s32 $0x100, s18  }
0x212: {  	[hbm4b:s19+s13] =	stream.strided.scatter [tilespmem:s20], [sflag:$0x1], $0x400, s14, s13, $0x38;
	[tilespmem:$0x8100] =	vst v63  }
0x213: {  	s22 =	sadd.s32 $0x500, s18;
	s23 =	sadd.s32 $0x80, s19  }
0x214: {  	[hbm4b:s23+s13] =	stream.strided.scatter [tilespmem:s22], [sflag:$0x1], $0x400, s14, s13, $0x38;
	[tilespmem:$0x8100] =	vst v63  }
0x215: {  	s22 =	sadd.s32 $0x900, s18;
	s23 =	sadd.s32 $0x100, s19  }
0x216: {  	[hbm4b:s23+s13] =	stream.strided.scatter [tilespmem:s22], [sflag:$0x1], $0x400, s14, s13, $0x38;
	[tilespmem:$0x8100] =	vst v63  }
0x217: {  	s22 =	sadd.s32 $0xD00, s18;
	s23 =	sadd.s32 $0x180, s19  }
0x218: {  	[hbm4b:s23+s13] =	stream.strided.scatter [tilespmem:s22], [sflag:$0x1], $0x400, s14, s13, $0x38;
	[tilespmem:$0x8100] =	vst v63  }
0x219: {  	s22 =	sadd.s32 $0x1100, s18;
	s23 =	sadd.s32 $0x200, s19  }
0x21a: {  	[hbm4b:s23+s13] =	stream.strided.scatter [tilespmem:s22], [sflag:$0x1], $0x400, s14, s13, $0x38;
	[tilespmem:$0x8100] =	vst v63  }
0x21b: {  	s22 =	sadd.s32 $0x1500, s18;
	s23 =	sadd.s32 $0x280, s19  }
0x21c: {  	[hbm4b:s23+s13] =	stream.strided.scatter [tilespmem:s22], [sflag:$0x1], $0x400, s14, s13, $0x38;
	[tilespmem:$0x8100] =	vst v63  }
0x21d: {  	s22 =	sadd.s32 $0x1900, s18;
	s23 =	sadd.s32 $0x300, s19  }
0x21e: {  	[hbm4b:s23+s13] =	stream.strided.scatter [tilespmem:s22], [sflag:$0x1], $0x400, s14, s13, $0x38;
	[tilespmem:$0x8100] =	vst v63  }
0x21f: {  	s20 =	rddreg [dreg:$0x9];
	s22 =	sadd.s32 $0x1D00, s18;
	s23 =	sadd.s32 $0x380, s19  }
0x220: {  	[hbm4b:s23+s13] =	stream.strided.scatter [tilespmem:s22], [sflag:$0x1], $0x400, s14, s13, $0x38;
	[tilespmem:$0x8100] =	vst v63  }
0x221: {  	s21 =	rddreg [dreg:$0xa];
	s18 =	sor.u32 s6, s20;
	_ =	swait.ge [sflag:s12], $0x8000  }
0x222: {  	s18 =	sadd.s32 s21, s18;
	s22 =	rddreg [dreg:$0xb]  }
0x223: {  	s18 =	sor.u32 s22, s18  }
0x224: {  	[sflag:s12] =	ssyncset.done $0x0;
	s18 =	sshrl.u32 s18, $0x3  }
0x225: {  	s23 =	simm.s32 $0x100;
	[sflag:s12] =	ssyncadd.s32 $0xFFFF8000;
	s19 =	sadd.s32 s2, s18  }
0x226: {  	[hbm4b:s19+s13] =	stream.strided.scatter [tilespmem:s23], [sflag:$0x1], $0x400, s14, s13, $0x38;
	[tilespmem:$0x8100] =	vst v63  }
0x227: {  	s20 =	simm.s32 $0x500;
	s21 =	sadd.s32 $0x80, s19  }
0x228: {  	[hbm4b:s21+s13] =	stream.strided.scatter [tilespmem:s20], [sflag:$0x1], $0x400, s14, s13, $0x38;
	[tilespmem:$0x8100] =	vst v63  }
0x229: {  	s22 =	simm.s32 $0x900;
	s23 =	sadd.s32 $0x100, s19  }
0x22a: {  	[hbm4b:s23+s13] =	stream.strided.scatter [tilespmem:s22], [sflag:$0x1], $0x400, s14, s13, $0x38;
	[tilespmem:$0x8100] =	vst v63  }
0x22b: {  	s20 =	simm.s32 $0xD00;
	s21 =	sadd.s32 $0x180, s19  }
0x22c: {  	[hbm4b:s21+s13] =	stream.strided.scatter [tilespmem:s20], [sflag:$0x1], $0x400, s14, s13, $0x38;
	[tilespmem:$0x8100] =	vst v63  }
0x22d: {  	s22 =	simm.s32 $0x1100;
	s23 =	sadd.s32 $0x200, s19  }
0x22e: {  	[hbm4b:s23+s13] =	stream.strided.scatter [tilespmem:s22], [sflag:$0x1], $0x400, s14, s13, $0x38;
	[tilespmem:$0x8100] =	vst v63  }
0x22f: {  	s18 =	simm.s32 $0x2000;
	s20 =	simm.s32 $0x1500;
	s21 =	sadd.s32 $0x280, s19  }
0x230: {  	[hbm4b:s21+s13] =	stream.strided.scatter [tilespmem:s20], [sflag:$0x1], $0x400, s14, s13, $0x38;
	[tilespmem:$0x8100] =	vst v63  }
0x231: {  	s22 =	simm.s32 $0x1900;
	s23 =	sadd.s32 $0x300, s19;
	s20 =	simm.s32 $0x10000  }
0x232: {  	[hbm4b:s23+s13] =	stream.strided.scatter [tilespmem:s22], [sflag:$0x1], $0x400, s14, s13, $0x38;
	[tilespmem:$0x8100] =	vst v63  }
0x233: {  	s21 =	simm.s32 $0x1D00;
	s22 =	sadd.s32 $0x380, s19;
	s19 =	sadd.s32 $0x2000, s19  }
.LBB2_20:
0x234: {  	[hbm4b:s22+s13] =	stream.strided.scatter [tilespmem:s21], [sflag:$0x1], $0x400, s14, s13, $0x38;
	[tilespmem:$0x8100] =	vst v63  }
0x235: {  	s21 =	smov.u32 s18;
	s18 =	smov.u32 s20  }
0x236: {  	s23 =	sadd.s32 $0x8000, s20;
	s18 =	sshra.s32 s18, $0x2;
	s22 =	sadd.s32 $0x100, s21  }
0x237: {  	[hbm4b:s19+s13] =	stream.strided.scatter [tilespmem:s22], [sflag:$0x1], $0x400, s14, s13, $0x38;
	[tilespmem:$0x8100] =	vst v63  }
0x238: {  	p0 =	sne.s32 s20, $0x18000;
	s20 =	sadd.s32 $0x500, s21;
	s22 =	sadd.s32 $0x80, s19  }
0x239: {  	[hbm4b:s22+s13] =	stream.strided.scatter [tilespmem:s20], [sflag:$0x1], $0x400, s14, s13, $0x38;
	[tilespmem:$0x8100] =	vst v63  }
0x23a: {  	s20 =	sadd.s32 $0x900, s21;
	s22 =	sadd.s32 $0x100, s19  }
0x23b: {  	[hbm4b:s22+s13] =	stream.strided.scatter [tilespmem:s20], [sflag:$0x1], $0x400, s14, s13, $0x38;
	[tilespmem:$0x8100] =	vst v63  }
0x23c: {  	s20 =	sadd.s32 $0xD00, s21;
	s22 =	sadd.s32 $0x180, s19  }
0x23d: {  	[hbm4b:s22+s13] =	stream.strided.scatter [tilespmem:s20], [sflag:$0x1], $0x400, s14, s13, $0x38;
	[tilespmem:$0x8100] =	vst v63  }
0x23e: {  	s20 =	sadd.s32 $0x1100, s21;
	s22 =	sadd.s32 $0x200, s19  }
0x23f: {  	[hbm4b:s22+s13] =	stream.strided.scatter [tilespmem:s20], [sflag:$0x1], $0x400, s14, s13, $0x38;
	[tilespmem:$0x8100] =	vst v63  }
.Ltmp9:
0x240: {  	s20 =	sadd.s32 $0x1500, s21;
	s22 =	sadd.s32 $0x280, s19;
	(pc) =	sbr.rel @p0 .LBB2_20-.Ltmp9, $4  }
0x241: {  	[hbm4b:s22+s13] =	stream.strided.scatter [tilespmem:s20], [sflag:$0x1], $0x400, s14, s13, $0x38;
	[tilespmem:$0x8100] =	vst v63  }
0x242: {  	s20 =	sadd.s32 $0x1900, s21;
	s22 =	sadd.s32 $0x300, s19;
	s21 =	sadd.s32 $0x1D00, s21  }
0x243: {  	[hbm4b:s22+s13] =	stream.strided.scatter [tilespmem:s20], [sflag:$0x1], $0x400, s14, s13, $0x38;
	[tilespmem:$0x8100] =	vst v63  }
0x244: {  	s22 =	sadd.s32 $0x380, s19;
	s19 =	sadd.s32 $0x2000, s19;
	s20 =	smov.u32 s23  }
0x245: {  	[hbm4b:s22+s13] =	stream.strided.scatter [tilespmem:s21], [sflag:$0x1], $0x400, s14, s13, $0x38;
	[tilespmem:$0x8100] =	vst v63  }
0x246: {  	s20 =	sadd.s32 $0x100, s18  }
0x247: {  	[hbm4b:s19+s13] =	stream.strided.scatter [tilespmem:s20], [sflag:$0x1], $0x400, s14, s13, $0x38;
	[tilespmem:$0x8100] =	vst v63  }
0x248: {  	s22 =	sadd.s32 $0x500, s18;
	s23 =	sadd.s32 $0x80, s19  }
0x249: {  	[hbm4b:s23+s13] =	stream.strided.scatter [tilespmem:s22], [sflag:$0x1], $0x400, s14, s13, $0x38;
	[tilespmem:$0x8100] =	vst v63  }
0x24a: {  	s22 =	sadd.s32 $0x900, s18;
	s23 =	sadd.s32 $0x100, s19  }
0x24b: {  	[hbm4b:s23+s13] =	stream.strided.scatter [tilespmem:s22], [sflag:$0x1], $0x400, s14, s13, $0x38;
	[tilespmem:$0x8100] =	vst v63  }
0x24c: {  	s22 =	sadd.s32 $0xD00, s18;
	s23 =	sadd.s32 $0x180, s19  }
0x24d: {  	[hbm4b:s23+s13] =	stream.strided.scatter [tilespmem:s22], [sflag:$0x1], $0x400, s14, s13, $0x38;
	[tilespmem:$0x8100] =	vst v63  }
0x24e: {  	s22 =	sadd.s32 $0x1100, s18;
	s23 =	sadd.s32 $0x200, s19  }
0x24f: {  	[hbm4b:s23+s13] =	stream.strided.scatter [tilespmem:s22], [sflag:$0x1], $0x400, s14, s13, $0x38;
	[tilespmem:$0x8100] =	vst v63  }
0x250: {  	s22 =	sadd.s32 $0x1500, s18;
	s23 =	sadd.s32 $0x280, s19  }
0x251: {  	[hbm4b:s23+s13] =	stream.strided.scatter [tilespmem:s22], [sflag:$0x1], $0x400, s14, s13, $0x38;
	[tilespmem:$0x8100] =	vst v63  }
0x252: {  	s21 =	sadd.s32 $0x1900, s18;
	s22 =	sadd.s32 $0x300, s19  }
0x253: {  	[hbm4b:s22+s13] =	stream.strided.scatter [tilespmem:s21], [sflag:$0x1], $0x400, s14, s13, $0x38;
	[tilespmem:$0x8100] =	vst v63  }
0x254: {  	s20 =	sadd.s32 $0x380, s19;
	s21 =	rddreg [dreg:$0xc]  }
0x255: {  	s23 =	sadd.s32 $0x1D00, s18;
	s22 =	rddreg [dreg:$0xd];
	s18 =	sor.u32 s6, s21  }
0x256: {  	[hbm4b:s20+s13] =	stream.strided.scatter [tilespmem:s23], [sflag:$0x1], $0x400, s14, s13, $0x38;
	[tilespmem:$0x8100] =	vst v63  }
0x257: {  	s18 =	sadd.s32 s22, s18  }
0x258: {  	_ =	swait.ge [sflag:s12], $0x8000;
	s18 =	sor.u32 s24, s18  }
0x259: {  	[sflag:s12] =	ssyncset.done $0x0;
	s18 =	sshrl.u32 s18, $0x3  }
0x25a: {  	s23 =	simm.s32 $0x100;
	[sflag:s12] =	ssyncadd.s32 $0xFFFF8000;
	s19 =	sadd.s32 s2, s18  }
0x25b: {  	[hbm4b:s19+s13] =	stream.strided.scatter [tilespmem:s23], [sflag:$0x1], $0x400, s14, s13, $0x38;
	[tilespmem:$0x8100] =	vst v63  }
0x25c: {  	s20 =	simm.s32 $0x500;
	s21 =	sadd.s32 $0x80, s19  }
0x25d: {  	[hbm4b:s21+s13] =	stream.strided.scatter [tilespmem:s20], [sflag:$0x1], $0x400, s14, s13, $0x38;
	[tilespmem:$0x8100] =	vst v63  }
0x25e: {  	s22 =	simm.s32 $0x900;
	s23 =	sadd.s32 $0x100, s19  }
0x25f: {  	[hbm4b:s23+s13] =	stream.strided.scatter [tilespmem:s22], [sflag:$0x1], $0x400, s14, s13, $0x38;
	[tilespmem:$0x8100] =	vst v63  }
0x260: {  	s20 =	simm.s32 $0xD00;
	s21 =	sadd.s32 $0x180, s19  }
0x261: {  	[hbm4b:s21+s13] =	stream.strided.scatter [tilespmem:s20], [sflag:$0x1], $0x400, s14, s13, $0x38;
	[tilespmem:$0x8100] =	vst v63  }
0x262: {  	s22 =	simm.s32 $0x1100;
	s23 =	sadd.s32 $0x200, s19  }
0x263: {  	[hbm4b:s23+s13] =	stream.strided.scatter [tilespmem:s22], [sflag:$0x1], $0x400, s14, s13, $0x38;
	[tilespmem:$0x8100] =	vst v63  }
0x264: {  	s18 =	simm.s32 $0x2000;
	s20 =	simm.s32 $0x1500;
	s21 =	sadd.s32 $0x280, s19  }
0x265: {  	[hbm4b:s21+s13] =	stream.strided.scatter [tilespmem:s20], [sflag:$0x1], $0x400, s14, s13, $0x38;
	[tilespmem:$0x8100] =	vst v63  }
0x266: {  	s22 =	simm.s32 $0x1900;
	s23 =	sadd.s32 $0x300, s19;
	s20 =	simm.s32 $0x10000  }
0x267: {  	[hbm4b:s23+s13] =	stream.strided.scatter [tilespmem:s22], [sflag:$0x1], $0x400, s14, s13, $0x38;
	[tilespmem:$0x8100] =	vst v63  }
0x268: {  	s21 =	simm.s32 $0x1D00;
	s22 =	sadd.s32 $0x380, s19;
	s19 =	sadd.s32 $0x2000, s19  }
.LBB2_22:
0x269: {  	[hbm4b:s22+s13] =	stream.strided.scatter [tilespmem:s21], [sflag:$0x1], $0x400, s14, s13, $0x38;
	[tilespmem:$0x8100] =	vst v63  }
0x26a: {  	s21 =	smov.u32 s18;
	s18 =	smov.u32 s20  }
0x26b: {  	s23 =	sadd.s32 $0x8000, s20;
	s18 =	sshra.s32 s18, $0x2;
	s22 =	sadd.s32 $0x100, s21  }
0x26c: {  	[hbm4b:s19+s13] =	stream.strided.scatter [tilespmem:s22], [sflag:$0x1], $0x400, s14, s13, $0x38;
	[tilespmem:$0x8100] =	vst v63  }
0x26d: {  	p0 =	sne.s32 s20, $0x18000;
	s20 =	sadd.s32 $0x500, s21;
	s22 =	sadd.s32 $0x80, s19  }
0x26e: {  	[hbm4b:s22+s13] =	stream.strided.scatter [tilespmem:s20], [sflag:$0x1], $0x400, s14, s13, $0x38;
	[tilespmem:$0x8100] =	vst v63  }
0x26f: {  	s20 =	sadd.s32 $0x900, s21;
	s22 =	sadd.s32 $0x100, s19  }
0x270: {  	[hbm4b:s22+s13] =	stream.strided.scatter [tilespmem:s20], [sflag:$0x1], $0x400, s14, s13, $0x38;
	[tilespmem:$0x8100] =	vst v63  }
0x271: {  	s20 =	sadd.s32 $0xD00, s21;
	s22 =	sadd.s32 $0x180, s19  }
0x272: {  	[hbm4b:s22+s13] =	stream.strided.scatter [tilespmem:s20], [sflag:$0x1], $0x400, s14, s13, $0x38;
	[tilespmem:$0x8100] =	vst v63  }
0x273: {  	s20 =	sadd.s32 $0x1100, s21;
	s22 =	sadd.s32 $0x200, s19  }
0x274: {  	[hbm4b:s22+s13] =	stream.strided.scatter [tilespmem:s20], [sflag:$0x1], $0x400, s14, s13, $0x38;
	[tilespmem:$0x8100] =	vst v63  }
.Ltmp10:
0x275: {  	s20 =	sadd.s32 $0x1500, s21;
	s22 =	sadd.s32 $0x280, s19;
	(pc) =	sbr.rel @p0 .LBB2_22-.Ltmp10, $4  }
0x276: {  	[hbm4b:s22+s13] =	stream.strided.scatter [tilespmem:s20], [sflag:$0x1], $0x400, s14, s13, $0x38;
	[tilespmem:$0x8100] =	vst v63  }
0x277: {  	s20 =	sadd.s32 $0x1900, s21;
	s22 =	sadd.s32 $0x300, s19;
	s21 =	sadd.s32 $0x1D00, s21  }
0x278: {  	[hbm4b:s22+s13] =	stream.strided.scatter [tilespmem:s20], [sflag:$0x1], $0x400, s14, s13, $0x38;
	[tilespmem:$0x8100] =	vst v63  }
0x279: {  	s22 =	sadd.s32 $0x380, s19;
	s19 =	sadd.s32 $0x2000, s19;
	s20 =	smov.u32 s23  }
0x27a: {  	[hbm4b:s22+s13] =	stream.strided.scatter [tilespmem:s21], [sflag:$0x1], $0x400, s14, s13, $0x38;
	[tilespmem:$0x8100] =	vst v63  }
0x27b: {  	s20 =	sadd.s32 $0x100, s18  }
0x27c: {  	[hbm4b:s19+s13] =	stream.strided.scatter [tilespmem:s20], [sflag:$0x1], $0x400, s14, s13, $0x38;
	[tilespmem:$0x8100] =	vst v63  }
0x27d: {  	s22 =	sadd.s32 $0x500, s18;
	s23 =	sadd.s32 $0x80, s19  }
0x27e: {  	[hbm4b:s23+s13] =	stream.strided.scatter [tilespmem:s22], [sflag:$0x1], $0x400, s14, s13, $0x38;
	[tilespmem:$0x8100] =	vst v63  }
0x27f: {  	s22 =	sadd.s32 $0x900, s18;
	s23 =	sadd.s32 $0x100, s19  }
0x280: {  	[hbm4b:s23+s13] =	stream.strided.scatter [tilespmem:s22], [sflag:$0x1], $0x400, s14, s13, $0x38;
	[tilespmem:$0x8100] =	vst v63  }
0x281: {  	s22 =	sadd.s32 $0xD00, s18;
	s23 =	sadd.s32 $0x180, s19  }
0x282: {  	[hbm4b:s23+s13] =	stream.strided.scatter [tilespmem:s22], [sflag:$0x1], $0x400, s14, s13, $0x38;
	[tilespmem:$0x8100] =	vst v63  }
0x283: {  	s22 =	sadd.s32 $0x1100, s18;
	s23 =	sadd.s32 $0x200, s19  }
0x284: {  	[hbm4b:s23+s13] =	stream.strided.scatter [tilespmem:s22], [sflag:$0x1], $0x400, s14, s13, $0x38;
	[tilespmem:$0x8100] =	vst v63  }
0x285: {  	s22 =	sadd.s32 $0x1500, s18;
	s23 =	sadd.s32 $0x280, s19  }
0x286: {  	[hbm4b:s23+s13] =	stream.strided.scatter [tilespmem:s22], [sflag:$0x1], $0x400, s14, s13, $0x38;
	[tilespmem:$0x8100] =	vst v63  }
0x287: {  	s22 =	sadd.s32 $0x1900, s18;
	s23 =	sadd.s32 $0x300, s19  }
0x288: {  	[hbm4b:s23+s13] =	stream.strided.scatter [tilespmem:s22], [sflag:$0x1], $0x400, s14, s13, $0x38;
	[tilespmem:$0x8100] =	vst v63  }
0x289: {  	s22 =	sor.u32 s6, s25  }
0x28a: {  	s21 =	sadd.s32 $0x380, s19;
	s20 =	sadd.s32 $0x1D00, s18;
	s18 =	sadd.s32 s26, s22  }
0x28b: {  	[hbm4b:s21+s13] =	stream.strided.scatter [tilespmem:s20], [sflag:$0x1], $0x400, s14, s13, $0x38;
	[tilespmem:$0x8100] =	vst v63  }
0x28c: {  	s18 =	sor.u32 s28, s18;
	_ =	swait.ge [sflag:s12], $0x8000  }
0x28d: {  	s18 =	sshrl.u32 s18, $0x3;
	[sflag:s12] =	ssyncset.done $0x0  }
0x28e: {  	s23 =	simm.s32 $0x100;
	s19 =	sadd.s32 s2, s18;
	[sflag:s12] =	ssyncadd.s32 $0xFFFF8000  }
0x28f: {  	[hbm4b:s19+s13] =	stream.strided.scatter [tilespmem:s23], [sflag:$0x1], $0x400, s14, s13, $0x38;
	[tilespmem:$0x8100] =	vst v63  }
0x290: {  	s20 =	simm.s32 $0x500;
	s21 =	sadd.s32 $0x80, s19  }
0x291: {  	[hbm4b:s21+s13] =	stream.strided.scatter [tilespmem:s20], [sflag:$0x1], $0x400, s14, s13, $0x38;
	[tilespmem:$0x8100] =	vst v63  }
0x292: {  	s22 =	simm.s32 $0x900;
	s23 =	sadd.s32 $0x100, s19  }
0x293: {  	[hbm4b:s23+s13] =	stream.strided.scatter [tilespmem:s22], [sflag:$0x1], $0x400, s14, s13, $0x38;
	[tilespmem:$0x8100] =	vst v63  }
0x294: {  	s20 =	simm.s32 $0xD00;
	s21 =	sadd.s32 $0x180, s19  }
0x295: {  	[hbm4b:s21+s13] =	stream.strided.scatter [tilespmem:s20], [sflag:$0x1], $0x400, s14, s13, $0x38;
	[tilespmem:$0x8100] =	vst v63  }
0x296: {  	s22 =	simm.s32 $0x1100;
	s23 =	sadd.s32 $0x200, s19  }
0x297: {  	[hbm4b:s23+s13] =	stream.strided.scatter [tilespmem:s22], [sflag:$0x1], $0x400, s14, s13, $0x38;
	[tilespmem:$0x8100] =	vst v63  }
0x298: {  	s18 =	simm.s32 $0x2000;
	s20 =	simm.s32 $0x1500;
	s21 =	sadd.s32 $0x280, s19  }
0x299: {  	[hbm4b:s21+s13] =	stream.strided.scatter [tilespmem:s20], [sflag:$0x1], $0x400, s14, s13, $0x38;
	[tilespmem:$0x8100] =	vst v63  }
0x29a: {  	s22 =	simm.s32 $0x1900;
	s23 =	sadd.s32 $0x300, s19;
	s20 =	simm.s32 $0x10000  }
0x29b: {  	[hbm4b:s23+s13] =	stream.strided.scatter [tilespmem:s22], [sflag:$0x1], $0x400, s14, s13, $0x38;
	[tilespmem:$0x8100] =	vst v63  }
0x29c: {  	s21 =	simm.s32 $0x1D00;
	s22 =	sadd.s32 $0x380, s19;
	s19 =	sadd.s32 $0x2000, s19  }
.LBB2_24:
0x29d: {  	[hbm4b:s22+s13] =	stream.strided.scatter [tilespmem:s21], [sflag:$0x1], $0x400, s14, s13, $0x38;
	[tilespmem:$0x8100] =	vst v63  }
0x29e: {  	s21 =	smov.u32 s18;
	s18 =	smov.u32 s20  }
0x29f: {  	s23 =	sadd.s32 $0x8000, s20;
	s18 =	sshra.s32 s18, $0x2;
	s22 =	sadd.s32 $0x100, s21  }
0x2a0: {  	[hbm4b:s19+s13] =	stream.strided.scatter [tilespmem:s22], [sflag:$0x1], $0x400, s14, s13, $0x38;
	[tilespmem:$0x8100] =	vst v63  }
0x2a1: {  	p0 =	sne.s32 s20, $0x18000;
	s20 =	sadd.s32 $0x500, s21;
	s22 =	sadd.s32 $0x80, s19  }
0x2a2: {  	[hbm4b:s22+s13] =	stream.strided.scatter [tilespmem:s20], [sflag:$0x1], $0x400, s14, s13, $0x38;
	[tilespmem:$0x8100] =	vst v63  }
0x2a3: {  	s20 =	sadd.s32 $0x900, s21;
	s22 =	sadd.s32 $0x100, s19  }
0x2a4: {  	[hbm4b:s22+s13] =	stream.strided.scatter [tilespmem:s20], [sflag:$0x1], $0x400, s14, s13, $0x38;
	[tilespmem:$0x8100] =	vst v63  }
0x2a5: {  	s20 =	sadd.s32 $0xD00, s21;
	s22 =	sadd.s32 $0x180, s19  }
0x2a6: {  	[hbm4b:s22+s13] =	stream.strided.scatter [tilespmem:s20], [sflag:$0x1], $0x400, s14, s13, $0x38;
	[tilespmem:$0x8100] =	vst v63  }
0x2a7: {  	s20 =	sadd.s32 $0x1100, s21;
	s22 =	sadd.s32 $0x200, s19  }
0x2a8: {  	[hbm4b:s22+s13] =	stream.strided.scatter [tilespmem:s20], [sflag:$0x1], $0x400, s14, s13, $0x38;
	[tilespmem:$0x8100] =	vst v63  }
.Ltmp11:
0x2a9: {  	s20 =	sadd.s32 $0x1500, s21;
	s22 =	sadd.s32 $0x280, s19;
	(pc) =	sbr.rel @p0 .LBB2_24-.Ltmp11, $4  }
0x2aa: {  	[hbm4b:s22+s13] =	stream.strided.scatter [tilespmem:s20], [sflag:$0x1], $0x400, s14, s13, $0x38;
	[tilespmem:$0x8100] =	vst v63  }
0x2ab: {  	s20 =	sadd.s32 $0x1900, s21;
	s22 =	sadd.s32 $0x300, s19;
	s21 =	sadd.s32 $0x1D00, s21  }
0x2ac: {  	[hbm4b:s22+s13] =	stream.strided.scatter [tilespmem:s20], [sflag:$0x1], $0x400, s14, s13, $0x38;
	[tilespmem:$0x8100] =	vst v63  }
0x2ad: {  	s22 =	sadd.s32 $0x380, s19;
	s19 =	sadd.s32 $0x2000, s19;
	s20 =	smov.u32 s23  }
0x2ae: {  	[hbm4b:s22+s13] =	stream.strided.scatter [tilespmem:s21], [sflag:$0x1], $0x400, s14, s13, $0x38;
	[tilespmem:$0x8100] =	vst v63  }
0x2af: {  	s20 =	sadd.s32 $0x100, s18  }
0x2b0: {  	[hbm4b:s19+s13] =	stream.strided.scatter [tilespmem:s20], [sflag:$0x1], $0x400, s14, s13, $0x38;
	[tilespmem:$0x8100] =	vst v63  }
0x2b1: {  	s22 =	sadd.s32 $0x500, s18;
	s23 =	sadd.s32 $0x80, s19  }
0x2b2: {  	[hbm4b:s23+s13] =	stream.strided.scatter [tilespmem:s22], [sflag:$0x1], $0x400, s14, s13, $0x38;
	[tilespmem:$0x8100] =	vst v63  }
0x2b3: {  	s22 =	sadd.s32 $0x900, s18;
	s23 =	sadd.s32 $0x100, s19  }
0x2b4: {  	[hbm4b:s23+s13] =	stream.strided.scatter [tilespmem:s22], [sflag:$0x1], $0x400, s14, s13, $0x38;
	[tilespmem:$0x8100] =	vst v63  }
0x2b5: {  	s22 =	sadd.s32 $0xD00, s18;
	s23 =	sadd.s32 $0x180, s19  }
0x2b6: {  	[hbm4b:s23+s13] =	stream.strided.scatter [tilespmem:s22], [sflag:$0x1], $0x400, s14, s13, $0x38;
	[tilespmem:$0x8100] =	vst v63  }
0x2b7: {  	s22 =	sadd.s32 $0x1100, s18;
	s23 =	sadd.s32 $0x200, s19  }
0x2b8: {  	[hbm4b:s23+s13] =	stream.strided.scatter [tilespmem:s22], [sflag:$0x1], $0x400, s14, s13, $0x38;
	[tilespmem:$0x8100] =	vst v63  }
0x2b9: {  	s22 =	sadd.s32 $0x1500, s18;
	s23 =	sadd.s32 $0x280, s19  }
0x2ba: {  	[hbm4b:s23+s13] =	stream.strided.scatter [tilespmem:s22], [sflag:$0x1], $0x400, s14, s13, $0x38;
	[tilespmem:$0x8100] =	vst v63  }
0x2bb: {  	s22 =	sadd.s32 $0x1900, s18;
	s23 =	sadd.s32 $0x300, s19  }
0x2bc: {  	[hbm4b:s23+s13] =	stream.strided.scatter [tilespmem:s22], [sflag:$0x1], $0x400, s14, s13, $0x38;
	[tilespmem:$0x8100] =	vst v63  }
0x2bd: {  	s22 =	sor.u32 s6, s29  }
0x2be: {  	s21 =	sadd.s32 $0x380, s19;
	s20 =	sadd.s32 $0x1D00, s18;
	s18 =	sadd.s32 s30, s22  }
0x2bf: {  	[hbm4b:s21+s13] =	stream.strided.scatter [tilespmem:s20], [sflag:$0x1], $0x400, s14, s13, $0x38;
	[tilespmem:$0x8100] =	vst v63  }
0x2c0: {  	s18 =	sor.u32 s31, s18;
	_ =	swait.ge [sflag:s12], $0x8000  }
0x2c1: {  	s18 =	sshrl.u32 s18, $0x3;
	[sflag:s12] =	ssyncset.done $0x0  }
0x2c2: {  	s23 =	simm.s32 $0x100;
	s19 =	sadd.s32 s2, s18;
	[sflag:s12] =	ssyncadd.s32 $0xFFFF8000  }
0x2c3: {  	[hbm4b:s19+s13] =	stream.strided.scatter [tilespmem:s23], [sflag:$0x1], $0x400, s14, s13, $0x38;
	[tilespmem:$0x8100] =	vst v63  }
0x2c4: {  	s20 =	simm.s32 $0x500;
	s21 =	sadd.s32 $0x80, s19  }
0x2c5: {  	[hbm4b:s21+s13] =	stream.strided.scatter [tilespmem:s20], [sflag:$0x1], $0x400, s14, s13, $0x38;
	[tilespmem:$0x8100] =	vst v63  }
0x2c6: {  	s22 =	simm.s32 $0x900;
	s23 =	sadd.s32 $0x100, s19  }
0x2c7: {  	[hbm4b:s23+s13] =	stream.strided.scatter [tilespmem:s22], [sflag:$0x1], $0x400, s14, s13, $0x38;
	[tilespmem:$0x8100] =	vst v63  }
0x2c8: {  	s20 =	simm.s32 $0xD00;
	s21 =	sadd.s32 $0x180, s19  }
0x2c9: {  	[hbm4b:s21+s13] =	stream.strided.scatter [tilespmem:s20], [sflag:$0x1], $0x400, s14, s13, $0x38;
	[tilespmem:$0x8100] =	vst v63  }
0x2ca: {  	s22 =	simm.s32 $0x1100;
	s23 =	sadd.s32 $0x200, s19  }
0x2cb: {  	[hbm4b:s23+s13] =	stream.strided.scatter [tilespmem:s22], [sflag:$0x1], $0x400, s14, s13, $0x38;
	[tilespmem:$0x8100] =	vst v63  }
0x2cc: {  	s18 =	simm.s32 $0x2000;
	s20 =	simm.s32 $0x1500;
	s21 =	sadd.s32 $0x280, s19  }
0x2cd: {  	[hbm4b:s21+s13] =	stream.strided.scatter [tilespmem:s20], [sflag:$0x1], $0x400, s14, s13, $0x38;
	[tilespmem:$0x8100] =	vst v63  }
0x2ce: {  	s22 =	simm.s32 $0x1900;
	s23 =	sadd.s32 $0x300, s19;
	s20 =	simm.s32 $0x10000  }
0x2cf: {  	[hbm4b:s23+s13] =	stream.strided.scatter [tilespmem:s22], [sflag:$0x1], $0x400, s14, s13, $0x38;
	[tilespmem:$0x8100] =	vst v63  }
0x2d0: {  	s21 =	simm.s32 $0x1D00;
	s22 =	sadd.s32 $0x380, s19;
	s19 =	sadd.s32 $0x2000, s19  }
.LBB2_26:
0x2d1: {  	[hbm4b:s22+s13] =	stream.strided.scatter [tilespmem:s21], [sflag:$0x1], $0x400, s14, s13, $0x38;
	[tilespmem:$0x8100] =	vst v63  }
0x2d2: {  	s21 =	smov.u32 s18;
	s18 =	smov.u32 s20  }
0x2d3: {  	s23 =	sadd.s32 $0x8000, s20;
	s18 =	sshra.s32 s18, $0x2;
	s22 =	sadd.s32 $0x100, s21  }
0x2d4: {  	[hbm4b:s19+s13] =	stream.strided.scatter [tilespmem:s22], [sflag:$0x1], $0x400, s14, s13, $0x38;
	[tilespmem:$0x8100] =	vst v63  }
0x2d5: {  	p0 =	sne.s32 s20, $0x18000;
	s20 =	sadd.s32 $0x500, s21;
	s22 =	sadd.s32 $0x80, s19  }
0x2d6: {  	[hbm4b:s22+s13] =	stream.strided.scatter [tilespmem:s20], [sflag:$0x1], $0x400, s14, s13, $0x38;
	[tilespmem:$0x8100] =	vst v63  }
0x2d7: {  	s20 =	sadd.s32 $0x900, s21;
	s22 =	sadd.s32 $0x100, s19  }
0x2d8: {  	[hbm4b:s22+s13] =	stream.strided.scatter [tilespmem:s20], [sflag:$0x1], $0x400, s14, s13, $0x38;
	[tilespmem:$0x8100] =	vst v63  }
0x2d9: {  	s20 =	sadd.s32 $0xD00, s21;
	s22 =	sadd.s32 $0x180, s19  }
0x2da: {  	[hbm4b:s22+s13] =	stream.strided.scatter [tilespmem:s20], [sflag:$0x1], $0x400, s14, s13, $0x38;
	[tilespmem:$0x8100] =	vst v63  }
0x2db: {  	s20 =	sadd.s32 $0x1100, s21;
	s22 =	sadd.s32 $0x200, s19  }
0x2dc: {  	[hbm4b:s22+s13] =	stream.strided.scatter [tilespmem:s20], [sflag:$0x1], $0x400, s14, s13, $0x38;
	[tilespmem:$0x8100] =	vst v63  }
.Ltmp12:
0x2dd: {  	s20 =	sadd.s32 $0x1500, s21;
	s22 =	sadd.s32 $0x280, s19;
	(pc) =	sbr.rel @p0 .LBB2_26-.Ltmp12, $4  }
0x2de: {  	[hbm4b:s22+s13] =	stream.strided.scatter [tilespmem:s20], [sflag:$0x1], $0x400, s14, s13, $0x38;
	[tilespmem:$0x8100] =	vst v63  }
0x2df: {  	s20 =	sadd.s32 $0x1900, s21;
	s22 =	sadd.s32 $0x300, s19;
	s21 =	sadd.s32 $0x1D00, s21  }
0x2e0: {  	[hbm4b:s22+s13] =	stream.strided.scatter [tilespmem:s20], [sflag:$0x1], $0x400, s14, s13, $0x38;
	[tilespmem:$0x8100] =	vst v63  }
0x2e1: {  	s22 =	sadd.s32 $0x380, s19;
	s19 =	sadd.s32 $0x2000, s19;
	s20 =	smov.u32 s23  }
0x2e2: {  	[hbm4b:s22+s13] =	stream.strided.scatter [tilespmem:s21], [sflag:$0x1], $0x400, s14, s13, $0x38;
	[tilespmem:$0x8100] =	vst v63  }
0x2e3: {  	s20 =	sadd.s32 $0x100, s18  }
0x2e4: {  	[hbm4b:s19+s13] =	stream.strided.scatter [tilespmem:s20], [sflag:$0x1], $0x400, s14, s13, $0x38;
	[tilespmem:$0x8100] =	vst v63  }
0x2e5: {  	s22 =	sadd.s32 $0x500, s18;
	s23 =	sadd.s32 $0x80, s19  }
0x2e6: {  	[hbm4b:s23+s13] =	stream.strided.scatter [tilespmem:s22], [sflag:$0x1], $0x400, s14, s13, $0x38;
	[tilespmem:$0x8100] =	vst v63  }
0x2e7: {  	s22 =	sadd.s32 $0x900, s18;
	s23 =	sadd.s32 $0x100, s19  }
0x2e8: {  	[hbm4b:s23+s13] =	stream.strided.scatter [tilespmem:s22], [sflag:$0x1], $0x400, s14, s13, $0x38;
	[tilespmem:$0x8100] =	vst v63  }
0x2e9: {  	s22 =	sadd.s32 $0xD00, s18;
	s23 =	sadd.s32 $0x180, s19  }
0x2ea: {  	[hbm4b:s23+s13] =	stream.strided.scatter [tilespmem:s22], [sflag:$0x1], $0x400, s14, s13, $0x38;
	[tilespmem:$0x8100] =	vst v63  }
0x2eb: {  	s22 =	sadd.s32 $0x1100, s18;
	s23 =	sadd.s32 $0x200, s19  }
0x2ec: {  	[hbm4b:s23+s13] =	stream.strided.scatter [tilespmem:s22], [sflag:$0x1], $0x400, s14, s13, $0x38;
	[tilespmem:$0x8100] =	vst v63  }
0x2ed: {  	s22 =	sadd.s32 $0x1500, s18;
	s23 =	sadd.s32 $0x280, s19  }
0x2ee: {  	[hbm4b:s23+s13] =	stream.strided.scatter [tilespmem:s22], [sflag:$0x1], $0x400, s14, s13, $0x38;
	[tilespmem:$0x8100] =	vst v63  }
0x2ef: {  	s22 =	sadd.s32 $0x1900, s18;
	s23 =	sadd.s32 $0x300, s19  }
0x2f0: {  	[hbm4b:s23+s13] =	stream.strided.scatter [tilespmem:s22], [sflag:$0x1], $0x400, s14, s13, $0x38;
	[tilespmem:$0x8100] =	vst v63  }
0x2f1: {  	s22 =	sor.u32 s6, s0  }
0x2f2: {  	s21 =	sadd.s32 $0x380, s19;
	s20 =	sadd.s32 $0x1D00, s18;
	s18 =	sadd.s32 s3, s22  }
0x2f3: {  	[hbm4b:s21+s13] =	stream.strided.scatter [tilespmem:s20], [sflag:$0x1], $0x400, s14, s13, $0x38;
	[tilespmem:$0x8100] =	vst v63  }
0x2f4: {  	s18 =	sor.u32 s1, s18;
	_ =	swait.ge [sflag:s12], $0x8000  }
0x2f5: {  	s18 =	sshrl.u32 s18, $0x3;
	[sflag:s12] =	ssyncset.done $0x0  }
0x2f6: {  	s23 =	simm.s32 $0x100;
	s19 =	sadd.s32 s2, s18;
	[sflag:s12] =	ssyncadd.s32 $0xFFFF8000  }
0x2f7: {  	[hbm4b:s19+s13] =	stream.strided.scatter [tilespmem:s23], [sflag:$0x1], $0x400, s14, s13, $0x38;
	[tilespmem:$0x8100] =	vst v63  }
0x2f8: {  	s20 =	simm.s32 $0x500;
	s21 =	sadd.s32 $0x80, s19  }
0x2f9: {  	[hbm4b:s21+s13] =	stream.strided.scatter [tilespmem:s20], [sflag:$0x1], $0x400, s14, s13, $0x38;
	[tilespmem:$0x8100] =	vst v63  }
0x2fa: {  	s22 =	simm.s32 $0x900;
	s23 =	sadd.s32 $0x100, s19  }
0x2fb: {  	[hbm4b:s23+s13] =	stream.strided.scatter [tilespmem:s22], [sflag:$0x1], $0x400, s14, s13, $0x38;
	[tilespmem:$0x8100] =	vst v63  }
0x2fc: {  	s20 =	simm.s32 $0xD00;
	s21 =	sadd.s32 $0x180, s19  }
0x2fd: {  	[hbm4b:s21+s13] =	stream.strided.scatter [tilespmem:s20], [sflag:$0x1], $0x400, s14, s13, $0x38;
	[tilespmem:$0x8100] =	vst v63  }
0x2fe: {  	s22 =	simm.s32 $0x1100;
	s23 =	sadd.s32 $0x200, s19  }
0x2ff: {  	[hbm4b:s23+s13] =	stream.strided.scatter [tilespmem:s22], [sflag:$0x1], $0x400, s14, s13, $0x38;
	[tilespmem:$0x8100] =	vst v63  }
0x300: {  	s18 =	simm.s32 $0x2000;
	s20 =	simm.s32 $0x1500;
	s21 =	sadd.s32 $0x280, s19  }
0x301: {  	[hbm4b:s21+s13] =	stream.strided.scatter [tilespmem:s20], [sflag:$0x1], $0x400, s14, s13, $0x38;
	[tilespmem:$0x8100] =	vst v63  }
0x302: {  	s22 =	simm.s32 $0x1900;
	s23 =	sadd.s32 $0x300, s19;
	s20 =	simm.s32 $0x10000  }
0x303: {  	[hbm4b:s23+s13] =	stream.strided.scatter [tilespmem:s22], [sflag:$0x1], $0x400, s14, s13, $0x38;
	[tilespmem:$0x8100] =	vst v63  }
0x304: {  	s21 =	simm.s32 $0x1D00;
	s22 =	sadd.s32 $0x380, s19;
	s19 =	sadd.s32 $0x2000, s19  }
.LBB2_28:
0x305: {  	[hbm4b:s22+s13] =	stream.strided.scatter [tilespmem:s21], [sflag:$0x1], $0x400, s14, s13, $0x38;
	[tilespmem:$0x8100] =	vst v63  }
0x306: {  	s21 =	smov.u32 s18;
	s18 =	smov.u32 s20  }
0x307: {  	s23 =	sadd.s32 $0x8000, s20;
	s18 =	sshra.s32 s18, $0x2;
	s22 =	sadd.s32 $0x100, s21  }
0x308: {  	[hbm4b:s19+s13] =	stream.strided.scatter [tilespmem:s22], [sflag:$0x1], $0x400, s14, s13, $0x38;
	[tilespmem:$0x8100] =	vst v63  }
0x309: {  	p0 =	sne.s32 s20, $0x18000;
	s20 =	sadd.s32 $0x500, s21;
	s22 =	sadd.s32 $0x80, s19  }
0x30a: {  	[hbm4b:s22+s13] =	stream.strided.scatter [tilespmem:s20], [sflag:$0x1], $0x400, s14, s13, $0x38;
	[tilespmem:$0x8100] =	vst v63  }
0x30b: {  	s20 =	sadd.s32 $0x900, s21;
	s22 =	sadd.s32 $0x100, s19  }
0x30c: {  	[hbm4b:s22+s13] =	stream.strided.scatter [tilespmem:s20], [sflag:$0x1], $0x400, s14, s13, $0x38;
	[tilespmem:$0x8100] =	vst v63  }
0x30d: {  	s20 =	sadd.s32 $0xD00, s21;
	s22 =	sadd.s32 $0x180, s19  }
0x30e: {  	[hbm4b:s22+s13] =	stream.strided.scatter [tilespmem:s20], [sflag:$0x1], $0x400, s14, s13, $0x38;
	[tilespmem:$0x8100] =	vst v63  }
0x30f: {  	s20 =	sadd.s32 $0x1100, s21;
	s22 =	sadd.s32 $0x200, s19  }
0x310: {  	[hbm4b:s22+s13] =	stream.strided.scatter [tilespmem:s20], [sflag:$0x1], $0x400, s14, s13, $0x38;
	[tilespmem:$0x8100] =	vst v63  }
.Ltmp13:
0x311: {  	s20 =	sadd.s32 $0x1500, s21;
	s22 =	sadd.s32 $0x280, s19;
	(pc) =	sbr.rel @p0 .LBB2_28-.Ltmp13, $4  }
0x312: {  	[hbm4b:s22+s13] =	stream.strided.scatter [tilespmem:s20], [sflag:$0x1], $0x400, s14, s13, $0x38;
	[tilespmem:$0x8100] =	vst v63  }
0x313: {  	s20 =	sadd.s32 $0x1900, s21;
	s22 =	sadd.s32 $0x300, s19;
	s21 =	sadd.s32 $0x1D00, s21  }
0x314: {  	[hbm4b:s22+s13] =	stream.strided.scatter [tilespmem:s20], [sflag:$0x1], $0x400, s14, s13, $0x38;
	[tilespmem:$0x8100] =	vst v63  }
0x315: {  	s22 =	sadd.s32 $0x380, s19;
	s19 =	sadd.s32 $0x2000, s19;
	s20 =	smov.u32 s23  }
0x316: {  	[hbm4b:s22+s13] =	stream.strided.scatter [tilespmem:s21], [sflag:$0x1], $0x400, s14, s13, $0x38;
	[tilespmem:$0x8100] =	vst v63  }
0x317: {  	s20 =	sadd.s32 $0x100, s18  }
0x318: {  	[hbm4b:s19+s13] =	stream.strided.scatter [tilespmem:s20], [sflag:$0x1], $0x400, s14, s13, $0x38;
	[tilespmem:$0x8100] =	vst v63  }
0x319: {  	s22 =	sadd.s32 $0x500, s18;
	s23 =	sadd.s32 $0x80, s19  }
0x31a: {  	[hbm4b:s23+s13] =	stream.strided.scatter [tilespmem:s22], [sflag:$0x1], $0x400, s14, s13, $0x38;
	[tilespmem:$0x8100] =	vst v63  }
0x31b: {  	s22 =	sadd.s32 $0x900, s18;
	s23 =	sadd.s32 $0x100, s19  }
0x31c: {  	[hbm4b:s23+s13] =	stream.strided.scatter [tilespmem:s22], [sflag:$0x1], $0x400, s14, s13, $0x38;
	[tilespmem:$0x8100] =	vst v63  }
0x31d: {  	s22 =	sadd.s32 $0xD00, s18;
	s23 =	sadd.s32 $0x180, s19  }
0x31e: {  	[hbm4b:s23+s13] =	stream.strided.scatter [tilespmem:s22], [sflag:$0x1], $0x400, s14, s13, $0x38;
	[tilespmem:$0x8100] =	vst v63  }
0x31f: {  	s22 =	sadd.s32 $0x1100, s18;
	s23 =	sadd.s32 $0x200, s19  }
0x320: {  	[hbm4b:s23+s13] =	stream.strided.scatter [tilespmem:s22], [sflag:$0x1], $0x400, s14, s13, $0x38;
	[tilespmem:$0x8100] =	vst v63  }
0x321: {  	s22 =	sadd.s32 $0x1500, s18;
	s23 =	sadd.s32 $0x280, s19  }
0x322: {  	[hbm4b:s23+s13] =	stream.strided.scatter [tilespmem:s22], [sflag:$0x1], $0x400, s14, s13, $0x38;
	[tilespmem:$0x8100] =	vst v63  }
0x323: {  	s22 =	sadd.s32 $0x1900, s18;
	s23 =	sadd.s32 $0x300, s19  }
0x324: {  	[hbm4b:s23+s13] =	stream.strided.scatter [tilespmem:s22], [sflag:$0x1], $0x400, s14, s13, $0x38;
	[tilespmem:$0x8100] =	vst v63  }
0x325: {  	s22 =	sor.u32 s6, s4  }
0x326: {  	s21 =	sadd.s32 $0x380, s19;
	s20 =	sadd.s32 $0x1D00, s18;
	s18 =	sadd.s32 s9, s22  }
0x327: {  	[hbm4b:s21+s13] =	stream.strided.scatter [tilespmem:s20], [sflag:$0x1], $0x400, s14, s13, $0x38;
	[tilespmem:$0x8100] =	vst v63  }
0x328: {  	s18 =	sor.u32 s10, s18;
	_ =	swait.ge [sflag:s12], $0x8000  }
0x329: {  	s18 =	sshrl.u32 s18, $0x3;
	[sflag:s12] =	ssyncset.done $0x0  }
0x32a: {  	s23 =	simm.s32 $0x100;
	s19 =	sadd.s32 s2, s18;
	[sflag:s12] =	ssyncadd.s32 $0xFFFF8000  }
0x32b: {  	[hbm4b:s19+s13] =	stream.strided.scatter [tilespmem:s23], [sflag:$0x1], $0x400, s14, s13, $0x38;
	[tilespmem:$0x8100] =	vst v63  }
0x32c: {  	s20 =	simm.s32 $0x500;
	s21 =	sadd.s32 $0x80, s19  }
0x32d: {  	[hbm4b:s21+s13] =	stream.strided.scatter [tilespmem:s20], [sflag:$0x1], $0x400, s14, s13, $0x38;
	[tilespmem:$0x8100] =	vst v63  }
0x32e: {  	s22 =	simm.s32 $0x900;
	s23 =	sadd.s32 $0x100, s19  }
0x32f: {  	[hbm4b:s23+s13] =	stream.strided.scatter [tilespmem:s22], [sflag:$0x1], $0x400, s14, s13, $0x38;
	[tilespmem:$0x8100] =	vst v63  }
0x330: {  	s20 =	simm.s32 $0xD00;
	s21 =	sadd.s32 $0x180, s19  }
0x331: {  	[hbm4b:s21+s13] =	stream.strided.scatter [tilespmem:s20], [sflag:$0x1], $0x400, s14, s13, $0x38;
	[tilespmem:$0x8100] =	vst v63  }
0x332: {  	s22 =	simm.s32 $0x1100;
	s23 =	sadd.s32 $0x200, s19  }
0x333: {  	[hbm4b:s23+s13] =	stream.strided.scatter [tilespmem:s22], [sflag:$0x1], $0x400, s14, s13, $0x38;
	[tilespmem:$0x8100] =	vst v63  }
0x334: {  	s18 =	simm.s32 $0x2000;
	s20 =	simm.s32 $0x1500;
	s21 =	sadd.s32 $0x280, s19  }
0x335: {  	[hbm4b:s21+s13] =	stream.strided.scatter [tilespmem:s20], [sflag:$0x1], $0x400, s14, s13, $0x38;
	[tilespmem:$0x8100] =	vst v63  }
0x336: {  	s22 =	simm.s32 $0x1900;
	s23 =	sadd.s32 $0x300, s19;
	s20 =	simm.s32 $0x10000  }
0x337: {  	[hbm4b:s23+s13] =	stream.strided.scatter [tilespmem:s22], [sflag:$0x1], $0x400, s14, s13, $0x38;
	[tilespmem:$0x8100] =	vst v63  }
0x338: {  	s21 =	simm.s32 $0x1D00;
	s22 =	sadd.s32 $0x380, s19;
	s19 =	sadd.s32 $0x2000, s19  }
.LBB2_30:
0x339: {  	[hbm4b:s22+s13] =	stream.strided.scatter [tilespmem:s21], [sflag:$0x1], $0x400, s14, s13, $0x38;
	[tilespmem:$0x8100] =	vst v63  }
0x33a: {  	s21 =	smov.u32 s18;
	s18 =	smov.u32 s20  }
0x33b: {  	s23 =	sadd.s32 $0x8000, s20;
	s18 =	sshra.s32 s18, $0x2;
	s22 =	sadd.s32 $0x100, s21  }
0x33c: {  	[hbm4b:s19+s13] =	stream.strided.scatter [tilespmem:s22], [sflag:$0x1], $0x400, s14, s13, $0x38;
	[tilespmem:$0x8100] =	vst v63  }
0x33d: {  	p0 =	sne.s32 s20, $0x18000;
	s20 =	sadd.s32 $0x500, s21;
	s22 =	sadd.s32 $0x80, s19  }
0x33e: {  	[hbm4b:s22+s13] =	stream.strided.scatter [tilespmem:s20], [sflag:$0x1], $0x400, s14, s13, $0x38;
	[tilespmem:$0x8100] =	vst v63  }
0x33f: {  	s20 =	sadd.s32 $0x900, s21;
	s22 =	sadd.s32 $0x100, s19  }
0x340: {  	[hbm4b:s22+s13] =	stream.strided.scatter [tilespmem:s20], [sflag:$0x1], $0x400, s14, s13, $0x38;
	[tilespmem:$0x8100] =	vst v63  }
0x341: {  	s20 =	sadd.s32 $0xD00, s21;
	s22 =	sadd.s32 $0x180, s19  }
0x342: {  	[hbm4b:s22+s13] =	stream.strided.scatter [tilespmem:s20], [sflag:$0x1], $0x400, s14, s13, $0x38;
	[tilespmem:$0x8100] =	vst v63  }
0x343: {  	s20 =	sadd.s32 $0x1100, s21;
	s22 =	sadd.s32 $0x200, s19  }
0x344: {  	[hbm4b:s22+s13] =	stream.strided.scatter [tilespmem:s20], [sflag:$0x1], $0x400, s14, s13, $0x38;
	[tilespmem:$0x8100] =	vst v63  }
.Ltmp14:
0x345: {  	s20 =	sadd.s32 $0x1500, s21;
	s22 =	sadd.s32 $0x280, s19;
	(pc) =	sbr.rel @p0 .LBB2_30-.Ltmp14, $4  }
0x346: {  	[hbm4b:s22+s13] =	stream.strided.scatter [tilespmem:s20], [sflag:$0x1], $0x400, s14, s13, $0x38;
	[tilespmem:$0x8100] =	vst v63  }
0x347: {  	s20 =	sadd.s32 $0x1900, s21;
	s22 =	sadd.s32 $0x300, s19;
	s21 =	sadd.s32 $0x1D00, s21  }
0x348: {  	[hbm4b:s22+s13] =	stream.strided.scatter [tilespmem:s20], [sflag:$0x1], $0x400, s14, s13, $0x38;
	[tilespmem:$0x8100] =	vst v63  }
0x349: {  	s22 =	sadd.s32 $0x380, s19;
	s19 =	sadd.s32 $0x2000, s19;
	s20 =	smov.u32 s23  }
0x34a: {  	[hbm4b:s22+s13] =	stream.strided.scatter [tilespmem:s21], [sflag:$0x1], $0x400, s14, s13, $0x38;
	[tilespmem:$0x8100] =	vst v63  }
0x34b: {  	s20 =	sadd.s32 $0x100, s18  }
0x34c: {  	[hbm4b:s19+s13] =	stream.strided.scatter [tilespmem:s20], [sflag:$0x1], $0x400, s14, s13, $0x38;
	[tilespmem:$0x8100] =	vst v63  }
0x34d: {  	s22 =	sadd.s32 $0x500, s18;
	s23 =	sadd.s32 $0x80, s19  }
0x34e: {  	[hbm4b:s23+s13] =	stream.strided.scatter [tilespmem:s22], [sflag:$0x1], $0x400, s14, s13, $0x38;
	[tilespmem:$0x8100] =	vst v63  }
0x34f: {  	s22 =	sadd.s32 $0x900, s18;
	s23 =	sadd.s32 $0x100, s19  }
0x350: {  	[hbm4b:s23+s13] =	stream.strided.scatter [tilespmem:s22], [sflag:$0x1], $0x400, s14, s13, $0x38;
	[tilespmem:$0x8100] =	vst v63  }
0x351: {  	s22 =	sadd.s32 $0xD00, s18;
	s23 =	sadd.s32 $0x180, s19  }
0x352: {  	[hbm4b:s23+s13] =	stream.strided.scatter [tilespmem:s22], [sflag:$0x1], $0x400, s14, s13, $0x38;
	[tilespmem:$0x8100] =	vst v63  }
0x353: {  	s22 =	sadd.s32 $0x1100, s18;
	s23 =	sadd.s32 $0x200, s19  }
0x354: {  	[hbm4b:s23+s13] =	stream.strided.scatter [tilespmem:s22], [sflag:$0x1], $0x400, s14, s13, $0x38;
	[tilespmem:$0x8100] =	vst v63  }
0x355: {  	s22 =	sadd.s32 $0x1500, s18;
	s23 =	sadd.s32 $0x280, s19  }
0x356: {  	[hbm4b:s23+s13] =	stream.strided.scatter [tilespmem:s22], [sflag:$0x1], $0x400, s14, s13, $0x38;
	[tilespmem:$0x8100] =	vst v63  }
0x357: {  	s22 =	sadd.s32 $0x1900, s18;
	s23 =	sadd.s32 $0x300, s19  }
0x358: {  	[hbm4b:s23+s13] =	stream.strided.scatter [tilespmem:s22], [sflag:$0x1], $0x400, s14, s13, $0x38;
	[tilespmem:$0x8100] =	vst v63  }
0x359: {  	s22 =	sor.u32 s6, s11  }
0x35a: {  	s21 =	sadd.s32 $0x380, s19;
	s20 =	sadd.s32 $0x1D00, s18;
	s18 =	sadd.s32 s16, s22  }
0x35b: {  	[hbm4b:s21+s13] =	stream.strided.scatter [tilespmem:s20], [sflag:$0x1], $0x400, s14, s13, $0x38;
	[tilespmem:$0x8100] =	vst v63  }
0x35c: {  	s18 =	sor.u32 s17, s18;
	_ =	swait.ge [sflag:s12], $0x8000  }
0x35d: {  	s18 =	sshrl.u32 s18, $0x3;
	[sflag:s12] =	ssyncset.done $0x0  }
0x35e: {  	s23 =	simm.s32 $0x100;
	s19 =	sadd.s32 s2, s18;
	[sflag:s12] =	ssyncadd.s32 $0xFFFF8000  }
0x35f: {  	[hbm4b:s19+s13] =	stream.strided.scatter [tilespmem:s23], [sflag:$0x1], $0x400, s14, s13, $0x38;
	[tilespmem:$0x8100] =	vst v63  }
0x360: {  	s20 =	simm.s32 $0x500;
	s21 =	sadd.s32 $0x80, s19  }
0x361: {  	[hbm4b:s21+s13] =	stream.strided.scatter [tilespmem:s20], [sflag:$0x1], $0x400, s14, s13, $0x38;
	[tilespmem:$0x8100] =	vst v63  }
0x362: {  	s22 =	simm.s32 $0x900;
	s23 =	sadd.s32 $0x100, s19  }
0x363: {  	[hbm4b:s23+s13] =	stream.strided.scatter [tilespmem:s22], [sflag:$0x1], $0x400, s14, s13, $0x38;
	[tilespmem:$0x8100] =	vst v63  }
0x364: {  	s20 =	simm.s32 $0xD00;
	s21 =	sadd.s32 $0x180, s19  }
0x365: {  	[hbm4b:s21+s13] =	stream.strided.scatter [tilespmem:s20], [sflag:$0x1], $0x400, s14, s13, $0x38;
	[tilespmem:$0x8100] =	vst v63  }
0x366: {  	s22 =	simm.s32 $0x1100;
	s23 =	sadd.s32 $0x200, s19  }
0x367: {  	[hbm4b:s23+s13] =	stream.strided.scatter [tilespmem:s22], [sflag:$0x1], $0x400, s14, s13, $0x38;
	[tilespmem:$0x8100] =	vst v63  }
0x368: {  	s18 =	simm.s32 $0x2000;
	s20 =	simm.s32 $0x1500;
	s21 =	sadd.s32 $0x280, s19  }
0x369: {  	[hbm4b:s21+s13] =	stream.strided.scatter [tilespmem:s20], [sflag:$0x1], $0x400, s14, s13, $0x38;
	[tilespmem:$0x8100] =	vst v63  }
0x36a: {  	s22 =	simm.s32 $0x1900;
	s23 =	sadd.s32 $0x300, s19;
	s20 =	simm.s32 $0x10000  }
0x36b: {  	[hbm4b:s23+s13] =	stream.strided.scatter [tilespmem:s22], [sflag:$0x1], $0x400, s14, s13, $0x38;
	[tilespmem:$0x8100] =	vst v63  }
0x36c: {  	s21 =	simm.s32 $0x1D00;
	s22 =	sadd.s32 $0x380, s19;
	s19 =	sadd.s32 $0x2000, s19  }
.LBB2_32:
0x36d: {  	[hbm4b:s22+s13] =	stream.strided.scatter [tilespmem:s21], [sflag:$0x1], $0x400, s14, s13, $0x38;
	[tilespmem:$0x8100] =	vst v63  }
0x36e: {  	s21 =	smov.u32 s18;
	s18 =	smov.u32 s20  }
0x36f: {  	s23 =	sadd.s32 $0x8000, s20;
	s18 =	sshra.s32 s18, $0x2;
	s22 =	sadd.s32 $0x100, s21  }
0x370: {  	[hbm4b:s19+s13] =	stream.strided.scatter [tilespmem:s22], [sflag:$0x1], $0x400, s14, s13, $0x38;
	[tilespmem:$0x8100] =	vst v63  }
0x371: {  	p0 =	sne.s32 s20, $0x18000;
	s20 =	sadd.s32 $0x500, s21;
	s22 =	sadd.s32 $0x80, s19  }
0x372: {  	[hbm4b:s22+s13] =	stream.strided.scatter [tilespmem:s20], [sflag:$0x1], $0x400, s14, s13, $0x38;
	[tilespmem:$0x8100] =	vst v63  }
0x373: {  	s20 =	sadd.s32 $0x900, s21;
	s22 =	sadd.s32 $0x100, s19  }
0x374: {  	[hbm4b:s22+s13] =	stream.strided.scatter [tilespmem:s20], [sflag:$0x1], $0x400, s14, s13, $0x38;
	[tilespmem:$0x8100] =	vst v63  }
0x375: {  	s20 =	sadd.s32 $0xD00, s21;
	s22 =	sadd.s32 $0x180, s19  }
0x376: {  	[hbm4b:s22+s13] =	stream.strided.scatter [tilespmem:s20], [sflag:$0x1], $0x400, s14, s13, $0x38;
	[tilespmem:$0x8100] =	vst v63  }
0x377: {  	s20 =	sadd.s32 $0x1100, s21;
	s22 =	sadd.s32 $0x200, s19  }
0x378: {  	[hbm4b:s22+s13] =	stream.strided.scatter [tilespmem:s20], [sflag:$0x1], $0x400, s14, s13, $0x38;
	[tilespmem:$0x8100] =	vst v63  }
.Ltmp15:
0x379: {  	s20 =	sadd.s32 $0x1500, s21;
	s22 =	sadd.s32 $0x280, s19;
	(pc) =	sbr.rel @p0 .LBB2_32-.Ltmp15, $4  }
0x37a: {  	[hbm4b:s22+s13] =	stream.strided.scatter [tilespmem:s20], [sflag:$0x1], $0x400, s14, s13, $0x38;
	[tilespmem:$0x8100] =	vst v63  }
0x37b: {  	s20 =	sadd.s32 $0x1900, s21;
	s22 =	sadd.s32 $0x300, s19;
	s21 =	sadd.s32 $0x1D00, s21  }
0x37c: {  	[hbm4b:s22+s13] =	stream.strided.scatter [tilespmem:s20], [sflag:$0x1], $0x400, s14, s13, $0x38;
	[tilespmem:$0x8100] =	vst v63  }
0x37d: {  	s22 =	sadd.s32 $0x380, s19;
	s19 =	sadd.s32 $0x2000, s19;
	s20 =	smov.u32 s23  }
0x37e: {  	[hbm4b:s22+s13] =	stream.strided.scatter [tilespmem:s21], [sflag:$0x1], $0x400, s14, s13, $0x38;
	[tilespmem:$0x8100] =	vst v63  }
0x37f: {  	s20 =	sadd.s32 $0x100, s18  }
0x380: {  	[hbm4b:s19+s13] =	stream.strided.scatter [tilespmem:s20], [sflag:$0x1], $0x400, s14, s13, $0x38;
	[tilespmem:$0x8100] =	vst v63  }
0x381: {  	s22 =	sadd.s32 $0x500, s18;
	s23 =	sadd.s32 $0x80, s19  }
0x382: {  	[hbm4b:s23+s13] =	stream.strided.scatter [tilespmem:s22], [sflag:$0x1], $0x400, s14, s13, $0x38;
	[tilespmem:$0x8100] =	vst v63  }
0x383: {  	s22 =	sadd.s32 $0x900, s18;
	s23 =	sadd.s32 $0x100, s19  }
0x384: {  	[hbm4b:s23+s13] =	stream.strided.scatter [tilespmem:s22], [sflag:$0x1], $0x400, s14, s13, $0x38;
	[tilespmem:$0x8100] =	vst v63  }
0x385: {  	s22 =	sadd.s32 $0xD00, s18;
	s23 =	sadd.s32 $0x180, s19  }
0x386: {  	[hbm4b:s23+s13] =	stream.strided.scatter [tilespmem:s22], [sflag:$0x1], $0x400, s14, s13, $0x38;
	[tilespmem:$0x8100] =	vst v63  }
0x387: {  	s22 =	sadd.s32 $0x1100, s18;
	s23 =	sadd.s32 $0x200, s19  }
0x388: {  	[hbm4b:s23+s13] =	stream.strided.scatter [tilespmem:s22], [sflag:$0x1], $0x400, s14, s13, $0x38;
	[tilespmem:$0x8100] =	vst v63  }
0x389: {  	s22 =	sadd.s32 $0x1500, s18;
	s23 =	sadd.s32 $0x280, s19  }
0x38a: {  	[hbm4b:s23+s13] =	stream.strided.scatter [tilespmem:s22], [sflag:$0x1], $0x400, s14, s13, $0x38;
	[tilespmem:$0x8100] =	vst v63  }
0x38b: {  	s22 =	sadd.s32 $0x1900, s18;
	s23 =	sadd.s32 $0x300, s19  }
0x38c: {  	[hbm4b:s23+s13] =	stream.strided.scatter [tilespmem:s22], [sflag:$0x1], $0x400, s14, s13, $0x38;
	[tilespmem:$0x8100] =	vst v63  }
0x38d: {  	s20 =	rddreg [dreg:$0x6];
	s22 =	sadd.s32 $0x1D00, s18;
	s23 =	sadd.s32 $0x380, s19  }
0x38e: {  	[hbm4b:s23+s13] =	stream.strided.scatter [tilespmem:s22], [sflag:$0x1], $0x400, s14, s13, $0x38;
	[tilespmem:$0x8100] =	vst v63  }
0x38f: {  	s21 =	rddreg [dreg:$0x7];
	s18 =	sor.u32 s7, s20;
	_ =	swait.ge [sflag:s12], $0x8000  }
0x390: {  	s18 =	sadd.s32 s21, s18;
	s22 =	rddreg [dreg:$0x8]  }
0x391: {  	s18 =	sor.u32 s22, s18  }
0x392: {  	[sflag:s12] =	ssyncset.done $0x0;
	s18 =	sshrl.u32 s18, $0x3  }
0x393: {  	s23 =	simm.s32 $0x100;
	[sflag:s12] =	ssyncadd.s32 $0xFFFF8000;
	s19 =	sadd.s32 s2, s18  }
0x394: {  	[hbm4b:s19+s13] =	stream.strided.scatter [tilespmem:s23], [sflag:$0x1], $0x400, s14, s13, $0x38;
	[tilespmem:$0x8100] =	vst v63  }
0x395: {  	s20 =	simm.s32 $0x500;
	s21 =	sadd.s32 $0x80, s19  }
0x396: {  	[hbm4b:s21+s13] =	stream.strided.scatter [tilespmem:s20], [sflag:$0x1], $0x400, s14, s13, $0x38;
	[tilespmem:$0x8100] =	vst v63  }
0x397: {  	s22 =	simm.s32 $0x900;
	s23 =	sadd.s32 $0x100, s19  }
0x398: {  	[hbm4b:s23+s13] =	stream.strided.scatter [tilespmem:s22], [sflag:$0x1], $0x400, s14, s13, $0x38;
	[tilespmem:$0x8100] =	vst v63  }
0x399: {  	s20 =	simm.s32 $0xD00;
	s21 =	sadd.s32 $0x180, s19  }
0x39a: {  	[hbm4b:s21+s13] =	stream.strided.scatter [tilespmem:s20], [sflag:$0x1], $0x400, s14, s13, $0x38;
	[tilespmem:$0x8100] =	vst v63  }
0x39b: {  	s22 =	simm.s32 $0x1100;
	s23 =	sadd.s32 $0x200, s19  }
0x39c: {  	[hbm4b:s23+s13] =	stream.strided.scatter [tilespmem:s22], [sflag:$0x1], $0x400, s14, s13, $0x38;
	[tilespmem:$0x8100] =	vst v63  }
0x39d: {  	s18 =	simm.s32 $0x2000;
	s20 =	simm.s32 $0x1500;
	s21 =	sadd.s32 $0x280, s19  }
0x39e: {  	[hbm4b:s21+s13] =	stream.strided.scatter [tilespmem:s20], [sflag:$0x1], $0x400, s14, s13, $0x38;
	[tilespmem:$0x8100] =	vst v63  }
0x39f: {  	s22 =	simm.s32 $0x1900;
	s23 =	sadd.s32 $0x300, s19;
	s20 =	simm.s32 $0x10000  }
0x3a0: {  	[hbm4b:s23+s13] =	stream.strided.scatter [tilespmem:s22], [sflag:$0x1], $0x400, s14, s13, $0x38;
	[tilespmem:$0x8100] =	vst v63  }
0x3a1: {  	s21 =	simm.s32 $0x1D00;
	s22 =	sadd.s32 $0x380, s19;
	s19 =	sadd.s32 $0x2000, s19  }
.LBB2_34:
0x3a2: {  	[hbm4b:s22+s13] =	stream.strided.scatter [tilespmem:s21], [sflag:$0x1], $0x400, s14, s13, $0x38;
	[tilespmem:$0x8100] =	vst v63  }
0x3a3: {  	s21 =	smov.u32 s18;
	s18 =	smov.u32 s20  }
0x3a4: {  	s23 =	sadd.s32 $0x8000, s20;
	s18 =	sshra.s32 s18, $0x2;
	s22 =	sadd.s32 $0x100, s21  }
0x3a5: {  	[hbm4b:s19+s13] =	stream.strided.scatter [tilespmem:s22], [sflag:$0x1], $0x400, s14, s13, $0x38;
	[tilespmem:$0x8100] =	vst v63  }
0x3a6: {  	p0 =	sne.s32 s20, $0x18000;
	s20 =	sadd.s32 $0x500, s21;
	s22 =	sadd.s32 $0x80, s19  }
0x3a7: {  	[hbm4b:s22+s13] =	stream.strided.scatter [tilespmem:s20], [sflag:$0x1], $0x400, s14, s13, $0x38;
	[tilespmem:$0x8100] =	vst v63  }
0x3a8: {  	s20 =	sadd.s32 $0x900, s21;
	s22 =	sadd.s32 $0x100, s19  }
0x3a9: {  	[hbm4b:s22+s13] =	stream.strided.scatter [tilespmem:s20], [sflag:$0x1], $0x400, s14, s13, $0x38;
	[tilespmem:$0x8100] =	vst v63  }
0x3aa: {  	s20 =	sadd.s32 $0xD00, s21;
	s22 =	sadd.s32 $0x180, s19  }
0x3ab: {  	[hbm4b:s22+s13] =	stream.strided.scatter [tilespmem:s20], [sflag:$0x1], $0x400, s14, s13, $0x38;
	[tilespmem:$0x8100] =	vst v63  }
0x3ac: {  	s20 =	sadd.s32 $0x1100, s21;
	s22 =	sadd.s32 $0x200, s19  }
0x3ad: {  	[hbm4b:s22+s13] =	stream.strided.scatter [tilespmem:s20], [sflag:$0x1], $0x400, s14, s13, $0x38;
	[tilespmem:$0x8100] =	vst v63  }
.Ltmp16:
0x3ae: {  	s20 =	sadd.s32 $0x1500, s21;
	s22 =	sadd.s32 $0x280, s19;
	(pc) =	sbr.rel @p0 .LBB2_34-.Ltmp16, $4  }
0x3af: {  	[hbm4b:s22+s13] =	stream.strided.scatter [tilespmem:s20], [sflag:$0x1], $0x400, s14, s13, $0x38;
	[tilespmem:$0x8100] =	vst v63  }
0x3b0: {  	s20 =	sadd.s32 $0x1900, s21;
	s22 =	sadd.s32 $0x300, s19;
	s21 =	sadd.s32 $0x1D00, s21  }
0x3b1: {  	[hbm4b:s22+s13] =	stream.strided.scatter [tilespmem:s20], [sflag:$0x1], $0x400, s14, s13, $0x38;
	[tilespmem:$0x8100] =	vst v63  }
0x3b2: {  	s22 =	sadd.s32 $0x380, s19;
	s19 =	sadd.s32 $0x2000, s19;
	s20 =	smov.u32 s23  }
0x3b3: {  	[hbm4b:s22+s13] =	stream.strided.scatter [tilespmem:s21], [sflag:$0x1], $0x400, s14, s13, $0x38;
	[tilespmem:$0x8100] =	vst v63  }
0x3b4: {  	s20 =	sadd.s32 $0x100, s18  }
0x3b5: {  	[hbm4b:s19+s13] =	stream.strided.scatter [tilespmem:s20], [sflag:$0x1], $0x400, s14, s13, $0x38;
	[tilespmem:$0x8100] =	vst v63  }
0x3b6: {  	s22 =	sadd.s32 $0x500, s18;
	s23 =	sadd.s32 $0x80, s19  }
0x3b7: {  	[hbm4b:s23+s13] =	stream.strided.scatter [tilespmem:s22], [sflag:$0x1], $0x400, s14, s13, $0x38;
	[tilespmem:$0x8100] =	vst v63  }
0x3b8: {  	s22 =	sadd.s32 $0x900, s18;
	s23 =	sadd.s32 $0x100, s19  }
0x3b9: {  	[hbm4b:s23+s13] =	stream.strided.scatter [tilespmem:s22], [sflag:$0x1], $0x400, s14, s13, $0x38;
	[tilespmem:$0x8100] =	vst v63  }
0x3ba: {  	s22 =	sadd.s32 $0xD00, s18;
	s23 =	sadd.s32 $0x180, s19  }
0x3bb: {  	[hbm4b:s23+s13] =	stream.strided.scatter [tilespmem:s22], [sflag:$0x1], $0x400, s14, s13, $0x38;
	[tilespmem:$0x8100] =	vst v63  }
0x3bc: {  	s22 =	sadd.s32 $0x1100, s18;
	s23 =	sadd.s32 $0x200, s19  }
0x3bd: {  	[hbm4b:s23+s13] =	stream.strided.scatter [tilespmem:s22], [sflag:$0x1], $0x400, s14, s13, $0x38;
	[tilespmem:$0x8100] =	vst v63  }
0x3be: {  	s22 =	sadd.s32 $0x1500, s18;
	s23 =	sadd.s32 $0x280, s19  }
0x3bf: {  	[hbm4b:s23+s13] =	stream.strided.scatter [tilespmem:s22], [sflag:$0x1], $0x400, s14, s13, $0x38;
	[tilespmem:$0x8100] =	vst v63  }
0x3c0: {  	s22 =	sadd.s32 $0x1900, s18;
	s23 =	sadd.s32 $0x300, s19  }
0x3c1: {  	[hbm4b:s23+s13] =	stream.strided.scatter [tilespmem:s22], [sflag:$0x1], $0x400, s14, s13, $0x38;
	[tilespmem:$0x8100] =	vst v63  }
0x3c2: {  	s20 =	rddreg [dreg:$0x9];
	s22 =	sadd.s32 $0x1D00, s18;
	s23 =	sadd.s32 $0x380, s19  }
0x3c3: {  	[hbm4b:s23+s13] =	stream.strided.scatter [tilespmem:s22], [sflag:$0x1], $0x400, s14, s13, $0x38;
	[tilespmem:$0x8100] =	vst v63  }
0x3c4: {  	s21 =	rddreg [dreg:$0xa];
	s18 =	sor.u32 s7, s20;
	_ =	swait.ge [sflag:s12], $0x8000  }
0x3c5: {  	s18 =	sadd.s32 s21, s18;
	s22 =	rddreg [dreg:$0xb]  }
0x3c6: {  	s18 =	sor.u32 s22, s18  }
0x3c7: {  	[sflag:s12] =	ssyncset.done $0x0;
	s18 =	sshrl.u32 s18, $0x3  }
0x3c8: {  	s23 =	simm.s32 $0x100;
	[sflag:s12] =	ssyncadd.s32 $0xFFFF8000;
	s19 =	sadd.s32 s2, s18  }
0x3c9: {  	[hbm4b:s19+s13] =	stream.strided.scatter [tilespmem:s23], [sflag:$0x1], $0x400, s14, s13, $0x38;
	[tilespmem:$0x8100] =	vst v63  }
0x3ca: {  	s20 =	simm.s32 $0x500;
	s21 =	sadd.s32 $0x80, s19  }
0x3cb: {  	[hbm4b:s21+s13] =	stream.strided.scatter [tilespmem:s20], [sflag:$0x1], $0x400, s14, s13, $0x38;
	[tilespmem:$0x8100] =	vst v63  }
0x3cc: {  	s22 =	simm.s32 $0x900;
	s23 =	sadd.s32 $0x100, s19  }
0x3cd: {  	[hbm4b:s23+s13] =	stream.strided.scatter [tilespmem:s22], [sflag:$0x1], $0x400, s14, s13, $0x38;
	[tilespmem:$0x8100] =	vst v63  }
0x3ce: {  	s20 =	simm.s32 $0xD00;
	s21 =	sadd.s32 $0x180, s19  }
0x3cf: {  	[hbm4b:s21+s13] =	stream.strided.scatter [tilespmem:s20], [sflag:$0x1], $0x400, s14, s13, $0x38;
	[tilespmem:$0x8100] =	vst v63  }
0x3d0: {  	s22 =	simm.s32 $0x1100;
	s23 =	sadd.s32 $0x200, s19  }
0x3d1: {  	[hbm4b:s23+s13] =	stream.strided.scatter [tilespmem:s22], [sflag:$0x1], $0x400, s14, s13, $0x38;
	[tilespmem:$0x8100] =	vst v63  }
0x3d2: {  	s18 =	simm.s32 $0x2000;
	s20 =	simm.s32 $0x1500;
	s21 =	sadd.s32 $0x280, s19  }
0x3d3: {  	[hbm4b:s21+s13] =	stream.strided.scatter [tilespmem:s20], [sflag:$0x1], $0x400, s14, s13, $0x38;
	[tilespmem:$0x8100] =	vst v63  }
0x3d4: {  	s22 =	simm.s32 $0x1900;
	s23 =	sadd.s32 $0x300, s19;
	s20 =	simm.s32 $0x10000  }
0x3d5: {  	[hbm4b:s23+s13] =	stream.strided.scatter [tilespmem:s22], [sflag:$0x1], $0x400, s14, s13, $0x38;
	[tilespmem:$0x8100] =	vst v63  }
0x3d6: {  	s21 =	simm.s32 $0x1D00;
	s22 =	sadd.s32 $0x380, s19;
	s19 =	sadd.s32 $0x2000, s19  }
.LBB2_36:
0x3d7: {  	[hbm4b:s22+s13] =	stream.strided.scatter [tilespmem:s21], [sflag:$0x1], $0x400, s14, s13, $0x38;
	[tilespmem:$0x8100] =	vst v63  }
0x3d8: {  	s21 =	smov.u32 s18;
	s18 =	smov.u32 s20  }
0x3d9: {  	s23 =	sadd.s32 $0x8000, s20;
	s18 =	sshra.s32 s18, $0x2;
	s22 =	sadd.s32 $0x100, s21  }
0x3da: {  	[hbm4b:s19+s13] =	stream.strided.scatter [tilespmem:s22], [sflag:$0x1], $0x400, s14, s13, $0x38;
	[tilespmem:$0x8100] =	vst v63  }
0x3db: {  	p0 =	sne.s32 s20, $0x18000;
	s20 =	sadd.s32 $0x500, s21;
	s22 =	sadd.s32 $0x80, s19  }
0x3dc: {  	[hbm4b:s22+s13] =	stream.strided.scatter [tilespmem:s20], [sflag:$0x1], $0x400, s14, s13, $0x38;
	[tilespmem:$0x8100] =	vst v63  }
0x3dd: {  	s20 =	sadd.s32 $0x900, s21;
	s22 =	sadd.s32 $0x100, s19  }
0x3de: {  	[hbm4b:s22+s13] =	stream.strided.scatter [tilespmem:s20], [sflag:$0x1], $0x400, s14, s13, $0x38;
	[tilespmem:$0x8100] =	vst v63  }
0x3df: {  	s20 =	sadd.s32 $0xD00, s21;
	s22 =	sadd.s32 $0x180, s19  }
0x3e0: {  	[hbm4b:s22+s13] =	stream.strided.scatter [tilespmem:s20], [sflag:$0x1], $0x400, s14, s13, $0x38;
	[tilespmem:$0x8100] =	vst v63  }
0x3e1: {  	s20 =	sadd.s32 $0x1100, s21;
	s22 =	sadd.s32 $0x200, s19  }
0x3e2: {  	[hbm4b:s22+s13] =	stream.strided.scatter [tilespmem:s20], [sflag:$0x1], $0x400, s14, s13, $0x38;
	[tilespmem:$0x8100] =	vst v63  }
.Ltmp17:
0x3e3: {  	s20 =	sadd.s32 $0x1500, s21;
	s22 =	sadd.s32 $0x280, s19;
	(pc) =	sbr.rel @p0 .LBB2_36-.Ltmp17, $4  }
0x3e4: {  	[hbm4b:s22+s13] =	stream.strided.scatter [tilespmem:s20], [sflag:$0x1], $0x400, s14, s13, $0x38;
	[tilespmem:$0x8100] =	vst v63  }
0x3e5: {  	s20 =	sadd.s32 $0x1900, s21;
	s22 =	sadd.s32 $0x300, s19;
	s21 =	sadd.s32 $0x1D00, s21  }
0x3e6: {  	[hbm4b:s22+s13] =	stream.strided.scatter [tilespmem:s20], [sflag:$0x1], $0x400, s14, s13, $0x38;
	[tilespmem:$0x8100] =	vst v63  }
0x3e7: {  	s22 =	sadd.s32 $0x380, s19;
	s19 =	sadd.s32 $0x2000, s19;
	s20 =	smov.u32 s23  }
0x3e8: {  	[hbm4b:s22+s13] =	stream.strided.scatter [tilespmem:s21], [sflag:$0x1], $0x400, s14, s13, $0x38;
	[tilespmem:$0x8100] =	vst v63  }
0x3e9: {  	s20 =	sadd.s32 $0x100, s18  }
0x3ea: {  	[hbm4b:s19+s13] =	stream.strided.scatter [tilespmem:s20], [sflag:$0x1], $0x400, s14, s13, $0x38;
	[tilespmem:$0x8100] =	vst v63  }
0x3eb: {  	s22 =	sadd.s32 $0x500, s18;
	s23 =	sadd.s32 $0x80, s19  }
0x3ec: {  	[hbm4b:s23+s13] =	stream.strided.scatter [tilespmem:s22], [sflag:$0x1], $0x400, s14, s13, $0x38;
	[tilespmem:$0x8100] =	vst v63  }
0x3ed: {  	s22 =	sadd.s32 $0x900, s18;
	s23 =	sadd.s32 $0x100, s19  }
0x3ee: {  	[hbm4b:s23+s13] =	stream.strided.scatter [tilespmem:s22], [sflag:$0x1], $0x400, s14, s13, $0x38;
	[tilespmem:$0x8100] =	vst v63  }
0x3ef: {  	s22 =	sadd.s32 $0xD00, s18;
	s23 =	sadd.s32 $0x180, s19  }
0x3f0: {  	[hbm4b:s23+s13] =	stream.strided.scatter [tilespmem:s22], [sflag:$0x1], $0x400, s14, s13, $0x38;
	[tilespmem:$0x8100] =	vst v63  }
0x3f1: {  	s22 =	sadd.s32 $0x1100, s18;
	s23 =	sadd.s32 $0x200, s19  }
0x3f2: {  	[hbm4b:s23+s13] =	stream.strided.scatter [tilespmem:s22], [sflag:$0x1], $0x400, s14, s13, $0x38;
	[tilespmem:$0x8100] =	vst v63  }
0x3f3: {  	s22 =	sadd.s32 $0x1500, s18;
	s23 =	sadd.s32 $0x280, s19  }
0x3f4: {  	[hbm4b:s23+s13] =	stream.strided.scatter [tilespmem:s22], [sflag:$0x1], $0x400, s14, s13, $0x38;
	[tilespmem:$0x8100] =	vst v63  }
0x3f5: {  	s21 =	sadd.s32 $0x1900, s18;
	s22 =	sadd.s32 $0x300, s19  }
0x3f6: {  	[hbm4b:s22+s13] =	stream.strided.scatter [tilespmem:s21], [sflag:$0x1], $0x400, s14, s13, $0x38;
	[tilespmem:$0x8100] =	vst v63  }
0x3f7: {  	s20 =	sadd.s32 $0x380, s19;
	s21 =	rddreg [dreg:$0xc]  }
0x3f8: {  	s23 =	sadd.s32 $0x1D00, s18;
	s22 =	rddreg [dreg:$0xd];
	s18 =	sor.u32 s7, s21  }
0x3f9: {  	[hbm4b:s20+s13] =	stream.strided.scatter [tilespmem:s23], [sflag:$0x1], $0x400, s14, s13, $0x38;
	[tilespmem:$0x8100] =	vst v63  }
0x3fa: {  	s18 =	sadd.s32 s22, s18  }
0x3fb: {  	_ =	swait.ge [sflag:s12], $0x8000;
	s18 =	sor.u32 s24, s18  }
0x3fc: {  	[sflag:s12] =	ssyncset.done $0x0;
	s18 =	sshrl.u32 s18, $0x3  }
0x3fd: {  	s23 =	simm.s32 $0x100;
	[sflag:s12] =	ssyncadd.s32 $0xFFFF8000;
	s19 =	sadd.s32 s2, s18  }
0x3fe: {  	[hbm4b:s19+s13] =	stream.strided.scatter [tilespmem:s23], [sflag:$0x1], $0x400, s14, s13, $0x38;
	[tilespmem:$0x8100] =	vst v63  }
0x3ff: {  	s20 =	simm.s32 $0x500;
	s21 =	sadd.s32 $0x80, s19  }
0x400: {  	[hbm4b:s21+s13] =	stream.strided.scatter [tilespmem:s20], [sflag:$0x1], $0x400, s14, s13, $0x38;
	[tilespmem:$0x8100] =	vst v63  }
0x401: {  	s22 =	simm.s32 $0x900;
	s23 =	sadd.s32 $0x100, s19  }
0x402: {  	[hbm4b:s23+s13] =	stream.strided.scatter [tilespmem:s22], [sflag:$0x1], $0x400, s14, s13, $0x38;
	[tilespmem:$0x8100] =	vst v63  }
0x403: {  	s20 =	simm.s32 $0xD00;
	s21 =	sadd.s32 $0x180, s19  }
0x404: {  	[hbm4b:s21+s13] =	stream.strided.scatter [tilespmem:s20], [sflag:$0x1], $0x400, s14, s13, $0x38;
	[tilespmem:$0x8100] =	vst v63  }
0x405: {  	s22 =	simm.s32 $0x1100;
	s23 =	sadd.s32 $0x200, s19  }
0x406: {  	[hbm4b:s23+s13] =	stream.strided.scatter [tilespmem:s22], [sflag:$0x1], $0x400, s14, s13, $0x38;
	[tilespmem:$0x8100] =	vst v63  }
0x407: {  	s18 =	simm.s32 $0x2000;
	s20 =	simm.s32 $0x1500;
	s21 =	sadd.s32 $0x280, s19  }
0x408: {  	[hbm4b:s21+s13] =	stream.strided.scatter [tilespmem:s20], [sflag:$0x1], $0x400, s14, s13, $0x38;
	[tilespmem:$0x8100] =	vst v63  }
0x409: {  	s22 =	simm.s32 $0x1900;
	s23 =	sadd.s32 $0x300, s19;
	s20 =	simm.s32 $0x10000  }
0x40a: {  	[hbm4b:s23+s13] =	stream.strided.scatter [tilespmem:s22], [sflag:$0x1], $0x400, s14, s13, $0x38;
	[tilespmem:$0x8100] =	vst v63  }
0x40b: {  	s21 =	simm.s32 $0x1D00;
	s22 =	sadd.s32 $0x380, s19;
	s19 =	sadd.s32 $0x2000, s19  }
.LBB2_38:
0x40c: {  	[hbm4b:s22+s13] =	stream.strided.scatter [tilespmem:s21], [sflag:$0x1], $0x400, s14, s13, $0x38;
	[tilespmem:$0x8100] =	vst v63  }
0x40d: {  	s21 =	smov.u32 s18;
	s18 =	smov.u32 s20  }
0x40e: {  	s23 =	sadd.s32 $0x8000, s20;
	s18 =	sshra.s32 s18, $0x2;
	s22 =	sadd.s32 $0x100, s21  }
0x40f: {  	[hbm4b:s19+s13] =	stream.strided.scatter [tilespmem:s22], [sflag:$0x1], $0x400, s14, s13, $0x38;
	[tilespmem:$0x8100] =	vst v63  }
0x410: {  	p0 =	sne.s32 s20, $0x18000;
	s20 =	sadd.s32 $0x500, s21;
	s22 =	sadd.s32 $0x80, s19  }
0x411: {  	[hbm4b:s22+s13] =	stream.strided.scatter [tilespmem:s20], [sflag:$0x1], $0x400, s14, s13, $0x38;
	[tilespmem:$0x8100] =	vst v63  }
0x412: {  	s20 =	sadd.s32 $0x900, s21;
	s22 =	sadd.s32 $0x100, s19  }
0x413: {  	[hbm4b:s22+s13] =	stream.strided.scatter [tilespmem:s20], [sflag:$0x1], $0x400, s14, s13, $0x38;
	[tilespmem:$0x8100] =	vst v63  }
0x414: {  	s20 =	sadd.s32 $0xD00, s21;
	s22 =	sadd.s32 $0x180, s19  }
0x415: {  	[hbm4b:s22+s13] =	stream.strided.scatter [tilespmem:s20], [sflag:$0x1], $0x400, s14, s13, $0x38;
	[tilespmem:$0x8100] =	vst v63  }
0x416: {  	s20 =	sadd.s32 $0x1100, s21;
	s22 =	sadd.s32 $0x200, s19  }
0x417: {  	[hbm4b:s22+s13] =	stream.strided.scatter [tilespmem:s20], [sflag:$0x1], $0x400, s14, s13, $0x38;
	[tilespmem:$0x8100] =	vst v63  }
.Ltmp18:
0x418: {  	s20 =	sadd.s32 $0x1500, s21;
	s22 =	sadd.s32 $0x280, s19;
	(pc) =	sbr.rel @p0 .LBB2_38-.Ltmp18, $4  }
0x419: {  	[hbm4b:s22+s13] =	stream.strided.scatter [tilespmem:s20], [sflag:$0x1], $0x400, s14, s13, $0x38;
	[tilespmem:$0x8100] =	vst v63  }
0x41a: {  	s20 =	sadd.s32 $0x1900, s21;
	s22 =	sadd.s32 $0x300, s19;
	s21 =	sadd.s32 $0x1D00, s21  }
0x41b: {  	[hbm4b:s22+s13] =	stream.strided.scatter [tilespmem:s20], [sflag:$0x1], $0x400, s14, s13, $0x38;
	[tilespmem:$0x8100] =	vst v63  }
0x41c: {  	s22 =	sadd.s32 $0x380, s19;
	s19 =	sadd.s32 $0x2000, s19;
	s20 =	smov.u32 s23  }
0x41d: {  	[hbm4b:s22+s13] =	stream.strided.scatter [tilespmem:s21], [sflag:$0x1], $0x400, s14, s13, $0x38;
	[tilespmem:$0x8100] =	vst v63  }
0x41e: {  	s20 =	sadd.s32 $0x100, s18  }
0x41f: {  	[hbm4b:s19+s13] =	stream.strided.scatter [tilespmem:s20], [sflag:$0x1], $0x400, s14, s13, $0x38;
	[tilespmem:$0x8100] =	vst v63  }
0x420: {  	s22 =	sadd.s32 $0x500, s18;
	s23 =	sadd.s32 $0x80, s19  }
0x421: {  	[hbm4b:s23+s13] =	stream.strided.scatter [tilespmem:s22], [sflag:$0x1], $0x400, s14, s13, $0x38;
	[tilespmem:$0x8100] =	vst v63  }
0x422: {  	s22 =	sadd.s32 $0x900, s18;
	s23 =	sadd.s32 $0x100, s19  }
0x423: {  	[hbm4b:s23+s13] =	stream.strided.scatter [tilespmem:s22], [sflag:$0x1], $0x400, s14, s13, $0x38;
	[tilespmem:$0x8100] =	vst v63  }
0x424: {  	s22 =	sadd.s32 $0xD00, s18;
	s23 =	sadd.s32 $0x180, s19  }
0x425: {  	[hbm4b:s23+s13] =	stream.strided.scatter [tilespmem:s22], [sflag:$0x1], $0x400, s14, s13, $0x38;
	[tilespmem:$0x8100] =	vst v63  }
0x426: {  	s22 =	sadd.s32 $0x1100, s18;
	s23 =	sadd.s32 $0x200, s19  }
0x427: {  	[hbm4b:s23+s13] =	stream.strided.scatter [tilespmem:s22], [sflag:$0x1], $0x400, s14, s13, $0x38;
	[tilespmem:$0x8100] =	vst v63  }
0x428: {  	s22 =	sadd.s32 $0x1500, s18;
	s23 =	sadd.s32 $0x280, s19  }
0x429: {  	[hbm4b:s23+s13] =	stream.strided.scatter [tilespmem:s22], [sflag:$0x1], $0x400, s14, s13, $0x38;
	[tilespmem:$0x8100] =	vst v63  }
0x42a: {  	s22 =	sadd.s32 $0x1900, s18;
	s23 =	sadd.s32 $0x300, s19  }
0x42b: {  	[hbm4b:s23+s13] =	stream.strided.scatter [tilespmem:s22], [sflag:$0x1], $0x400, s14, s13, $0x38;
	[tilespmem:$0x8100] =	vst v63  }
0x42c: {  	s22 =	sor.u32 s7, s25  }
0x42d: {  	s21 =	sadd.s32 $0x380, s19;
	s20 =	sadd.s32 $0x1D00, s18;
	s18 =	sadd.s32 s26, s22  }
0x42e: {  	[hbm4b:s21+s13] =	stream.strided.scatter [tilespmem:s20], [sflag:$0x1], $0x400, s14, s13, $0x38;
	[tilespmem:$0x8100] =	vst v63  }
0x42f: {  	s18 =	sor.u32 s28, s18;
	_ =	swait.ge [sflag:s12], $0x8000  }
0x430: {  	s18 =	sshrl.u32 s18, $0x3;
	[sflag:s12] =	ssyncset.done $0x0  }
0x431: {  	s23 =	simm.s32 $0x100;
	s19 =	sadd.s32 s2, s18;
	[sflag:s12] =	ssyncadd.s32 $0xFFFF8000  }
0x432: {  	[hbm4b:s19+s13] =	stream.strided.scatter [tilespmem:s23], [sflag:$0x1], $0x400, s14, s13, $0x38;
	[tilespmem:$0x8100] =	vst v63  }
0x433: {  	s20 =	simm.s32 $0x500;
	s21 =	sadd.s32 $0x80, s19  }
0x434: {  	[hbm4b:s21+s13] =	stream.strided.scatter [tilespmem:s20], [sflag:$0x1], $0x400, s14, s13, $0x38;
	[tilespmem:$0x8100] =	vst v63  }
0x435: {  	s22 =	simm.s32 $0x900;
	s23 =	sadd.s32 $0x100, s19  }
0x436: {  	[hbm4b:s23+s13] =	stream.strided.scatter [tilespmem:s22], [sflag:$0x1], $0x400, s14, s13, $0x38;
	[tilespmem:$0x8100] =	vst v63  }
0x437: {  	s20 =	simm.s32 $0xD00;
	s21 =	sadd.s32 $0x180, s19  }
0x438: {  	[hbm4b:s21+s13] =	stream.strided.scatter [tilespmem:s20], [sflag:$0x1], $0x400, s14, s13, $0x38;
	[tilespmem:$0x8100] =	vst v63  }
0x439: {  	s22 =	simm.s32 $0x1100;
	s23 =	sadd.s32 $0x200, s19  }
0x43a: {  	[hbm4b:s23+s13] =	stream.strided.scatter [tilespmem:s22], [sflag:$0x1], $0x400, s14, s13, $0x38;
	[tilespmem:$0x8100] =	vst v63  }
0x43b: {  	s18 =	simm.s32 $0x2000;
	s20 =	simm.s32 $0x1500;
	s21 =	sadd.s32 $0x280, s19  }
0x43c: {  	[hbm4b:s21+s13] =	stream.strided.scatter [tilespmem:s20], [sflag:$0x1], $0x400, s14, s13, $0x38;
	[tilespmem:$0x8100] =	vst v63  }
0x43d: {  	s22 =	simm.s32 $0x1900;
	s23 =	sadd.s32 $0x300, s19;
	s20 =	simm.s32 $0x10000  }
0x43e: {  	[hbm4b:s23+s13] =	stream.strided.scatter [tilespmem:s22], [sflag:$0x1], $0x400, s14, s13, $0x38;
	[tilespmem:$0x8100] =	vst v63  }
0x43f: {  	s21 =	simm.s32 $0x1D00;
	s22 =	sadd.s32 $0x380, s19;
	s19 =	sadd.s32 $0x2000, s19  }
.LBB2_40:
0x440: {  	[hbm4b:s22+s13] =	stream.strided.scatter [tilespmem:s21], [sflag:$0x1], $0x400, s14, s13, $0x38;
	[tilespmem:$0x8100] =	vst v63  }
0x441: {  	s21 =	smov.u32 s18;
	s18 =	smov.u32 s20  }
0x442: {  	s23 =	sadd.s32 $0x8000, s20;
	s18 =	sshra.s32 s18, $0x2;
	s22 =	sadd.s32 $0x100, s21  }
0x443: {  	[hbm4b:s19+s13] =	stream.strided.scatter [tilespmem:s22], [sflag:$0x1], $0x400, s14, s13, $0x38;
	[tilespmem:$0x8100] =	vst v63  }
0x444: {  	p0 =	sne.s32 s20, $0x18000;
	s20 =	sadd.s32 $0x500, s21;
	s22 =	sadd.s32 $0x80, s19  }
0x445: {  	[hbm4b:s22+s13] =	stream.strided.scatter [tilespmem:s20], [sflag:$0x1], $0x400, s14, s13, $0x38;
	[tilespmem:$0x8100] =	vst v63  }
0x446: {  	s20 =	sadd.s32 $0x900, s21;
	s22 =	sadd.s32 $0x100, s19  }
0x447: {  	[hbm4b:s22+s13] =	stream.strided.scatter [tilespmem:s20], [sflag:$0x1], $0x400, s14, s13, $0x38;
	[tilespmem:$0x8100] =	vst v63  }
0x448: {  	s20 =	sadd.s32 $0xD00, s21;
	s22 =	sadd.s32 $0x180, s19  }
0x449: {  	[hbm4b:s22+s13] =	stream.strided.scatter [tilespmem:s20], [sflag:$0x1], $0x400, s14, s13, $0x38;
	[tilespmem:$0x8100] =	vst v63  }
0x44a: {  	s20 =	sadd.s32 $0x1100, s21;
	s22 =	sadd.s32 $0x200, s19  }
0x44b: {  	[hbm4b:s22+s13] =	stream.strided.scatter [tilespmem:s20], [sflag:$0x1], $0x400, s14, s13, $0x38;
	[tilespmem:$0x8100] =	vst v63  }
.Ltmp19:
0x44c: {  	s20 =	sadd.s32 $0x1500, s21;
	s22 =	sadd.s32 $0x280, s19;
	(pc) =	sbr.rel @p0 .LBB2_40-.Ltmp19, $4  }
0x44d: {  	[hbm4b:s22+s13] =	stream.strided.scatter [tilespmem:s20], [sflag:$0x1], $0x400, s14, s13, $0x38;
	[tilespmem:$0x8100] =	vst v63  }
0x44e: {  	s20 =	sadd.s32 $0x1900, s21;
	s22 =	sadd.s32 $0x300, s19;
	s21 =	sadd.s32 $0x1D00, s21  }
0x44f: {  	[hbm4b:s22+s13] =	stream.strided.scatter [tilespmem:s20], [sflag:$0x1], $0x400, s14, s13, $0x38;
	[tilespmem:$0x8100] =	vst v63  }
0x450: {  	s22 =	sadd.s32 $0x380, s19;
	s19 =	sadd.s32 $0x2000, s19;
	s20 =	smov.u32 s23  }
0x451: {  	[hbm4b:s22+s13] =	stream.strided.scatter [tilespmem:s21], [sflag:$0x1], $0x400, s14, s13, $0x38;
	[tilespmem:$0x8100] =	vst v63  }
0x452: {  	s20 =	sadd.s32 $0x100, s18  }
0x453: {  	[hbm4b:s19+s13] =	stream.strided.scatter [tilespmem:s20], [sflag:$0x1], $0x400, s14, s13, $0x38;
	[tilespmem:$0x8100] =	vst v63  }
0x454: {  	s22 =	sadd.s32 $0x500, s18;
	s23 =	sadd.s32 $0x80, s19  }
0x455: {  	[hbm4b:s23+s13] =	stream.strided.scatter [tilespmem:s22], [sflag:$0x1], $0x400, s14, s13, $0x38;
	[tilespmem:$0x8100] =	vst v63  }
0x456: {  	s22 =	sadd.s32 $0x900, s18;
	s23 =	sadd.s32 $0x100, s19  }
0x457: {  	[hbm4b:s23+s13] =	stream.strided.scatter [tilespmem:s22], [sflag:$0x1], $0x400, s14, s13, $0x38;
	[tilespmem:$0x8100] =	vst v63  }
0x458: {  	s22 =	sadd.s32 $0xD00, s18;
	s23 =	sadd.s32 $0x180, s19  }
0x459: {  	[hbm4b:s23+s13] =	stream.strided.scatter [tilespmem:s22], [sflag:$0x1], $0x400, s14, s13, $0x38;
	[tilespmem:$0x8100] =	vst v63  }
0x45a: {  	s22 =	sadd.s32 $0x1100, s18;
	s23 =	sadd.s32 $0x200, s19  }
0x45b: {  	[hbm4b:s23+s13] =	stream.strided.scatter [tilespmem:s22], [sflag:$0x1], $0x400, s14, s13, $0x38;
	[tilespmem:$0x8100] =	vst v63  }
0x45c: {  	s22 =	sadd.s32 $0x1500, s18;
	s23 =	sadd.s32 $0x280, s19  }
0x45d: {  	[hbm4b:s23+s13] =	stream.strided.scatter [tilespmem:s22], [sflag:$0x1], $0x400, s14, s13, $0x38;
	[tilespmem:$0x8100] =	vst v63  }
0x45e: {  	s22 =	sadd.s32 $0x1900, s18;
	s23 =	sadd.s32 $0x300, s19  }
0x45f: {  	[hbm4b:s23+s13] =	stream.strided.scatter [tilespmem:s22], [sflag:$0x1], $0x400, s14, s13, $0x38;
	[tilespmem:$0x8100] =	vst v63  }
0x460: {  	s22 =	sor.u32 s7, s29  }
0x461: {  	s21 =	sadd.s32 $0x380, s19;
	s20 =	sadd.s32 $0x1D00, s18;
	s18 =	sadd.s32 s30, s22  }
0x462: {  	[hbm4b:s21+s13] =	stream.strided.scatter [tilespmem:s20], [sflag:$0x1], $0x400, s14, s13, $0x38;
	[tilespmem:$0x8100] =	vst v63  }
0x463: {  	s18 =	sor.u32 s31, s18;
	_ =	swait.ge [sflag:s12], $0x8000  }
0x464: {  	s18 =	sshrl.u32 s18, $0x3;
	[sflag:s12] =	ssyncset.done $0x0  }
0x465: {  	s23 =	simm.s32 $0x100;
	s19 =	sadd.s32 s2, s18;
	[sflag:s12] =	ssyncadd.s32 $0xFFFF8000  }
0x466: {  	[hbm4b:s19+s13] =	stream.strided.scatter [tilespmem:s23], [sflag:$0x1], $0x400, s14, s13, $0x38;
	[tilespmem:$0x8100] =	vst v63  }
0x467: {  	s20 =	simm.s32 $0x500;
	s21 =	sadd.s32 $0x80, s19  }
0x468: {  	[hbm4b:s21+s13] =	stream.strided.scatter [tilespmem:s20], [sflag:$0x1], $0x400, s14, s13, $0x38;
	[tilespmem:$0x8100] =	vst v63  }
0x469: {  	s22 =	simm.s32 $0x900;
	s23 =	sadd.s32 $0x100, s19  }
0x46a: {  	[hbm4b:s23+s13] =	stream.strided.scatter [tilespmem:s22], [sflag:$0x1], $0x400, s14, s13, $0x38;
	[tilespmem:$0x8100] =	vst v63  }
0x46b: {  	s20 =	simm.s32 $0xD00;
	s21 =	sadd.s32 $0x180, s19  }
0x46c: {  	[hbm4b:s21+s13] =	stream.strided.scatter [tilespmem:s20], [sflag:$0x1], $0x400, s14, s13, $0x38;
	[tilespmem:$0x8100] =	vst v63  }
0x46d: {  	s22 =	simm.s32 $0x1100;
	s23 =	sadd.s32 $0x200, s19  }
0x46e: {  	[hbm4b:s23+s13] =	stream.strided.scatter [tilespmem:s22], [sflag:$0x1], $0x400, s14, s13, $0x38;
	[tilespmem:$0x8100] =	vst v63  }
0x46f: {  	s18 =	simm.s32 $0x2000;
	s20 =	simm.s32 $0x1500;
	s21 =	sadd.s32 $0x280, s19  }
0x470: {  	[hbm4b:s21+s13] =	stream.strided.scatter [tilespmem:s20], [sflag:$0x1], $0x400, s14, s13, $0x38;
	[tilespmem:$0x8100] =	vst v63  }
0x471: {  	s22 =	simm.s32 $0x1900;
	s23 =	sadd.s32 $0x300, s19;
	s20 =	simm.s32 $0x10000  }
0x472: {  	[hbm4b:s23+s13] =	stream.strided.scatter [tilespmem:s22], [sflag:$0x1], $0x400, s14, s13, $0x38;
	[tilespmem:$0x8100] =	vst v63  }
0x473: {  	s21 =	simm.s32 $0x1D00;
	s22 =	sadd.s32 $0x380, s19;
	s19 =	sadd.s32 $0x2000, s19  }
.LBB2_42:
0x474: {  	[hbm4b:s22+s13] =	stream.strided.scatter [tilespmem:s21], [sflag:$0x1], $0x400, s14, s13, $0x38;
	[tilespmem:$0x8100] =	vst v63  }
0x475: {  	s21 =	smov.u32 s18;
	s18 =	smov.u32 s20  }
0x476: {  	s23 =	sadd.s32 $0x8000, s20;
	s18 =	sshra.s32 s18, $0x2;
	s22 =	sadd.s32 $0x100, s21  }
0x477: {  	[hbm4b:s19+s13] =	stream.strided.scatter [tilespmem:s22], [sflag:$0x1], $0x400, s14, s13, $0x38;
	[tilespmem:$0x8100] =	vst v63  }
0x478: {  	p0 =	sne.s32 s20, $0x18000;
	s20 =	sadd.s32 $0x500, s21;
	s22 =	sadd.s32 $0x80, s19  }
0x479: {  	[hbm4b:s22+s13] =	stream.strided.scatter [tilespmem:s20], [sflag:$0x1], $0x400, s14, s13, $0x38;
	[tilespmem:$0x8100] =	vst v63  }
0x47a: {  	s20 =	sadd.s32 $0x900, s21;
	s22 =	sadd.s32 $0x100, s19  }
0x47b: {  	[hbm4b:s22+s13] =	stream.strided.scatter [tilespmem:s20], [sflag:$0x1], $0x400, s14, s13, $0x38;
	[tilespmem:$0x8100] =	vst v63  }
0x47c: {  	s20 =	sadd.s32 $0xD00, s21;
	s22 =	sadd.s32 $0x180, s19  }
0x47d: {  	[hbm4b:s22+s13] =	stream.strided.scatter [tilespmem:s20], [sflag:$0x1], $0x400, s14, s13, $0x38;
	[tilespmem:$0x8100] =	vst v63  }
0x47e: {  	s20 =	sadd.s32 $0x1100, s21;
	s22 =	sadd.s32 $0x200, s19  }
0x47f: {  	[hbm4b:s22+s13] =	stream.strided.scatter [tilespmem:s20], [sflag:$0x1], $0x400, s14, s13, $0x38;
	[tilespmem:$0x8100] =	vst v63  }
.Ltmp20:
0x480: {  	s20 =	sadd.s32 $0x1500, s21;
	s22 =	sadd.s32 $0x280, s19;
	(pc) =	sbr.rel @p0 .LBB2_42-.Ltmp20, $4  }
0x481: {  	[hbm4b:s22+s13] =	stream.strided.scatter [tilespmem:s20], [sflag:$0x1], $0x400, s14, s13, $0x38;
	[tilespmem:$0x8100] =	vst v63  }
0x482: {  	s20 =	sadd.s32 $0x1900, s21;
	s22 =	sadd.s32 $0x300, s19;
	s21 =	sadd.s32 $0x1D00, s21  }
0x483: {  	[hbm4b:s22+s13] =	stream.strided.scatter [tilespmem:s20], [sflag:$0x1], $0x400, s14, s13, $0x38;
	[tilespmem:$0x8100] =	vst v63  }
0x484: {  	s22 =	sadd.s32 $0x380, s19;
	s19 =	sadd.s32 $0x2000, s19;
	s20 =	smov.u32 s23  }
0x485: {  	[hbm4b:s22+s13] =	stream.strided.scatter [tilespmem:s21], [sflag:$0x1], $0x400, s14, s13, $0x38;
	[tilespmem:$0x8100] =	vst v63  }
0x486: {  	s20 =	sadd.s32 $0x100, s18  }
0x487: {  	[hbm4b:s19+s13] =	stream.strided.scatter [tilespmem:s20], [sflag:$0x1], $0x400, s14, s13, $0x38;
	[tilespmem:$0x8100] =	vst v63  }
0x488: {  	s22 =	sadd.s32 $0x500, s18;
	s23 =	sadd.s32 $0x80, s19  }
0x489: {  	[hbm4b:s23+s13] =	stream.strided.scatter [tilespmem:s22], [sflag:$0x1], $0x400, s14, s13, $0x38;
	[tilespmem:$0x8100] =	vst v63  }
0x48a: {  	s22 =	sadd.s32 $0x900, s18;
	s23 =	sadd.s32 $0x100, s19  }
0x48b: {  	[hbm4b:s23+s13] =	stream.strided.scatter [tilespmem:s22], [sflag:$0x1], $0x400, s14, s13, $0x38;
	[tilespmem:$0x8100] =	vst v63  }
0x48c: {  	s22 =	sadd.s32 $0xD00, s18;
	s23 =	sadd.s32 $0x180, s19  }
0x48d: {  	[hbm4b:s23+s13] =	stream.strided.scatter [tilespmem:s22], [sflag:$0x1], $0x400, s14, s13, $0x38;
	[tilespmem:$0x8100] =	vst v63  }
0x48e: {  	s22 =	sadd.s32 $0x1100, s18;
	s23 =	sadd.s32 $0x200, s19  }
0x48f: {  	[hbm4b:s23+s13] =	stream.strided.scatter [tilespmem:s22], [sflag:$0x1], $0x400, s14, s13, $0x38;
	[tilespmem:$0x8100] =	vst v63  }
0x490: {  	s22 =	sadd.s32 $0x1500, s18;
	s23 =	sadd.s32 $0x280, s19  }
0x491: {  	[hbm4b:s23+s13] =	stream.strided.scatter [tilespmem:s22], [sflag:$0x1], $0x400, s14, s13, $0x38;
	[tilespmem:$0x8100] =	vst v63  }
0x492: {  	s22 =	sadd.s32 $0x1900, s18;
	s23 =	sadd.s32 $0x300, s19  }
0x493: {  	[hbm4b:s23+s13] =	stream.strided.scatter [tilespmem:s22], [sflag:$0x1], $0x400, s14, s13, $0x38;
	[tilespmem:$0x8100] =	vst v63  }
0x494: {  	s22 =	sor.u32 s7, s0  }
0x495: {  	s21 =	sadd.s32 $0x380, s19;
	s20 =	sadd.s32 $0x1D00, s18;
	s18 =	sadd.s32 s3, s22  }
0x496: {  	[hbm4b:s21+s13] =	stream.strided.scatter [tilespmem:s20], [sflag:$0x1], $0x400, s14, s13, $0x38;
	[tilespmem:$0x8100] =	vst v63  }
0x497: {  	s18 =	sor.u32 s1, s18;
	_ =	swait.ge [sflag:s12], $0x8000  }
0x498: {  	s18 =	sshrl.u32 s18, $0x3;
	[sflag:s12] =	ssyncset.done $0x0  }
0x499: {  	s23 =	simm.s32 $0x100;
	s19 =	sadd.s32 s2, s18;
	[sflag:s12] =	ssyncadd.s32 $0xFFFF8000  }
0x49a: {  	[hbm4b:s19+s13] =	stream.strided.scatter [tilespmem:s23], [sflag:$0x1], $0x400, s14, s13, $0x38;
	[tilespmem:$0x8100] =	vst v63  }
0x49b: {  	s20 =	simm.s32 $0x500;
	s21 =	sadd.s32 $0x80, s19  }
0x49c: {  	[hbm4b:s21+s13] =	stream.strided.scatter [tilespmem:s20], [sflag:$0x1], $0x400, s14, s13, $0x38;
	[tilespmem:$0x8100] =	vst v63  }
0x49d: {  	s22 =	simm.s32 $0x900;
	s23 =	sadd.s32 $0x100, s19  }
0x49e: {  	[hbm4b:s23+s13] =	stream.strided.scatter [tilespmem:s22], [sflag:$0x1], $0x400, s14, s13, $0x38;
	[tilespmem:$0x8100] =	vst v63  }
0x49f: {  	s20 =	simm.s32 $0xD00;
	s21 =	sadd.s32 $0x180, s19  }
0x4a0: {  	[hbm4b:s21+s13] =	stream.strided.scatter [tilespmem:s20], [sflag:$0x1], $0x400, s14, s13, $0x38;
	[tilespmem:$0x8100] =	vst v63  }
0x4a1: {  	s22 =	simm.s32 $0x1100;
	s23 =	sadd.s32 $0x200, s19  }
0x4a2: {  	[hbm4b:s23+s13] =	stream.strided.scatter [tilespmem:s22], [sflag:$0x1], $0x400, s14, s13, $0x38;
	[tilespmem:$0x8100] =	vst v63  }
0x4a3: {  	s18 =	simm.s32 $0x2000;
	s20 =	simm.s32 $0x1500;
	s21 =	sadd.s32 $0x280, s19  }
0x4a4: {  	[hbm4b:s21+s13] =	stream.strided.scatter [tilespmem:s20], [sflag:$0x1], $0x400, s14, s13, $0x38;
	[tilespmem:$0x8100] =	vst v63  }
0x4a5: {  	s22 =	simm.s32 $0x1900;
	s23 =	sadd.s32 $0x300, s19;
	s20 =	simm.s32 $0x10000  }
0x4a6: {  	[hbm4b:s23+s13] =	stream.strided.scatter [tilespmem:s22], [sflag:$0x1], $0x400, s14, s13, $0x38;
	[tilespmem:$0x8100] =	vst v63  }
0x4a7: {  	s21 =	simm.s32 $0x1D00;
	s22 =	sadd.s32 $0x380, s19;
	s19 =	sadd.s32 $0x2000, s19  }
.LBB2_44:
0x4a8: {  	[hbm4b:s22+s13] =	stream.strided.scatter [tilespmem:s21], [sflag:$0x1], $0x400, s14, s13, $0x38;
	[tilespmem:$0x8100] =	vst v63  }
0x4a9: {  	s21 =	smov.u32 s18;
	s18 =	smov.u32 s20  }
0x4aa: {  	s23 =	sadd.s32 $0x8000, s20;
	s18 =	sshra.s32 s18, $0x2;
	s22 =	sadd.s32 $0x100, s21  }
0x4ab: {  	[hbm4b:s19+s13] =	stream.strided.scatter [tilespmem:s22], [sflag:$0x1], $0x400, s14, s13, $0x38;
	[tilespmem:$0x8100] =	vst v63  }
0x4ac: {  	p0 =	sne.s32 s20, $0x18000;
	s20 =	sadd.s32 $0x500, s21;
	s22 =	sadd.s32 $0x80, s19  }
0x4ad: {  	[hbm4b:s22+s13] =	stream.strided.scatter [tilespmem:s20], [sflag:$0x1], $0x400, s14, s13, $0x38;
	[tilespmem:$0x8100] =	vst v63  }
0x4ae: {  	s20 =	sadd.s32 $0x900, s21;
	s22 =	sadd.s32 $0x100, s19  }
0x4af: {  	[hbm4b:s22+s13] =	stream.strided.scatter [tilespmem:s20], [sflag:$0x1], $0x400, s14, s13, $0x38;
	[tilespmem:$0x8100] =	vst v63  }
0x4b0: {  	s20 =	sadd.s32 $0xD00, s21;
	s22 =	sadd.s32 $0x180, s19  }
0x4b1: {  	[hbm4b:s22+s13] =	stream.strided.scatter [tilespmem:s20], [sflag:$0x1], $0x400, s14, s13, $0x38;
	[tilespmem:$0x8100] =	vst v63  }
0x4b2: {  	s20 =	sadd.s32 $0x1100, s21;
	s22 =	sadd.s32 $0x200, s19  }
0x4b3: {  	[hbm4b:s22+s13] =	stream.strided.scatter [tilespmem:s20], [sflag:$0x1], $0x400, s14, s13, $0x38;
	[tilespmem:$0x8100] =	vst v63  }
.Ltmp21:
0x4b4: {  	s20 =	sadd.s32 $0x1500, s21;
	s22 =	sadd.s32 $0x280, s19;
	(pc) =	sbr.rel @p0 .LBB2_44-.Ltmp21, $4  }
0x4b5: {  	[hbm4b:s22+s13] =	stream.strided.scatter [tilespmem:s20], [sflag:$0x1], $0x400, s14, s13, $0x38;
	[tilespmem:$0x8100] =	vst v63  }
0x4b6: {  	s20 =	sadd.s32 $0x1900, s21;
	s22 =	sadd.s32 $0x300, s19;
	s21 =	sadd.s32 $0x1D00, s21  }
0x4b7: {  	[hbm4b:s22+s13] =	stream.strided.scatter [tilespmem:s20], [sflag:$0x1], $0x400, s14, s13, $0x38;
	[tilespmem:$0x8100] =	vst v63  }
0x4b8: {  	s22 =	sadd.s32 $0x380, s19;
	s19 =	sadd.s32 $0x2000, s19;
	s20 =	smov.u32 s23  }
0x4b9: {  	[hbm4b:s22+s13] =	stream.strided.scatter [tilespmem:s21], [sflag:$0x1], $0x400, s14, s13, $0x38;
	[tilespmem:$0x8100] =	vst v63  }
0x4ba: {  	s20 =	sadd.s32 $0x100, s18  }
0x4bb: {  	[hbm4b:s19+s13] =	stream.strided.scatter [tilespmem:s20], [sflag:$0x1], $0x400, s14, s13, $0x38;
	[tilespmem:$0x8100] =	vst v63  }
0x4bc: {  	s22 =	sadd.s32 $0x500, s18;
	s23 =	sadd.s32 $0x80, s19  }
0x4bd: {  	[hbm4b:s23+s13] =	stream.strided.scatter [tilespmem:s22], [sflag:$0x1], $0x400, s14, s13, $0x38;
	[tilespmem:$0x8100] =	vst v63  }
0x4be: {  	s22 =	sadd.s32 $0x900, s18;
	s23 =	sadd.s32 $0x100, s19  }
0x4bf: {  	[hbm4b:s23+s13] =	stream.strided.scatter [tilespmem:s22], [sflag:$0x1], $0x400, s14, s13, $0x38;
	[tilespmem:$0x8100] =	vst v63  }
0x4c0: {  	s22 =	sadd.s32 $0xD00, s18;
	s23 =	sadd.s32 $0x180, s19  }
0x4c1: {  	[hbm4b:s23+s13] =	stream.strided.scatter [tilespmem:s22], [sflag:$0x1], $0x400, s14, s13, $0x38;
	[tilespmem:$0x8100] =	vst v63  }
0x4c2: {  	s22 =	sadd.s32 $0x1100, s18;
	s23 =	sadd.s32 $0x200, s19  }
0x4c3: {  	[hbm4b:s23+s13] =	stream.strided.scatter [tilespmem:s22], [sflag:$0x1], $0x400, s14, s13, $0x38;
	[tilespmem:$0x8100] =	vst v63  }
0x4c4: {  	s22 =	sadd.s32 $0x1500, s18;
	s23 =	sadd.s32 $0x280, s19  }
0x4c5: {  	[hbm4b:s23+s13] =	stream.strided.scatter [tilespmem:s22], [sflag:$0x1], $0x400, s14, s13, $0x38;
	[tilespmem:$0x8100] =	vst v63  }
0x4c6: {  	s22 =	sadd.s32 $0x1900, s18;
	s23 =	sadd.s32 $0x300, s19  }
0x4c7: {  	[hbm4b:s23+s13] =	stream.strided.scatter [tilespmem:s22], [sflag:$0x1], $0x400, s14, s13, $0x38;
	[tilespmem:$0x8100] =	vst v63  }
0x4c8: {  	s22 =	sor.u32 s7, s4  }
0x4c9: {  	s21 =	sadd.s32 $0x380, s19;
	s20 =	sadd.s32 $0x1D00, s18;
	s18 =	sadd.s32 s9, s22  }
0x4ca: {  	[hbm4b:s21+s13] =	stream.strided.scatter [tilespmem:s20], [sflag:$0x1], $0x400, s14, s13, $0x38;
	[tilespmem:$0x8100] =	vst v63  }
0x4cb: {  	s18 =	sor.u32 s10, s18;
	_ =	swait.ge [sflag:s12], $0x8000  }
0x4cc: {  	s18 =	sshrl.u32 s18, $0x3;
	[sflag:s12] =	ssyncset.done $0x0  }
0x4cd: {  	s23 =	simm.s32 $0x100;
	s19 =	sadd.s32 s2, s18;
	[sflag:s12] =	ssyncadd.s32 $0xFFFF8000  }
0x4ce: {  	[hbm4b:s19+s13] =	stream.strided.scatter [tilespmem:s23], [sflag:$0x1], $0x400, s14, s13, $0x38;
	[tilespmem:$0x8100] =	vst v63  }
0x4cf: {  	s20 =	simm.s32 $0x500;
	s21 =	sadd.s32 $0x80, s19  }
0x4d0: {  	[hbm4b:s21+s13] =	stream.strided.scatter [tilespmem:s20], [sflag:$0x1], $0x400, s14, s13, $0x38;
	[tilespmem:$0x8100] =	vst v63  }
0x4d1: {  	s22 =	simm.s32 $0x900;
	s23 =	sadd.s32 $0x100, s19  }
0x4d2: {  	[hbm4b:s23+s13] =	stream.strided.scatter [tilespmem:s22], [sflag:$0x1], $0x400, s14, s13, $0x38;
	[tilespmem:$0x8100] =	vst v63  }
0x4d3: {  	s20 =	simm.s32 $0xD00;
	s21 =	sadd.s32 $0x180, s19  }
0x4d4: {  	[hbm4b:s21+s13] =	stream.strided.scatter [tilespmem:s20], [sflag:$0x1], $0x400, s14, s13, $0x38;
	[tilespmem:$0x8100] =	vst v63  }
0x4d5: {  	s22 =	simm.s32 $0x1100;
	s23 =	sadd.s32 $0x200, s19  }
0x4d6: {  	[hbm4b:s23+s13] =	stream.strided.scatter [tilespmem:s22], [sflag:$0x1], $0x400, s14, s13, $0x38;
	[tilespmem:$0x8100] =	vst v63  }
0x4d7: {  	s18 =	simm.s32 $0x2000;
	s20 =	simm.s32 $0x1500;
	s21 =	sadd.s32 $0x280, s19  }
0x4d8: {  	[hbm4b:s21+s13] =	stream.strided.scatter [tilespmem:s20], [sflag:$0x1], $0x400, s14, s13, $0x38;
	[tilespmem:$0x8100] =	vst v63  }
0x4d9: {  	s22 =	simm.s32 $0x1900;
	s23 =	sadd.s32 $0x300, s19;
	s20 =	simm.s32 $0x10000  }
0x4da: {  	[hbm4b:s23+s13] =	stream.strided.scatter [tilespmem:s22], [sflag:$0x1], $0x400, s14, s13, $0x38;
	[tilespmem:$0x8100] =	vst v63  }
0x4db: {  	s21 =	simm.s32 $0x1D00;
	s22 =	sadd.s32 $0x380, s19;
	s19 =	sadd.s32 $0x2000, s19  }
.LBB2_46:
0x4dc: {  	[hbm4b:s22+s13] =	stream.strided.scatter [tilespmem:s21], [sflag:$0x1], $0x400, s14, s13, $0x38;
	[tilespmem:$0x8100] =	vst v63  }
0x4dd: {  	s21 =	smov.u32 s18;
	s18 =	smov.u32 s20  }
0x4de: {  	s23 =	sadd.s32 $0x8000, s20;
	s18 =	sshra.s32 s18, $0x2;
	s22 =	sadd.s32 $0x100, s21  }
0x4df: {  	[hbm4b:s19+s13] =	stream.strided.scatter [tilespmem:s22], [sflag:$0x1], $0x400, s14, s13, $0x38;
	[tilespmem:$0x8100] =	vst v63  }
0x4e0: {  	p0 =	sne.s32 s20, $0x18000;
	s20 =	sadd.s32 $0x500, s21;
	s22 =	sadd.s32 $0x80, s19  }
0x4e1: {  	[hbm4b:s22+s13] =	stream.strided.scatter [tilespmem:s20], [sflag:$0x1], $0x400, s14, s13, $0x38;
	[tilespmem:$0x8100] =	vst v63  }
0x4e2: {  	s20 =	sadd.s32 $0x900, s21;
	s22 =	sadd.s32 $0x100, s19  }
0x4e3: {  	[hbm4b:s22+s13] =	stream.strided.scatter [tilespmem:s20], [sflag:$0x1], $0x400, s14, s13, $0x38;
	[tilespmem:$0x8100] =	vst v63  }
0x4e4: {  	s20 =	sadd.s32 $0xD00, s21;
	s22 =	sadd.s32 $0x180, s19  }
0x4e5: {  	[hbm4b:s22+s13] =	stream.strided.scatter [tilespmem:s20], [sflag:$0x1], $0x400, s14, s13, $0x38;
	[tilespmem:$0x8100] =	vst v63  }
0x4e6: {  	s20 =	sadd.s32 $0x1100, s21;
	s22 =	sadd.s32 $0x200, s19  }
0x4e7: {  	[hbm4b:s22+s13] =	stream.strided.scatter [tilespmem:s20], [sflag:$0x1], $0x400, s14, s13, $0x38;
	[tilespmem:$0x8100] =	vst v63  }
.Ltmp22:
0x4e8: {  	s20 =	sadd.s32 $0x1500, s21;
	s22 =	sadd.s32 $0x280, s19;
	(pc) =	sbr.rel @p0 .LBB2_46-.Ltmp22, $4  }
0x4e9: {  	[hbm4b:s22+s13] =	stream.strided.scatter [tilespmem:s20], [sflag:$0x1], $0x400, s14, s13, $0x38;
	[tilespmem:$0x8100] =	vst v63  }
0x4ea: {  	s20 =	sadd.s32 $0x1900, s21;
	s22 =	sadd.s32 $0x300, s19;
	s21 =	sadd.s32 $0x1D00, s21  }
0x4eb: {  	[hbm4b:s22+s13] =	stream.strided.scatter [tilespmem:s20], [sflag:$0x1], $0x400, s14, s13, $0x38;
	[tilespmem:$0x8100] =	vst v63  }
0x4ec: {  	s22 =	sadd.s32 $0x380, s19;
	s19 =	sadd.s32 $0x2000, s19;
	s20 =	smov.u32 s23  }
0x4ed: {  	[hbm4b:s22+s13] =	stream.strided.scatter [tilespmem:s21], [sflag:$0x1], $0x400, s14, s13, $0x38;
	[tilespmem:$0x8100] =	vst v63  }
0x4ee: {  	s20 =	sadd.s32 $0x100, s18  }
0x4ef: {  	[hbm4b:s19+s13] =	stream.strided.scatter [tilespmem:s20], [sflag:$0x1], $0x400, s14, s13, $0x38;
	[tilespmem:$0x8100] =	vst v63  }
0x4f0: {  	s22 =	sadd.s32 $0x500, s18;
	s23 =	sadd.s32 $0x80, s19  }
0x4f1: {  	[hbm4b:s23+s13] =	stream.strided.scatter [tilespmem:s22], [sflag:$0x1], $0x400, s14, s13, $0x38;
	[tilespmem:$0x8100] =	vst v63  }
0x4f2: {  	s22 =	sadd.s32 $0x900, s18;
	s23 =	sadd.s32 $0x100, s19  }
0x4f3: {  	[hbm4b:s23+s13] =	stream.strided.scatter [tilespmem:s22], [sflag:$0x1], $0x400, s14, s13, $0x38;
	[tilespmem:$0x8100] =	vst v63  }
0x4f4: {  	s22 =	sadd.s32 $0xD00, s18;
	s23 =	sadd.s32 $0x180, s19  }
0x4f5: {  	[hbm4b:s23+s13] =	stream.strided.scatter [tilespmem:s22], [sflag:$0x1], $0x400, s14, s13, $0x38;
	[tilespmem:$0x8100] =	vst v63  }
0x4f6: {  	s22 =	sadd.s32 $0x1100, s18;
	s23 =	sadd.s32 $0x200, s19  }
0x4f7: {  	[hbm4b:s23+s13] =	stream.strided.scatter [tilespmem:s22], [sflag:$0x1], $0x400, s14, s13, $0x38;
	[tilespmem:$0x8100] =	vst v63  }
0x4f8: {  	s22 =	sadd.s32 $0x1500, s18;
	s23 =	sadd.s32 $0x280, s19  }
0x4f9: {  	[hbm4b:s23+s13] =	stream.strided.scatter [tilespmem:s22], [sflag:$0x1], $0x400, s14, s13, $0x38;
	[tilespmem:$0x8100] =	vst v63  }
0x4fa: {  	s22 =	sadd.s32 $0x1900, s18;
	s23 =	sadd.s32 $0x300, s19  }
0x4fb: {  	[hbm4b:s23+s13] =	stream.strided.scatter [tilespmem:s22], [sflag:$0x1], $0x400, s14, s13, $0x38;
	[tilespmem:$0x8100] =	vst v63  }
0x4fc: {  	s22 =	sor.u32 s7, s11  }
0x4fd: {  	s21 =	sadd.s32 $0x380, s19;
	s20 =	sadd.s32 $0x1D00, s18;
	s18 =	sadd.s32 s16, s22  }
0x4fe: {  	[hbm4b:s21+s13] =	stream.strided.scatter [tilespmem:s20], [sflag:$0x1], $0x400, s14, s13, $0x38;
	[tilespmem:$0x8100] =	vst v63  }
0x4ff: {  	s18 =	sor.u32 s17, s18;
	_ =	swait.ge [sflag:s12], $0x8000  }
0x500: {  	s18 =	sshrl.u32 s18, $0x3;
	[sflag:s12] =	ssyncset.done $0x0  }
0x501: {  	s23 =	simm.s32 $0x100;
	s19 =	sadd.s32 s2, s18;
	[sflag:s12] =	ssyncadd.s32 $0xFFFF8000  }
0x502: {  	[hbm4b:s19+s13] =	stream.strided.scatter [tilespmem:s23], [sflag:$0x1], $0x400, s14, s13, $0x38;
	[tilespmem:$0x8100] =	vst v63  }
0x503: {  	s20 =	simm.s32 $0x500;
	s21 =	sadd.s32 $0x80, s19  }
0x504: {  	[hbm4b:s21+s13] =	stream.strided.scatter [tilespmem:s20], [sflag:$0x1], $0x400, s14, s13, $0x38;
	[tilespmem:$0x8100] =	vst v63  }
0x505: {  	s22 =	simm.s32 $0x900;
	s23 =	sadd.s32 $0x100, s19  }
0x506: {  	[hbm4b:s23+s13] =	stream.strided.scatter [tilespmem:s22], [sflag:$0x1], $0x400, s14, s13, $0x38;
	[tilespmem:$0x8100] =	vst v63  }
0x507: {  	s20 =	simm.s32 $0xD00;
	s21 =	sadd.s32 $0x180, s19  }
0x508: {  	[hbm4b:s21+s13] =	stream.strided.scatter [tilespmem:s20], [sflag:$0x1], $0x400, s14, s13, $0x38;
	[tilespmem:$0x8100] =	vst v63  }
0x509: {  	s22 =	simm.s32 $0x1100;
	s23 =	sadd.s32 $0x200, s19  }
0x50a: {  	[hbm4b:s23+s13] =	stream.strided.scatter [tilespmem:s22], [sflag:$0x1], $0x400, s14, s13, $0x38;
	[tilespmem:$0x8100] =	vst v63  }
0x50b: {  	s18 =	simm.s32 $0x2000;
	s20 =	simm.s32 $0x1500;
	s21 =	sadd.s32 $0x280, s19  }
0x50c: {  	[hbm4b:s21+s13] =	stream.strided.scatter [tilespmem:s20], [sflag:$0x1], $0x400, s14, s13, $0x38;
	[tilespmem:$0x8100] =	vst v63  }
0x50d: {  	s22 =	simm.s32 $0x1900;
	s23 =	sadd.s32 $0x300, s19;
	s20 =	simm.s32 $0x10000  }
0x50e: {  	[hbm4b:s23+s13] =	stream.strided.scatter [tilespmem:s22], [sflag:$0x1], $0x400, s14, s13, $0x38;
	[tilespmem:$0x8100] =	vst v63  }
0x50f: {  	s21 =	simm.s32 $0x1D00;
	s22 =	sadd.s32 $0x380, s19;
	s19 =	sadd.s32 $0x2000, s19  }
.LBB2_48:
0x510: {  	[hbm4b:s22+s13] =	stream.strided.scatter [tilespmem:s21], [sflag:$0x1], $0x400, s14, s13, $0x38;
	[tilespmem:$0x8100] =	vst v63  }
0x511: {  	s21 =	smov.u32 s18;
	s18 =	smov.u32 s20  }
0x512: {  	s23 =	sadd.s32 $0x8000, s20;
	s18 =	sshra.s32 s18, $0x2;
	s22 =	sadd.s32 $0x100, s21  }
0x513: {  	[hbm4b:s19+s13] =	stream.strided.scatter [tilespmem:s22], [sflag:$0x1], $0x400, s14, s13, $0x38;
	[tilespmem:$0x8100] =	vst v63  }
0x514: {  	p0 =	sne.s32 s20, $0x18000;
	s20 =	sadd.s32 $0x500, s21;
	s22 =	sadd.s32 $0x80, s19  }
0x515: {  	[hbm4b:s22+s13] =	stream.strided.scatter [tilespmem:s20], [sflag:$0x1], $0x400, s14, s13, $0x38;
	[tilespmem:$0x8100] =	vst v63  }
0x516: {  	s20 =	sadd.s32 $0x900, s21;
	s22 =	sadd.s32 $0x100, s19  }
0x517: {  	[hbm4b:s22+s13] =	stream.strided.scatter [tilespmem:s20], [sflag:$0x1], $0x400, s14, s13, $0x38;
	[tilespmem:$0x8100] =	vst v63  }
0x518: {  	s20 =	sadd.s32 $0xD00, s21;
	s22 =	sadd.s32 $0x180, s19  }
0x519: {  	[hbm4b:s22+s13] =	stream.strided.scatter [tilespmem:s20], [sflag:$0x1], $0x400, s14, s13, $0x38;
	[tilespmem:$0x8100] =	vst v63  }
0x51a: {  	s20 =	sadd.s32 $0x1100, s21;
	s22 =	sadd.s32 $0x200, s19  }
0x51b: {  	[hbm4b:s22+s13] =	stream.strided.scatter [tilespmem:s20], [sflag:$0x1], $0x400, s14, s13, $0x38;
	[tilespmem:$0x8100] =	vst v63  }
.Ltmp23:
0x51c: {  	s20 =	sadd.s32 $0x1500, s21;
	s22 =	sadd.s32 $0x280, s19;
	(pc) =	sbr.rel @p0 .LBB2_48-.Ltmp23, $4  }
0x51d: {  	[hbm4b:s22+s13] =	stream.strided.scatter [tilespmem:s20], [sflag:$0x1], $0x400, s14, s13, $0x38;
	[tilespmem:$0x8100] =	vst v63  }
0x51e: {  	s20 =	sadd.s32 $0x1900, s21;
	s22 =	sadd.s32 $0x300, s19;
	s21 =	sadd.s32 $0x1D00, s21  }
0x51f: {  	[hbm4b:s22+s13] =	stream.strided.scatter [tilespmem:s20], [sflag:$0x1], $0x400, s14, s13, $0x38;
	[tilespmem:$0x8100] =	vst v63  }
0x520: {  	s22 =	sadd.s32 $0x380, s19;
	s19 =	sadd.s32 $0x2000, s19;
	s20 =	smov.u32 s23  }
0x521: {  	[hbm4b:s22+s13] =	stream.strided.scatter [tilespmem:s21], [sflag:$0x1], $0x400, s14, s13, $0x38;
	[tilespmem:$0x8100] =	vst v63  }
0x522: {  	s20 =	sadd.s32 $0x100, s18  }
0x523: {  	[hbm4b:s19+s13] =	stream.strided.scatter [tilespmem:s20], [sflag:$0x1], $0x400, s14, s13, $0x38;
	[tilespmem:$0x8100] =	vst v63  }
0x524: {  	s22 =	sadd.s32 $0x500, s18;
	s23 =	sadd.s32 $0x80, s19  }
0x525: {  	[hbm4b:s23+s13] =	stream.strided.scatter [tilespmem:s22], [sflag:$0x1], $0x400, s14, s13, $0x38;
	[tilespmem:$0x8100] =	vst v63  }
0x526: {  	s22 =	sadd.s32 $0x900, s18;
	s23 =	sadd.s32 $0x100, s19  }
0x527: {  	[hbm4b:s23+s13] =	stream.strided.scatter [tilespmem:s22], [sflag:$0x1], $0x400, s14, s13, $0x38;
	[tilespmem:$0x8100] =	vst v63  }
0x528: {  	s22 =	sadd.s32 $0xD00, s18;
	s23 =	sadd.s32 $0x180, s19  }
0x529: {  	[hbm4b:s23+s13] =	stream.strided.scatter [tilespmem:s22], [sflag:$0x1], $0x400, s14, s13, $0x38;
	[tilespmem:$0x8100] =	vst v63  }
0x52a: {  	s22 =	sadd.s32 $0x1100, s18;
	s23 =	sadd.s32 $0x200, s19  }
0x52b: {  	[hbm4b:s23+s13] =	stream.strided.scatter [tilespmem:s22], [sflag:$0x1], $0x400, s14, s13, $0x38;
	[tilespmem:$0x8100] =	vst v63  }
0x52c: {  	s22 =	sadd.s32 $0x1500, s18;
	s23 =	sadd.s32 $0x280, s19  }
0x52d: {  	[hbm4b:s23+s13] =	stream.strided.scatter [tilespmem:s22], [sflag:$0x1], $0x400, s14, s13, $0x38;
	[tilespmem:$0x8100] =	vst v63  }
0x52e: {  	s22 =	sadd.s32 $0x1900, s18;
	s23 =	sadd.s32 $0x300, s19  }
0x52f: {  	[hbm4b:s23+s13] =	stream.strided.scatter [tilespmem:s22], [sflag:$0x1], $0x400, s14, s13, $0x38;
	[tilespmem:$0x8100] =	vst v63  }
0x530: {  	s20 =	rddreg [dreg:$0x6];
	s22 =	sadd.s32 $0x1D00, s18;
	s23 =	sadd.s32 $0x380, s19  }
0x531: {  	[hbm4b:s23+s13] =	stream.strided.scatter [tilespmem:s22], [sflag:$0x1], $0x400, s14, s13, $0x38;
	[tilespmem:$0x8100] =	vst v63  }
0x532: {  	s21 =	rddreg [dreg:$0x7];
	s18 =	sor.u32 s8, s20;
	_ =	swait.ge [sflag:s12], $0x8000  }
0x533: {  	s18 =	sadd.s32 s21, s18;
	s22 =	rddreg [dreg:$0x8]  }
0x534: {  	s18 =	sor.u32 s22, s18  }
0x535: {  	[sflag:s12] =	ssyncset.done $0x0;
	s18 =	sshrl.u32 s18, $0x3  }
0x536: {  	s23 =	simm.s32 $0x100;
	[sflag:s12] =	ssyncadd.s32 $0xFFFF8000;
	s19 =	sadd.s32 s2, s18  }
0x537: {  	[hbm4b:s19+s13] =	stream.strided.scatter [tilespmem:s23], [sflag:$0x1], $0x400, s14, s13, $0x38;
	[tilespmem:$0x8100] =	vst v63  }
0x538: {  	s20 =	simm.s32 $0x500;
	s21 =	sadd.s32 $0x80, s19  }
0x539: {  	[hbm4b:s21+s13] =	stream.strided.scatter [tilespmem:s20], [sflag:$0x1], $0x400, s14, s13, $0x38;
	[tilespmem:$0x8100] =	vst v63  }
0x53a: {  	s22 =	simm.s32 $0x900;
	s23 =	sadd.s32 $0x100, s19  }
0x53b: {  	[hbm4b:s23+s13] =	stream.strided.scatter [tilespmem:s22], [sflag:$0x1], $0x400, s14, s13, $0x38;
	[tilespmem:$0x8100] =	vst v63  }
0x53c: {  	s20 =	simm.s32 $0xD00;
	s21 =	sadd.s32 $0x180, s19  }
0x53d: {  	[hbm4b:s21+s13] =	stream.strided.scatter [tilespmem:s20], [sflag:$0x1], $0x400, s14, s13, $0x38;
	[tilespmem:$0x8100] =	vst v63  }
0x53e: {  	s22 =	simm.s32 $0x1100;
	s23 =	sadd.s32 $0x200, s19  }
0x53f: {  	[hbm4b:s23+s13] =	stream.strided.scatter [tilespmem:s22], [sflag:$0x1], $0x400, s14, s13, $0x38;
	[tilespmem:$0x8100] =	vst v63  }
0x540: {  	s18 =	simm.s32 $0x2000;
	s20 =	simm.s32 $0x1500;
	s21 =	sadd.s32 $0x280, s19  }
0x541: {  	[hbm4b:s21+s13] =	stream.strided.scatter [tilespmem:s20], [sflag:$0x1], $0x400, s14, s13, $0x38;
	[tilespmem:$0x8100] =	vst v63  }
0x542: {  	s22 =	simm.s32 $0x1900;
	s23 =	sadd.s32 $0x300, s19;
	s20 =	simm.s32 $0x10000  }
0x543: {  	[hbm4b:s23+s13] =	stream.strided.scatter [tilespmem:s22], [sflag:$0x1], $0x400, s14, s13, $0x38;
	[tilespmem:$0x8100] =	vst v63  }
0x544: {  	s21 =	simm.s32 $0x1D00;
	s22 =	sadd.s32 $0x380, s19;
	s19 =	sadd.s32 $0x2000, s19  }
.LBB2_50:
0x545: {  	[hbm4b:s22+s13] =	stream.strided.scatter [tilespmem:s21], [sflag:$0x1], $0x400, s14, s13, $0x38;
	[tilespmem:$0x8100] =	vst v63  }
0x546: {  	s21 =	smov.u32 s18;
	s18 =	smov.u32 s20  }
0x547: {  	s23 =	sadd.s32 $0x8000, s20;
	s18 =	sshra.s32 s18, $0x2;
	s22 =	sadd.s32 $0x100, s21  }
0x548: {  	[hbm4b:s19+s13] =	stream.strided.scatter [tilespmem:s22], [sflag:$0x1], $0x400, s14, s13, $0x38;
	[tilespmem:$0x8100] =	vst v63  }
0x549: {  	p0 =	sne.s32 s20, $0x18000;
	s20 =	sadd.s32 $0x500, s21;
	s22 =	sadd.s32 $0x80, s19  }
0x54a: {  	[hbm4b:s22+s13] =	stream.strided.scatter [tilespmem:s20], [sflag:$0x1], $0x400, s14, s13, $0x38;
	[tilespmem:$0x8100] =	vst v63  }
0x54b: {  	s20 =	sadd.s32 $0x900, s21;
	s22 =	sadd.s32 $0x100, s19  }
0x54c: {  	[hbm4b:s22+s13] =	stream.strided.scatter [tilespmem:s20], [sflag:$0x1], $0x400, s14, s13, $0x38;
	[tilespmem:$0x8100] =	vst v63  }
0x54d: {  	s20 =	sadd.s32 $0xD00, s21;
	s22 =	sadd.s32 $0x180, s19  }
0x54e: {  	[hbm4b:s22+s13] =	stream.strided.scatter [tilespmem:s20], [sflag:$0x1], $0x400, s14, s13, $0x38;
	[tilespmem:$0x8100] =	vst v63  }
0x54f: {  	s20 =	sadd.s32 $0x1100, s21;
	s22 =	sadd.s32 $0x200, s19  }
0x550: {  	[hbm4b:s22+s13] =	stream.strided.scatter [tilespmem:s20], [sflag:$0x1], $0x400, s14, s13, $0x38;
	[tilespmem:$0x8100] =	vst v63  }
.Ltmp24:
0x551: {  	s20 =	sadd.s32 $0x1500, s21;
	s22 =	sadd.s32 $0x280, s19;
	(pc) =	sbr.rel @p0 .LBB2_50-.Ltmp24, $4  }
0x552: {  	[hbm4b:s22+s13] =	stream.strided.scatter [tilespmem:s20], [sflag:$0x1], $0x400, s14, s13, $0x38;
	[tilespmem:$0x8100] =	vst v63  }
0x553: {  	s20 =	sadd.s32 $0x1900, s21;
	s22 =	sadd.s32 $0x300, s19;
	s21 =	sadd.s32 $0x1D00, s21  }
0x554: {  	[hbm4b:s22+s13] =	stream.strided.scatter [tilespmem:s20], [sflag:$0x1], $0x400, s14, s13, $0x38;
	[tilespmem:$0x8100] =	vst v63  }
0x555: {  	s22 =	sadd.s32 $0x380, s19;
	s19 =	sadd.s32 $0x2000, s19;
	s20 =	smov.u32 s23  }
0x556: {  	[hbm4b:s22+s13] =	stream.strided.scatter [tilespmem:s21], [sflag:$0x1], $0x400, s14, s13, $0x38;
	[tilespmem:$0x8100] =	vst v63  }
0x557: {  	s20 =	sadd.s32 $0x100, s18  }
0x558: {  	[hbm4b:s19+s13] =	stream.strided.scatter [tilespmem:s20], [sflag:$0x1], $0x400, s14, s13, $0x38;
	[tilespmem:$0x8100] =	vst v63  }
0x559: {  	s22 =	sadd.s32 $0x500, s18;
	s23 =	sadd.s32 $0x80, s19  }
0x55a: {  	[hbm4b:s23+s13] =	stream.strided.scatter [tilespmem:s22], [sflag:$0x1], $0x400, s14, s13, $0x38;
	[tilespmem:$0x8100] =	vst v63  }
0x55b: {  	s22 =	sadd.s32 $0x900, s18;
	s23 =	sadd.s32 $0x100, s19  }
0x55c: {  	[hbm4b:s23+s13] =	stream.strided.scatter [tilespmem:s22], [sflag:$0x1], $0x400, s14, s13, $0x38;
	[tilespmem:$0x8100] =	vst v63  }
0x55d: {  	s22 =	sadd.s32 $0xD00, s18;
	s23 =	sadd.s32 $0x180, s19  }
0x55e: {  	[hbm4b:s23+s13] =	stream.strided.scatter [tilespmem:s22], [sflag:$0x1], $0x400, s14, s13, $0x38;
	[tilespmem:$0x8100] =	vst v63  }
0x55f: {  	s22 =	sadd.s32 $0x1100, s18;
	s23 =	sadd.s32 $0x200, s19  }
0x560: {  	[hbm4b:s23+s13] =	stream.strided.scatter [tilespmem:s22], [sflag:$0x1], $0x400, s14, s13, $0x38;
	[tilespmem:$0x8100] =	vst v63  }
0x561: {  	s22 =	sadd.s32 $0x1500, s18;
	s23 =	sadd.s32 $0x280, s19  }
0x562: {  	[hbm4b:s23+s13] =	stream.strided.scatter [tilespmem:s22], [sflag:$0x1], $0x400, s14, s13, $0x38;
	[tilespmem:$0x8100] =	vst v63  }
0x563: {  	s22 =	sadd.s32 $0x1900, s18;
	s23 =	sadd.s32 $0x300, s19  }
0x564: {  	[hbm4b:s23+s13] =	stream.strided.scatter [tilespmem:s22], [sflag:$0x1], $0x400, s14, s13, $0x38;
	[tilespmem:$0x8100] =	vst v63  }
0x565: {  	s20 =	rddreg [dreg:$0x9];
	s22 =	sadd.s32 $0x1D00, s18;
	s23 =	sadd.s32 $0x380, s19  }
0x566: {  	[hbm4b:s23+s13] =	stream.strided.scatter [tilespmem:s22], [sflag:$0x1], $0x400, s14, s13, $0x38;
	[tilespmem:$0x8100] =	vst v63  }
0x567: {  	s21 =	rddreg [dreg:$0xa];
	s18 =	sor.u32 s8, s20;
	_ =	swait.ge [sflag:s12], $0x8000  }
0x568: {  	s18 =	sadd.s32 s21, s18;
	s22 =	rddreg [dreg:$0xb]  }
0x569: {  	s18 =	sor.u32 s22, s18  }
0x56a: {  	[sflag:s12] =	ssyncset.done $0x0;
	s18 =	sshrl.u32 s18, $0x3  }
0x56b: {  	s23 =	simm.s32 $0x100;
	[sflag:s12] =	ssyncadd.s32 $0xFFFF8000;
	s19 =	sadd.s32 s2, s18  }
0x56c: {  	[hbm4b:s19+s13] =	stream.strided.scatter [tilespmem:s23], [sflag:$0x1], $0x400, s14, s13, $0x38;
	[tilespmem:$0x8100] =	vst v63  }
0x56d: {  	s20 =	simm.s32 $0x500;
	s21 =	sadd.s32 $0x80, s19  }
0x56e: {  	[hbm4b:s21+s13] =	stream.strided.scatter [tilespmem:s20], [sflag:$0x1], $0x400, s14, s13, $0x38;
	[tilespmem:$0x8100] =	vst v63  }
0x56f: {  	s22 =	simm.s32 $0x900;
	s23 =	sadd.s32 $0x100, s19  }
0x570: {  	[hbm4b:s23+s13] =	stream.strided.scatter [tilespmem:s22], [sflag:$0x1], $0x400, s14, s13, $0x38;
	[tilespmem:$0x8100] =	vst v63  }
0x571: {  	s20 =	simm.s32 $0xD00;
	s21 =	sadd.s32 $0x180, s19  }
0x572: {  	[hbm4b:s21+s13] =	stream.strided.scatter [tilespmem:s20], [sflag:$0x1], $0x400, s14, s13, $0x38;
	[tilespmem:$0x8100] =	vst v63  }
0x573: {  	s22 =	simm.s32 $0x1100;
	s23 =	sadd.s32 $0x200, s19  }
0x574: {  	[hbm4b:s23+s13] =	stream.strided.scatter [tilespmem:s22], [sflag:$0x1], $0x400, s14, s13, $0x38;
	[tilespmem:$0x8100] =	vst v63  }
0x575: {  	s18 =	simm.s32 $0x2000;
	s20 =	simm.s32 $0x1500;
	s21 =	sadd.s32 $0x280, s19  }
0x576: {  	[hbm4b:s21+s13] =	stream.strided.scatter [tilespmem:s20], [sflag:$0x1], $0x400, s14, s13, $0x38;
	[tilespmem:$0x8100] =	vst v63  }
0x577: {  	s22 =	simm.s32 $0x1900;
	s23 =	sadd.s32 $0x300, s19;
	s20 =	simm.s32 $0x10000  }
0x578: {  	[hbm4b:s23+s13] =	stream.strided.scatter [tilespmem:s22], [sflag:$0x1], $0x400, s14, s13, $0x38;
	[tilespmem:$0x8100] =	vst v63  }
0x579: {  	s21 =	simm.s32 $0x1D00;
	s22 =	sadd.s32 $0x380, s19;
	s19 =	sadd.s32 $0x2000, s19  }
.LBB2_52:
0x57a: {  	[hbm4b:s22+s13] =	stream.strided.scatter [tilespmem:s21], [sflag:$0x1], $0x400, s14, s13, $0x38;
	[tilespmem:$0x8100] =	vst v63  }
0x57b: {  	s21 =	smov.u32 s18;
	s18 =	smov.u32 s20  }
0x57c: {  	s23 =	sadd.s32 $0x8000, s20;
	s18 =	sshra.s32 s18, $0x2;
	s22 =	sadd.s32 $0x100, s21  }
0x57d: {  	[hbm4b:s19+s13] =	stream.strided.scatter [tilespmem:s22], [sflag:$0x1], $0x400, s14, s13, $0x38;
	[tilespmem:$0x8100] =	vst v63  }
0x57e: {  	p0 =	sne.s32 s20, $0x18000;
	s20 =	sadd.s32 $0x500, s21;
	s22 =	sadd.s32 $0x80, s19  }
0x57f: {  	[hbm4b:s22+s13] =	stream.strided.scatter [tilespmem:s20], [sflag:$0x1], $0x400, s14, s13, $0x38;
	[tilespmem:$0x8100] =	vst v63  }
0x580: {  	s20 =	sadd.s32 $0x900, s21;
	s22 =	sadd.s32 $0x100, s19  }
0x581: {  	[hbm4b:s22+s13] =	stream.strided.scatter [tilespmem:s20], [sflag:$0x1], $0x400, s14, s13, $0x38;
	[tilespmem:$0x8100] =	vst v63  }
0x582: {  	s20 =	sadd.s32 $0xD00, s21;
	s22 =	sadd.s32 $0x180, s19  }
0x583: {  	[hbm4b:s22+s13] =	stream.strided.scatter [tilespmem:s20], [sflag:$0x1], $0x400, s14, s13, $0x38;
	[tilespmem:$0x8100] =	vst v63  }
0x584: {  	s20 =	sadd.s32 $0x1100, s21;
	s22 =	sadd.s32 $0x200, s19  }
0x585: {  	[hbm4b:s22+s13] =	stream.strided.scatter [tilespmem:s20], [sflag:$0x1], $0x400, s14, s13, $0x38;
	[tilespmem:$0x8100] =	vst v63  }
.Ltmp25:
0x586: {  	s20 =	sadd.s32 $0x1500, s21;
	s22 =	sadd.s32 $0x280, s19;
	(pc) =	sbr.rel @p0 .LBB2_52-.Ltmp25, $4  }
0x587: {  	[hbm4b:s22+s13] =	stream.strided.scatter [tilespmem:s20], [sflag:$0x1], $0x400, s14, s13, $0x38;
	[tilespmem:$0x8100] =	vst v63  }
0x588: {  	s20 =	sadd.s32 $0x1900, s21;
	s22 =	sadd.s32 $0x300, s19;
	s21 =	sadd.s32 $0x1D00, s21  }
0x589: {  	[hbm4b:s22+s13] =	stream.strided.scatter [tilespmem:s20], [sflag:$0x1], $0x400, s14, s13, $0x38;
	[tilespmem:$0x8100] =	vst v63  }
0x58a: {  	s22 =	sadd.s32 $0x380, s19;
	s19 =	sadd.s32 $0x2000, s19;
	s20 =	smov.u32 s23  }
0x58b: {  	[hbm4b:s22+s13] =	stream.strided.scatter [tilespmem:s21], [sflag:$0x1], $0x400, s14, s13, $0x38;
	[tilespmem:$0x8100] =	vst v63  }
0x58c: {  	s20 =	sadd.s32 $0x100, s18  }
0x58d: {  	[hbm4b:s19+s13] =	stream.strided.scatter [tilespmem:s20], [sflag:$0x1], $0x400, s14, s13, $0x38;
	[tilespmem:$0x8100] =	vst v63  }
0x58e: {  	s22 =	sadd.s32 $0x500, s18;
	s23 =	sadd.s32 $0x80, s19  }
0x58f: {  	[hbm4b:s23+s13] =	stream.strided.scatter [tilespmem:s22], [sflag:$0x1], $0x400, s14, s13, $0x38;
	[tilespmem:$0x8100] =	vst v63  }
0x590: {  	s22 =	sadd.s32 $0x900, s18;
	s23 =	sadd.s32 $0x100, s19  }
0x591: {  	[hbm4b:s23+s13] =	stream.strided.scatter [tilespmem:s22], [sflag:$0x1], $0x400, s14, s13, $0x38;
	[tilespmem:$0x8100] =	vst v63  }
0x592: {  	s22 =	sadd.s32 $0xD00, s18;
	s23 =	sadd.s32 $0x180, s19  }
0x593: {  	[hbm4b:s23+s13] =	stream.strided.scatter [tilespmem:s22], [sflag:$0x1], $0x400, s14, s13, $0x38;
	[tilespmem:$0x8100] =	vst v63  }
0x594: {  	s22 =	sadd.s32 $0x1100, s18;
	s23 =	sadd.s32 $0x200, s19  }
0x595: {  	[hbm4b:s23+s13] =	stream.strided.scatter [tilespmem:s22], [sflag:$0x1], $0x400, s14, s13, $0x38;
	[tilespmem:$0x8100] =	vst v63  }
0x596: {  	s22 =	sadd.s32 $0x1500, s18;
	s23 =	sadd.s32 $0x280, s19  }
0x597: {  	[hbm4b:s23+s13] =	stream.strided.scatter [tilespmem:s22], [sflag:$0x1], $0x400, s14, s13, $0x38;
	[tilespmem:$0x8100] =	vst v63  }
0x598: {  	s22 =	sadd.s32 $0x1900, s18;
	s23 =	sadd.s32 $0x300, s19  }
0x599: {  	[hbm4b:s23+s13] =	stream.strided.scatter [tilespmem:s22], [sflag:$0x1], $0x400, s14, s13, $0x38;
	[tilespmem:$0x8100] =	vst v63  }
0x59a: {  	s21 =	sadd.s32 $0x380, s19;
	s22 =	rddreg [dreg:$0xc]  }
0x59b: {  	s20 =	sadd.s32 $0x1D00, s18;
	s23 =	rddreg [dreg:$0xd];
	s18 =	sor.u32 s8, s22  }
0x59c: {  	[hbm4b:s21+s13] =	stream.strided.scatter [tilespmem:s20], [sflag:$0x1], $0x400, s14, s13, $0x38;
	[tilespmem:$0x8100] =	vst v63  }
0x59d: {  	s18 =	sadd.s32 s23, s18  }
0x59e: {  	_ =	swait.ge [sflag:s12], $0x8000;
	s18 =	sor.u32 s24, s18  }
0x59f: {  	[sflag:s12] =	ssyncset.done $0x0;
	s18 =	sshrl.u32 s18, $0x3  }
0x5a0: {  	s20 =	simm.s32 $0x100;
	[sflag:s12] =	ssyncadd.s32 $0xFFFF8000;
	s19 =	sadd.s32 s2, s18  }
0x5a1: {  	[hbm4b:s19+s13] =	stream.strided.scatter [tilespmem:s20], [sflag:$0x1], $0x400, s14, s13, $0x38;
	[tilespmem:$0x8100] =	vst v63  }
0x5a2: {  	s21 =	simm.s32 $0x500;
	s22 =	sadd.s32 $0x80, s19  }
0x5a3: {  	[hbm4b:s22+s13] =	stream.strided.scatter [tilespmem:s21], [sflag:$0x1], $0x400, s14, s13, $0x38;
	[tilespmem:$0x8100] =	vst v63  }
0x5a4: {  	s23 =	simm.s32 $0x900;
	s18 =	simm.s32 $0x2000;
	s24 =	sadd.s32 $0x100, s19  }
0x5a5: {  	[hbm4b:s24+s13] =	stream.strided.scatter [tilespmem:s23], [sflag:$0x1], $0x400, s14, s13, $0x38;
	[tilespmem:$0x8100] =	vst v63  }
0x5a6: {  	s20 =	simm.s32 $0x10000;
	s21 =	simm.s32 $0xD00;
	s22 =	sadd.s32 $0x180, s19  }
0x5a7: {  	[hbm4b:s22+s13] =	stream.strided.scatter [tilespmem:s21], [sflag:$0x1], $0x400, s14, s13, $0x38;
	[tilespmem:$0x8100] =	vst v63  }
0x5a8: {  	s23 =	simm.s32 $0x1100;
	s24 =	sadd.s32 $0x200, s19;
	s21 =	simm.s32 $0x1500  }
0x5a9: {  	[hbm4b:s24+s13] =	stream.strided.scatter [tilespmem:s23], [sflag:$0x1], $0x400, s14, s13, $0x38;
	[tilespmem:$0x8100] =	vst v63  }
0x5aa: {  	s22 =	sadd.s32 $0x280, s19;
	s23 =	simm.s32 $0x1900;
	s24 =	sadd.s32 $0x300, s19  }
0x5ab: {  	[hbm4b:s22+s13] =	stream.strided.scatter [tilespmem:s21], [sflag:$0x1], $0x400, s14, s13, $0x38;
	[tilespmem:$0x8100] =	vst v63  }
0x5ac: {  	s21 =	simm.s32 $0x1D00;
	s22 =	sadd.s32 $0x380, s19;
	s19 =	sadd.s32 $0x2000, s19  }
0x5ad: {  	[hbm4b:s24+s13] =	stream.strided.scatter [tilespmem:s23], [sflag:$0x1], $0x400, s14, s13, $0x38;
	[tilespmem:$0x8100] =	vst v63  }
.LBB2_54:
0x5ae: {  	[hbm4b:s22+s13] =	stream.strided.scatter [tilespmem:s21], [sflag:$0x1], $0x400, s14, s13, $0x38;
	[tilespmem:$0x8100] =	vst v63  }
0x5af: {  	s21 =	smov.u32 s18;
	s18 =	smov.u32 s20  }
0x5b0: {  	s23 =	sadd.s32 $0x8000, s20;
	s18 =	sshra.s32 s18, $0x2;
	s22 =	sadd.s32 $0x100, s21  }
0x5b1: {  	[hbm4b:s19+s13] =	stream.strided.scatter [tilespmem:s22], [sflag:$0x1], $0x400, s14, s13, $0x38;
	[tilespmem:$0x8100] =	vst v63  }
0x5b2: {  	p0 =	sne.s32 s20, $0x18000;
	s20 =	sadd.s32 $0x500, s21;
	s22 =	sadd.s32 $0x80, s19  }
0x5b3: {  	[hbm4b:s22+s13] =	stream.strided.scatter [tilespmem:s20], [sflag:$0x1], $0x400, s14, s13, $0x38;
	[tilespmem:$0x8100] =	vst v63  }
0x5b4: {  	s20 =	sadd.s32 $0x900, s21;
	s22 =	sadd.s32 $0x100, s19  }
0x5b5: {  	[hbm4b:s22+s13] =	stream.strided.scatter [tilespmem:s20], [sflag:$0x1], $0x400, s14, s13, $0x38;
	[tilespmem:$0x8100] =	vst v63  }
0x5b6: {  	s20 =	sadd.s32 $0xD00, s21;
	s22 =	sadd.s32 $0x180, s19  }
0x5b7: {  	[hbm4b:s22+s13] =	stream.strided.scatter [tilespmem:s20], [sflag:$0x1], $0x400, s14, s13, $0x38;
	[tilespmem:$0x8100] =	vst v63  }
0x5b8: {  	s20 =	sadd.s32 $0x1100, s21;
	s22 =	sadd.s32 $0x200, s19  }
0x5b9: {  	[hbm4b:s22+s13] =	stream.strided.scatter [tilespmem:s20], [sflag:$0x1], $0x400, s14, s13, $0x38;
	[tilespmem:$0x8100] =	vst v63  }
.Ltmp26:
0x5ba: {  	s20 =	sadd.s32 $0x1500, s21;
	s22 =	sadd.s32 $0x280, s19;
	(pc) =	sbr.rel @p0 .LBB2_54-.Ltmp26, $4  }
0x5bb: {  	[hbm4b:s22+s13] =	stream.strided.scatter [tilespmem:s20], [sflag:$0x1], $0x400, s14, s13, $0x38;
	[tilespmem:$0x8100] =	vst v63  }
0x5bc: {  	s20 =	sadd.s32 $0x1900, s21;
	s22 =	sadd.s32 $0x300, s19;
	s21 =	sadd.s32 $0x1D00, s21  }
0x5bd: {  	[hbm4b:s22+s13] =	stream.strided.scatter [tilespmem:s20], [sflag:$0x1], $0x400, s14, s13, $0x38;
	[tilespmem:$0x8100] =	vst v63  }
0x5be: {  	s22 =	sadd.s32 $0x380, s19;
	s19 =	sadd.s32 $0x2000, s19;
	s20 =	smov.u32 s23  }
0x5bf: {  	[hbm4b:s22+s13] =	stream.strided.scatter [tilespmem:s21], [sflag:$0x1], $0x400, s14, s13, $0x38;
	[tilespmem:$0x8100] =	vst v63  }
0x5c0: {  	s20 =	sadd.s32 $0x100, s18  }
0x5c1: {  	[hbm4b:s19+s13] =	stream.strided.scatter [tilespmem:s20], [sflag:$0x1], $0x400, s14, s13, $0x38;
	[tilespmem:$0x8100] =	vst v63  }
0x5c2: {  	s21 =	sadd.s32 $0x500, s18;
	s22 =	sadd.s32 $0x80, s19  }
0x5c3: {  	[hbm4b:s22+s13] =	stream.strided.scatter [tilespmem:s21], [sflag:$0x1], $0x400, s14, s13, $0x38;
	[tilespmem:$0x8100] =	vst v63  }
0x5c4: {  	s23 =	sadd.s32 $0x900, s18;
	s24 =	sadd.s32 $0x100, s19  }
0x5c5: {  	[hbm4b:s24+s13] =	stream.strided.scatter [tilespmem:s23], [sflag:$0x1], $0x400, s14, s13, $0x38;
	[tilespmem:$0x8100] =	vst v63  }
0x5c6: {  	s21 =	sadd.s32 $0xD00, s18;
	s22 =	sadd.s32 $0x180, s19  }
0x5c7: {  	[hbm4b:s22+s13] =	stream.strided.scatter [tilespmem:s21], [sflag:$0x1], $0x400, s14, s13, $0x38;
	[tilespmem:$0x8100] =	vst v63  }
0x5c8: {  	s23 =	sadd.s32 $0x1100, s18;
	s24 =	sadd.s32 $0x200, s19  }
0x5c9: {  	[hbm4b:s24+s13] =	stream.strided.scatter [tilespmem:s23], [sflag:$0x1], $0x400, s14, s13, $0x38;
	[tilespmem:$0x8100] =	vst v63  }
0x5ca: {  	s21 =	sadd.s32 $0x1500, s18;
	s22 =	sadd.s32 $0x280, s19  }
0x5cb: {  	[hbm4b:s22+s13] =	stream.strided.scatter [tilespmem:s21], [sflag:$0x1], $0x400, s14, s13, $0x38;
	[tilespmem:$0x8100] =	vst v63  }
0x5cc: {  	s23 =	sadd.s32 $0x1900, s18;
	s24 =	sadd.s32 $0x300, s19;
	s22 =	sor.u32 s8, s25  }
0x5cd: {  	[hbm4b:s24+s13] =	stream.strided.scatter [tilespmem:s23], [sflag:$0x1], $0x400, s14, s13, $0x38;
	[tilespmem:$0x8100] =	vst v63  }
0x5ce: {  	s20 =	sadd.s32 $0x1D00, s18;
	s21 =	sadd.s32 $0x380, s19;
	s18 =	sadd.s32 s26, s22  }
0x5cf: {  	[hbm4b:s21+s13] =	stream.strided.scatter [tilespmem:s20], [sflag:$0x1], $0x400, s14, s13, $0x38;
	[tilespmem:$0x8100] =	vst v63  }
0x5d0: {  	s18 =	sor.u32 s28, s18;
	_ =	swait.ge [sflag:s12], $0x8000  }
0x5d1: {  	s18 =	sshrl.u32 s18, $0x3;
	[sflag:s12] =	ssyncset.done $0x0  }
0x5d2: {  	s23 =	simm.s32 $0x100;
	s19 =	sadd.s32 s2, s18;
	[sflag:s12] =	ssyncadd.s32 $0xFFFF8000  }
0x5d3: {  	[hbm4b:s19+s13] =	stream.strided.scatter [tilespmem:s23], [sflag:$0x1], $0x400, s14, s13, $0x38;
	[tilespmem:$0x8100] =	vst v63  }
0x5d4: {  	s24 =	simm.s32 $0x500;
	s25 =	sadd.s32 $0x80, s19  }
0x5d5: {  	[hbm4b:s25+s13] =	stream.strided.scatter [tilespmem:s24], [sflag:$0x1], $0x400, s14, s13, $0x38;
	[tilespmem:$0x8100] =	vst v63  }
0x5d6: {  	s26 =	simm.s32 $0x900;
	s22 =	simm.s32 $0x1100;
	s28 =	sadd.s32 $0x100, s19  }
0x5d7: {  	[hbm4b:s28+s13] =	stream.strided.scatter [tilespmem:s26], [sflag:$0x1], $0x400, s14, s13, $0x38;
	[tilespmem:$0x8100] =	vst v63  }
0x5d8: {  	s20 =	simm.s32 $0xD00;
	s18 =	simm.s32 $0x2000;
	s21 =	sadd.s32 $0x180, s19  }
0x5d9: {  	[hbm4b:s21+s13] =	stream.strided.scatter [tilespmem:s20], [sflag:$0x1], $0x400, s14, s13, $0x38;
	[tilespmem:$0x8100] =	vst v63  }
0x5da: {  	s23 =	sadd.s32 $0x200, s19;
	s24 =	simm.s32 $0x1500;
	s25 =	sadd.s32 $0x280, s19  }
0x5db: {  	[hbm4b:s23+s13] =	stream.strided.scatter [tilespmem:s22], [sflag:$0x1], $0x400, s14, s13, $0x38;
	[tilespmem:$0x8100] =	vst v63  }
0x5dc: {  	s26 =	simm.s32 $0x1900;
	s28 =	sadd.s32 $0x300, s19;
	s20 =	simm.s32 $0x10000  }
0x5dd: {  	[hbm4b:s25+s13] =	stream.strided.scatter [tilespmem:s24], [sflag:$0x1], $0x400, s14, s13, $0x38;
	[tilespmem:$0x8100] =	vst v63  }
0x5de: {  	s21 =	simm.s32 $0x1D00;
	s22 =	sadd.s32 $0x380, s19;
	s19 =	sadd.s32 $0x2000, s19  }
0x5df: {  	[hbm4b:s28+s13] =	stream.strided.scatter [tilespmem:s26], [sflag:$0x1], $0x400, s14, s13, $0x38;
	[tilespmem:$0x8100] =	vst v63  }
.LBB2_56:
0x5e0: {  	[hbm4b:s22+s13] =	stream.strided.scatter [tilespmem:s21], [sflag:$0x1], $0x400, s14, s13, $0x38;
	[tilespmem:$0x8100] =	vst v63  }
0x5e1: {  	s21 =	smov.u32 s18;
	s18 =	smov.u32 s20  }
0x5e2: {  	s23 =	sadd.s32 $0x8000, s20;
	s18 =	sshra.s32 s18, $0x2;
	s22 =	sadd.s32 $0x100, s21  }
0x5e3: {  	[hbm4b:s19+s13] =	stream.strided.scatter [tilespmem:s22], [sflag:$0x1], $0x400, s14, s13, $0x38;
	[tilespmem:$0x8100] =	vst v63  }
0x5e4: {  	p0 =	sne.s32 s20, $0x18000;
	s20 =	sadd.s32 $0x500, s21;
	s22 =	sadd.s32 $0x80, s19  }
0x5e5: {  	[hbm4b:s22+s13] =	stream.strided.scatter [tilespmem:s20], [sflag:$0x1], $0x400, s14, s13, $0x38;
	[tilespmem:$0x8100] =	vst v63  }
0x5e6: {  	s20 =	sadd.s32 $0x900, s21;
	s22 =	sadd.s32 $0x100, s19  }
0x5e7: {  	[hbm4b:s22+s13] =	stream.strided.scatter [tilespmem:s20], [sflag:$0x1], $0x400, s14, s13, $0x38;
	[tilespmem:$0x8100] =	vst v63  }
0x5e8: {  	s20 =	sadd.s32 $0xD00, s21;
	s22 =	sadd.s32 $0x180, s19  }
0x5e9: {  	[hbm4b:s22+s13] =	stream.strided.scatter [tilespmem:s20], [sflag:$0x1], $0x400, s14, s13, $0x38;
	[tilespmem:$0x8100] =	vst v63  }
0x5ea: {  	s20 =	sadd.s32 $0x1100, s21;
	s22 =	sadd.s32 $0x200, s19  }
0x5eb: {  	[hbm4b:s22+s13] =	stream.strided.scatter [tilespmem:s20], [sflag:$0x1], $0x400, s14, s13, $0x38;
	[tilespmem:$0x8100] =	vst v63  }
.Ltmp27:
0x5ec: {  	s20 =	sadd.s32 $0x1500, s21;
	s22 =	sadd.s32 $0x280, s19;
	(pc) =	sbr.rel @p0 .LBB2_56-.Ltmp27, $4  }
0x5ed: {  	[hbm4b:s22+s13] =	stream.strided.scatter [tilespmem:s20], [sflag:$0x1], $0x400, s14, s13, $0x38;
	[tilespmem:$0x8100] =	vst v63  }
0x5ee: {  	s20 =	sadd.s32 $0x1900, s21;
	s22 =	sadd.s32 $0x300, s19;
	s21 =	sadd.s32 $0x1D00, s21  }
0x5ef: {  	[hbm4b:s22+s13] =	stream.strided.scatter [tilespmem:s20], [sflag:$0x1], $0x400, s14, s13, $0x38;
	[tilespmem:$0x8100] =	vst v63  }
0x5f0: {  	s22 =	sadd.s32 $0x380, s19;
	s19 =	sadd.s32 $0x2000, s19;
	s20 =	smov.u32 s23  }
0x5f1: {  	[hbm4b:s22+s13] =	stream.strided.scatter [tilespmem:s21], [sflag:$0x1], $0x400, s14, s13, $0x38;
	[tilespmem:$0x8100] =	vst v63  }
0x5f2: {  	s20 =	sadd.s32 $0x100, s18  }
0x5f3: {  	[hbm4b:s19+s13] =	stream.strided.scatter [tilespmem:s20], [sflag:$0x1], $0x400, s14, s13, $0x38;
	[tilespmem:$0x8100] =	vst v63  }
0x5f4: {  	s26 =	sadd.s32 $0x500, s18;
	s28 =	sadd.s32 $0x80, s19  }
0x5f5: {  	[hbm4b:s28+s13] =	stream.strided.scatter [tilespmem:s26], [sflag:$0x1], $0x400, s14, s13, $0x38;
	[tilespmem:$0x8100] =	vst v63  }
0x5f6: {  	s22 =	sadd.s32 $0x900, s18;
	s23 =	sadd.s32 $0x100, s19  }
0x5f7: {  	[hbm4b:s23+s13] =	stream.strided.scatter [tilespmem:s22], [sflag:$0x1], $0x400, s14, s13, $0x38;
	[tilespmem:$0x8100] =	vst v63  }
0x5f8: {  	s24 =	sadd.s32 $0xD00, s18;
	s25 =	sadd.s32 $0x180, s19  }
0x5f9: {  	[hbm4b:s25+s13] =	stream.strided.scatter [tilespmem:s24], [sflag:$0x1], $0x400, s14, s13, $0x38;
	[tilespmem:$0x8100] =	vst v63  }
0x5fa: {  	s26 =	sadd.s32 $0x1100, s18;
	s28 =	sadd.s32 $0x200, s19  }
0x5fb: {  	[hbm4b:s28+s13] =	stream.strided.scatter [tilespmem:s26], [sflag:$0x1], $0x400, s14, s13, $0x38;
	[tilespmem:$0x8100] =	vst v63  }
0x5fc: {  	s21 =	sadd.s32 $0x1500, s18;
	s22 =	sadd.s32 $0x280, s19  }
0x5fd: {  	[hbm4b:s22+s13] =	stream.strided.scatter [tilespmem:s21], [sflag:$0x1], $0x400, s14, s13, $0x38;
	[tilespmem:$0x8100] =	vst v63  }
0x5fe: {  	s23 =	sadd.s32 $0x1900, s18;
	s24 =	sadd.s32 $0x300, s19;
	s28 =	sor.u32 s8, s29  }
0x5ff: {  	[hbm4b:s24+s13] =	stream.strided.scatter [tilespmem:s23], [sflag:$0x1], $0x400, s14, s13, $0x38;
	[tilespmem:$0x8100] =	vst v63  }
0x600: {  	s25 =	sadd.s32 $0x1D00, s18;
	s26 =	sadd.s32 $0x380, s19;
	s18 =	sadd.s32 s30, s28  }
0x601: {  	[hbm4b:s26+s13] =	stream.strided.scatter [tilespmem:s25], [sflag:$0x1], $0x400, s14, s13, $0x38;
	[tilespmem:$0x8100] =	vst v63  }
0x602: {  	s18 =	sor.u32 s31, s18;
	_ =	swait.ge [sflag:s12], $0x8000  }
0x603: {  	s18 =	sshrl.u32 s18, $0x3;
	[sflag:s12] =	ssyncset.done $0x0  }
0x604: {  	s29 =	simm.s32 $0x100;
	s19 =	sadd.s32 s2, s18;
	[sflag:s12] =	ssyncadd.s32 $0xFFFF8000  }
0x605: {  	[hbm4b:s19+s13] =	stream.strided.scatter [tilespmem:s29], [sflag:$0x1], $0x400, s14, s13, $0x38;
	[tilespmem:$0x8100] =	vst v63  }
0x606: {  	s30 =	simm.s32 $0x500;
	s31 =	sadd.s32 $0x80, s19  }
0x607: {  	[hbm4b:s31+s13] =	stream.strided.scatter [tilespmem:s30], [sflag:$0x1], $0x400, s14, s13, $0x38;
	[tilespmem:$0x8100] =	vst v63  }
0x608: {  	s20 =	simm.s32 $0x10000;
	s21 =	simm.s32 $0x900;
	s22 =	sadd.s32 $0x100, s19  }
0x609: {  	[hbm4b:s22+s13] =	stream.strided.scatter [tilespmem:s21], [sflag:$0x1], $0x400, s14, s13, $0x38;
	[tilespmem:$0x8100] =	vst v63  }
0x60a: {  	s28 =	simm.s32 $0x1500;
	s23 =	simm.s32 $0xD00;
	s24 =	sadd.s32 $0x180, s19  }
0x60b: {  	[hbm4b:s24+s13] =	stream.strided.scatter [tilespmem:s23], [sflag:$0x1], $0x400, s14, s13, $0x38;
	[tilespmem:$0x8100] =	vst v63  }
0x60c: {  	s18 =	simm.s32 $0x2000;
	s25 =	simm.s32 $0x1100;
	s26 =	sadd.s32 $0x200, s19  }
0x60d: {  	[hbm4b:s26+s13] =	stream.strided.scatter [tilespmem:s25], [sflag:$0x1], $0x400, s14, s13, $0x38;
	[tilespmem:$0x8100] =	vst v63  }
0x60e: {  	s29 =	sadd.s32 $0x280, s19;
	s30 =	simm.s32 $0x1900;
	s31 =	sadd.s32 $0x300, s19  }
0x60f: {  	[hbm4b:s29+s13] =	stream.strided.scatter [tilespmem:s28], [sflag:$0x1], $0x400, s14, s13, $0x38;
	[tilespmem:$0x8100] =	vst v63  }
0x610: {  	s21 =	simm.s32 $0x1D00;
	s22 =	sadd.s32 $0x380, s19;
	s19 =	sadd.s32 $0x2000, s19  }
0x611: {  	[hbm4b:s31+s13] =	stream.strided.scatter [tilespmem:s30], [sflag:$0x1], $0x400, s14, s13, $0x38;
	[tilespmem:$0x8100] =	vst v63  }
.LBB2_58:
0x612: {  	[hbm4b:s22+s13] =	stream.strided.scatter [tilespmem:s21], [sflag:$0x1], $0x400, s14, s13, $0x38;
	[tilespmem:$0x8100] =	vst v63  }
0x613: {  	s21 =	smov.u32 s18;
	s18 =	smov.u32 s20  }
0x614: {  	s23 =	sadd.s32 $0x8000, s20;
	s18 =	sshra.s32 s18, $0x2;
	s22 =	sadd.s32 $0x100, s21  }
0x615: {  	[hbm4b:s19+s13] =	stream.strided.scatter [tilespmem:s22], [sflag:$0x1], $0x400, s14, s13, $0x38;
	[tilespmem:$0x8100] =	vst v63  }
0x616: {  	p0 =	sne.s32 s20, $0x18000;
	s20 =	sadd.s32 $0x500, s21;
	s22 =	sadd.s32 $0x80, s19  }
0x617: {  	[hbm4b:s22+s13] =	stream.strided.scatter [tilespmem:s20], [sflag:$0x1], $0x400, s14, s13, $0x38;
	[tilespmem:$0x8100] =	vst v63  }
0x618: {  	s20 =	sadd.s32 $0x900, s21;
	s22 =	sadd.s32 $0x100, s19  }
0x619: {  	[hbm4b:s22+s13] =	stream.strided.scatter [tilespmem:s20], [sflag:$0x1], $0x400, s14, s13, $0x38;
	[tilespmem:$0x8100] =	vst v63  }
0x61a: {  	s20 =	sadd.s32 $0xD00, s21;
	s22 =	sadd.s32 $0x180, s19  }
0x61b: {  	[hbm4b:s22+s13] =	stream.strided.scatter [tilespmem:s20], [sflag:$0x1], $0x400, s14, s13, $0x38;
	[tilespmem:$0x8100] =	vst v63  }
0x61c: {  	s20 =	sadd.s32 $0x1100, s21;
	s22 =	sadd.s32 $0x200, s19  }
0x61d: {  	[hbm4b:s22+s13] =	stream.strided.scatter [tilespmem:s20], [sflag:$0x1], $0x400, s14, s13, $0x38;
	[tilespmem:$0x8100] =	vst v63  }
.Ltmp28:
0x61e: {  	s20 =	sadd.s32 $0x1500, s21;
	s22 =	sadd.s32 $0x280, s19;
	(pc) =	sbr.rel @p0 .LBB2_58-.Ltmp28, $4  }
0x61f: {  	[hbm4b:s22+s13] =	stream.strided.scatter [tilespmem:s20], [sflag:$0x1], $0x400, s14, s13, $0x38;
	[tilespmem:$0x8100] =	vst v63  }
0x620: {  	s20 =	sadd.s32 $0x1900, s21;
	s22 =	sadd.s32 $0x300, s19;
	s21 =	sadd.s32 $0x1D00, s21  }
0x621: {  	[hbm4b:s22+s13] =	stream.strided.scatter [tilespmem:s20], [sflag:$0x1], $0x400, s14, s13, $0x38;
	[tilespmem:$0x8100] =	vst v63  }
0x622: {  	s22 =	sadd.s32 $0x380, s19;
	s19 =	sadd.s32 $0x2000, s19;
	s20 =	smov.u32 s23  }
0x623: {  	[hbm4b:s22+s13] =	stream.strided.scatter [tilespmem:s21], [sflag:$0x1], $0x400, s14, s13, $0x38;
	[tilespmem:$0x8100] =	vst v63  }
0x624: {  	s20 =	sadd.s32 $0x100, s18  }
0x625: {  	[hbm4b:s19+s13] =	stream.strided.scatter [tilespmem:s20], [sflag:$0x1], $0x400, s14, s13, $0x38;
	[tilespmem:$0x8100] =	vst v63  }
0x626: {  	s28 =	sadd.s32 $0x500, s18;
	s29 =	sadd.s32 $0x80, s19  }
0x627: {  	[hbm4b:s29+s13] =	stream.strided.scatter [tilespmem:s28], [sflag:$0x1], $0x400, s14, s13, $0x38;
	[tilespmem:$0x8100] =	vst v63  }
0x628: {  	s30 =	sadd.s32 $0x900, s18;
	s31 =	sadd.s32 $0x100, s19  }
0x629: {  	[hbm4b:s31+s13] =	stream.strided.scatter [tilespmem:s30], [sflag:$0x1], $0x400, s14, s13, $0x38;
	[tilespmem:$0x8100] =	vst v63  }
0x62a: {  	s21 =	sadd.s32 $0xD00, s18;
	s22 =	sadd.s32 $0x180, s19  }
0x62b: {  	[hbm4b:s22+s13] =	stream.strided.scatter [tilespmem:s21], [sflag:$0x1], $0x400, s14, s13, $0x38;
	[tilespmem:$0x8100] =	vst v63  }
0x62c: {  	s23 =	sadd.s32 $0x1100, s18;
	s24 =	sadd.s32 $0x200, s19  }
0x62d: {  	[hbm4b:s24+s13] =	stream.strided.scatter [tilespmem:s23], [sflag:$0x1], $0x400, s14, s13, $0x38;
	[tilespmem:$0x8100] =	vst v63  }
0x62e: {  	s25 =	sadd.s32 $0x1500, s18;
	s26 =	sadd.s32 $0x280, s19  }
0x62f: {  	[hbm4b:s26+s13] =	stream.strided.scatter [tilespmem:s25], [sflag:$0x1], $0x400, s14, s13, $0x38;
	[tilespmem:$0x8100] =	vst v63  }
0x630: {  	s0 =	sor.u32 s8, s0;
	s28 =	sadd.s32 $0x1900, s18;
	s29 =	sadd.s32 $0x300, s19  }
0x631: {  	[hbm4b:s29+s13] =	stream.strided.scatter [tilespmem:s28], [sflag:$0x1], $0x400, s14, s13, $0x38;
	[tilespmem:$0x8100] =	vst v63  }
0x632: {  	s0 =	sadd.s32 s3, s0;
	s30 =	sadd.s32 $0x1D00, s18;
	s31 =	sadd.s32 $0x380, s19  }
0x633: {  	[hbm4b:s31+s13] =	stream.strided.scatter [tilespmem:s30], [sflag:$0x1], $0x400, s14, s13, $0x38;
	[tilespmem:$0x8100] =	vst v63  }
0x634: {  	s0 =	sor.u32 s1, s0;
	_ =	swait.ge [sflag:s12], $0x8000  }
0x635: {  	s0 =	sshrl.u32 s0, $0x3;
	[sflag:s12] =	ssyncset.done $0x0  }
0x636: {  	s1 =	sadd.s32 s2, s0;
	s18 =	simm.s32 $0x100;
	[sflag:s12] =	ssyncadd.s32 $0xFFFF8000  }
0x637: {  	[hbm4b:s1+s13] =	stream.strided.scatter [tilespmem:s18], [sflag:$0x1], $0x400, s14, s13, $0x38;
	[tilespmem:$0x8100] =	vst v63  }
0x638: {  	s20 =	sadd.s32 $0x80, s1;
	s19 =	simm.s32 $0x500  }
0x639: {  	[hbm4b:s20+s13] =	stream.strided.scatter [tilespmem:s19], [sflag:$0x1], $0x400, s14, s13, $0x38;
	[tilespmem:$0x8100] =	vst v63  }
0x63a: {  	s3 =	simm.s32 $0x10000;
	s21 =	simm.s32 $0x900;
	s22 =	sadd.s32 $0x100, s1  }
0x63b: {  	[hbm4b:s22+s13] =	stream.strided.scatter [tilespmem:s21], [sflag:$0x1], $0x400, s14, s13, $0x38;
	[tilespmem:$0x8100] =	vst v63  }
0x63c: {  	s0 =	simm.s32 $0x2000;
	s23 =	simm.s32 $0xD00;
	s24 =	sadd.s32 $0x180, s1  }
0x63d: {  	[hbm4b:s24+s13] =	stream.strided.scatter [tilespmem:s23], [sflag:$0x1], $0x400, s14, s13, $0x38;
	[tilespmem:$0x8100] =	vst v63  }
0x63e: {  	s25 =	simm.s32 $0x1100;
	s26 =	sadd.s32 $0x200, s1;
	s28 =	simm.s32 $0x1500  }
0x63f: {  	[hbm4b:s26+s13] =	stream.strided.scatter [tilespmem:s25], [sflag:$0x1], $0x400, s14, s13, $0x38;
	[tilespmem:$0x8100] =	vst v63  }
0x640: {  	s29 =	sadd.s32 $0x280, s1;
	s30 =	simm.s32 $0x1900;
	s31 =	sadd.s32 $0x300, s1  }
0x641: {  	[hbm4b:s29+s13] =	stream.strided.scatter [tilespmem:s28], [sflag:$0x1], $0x400, s14, s13, $0x38;
	[tilespmem:$0x8100] =	vst v63  }
0x642: {  	s18 =	simm.s32 $0x1D00;
	s19 =	sadd.s32 $0x380, s1;
	s1 =	sadd.s32 $0x2000, s1  }
0x643: {  	[hbm4b:s31+s13] =	stream.strided.scatter [tilespmem:s30], [sflag:$0x1], $0x400, s14, s13, $0x38;
	[tilespmem:$0x8100] =	vst v63  }
.LBB2_60:
0x644: {  	[hbm4b:s19+s13] =	stream.strided.scatter [tilespmem:s18], [sflag:$0x1], $0x400, s14, s13, $0x38;
	[tilespmem:$0x8100] =	vst v63  }
0x645: {  	s18 =	smov.u32 s0;
	s0 =	smov.u32 s3  }
0x646: {  	s20 =	sadd.s32 $0x8000, s3;
	s0 =	sshra.s32 s0, $0x2;
	s19 =	sadd.s32 $0x100, s18  }
0x647: {  	[hbm4b:s1+s13] =	stream.strided.scatter [tilespmem:s19], [sflag:$0x1], $0x400, s14, s13, $0x38;
	[tilespmem:$0x8100] =	vst v63  }
0x648: {  	p0 =	sne.s32 s3, $0x18000;
	s3 =	sadd.s32 $0x500, s18;
	s19 =	sadd.s32 $0x80, s1  }
0x649: {  	[hbm4b:s19+s13] =	stream.strided.scatter [tilespmem:s3], [sflag:$0x1], $0x400, s14, s13, $0x38;
	[tilespmem:$0x8100] =	vst v63  }
0x64a: {  	s3 =	sadd.s32 $0x900, s18;
	s19 =	sadd.s32 $0x100, s1  }
0x64b: {  	[hbm4b:s19+s13] =	stream.strided.scatter [tilespmem:s3], [sflag:$0x1], $0x400, s14, s13, $0x38;
	[tilespmem:$0x8100] =	vst v63  }
0x64c: {  	s3 =	sadd.s32 $0xD00, s18;
	s19 =	sadd.s32 $0x180, s1  }
0x64d: {  	[hbm4b:s19+s13] =	stream.strided.scatter [tilespmem:s3], [sflag:$0x1], $0x400, s14, s13, $0x38;
	[tilespmem:$0x8100] =	vst v63  }
0x64e: {  	s3 =	sadd.s32 $0x1100, s18;
	s19 =	sadd.s32 $0x200, s1  }
0x64f: {  	[hbm4b:s19+s13] =	stream.strided.scatter [tilespmem:s3], [sflag:$0x1], $0x400, s14, s13, $0x38;
	[tilespmem:$0x8100] =	vst v63  }
.Ltmp29:
0x650: {  	s3 =	sadd.s32 $0x1500, s18;
	s19 =	sadd.s32 $0x280, s1;
	(pc) =	sbr.rel @p0 .LBB2_60-.Ltmp29, $4  }
0x651: {  	[hbm4b:s19+s13] =	stream.strided.scatter [tilespmem:s3], [sflag:$0x1], $0x400, s14, s13, $0x38;
	[tilespmem:$0x8100] =	vst v63  }
0x652: {  	s3 =	sadd.s32 $0x1900, s18;
	s19 =	sadd.s32 $0x300, s1;
	s18 =	sadd.s32 $0x1D00, s18  }
0x653: {  	[hbm4b:s19+s13] =	stream.strided.scatter [tilespmem:s3], [sflag:$0x1], $0x400, s14, s13, $0x38;
	[tilespmem:$0x8100] =	vst v63  }
0x654: {  	s19 =	sadd.s32 $0x380, s1;
	s1 =	sadd.s32 $0x2000, s1;
	s3 =	smov.u32 s20  }
0x655: {  	[hbm4b:s19+s13] =	stream.strided.scatter [tilespmem:s18], [sflag:$0x1], $0x400, s14, s13, $0x38;
	[tilespmem:$0x8100] =	vst v63  }
0x656: {  	s3 =	sadd.s32 $0x100, s0  }
0x657: {  	[hbm4b:s1+s13] =	stream.strided.scatter [tilespmem:s3], [sflag:$0x1], $0x400, s14, s13, $0x38;
	[tilespmem:$0x8100] =	vst v63  }
0x658: {  	s18 =	sadd.s32 $0x500, s0;
	s19 =	sadd.s32 $0x80, s1  }
0x659: {  	[hbm4b:s19+s13] =	stream.strided.scatter [tilespmem:s18], [sflag:$0x1], $0x400, s14, s13, $0x38;
	[tilespmem:$0x8100] =	vst v63  }
0x65a: {  	s20 =	sadd.s32 $0x900, s0;
	s21 =	sadd.s32 $0x100, s1  }
0x65b: {  	[hbm4b:s21+s13] =	stream.strided.scatter [tilespmem:s20], [sflag:$0x1], $0x400, s14, s13, $0x38;
	[tilespmem:$0x8100] =	vst v63  }
0x65c: {  	s22 =	sadd.s32 $0xD00, s0;
	s23 =	sadd.s32 $0x180, s1  }
0x65d: {  	[hbm4b:s23+s13] =	stream.strided.scatter [tilespmem:s22], [sflag:$0x1], $0x400, s14, s13, $0x38;
	[tilespmem:$0x8100] =	vst v63  }
0x65e: {  	s24 =	sadd.s32 $0x1100, s0;
	s25 =	sadd.s32 $0x200, s1  }
0x65f: {  	[hbm4b:s25+s13] =	stream.strided.scatter [tilespmem:s24], [sflag:$0x1], $0x400, s14, s13, $0x38;
	[tilespmem:$0x8100] =	vst v63  }
0x660: {  	s26 =	sadd.s32 $0x1500, s0;
	s28 =	sadd.s32 $0x280, s1  }
0x661: {  	[hbm4b:s28+s13] =	stream.strided.scatter [tilespmem:s26], [sflag:$0x1], $0x400, s14, s13, $0x38;
	[tilespmem:$0x8100] =	vst v63  }
0x662: {  	s29 =	sadd.s32 $0x1900, s0;
	s30 =	sadd.s32 $0x300, s1;
	s4 =	sor.u32 s8, s4  }
0x663: {  	[hbm4b:s30+s13] =	stream.strided.scatter [tilespmem:s29], [sflag:$0x1], $0x400, s14, s13, $0x38;
	[tilespmem:$0x8100] =	vst v63  }
0x664: {  	s31 =	sadd.s32 $0x1D00, s0;
	s0 =	sadd.s32 s9, s4;
	s3 =	sadd.s32 $0x380, s1  }
0x665: {  	[hbm4b:s3+s13] =	stream.strided.scatter [tilespmem:s31], [sflag:$0x1], $0x400, s14, s13, $0x38;
	[tilespmem:$0x8100] =	vst v63  }
0x666: {  	s0 =	sor.u32 s10, s0;
	_ =	swait.ge [sflag:s12], $0x8000  }
0x667: {  	s0 =	sshrl.u32 s0, $0x3;
	[sflag:s12] =	ssyncset.done $0x0  }
0x668: {  	s10 =	sadd.s32 s2, s0;
	s18 =	simm.s32 $0x100;
	[sflag:s12] =	ssyncadd.s32 $0xFFFF8000  }
0x669: {  	[hbm4b:s10+s13] =	stream.strided.scatter [tilespmem:s18], [sflag:$0x1], $0x400, s14, s13, $0x38;
	[tilespmem:$0x8100] =	vst v63  }
0x66a: {  	s19 =	simm.s32 $0x500;
	s20 =	sadd.s32 $0x80, s10  }
0x66b: {  	[hbm4b:s20+s13] =	stream.strided.scatter [tilespmem:s19], [sflag:$0x1], $0x400, s14, s13, $0x38;
	[tilespmem:$0x8100] =	vst v63  }
0x66c: {  	s4 =	simm.s32 $0x1D00;
	s21 =	simm.s32 $0x900;
	s22 =	sadd.s32 $0x100, s10  }
0x66d: {  	[hbm4b:s22+s13] =	stream.strided.scatter [tilespmem:s21], [sflag:$0x1], $0x400, s14, s13, $0x38;
	[tilespmem:$0x8100] =	vst v63  }
0x66e: {  	s0 =	simm.s32 $0x2000;
	s23 =	simm.s32 $0xD00;
	s24 =	sadd.s32 $0x180, s10  }
0x66f: {  	[hbm4b:s24+s13] =	stream.strided.scatter [tilespmem:s23], [sflag:$0x1], $0x400, s14, s13, $0x38;
	[tilespmem:$0x8100] =	vst v63  }
0x670: {  	s9 =	sadd.s32 $0x380, s10;
	s25 =	simm.s32 $0x1100;
	s26 =	sadd.s32 $0x200, s10  }
0x671: {  	[hbm4b:s26+s13] =	stream.strided.scatter [tilespmem:s25], [sflag:$0x1], $0x400, s14, s13, $0x38;
	[tilespmem:$0x8100] =	vst v63  }
0x672: {  	s1 =	sadd.s32 $0x2000, s10;
	s28 =	simm.s32 $0x1500;
	s29 =	sadd.s32 $0x280, s10  }
0x673: {  	[hbm4b:s29+s13] =	stream.strided.scatter [tilespmem:s28], [sflag:$0x1], $0x400, s14, s13, $0x38;
	[tilespmem:$0x8100] =	vst v63  }
0x674: {  	s30 =	simm.s32 $0x1900;
	s31 =	sadd.s32 $0x300, s10;
	s3 =	simm.s32 $0x10000  }
0x675: {  	[hbm4b:s31+s13] =	stream.strided.scatter [tilespmem:s30], [sflag:$0x1], $0x400, s14, s13, $0x38;
	[tilespmem:$0x8100] =	vst v63  }
.LBB2_62:
0x676: {  	[hbm4b:s9+s13] =	stream.strided.scatter [tilespmem:s4], [sflag:$0x1], $0x400, s14, s13, $0x38;
	[tilespmem:$0x8100] =	vst v63  }
0x677: {  	s4 =	smov.u32 s0;
	s0 =	smov.u32 s3  }
0x678: {  	s10 =	sadd.s32 $0x8000, s3;
	s0 =	sshra.s32 s0, $0x2;
	s9 =	sadd.s32 $0x100, s4  }
0x679: {  	[hbm4b:s1+s13] =	stream.strided.scatter [tilespmem:s9], [sflag:$0x1], $0x400, s14, s13, $0x38;
	[tilespmem:$0x8100] =	vst v63  }
0x67a: {  	p0 =	sne.s32 s3, $0x18000;
	s3 =	sadd.s32 $0x500, s4;
	s9 =	sadd.s32 $0x80, s1  }
0x67b: {  	[hbm4b:s9+s13] =	stream.strided.scatter [tilespmem:s3], [sflag:$0x1], $0x400, s14, s13, $0x38;
	[tilespmem:$0x8100] =	vst v63  }
0x67c: {  	s3 =	sadd.s32 $0x900, s4;
	s9 =	sadd.s32 $0x100, s1  }
0x67d: {  	[hbm4b:s9+s13] =	stream.strided.scatter [tilespmem:s3], [sflag:$0x1], $0x400, s14, s13, $0x38;
	[tilespmem:$0x8100] =	vst v63  }
0x67e: {  	s3 =	sadd.s32 $0xD00, s4;
	s9 =	sadd.s32 $0x180, s1  }
0x67f: {  	[hbm4b:s9+s13] =	stream.strided.scatter [tilespmem:s3], [sflag:$0x1], $0x400, s14, s13, $0x38;
	[tilespmem:$0x8100] =	vst v63  }
0x680: {  	s3 =	sadd.s32 $0x1100, s4;
	s9 =	sadd.s32 $0x200, s1  }
0x681: {  	[hbm4b:s9+s13] =	stream.strided.scatter [tilespmem:s3], [sflag:$0x1], $0x400, s14, s13, $0x38;
	[tilespmem:$0x8100] =	vst v63  }
.Ltmp30:
0x682: {  	s3 =	sadd.s32 $0x1500, s4;
	s9 =	sadd.s32 $0x280, s1;
	(pc) =	sbr.rel @p0 .LBB2_62-.Ltmp30, $4  }
0x683: {  	[hbm4b:s9+s13] =	stream.strided.scatter [tilespmem:s3], [sflag:$0x1], $0x400, s14, s13, $0x38;
	[tilespmem:$0x8100] =	vst v63  }
0x684: {  	s3 =	sadd.s32 $0x1900, s4;
	s9 =	sadd.s32 $0x300, s1;
	s4 =	sadd.s32 $0x1D00, s4  }
0x685: {  	[hbm4b:s9+s13] =	stream.strided.scatter [tilespmem:s3], [sflag:$0x1], $0x400, s14, s13, $0x38;
	[tilespmem:$0x8100] =	vst v63  }
0x686: {  	s9 =	sadd.s32 $0x380, s1;
	s1 =	sadd.s32 $0x2000, s1;
	s3 =	smov.u32 s10  }
0x687: {  	[hbm4b:s9+s13] =	stream.strided.scatter [tilespmem:s4], [sflag:$0x1], $0x400, s14, s13, $0x38;
	[tilespmem:$0x8100] =	vst v63  }
0x688: {  	s3 =	sadd.s32 $0x100, s0  }
0x689: {  	[hbm4b:s1+s13] =	stream.strided.scatter [tilespmem:s3], [sflag:$0x1], $0x400, s14, s13, $0x38;
	[tilespmem:$0x8100] =	vst v63  }
0x68a: {  	s19 =	sadd.s32 $0x500, s0;
	s20 =	sadd.s32 $0x80, s1  }
0x68b: {  	[hbm4b:s20+s13] =	stream.strided.scatter [tilespmem:s19], [sflag:$0x1], $0x400, s14, s13, $0x38;
	[tilespmem:$0x8100] =	vst v63  }
0x68c: {  	s21 =	sadd.s32 $0x900, s0;
	s22 =	sadd.s32 $0x100, s1  }
0x68d: {  	[hbm4b:s22+s13] =	stream.strided.scatter [tilespmem:s21], [sflag:$0x1], $0x400, s14, s13, $0x38;
	[tilespmem:$0x8100] =	vst v63  }
0x68e: {  	s23 =	sadd.s32 $0xD00, s0;
	s24 =	sadd.s32 $0x180, s1  }
0x68f: {  	[hbm4b:s24+s13] =	stream.strided.scatter [tilespmem:s23], [sflag:$0x1], $0x400, s14, s13, $0x38;
	[tilespmem:$0x8100] =	vst v63  }
0x690: {  	s25 =	sadd.s32 $0x1100, s0;
	s26 =	sadd.s32 $0x200, s1  }
0x691: {  	[hbm4b:s26+s13] =	stream.strided.scatter [tilespmem:s25], [sflag:$0x1], $0x400, s14, s13, $0x38;
	[tilespmem:$0x8100] =	vst v63  }
0x692: {  	s28 =	sadd.s32 $0x1500, s0;
	s29 =	sadd.s32 $0x280, s1  }
0x693: {  	[hbm4b:s29+s13] =	stream.strided.scatter [tilespmem:s28], [sflag:$0x1], $0x400, s14, s13, $0x38;
	[tilespmem:$0x8100] =	vst v63  }
0x694: {  	s30 =	sadd.s32 $0x1900, s0;
	s31 =	sadd.s32 $0x300, s1;
	s11 =	sor.u32 s8, s11  }
0x695: {  	[hbm4b:s31+s13] =	stream.strided.scatter [tilespmem:s30], [sflag:$0x1], $0x400, s14, s13, $0x38;
	[tilespmem:$0x8100] =	vst v63  }
0x696: {  	s9 =	sadd.s32 $0x1D00, s0;
	s10 =	sadd.s32 $0x380, s1;
	s0 =	sadd.s32 s16, s11  }
0x697: {  	[hbm4b:s10+s13] =	stream.strided.scatter [tilespmem:s9], [sflag:$0x1], $0x400, s14, s13, $0x38;
	[tilespmem:$0x8100] =	vst v63  }
0x698: {  	s0 =	sor.u32 s17, s0;
	_ =	swait.ge [sflag:s12], $0x8000  }
0x699: {  	s0 =	sshrl.u32 s0, $0x3;
	[sflag:s12] =	ssyncset.done $0x0  }
0x69a: {  	s18 =	simm.s32 $0x100;
	s17 =	sadd.s32 s2, s0;
	[sflag:s12] =	ssyncadd.s32 $0xFFFF8000  }
0x69b: {  	[hbm4b:s17+s13] =	stream.strided.scatter [tilespmem:s18], [sflag:$0x1], $0x400, s14, s13, $0x38;
	[tilespmem:$0x8100] =	vst v63  }
0x69c: {  	s19 =	simm.s32 $0x500;
	s20 =	sadd.s32 $0x80, s17  }
0x69d: {  	[hbm4b:s20+s13] =	stream.strided.scatter [tilespmem:s19], [sflag:$0x1], $0x400, s14, s13, $0x38;
	[tilespmem:$0x8100] =	vst v63  }
0x69e: {  	s4 =	simm.s32 $0x1D00;
	s21 =	simm.s32 $0x900;
	s22 =	sadd.s32 $0x100, s17  }
0x69f: {  	[hbm4b:s22+s13] =	stream.strided.scatter [tilespmem:s21], [sflag:$0x1], $0x400, s14, s13, $0x38;
	[tilespmem:$0x8100] =	vst v63  }
0x6a0: {  	s3 =	simm.s32 $0x10000;
	s23 =	simm.s32 $0xD00;
	s24 =	sadd.s32 $0x180, s17  }
0x6a1: {  	[hbm4b:s24+s13] =	stream.strided.scatter [tilespmem:s23], [sflag:$0x1], $0x400, s14, s13, $0x38;
	[tilespmem:$0x8100] =	vst v63  }
0x6a2: {  	s0 =	simm.s32 $0x2000;
	s25 =	simm.s32 $0x1100;
	s26 =	sadd.s32 $0x200, s17  }
0x6a3: {  	[hbm4b:s26+s13] =	stream.strided.scatter [tilespmem:s25], [sflag:$0x1], $0x400, s14, s13, $0x38;
	[tilespmem:$0x8100] =	vst v63  }
0x6a4: {  	s1 =	sadd.s32 $0x2000, s17;
	s28 =	simm.s32 $0x1500;
	s29 =	sadd.s32 $0x280, s17  }
0x6a5: {  	[hbm4b:s29+s13] =	stream.strided.scatter [tilespmem:s28], [sflag:$0x1], $0x400, s14, s13, $0x38;
	[tilespmem:$0x8100] =	vst v63  }
0x6a6: {  	s30 =	simm.s32 $0x1900;
	s31 =	sadd.s32 $0x300, s17;
	s9 =	sadd.s32 $0x380, s17  }
0x6a7: {  	[hbm4b:s31+s13] =	stream.strided.scatter [tilespmem:s30], [sflag:$0x1], $0x400, s14, s13, $0x38;
	[tilespmem:$0x8100] =	vst v63  }
.LBB2_64:
0x6a8: {  	[hbm4b:s9+s13] =	stream.strided.scatter [tilespmem:s4], [sflag:$0x1], $0x400, s14, s13, $0x38;
	[tilespmem:$0x8100] =	vst v63  }
0x6a9: {  	s4 =	smov.u32 s0;
	s0 =	smov.u32 s3  }
0x6aa: {  	s10 =	sadd.s32 $0x8000, s3;
	s0 =	sshra.s32 s0, $0x2;
	s9 =	sadd.s32 $0x100, s4  }
0x6ab: {  	[hbm4b:s1+s13] =	stream.strided.scatter [tilespmem:s9], [sflag:$0x1], $0x400, s14, s13, $0x38;
	[tilespmem:$0x8100] =	vst v63  }
0x6ac: {  	p0 =	sne.s32 s3, $0x18000;
	s3 =	sadd.s32 $0x500, s4;
	s9 =	sadd.s32 $0x80, s1  }
0x6ad: {  	[hbm4b:s9+s13] =	stream.strided.scatter [tilespmem:s3], [sflag:$0x1], $0x400, s14, s13, $0x38;
	[tilespmem:$0x8100] =	vst v63  }
0x6ae: {  	s3 =	sadd.s32 $0x900, s4;
	s9 =	sadd.s32 $0x100, s1  }
0x6af: {  	[hbm4b:s9+s13] =	stream.strided.scatter [tilespmem:s3], [sflag:$0x1], $0x400, s14, s13, $0x38;
	[tilespmem:$0x8100] =	vst v63  }
0x6b0: {  	s3 =	sadd.s32 $0xD00, s4;
	s9 =	sadd.s32 $0x180, s1  }
0x6b1: {  	[hbm4b:s9+s13] =	stream.strided.scatter [tilespmem:s3], [sflag:$0x1], $0x400, s14, s13, $0x38;
	[tilespmem:$0x8100] =	vst v63  }
0x6b2: {  	s3 =	sadd.s32 $0x1100, s4;
	s9 =	sadd.s32 $0x200, s1  }
0x6b3: {  	[hbm4b:s9+s13] =	stream.strided.scatter [tilespmem:s3], [sflag:$0x1], $0x400, s14, s13, $0x38;
	[tilespmem:$0x8100] =	vst v63  }
.Ltmp31:
0x6b4: {  	s3 =	sadd.s32 $0x1500, s4;
	s9 =	sadd.s32 $0x280, s1;
	(pc) =	sbr.rel @p0 .LBB2_64-.Ltmp31, $4  }
0x6b5: {  	[hbm4b:s9+s13] =	stream.strided.scatter [tilespmem:s3], [sflag:$0x1], $0x400, s14, s13, $0x38;
	[tilespmem:$0x8100] =	vst v63  }
0x6b6: {  	s3 =	sadd.s32 $0x1900, s4;
	s9 =	sadd.s32 $0x300, s1;
	s4 =	sadd.s32 $0x1D00, s4  }
0x6b7: {  	[hbm4b:s9+s13] =	stream.strided.scatter [tilespmem:s3], [sflag:$0x1], $0x400, s14, s13, $0x38;
	[tilespmem:$0x8100] =	vst v63  }
0x6b8: {  	s9 =	sadd.s32 $0x380, s1;
	s1 =	sadd.s32 $0x2000, s1;
	s3 =	smov.u32 s10  }
0x6b9: {  	[hbm4b:s9+s13] =	stream.strided.scatter [tilespmem:s4], [sflag:$0x1], $0x400, s14, s13, $0x38;
	[tilespmem:$0x8100] =	vst v63  }
0x6ba: {  	s3 =	sadd.s32 $0x100, s0  }
0x6bb: {  	[hbm4b:s1+s13] =	stream.strided.scatter [tilespmem:s3], [sflag:$0x1], $0x400, s14, s13, $0x38;
	[tilespmem:$0x8100] =	vst v63  }
0x6bc: {  	s16 =	sadd.s32 $0x500, s0;
	s17 =	sadd.s32 $0x80, s1  }
0x6bd: {  	[hbm4b:s17+s13] =	stream.strided.scatter [tilespmem:s16], [sflag:$0x1], $0x400, s14, s13, $0x38;
	[tilespmem:$0x8100] =	vst v63  }
0x6be: {  	s18 =	sadd.s32 $0x900, s0;
	s19 =	sadd.s32 $0x100, s1  }
0x6bf: {  	[hbm4b:s19+s13] =	stream.strided.scatter [tilespmem:s18], [sflag:$0x1], $0x400, s14, s13, $0x38;
	[tilespmem:$0x8100] =	vst v63  }
0x6c0: {  	s20 =	sadd.s32 $0xD00, s0;
	s21 =	sadd.s32 $0x180, s1  }
0x6c1: {  	[hbm4b:s21+s13] =	stream.strided.scatter [tilespmem:s20], [sflag:$0x1], $0x400, s14, s13, $0x38;
	[tilespmem:$0x8100] =	vst v63  }
0x6c2: {  	s22 =	sadd.s32 $0x1100, s0;
	s23 =	sadd.s32 $0x200, s1  }
0x6c3: {  	[hbm4b:s23+s13] =	stream.strided.scatter [tilespmem:s22], [sflag:$0x1], $0x400, s14, s13, $0x38;
	[tilespmem:$0x8100] =	vst v63  }
0x6c4: {  	s24 =	sadd.s32 $0x1500, s0;
	s25 =	sadd.s32 $0x280, s1  }
0x6c5: {  	[hbm4b:s25+s13] =	stream.strided.scatter [tilespmem:s24], [sflag:$0x1], $0x400, s14, s13, $0x38;
	[tilespmem:$0x8100] =	vst v63  }
0x6c6: {  	s26 =	sadd.s32 $0x1900, s0;
	s28 =	sadd.s32 $0x300, s1  }
0x6c7: {  	[hbm4b:s28+s13] =	stream.strided.scatter [tilespmem:s26], [sflag:$0x1], $0x400, s14, s13, $0x38;
	[tilespmem:$0x8100] =	vst v63  }
0x6c8: {  	s29 =	sadd.s32 $0x1D00, s0;
	s30 =	sadd.s32 $0x380, s1  }
0x6c9: {  	[hbm4b:s30+s13] =	stream.strided.scatter [tilespmem:s29], [sflag:$0x1], $0x400, s14, s13, $0x38;
	[tilespmem:$0x8100] =	vst v63  }
0x6ca: {  	_ =	swait.ge [sflag:s12], $0x8000  }
0x6cb: {  	s15 =	sadd.s32 $0x1, s15;
	s31 =	rddreg [dreg:$0x3]  }
0x6cc: {  	p0 =	sne.s32 s15, s31  }
.Ltmp32:
0x6cd: {  	_ = 	snop;
	(pc) =	sbr.rel @p0 .LBB2_1-.Ltmp32, $3  }
0x6ce: {  	_ =	sdelay $0x1  }
0x6cf: {  	[sflag:s12] =	ssyncset.done $0x0  }
0x6d0: {  	[sflag:s12] =	ssyncadd.s32 $0xFFFF8000  }
0x6d1: {  	_ =	sfence.sel $0x180000  }
0x6d2: {  	[bflag:$0x0] =	sbarrier.arrive $0xFFFF  }
0x6d3: {  	_ =	strace $0x90000047  }
0x6d4: {  	s0 =	stileid.u32;
	[bflag:$0x2] =	sbarrier.arrive $0xFFFF  }
0x6d5: {  	p0 =	sne.s32 s0, $0x0;
	s0 =	rddreg [dreg:$0x2]  }
0x6d6: {  	s0 =	sadd.s32 @!p0 $0x100000, s0  }
0x6d7: {  	[sflag:s0] =	ssyncadd.tile.s32 @!p0 $0x1;
	_ =	shalt  }
.Lfunc_end2:
_tile_overlayer_lowered:
.L_overlay_start_2:
0x6d8: {  	(tag) =	ssettag $0x2  }
0x6d9: {  	s0 =	rddreg [dreg:$0x0];
	s2 =	stileid.u32  }
0x6da: {  	s1 =	rddreg [dreg:$0x1];
	p0 =	sne.s32 s2, $0x0  }
0x6db: {  	s3 =	rddreg [dreg:$0x2];
	[bflag:$0x3] =	sbarrier.arrive $0xFFFF;
	s2 =	simm.s32 @!p0 $0x1C01  }
0x6dc: {  	[timem:s3], [sflag:s2] =	dma.local @!p0 [hbm:s0], s1  }
0x6dd: {  	s0 =	simm.s32 @!p0 $0x1  }
0x6de: {  	_ =	swait.ge @!p0 [sflag:s0], s1  }
0x6df: {  	s1 =	ssub.s32 @!p0 $0x0, s1;
	[sflag:s0] =	ssyncset.done @!p0 $0x0  }
0x6e0: {  	[sflag:s0] =	ssyncadd.s32 @!p0 s1  }
0x6e1: {  	[bflag:$0x3] =	sbarrier.arrive $0xFFFF  }
0x6e2: {  	_ =	shalt  }

</sc_bundles>
